<compile_context>
chip_gen: v7x
topology: tpu7x:2x2x1
jax: 0.10.2.dev20260603
libtpu: 0.0.44.dev20260713+nightly
codegen_flags: <defaults>
</compile_context>

<pallas_src>
import functools

import jax
import jax.numpy as jnp
from jax import lax
from jax.experimental import pallas as pl
from jax.experimental.pallas import tpu as pltpu
from jax.experimental.pallas import tpu_sc as plsc

_BATCH = 16384
_D = 64
_ROWS_TBL = 1000000
_G = 8
_NG = _ROWS_TBL // _G
_NC = 2
_NS = 16
_NW = _NC * _NS
_ROWS = _BATCH // _NW
_LANES = 16
_C = 16
_NCHK = _ROWS // _C


@functools.partial(
    pl.kernel,
    mesh=plsc.VectorSubcoreMesh(core_axis_name="c", subcore_axis_name="s"),
    out_type=[
        jax.ShapeDtypeStruct((_BATCH,), jnp.float32),
        jax.ShapeDtypeStruct((_BATCH,), jnp.float32),
    ],
    scratch_types=[
        pltpu.VMEM((_ROWS,), jnp.int32),
        pltpu.VMEM((_ROWS,), jnp.int32),
        pltpu.VMEM((_ROWS,), jnp.int32),
        pltpu.VMEM((_C, _G, _D), jnp.float32),
        pltpu.VMEM((_C, _G, _D), jnp.float32),
        pltpu.VMEM((_C, _G, _D), jnp.float32),
        pltpu.VMEM((_ROWS,), jnp.float32),
        pltpu.VMEM((_ROWS,), jnp.float32),
        pltpu.SemaphoreType.DMA,
    ],
)
def _mfbpr_sc(user_hbm, item_i_hbm, item_j_hbm, eu_hbm, ei_hbm,
              out_i_hbm, out_j_hbm,
              raw_u, raw_i, raw_j, buf_u, buf_i, buf_j,
              res_i, res_j, sem):
    wid = lax.axis_index("s") * _NC + lax.axis_index("c")
    base = wid * _ROWS

    pltpu.sync_copy(user_hbm.at[pl.ds(base, _ROWS)], raw_u)
    pltpu.sync_copy(item_i_hbm.at[pl.ds(base, _ROWS)], raw_i)
    pltpu.sync_copy(item_j_hbm.at[pl.ds(base, _ROWS)], raw_j)

    lane = lax.iota(jnp.int32, _LANES)
    perms = [lane ^ p for p in (8, 4, 2, 1)]
    dnums = lax.GatherDimensionNumbers(
        offset_dims=(), collapsed_slice_dims=(0,), start_index_map=(0,))

    def hsum(v):
        for p in perms:
            v = v + lax.gather(v, p[:, None], dnums, slice_sizes=(1,),
                               mode=lax.GatherScatterMode.PROMISE_IN_BOUNDS)
        return v

    def extract(v, k):
        return jnp.squeeze(lax.slice(v, (k,), (k + 1,)))

    def chunk_body(c, carry):
        cb = c * _C
        gv_u = lax.shift_right_logical(raw_u[pl.ds(cb, _LANES)], 3)
        gv_i = lax.shift_right_logical(raw_i[pl.ds(cb, _LANES)], 3)
        gv_j = lax.shift_right_logical(raw_j[pl.ds(cb, _LANES)], 3)
        cps = []
        for k in range(_C):
            cps.append(pltpu.async_copy(
                eu_hbm.at[extract(gv_u, k)], buf_u.at[k], sem))
            cps.append(pltpu.async_copy(
                ei_hbm.at[extract(gv_i, k)], buf_i.at[k], sem))
            cps.append(pltpu.async_copy(
                ei_hbm.at[extract(gv_j, k)], buf_j.at[k], sem))
        for cp in cps:
            cp.wait()

        rv_u = lax.bitwise_and(raw_u[pl.ds(cb, _LANES)], 7)
        rv_i = lax.bitwise_and(raw_i[pl.ds(cb, _LANES)], 7)
        rv_j = lax.bitwise_and(raw_j[pl.ds(cb, _LANES)], 7)
        vec_i = jnp.zeros((_LANES,), jnp.float32)
        vec_j = jnp.zeros((_LANES,), jnp.float32)
        for k in range(_C):
            ru = extract(rv_u, k)
            ri = extract(rv_i, k)
            rj = extract(rv_j, k)
            pi = jnp.zeros((_LANES,), jnp.float32)
            pj = jnp.zeros((_LANES,), jnp.float32)
            for q in range(_D // _LANES):
                off = pl.ds(q * _LANES, _LANES)
                u = buf_u[k, ru, off]
                vi = buf_i[k, ri, off]
                vj = buf_j[k, rj, off]
                pi = pi + u * vi
                pj = pj + u * vj
            sel = lane == k
            vec_i = jnp.where(sel, hsum(pi), vec_i)
            vec_j = jnp.where(sel, hsum(pj), vec_j)
        res_i[pl.ds(cb, _LANES)] = vec_i
        res_j[pl.ds(cb, _LANES)] = vec_j
        return carry

    lax.fori_loop(0, _NCHK, chunk_body, 0)

    pltpu.sync_copy(res_i, out_i_hbm.at[pl.ds(base, _ROWS)])
    pltpu.sync_copy(res_j, out_j_hbm.at[pl.ds(base, _ROWS)])


def kernel(user, item_i, item_j, embed_user, embed_item):
    eu3 = embed_user.reshape(_NG, _G, _D)
    ei3 = embed_item.reshape(_NG, _G, _D)
    out_i, out_j = _mfbpr_sc(user.astype(jnp.int32), item_i.astype(jnp.int32),
                             item_j.astype(jnp.int32), eu3, ei3)
    return (out_i, out_j)

# --- scband reference (transcript-rebuilt; emitter-appended) ---
"""Pipeline reference for scband-mfbpr-25142738551458 (READ-ONLY COPY).

The authoritative reference and input builder live on the scoring server;
editing this copy changes nothing except your own understanding.
"""

import jax, jax.numpy as jnp
import numpy as np

USER_NUM = 1000000
ITEM_NUM = 1000000
FACTOR_NUM = 64
BATCH = 16384

def setup_inputs(seed: int = 0) -> dict:
    key = jax.random.key(seed)
    k1, k2, k3, k4, k5 = jax.random.split(key, 5)
    user = jax.random.randint(k1, (BATCH,), 0, USER_NUM, dtype=jnp.int64 if jax.config.jax_enable_x64 else jnp.int32)
    item_i = jax.random.randint(k2, (BATCH,), 0, ITEM_NUM, dtype=jnp.int64 if jax.config.jax_enable_x64 else jnp.int32)
    item_j = jax.random.randint(k3, (BATCH,), 0, ITEM_NUM, dtype=jnp.int64 if jax.config.jax_enable_x64 else jnp.int32)
    embed_user = jax.random.normal(k4, (USER_NUM, FACTOR_NUM), dtype=jnp.float32) * 0.01
    embed_item = jax.random.normal(k5, (ITEM_NUM, FACTOR_NUM), dtype=jnp.float32) * 0.01
    return {"user": user, "item_i": item_i, "item_j": item_j, "embed_user": embed_user, "embed_item": embed_item}

def reference(user, item_i, item_j, embed_user, embed_item):
    u = jnp.take(embed_user, user, axis=0)
    vi = jnp.take(embed_item, item_i, axis=0)
    vj = jnp.take(embed_item, item_j, axis=0)
    prediction_i = (u * vi).sum(axis=-1)
    prediction_j = (u * vj).sum(axis=-1)
    return (prediction_i, prediction_j)

if __name__ == "__main__":
    import jax
    _d = setup_inputs()
    print(jax.jit(kernel)(*tuple(_d.values())))

</pallas_src>

<mosaic_0001>
#map = affine_map<(d0, d1) -> (0)>
#map1 = affine_map<(d0, d1) -> (0, 0, 0)>
module attributes {stable_mosaic.version = 14 : i64} {
  func.func @_mfbpr_sc(%arg0: i32, %arg1: i32, %arg2: memref<16384xi32, #tpu.memory_space<hbm>>, %arg3: memref<16384xi32, #tpu.memory_space<hbm>>, %arg4: memref<16384xi32, #tpu.memory_space<hbm>>, %arg5: memref<125000x8x64xf32, #tpu.memory_space<hbm>>, %arg6: memref<125000x8x64xf32, #tpu.memory_space<hbm>>, %arg7: memref<16384xf32, #tpu.memory_space<hbm>>, %arg8: memref<16384xf32, #tpu.memory_space<hbm>>, %arg9: memref<512xi32, #tpu.memory_space<vmem>>, %arg10: memref<512xi32, #tpu.memory_space<vmem>>, %arg11: memref<512xi32, #tpu.memory_space<vmem>>, %arg12: memref<16x8x64xf32, #tpu.memory_space<vmem>>, %arg13: memref<16x8x64xf32, #tpu.memory_space<vmem>>, %arg14: memref<16x8x64xf32, #tpu.memory_space<vmem>>, %arg15: memref<512xf32, #tpu.memory_space<vmem>>, %arg16: memref<512xf32, #tpu.memory_space<vmem>>, %arg17: memref<!tpu.dma_semaphore, #tpu.memory_space<semaphore_mem>>) attributes {dimension_semantics = [#tpu.dimension_semantics<core_parallel>, #tpu.dimension_semantics<subcore_parallel>], iteration_bounds = array<i64: 2, 16>, scalar_prefetch = 0 : i64, scratch_operands = 9 : i64, tpu.core_type = #tpu.core_type<sc_vector_subcore>, window_params = [{transform_indices = #map}, {transform_indices = #map}, {transform_indices = #map}, {transform_indices = #map1}, {transform_indices = #map1}, {transform_indices = #map}, {transform_indices = #map}]} {
    %mul3A = arith.constant 2 : i32
    %mul3A_0 = arith.muli %arg1, %mul3A : i32
    %add3A = arith.addi %mul3A_0, %arg0 : i32
    %mul3A_1 = arith.constant 512 : i32
    %mul3A_2 = arith.muli %add3A, %mul3A_1 : i32
    "tpu.region"() ({
      %run_scoped3A = tpu.sem_alloc : memref<!tpu.dma_semaphore, #tpu.memory_space<semaphore_mem>>
      %dma_start3A = tpu.memref_slice %arg2[%mul3A_2] : memref<16384xi32, #tpu.memory_space<hbm>> -> memref<512xi32, #tpu.memory_space<hbm>>
      %dma_start3A_19 = tpu.memref_slice %arg2[%mul3A_2] : memref<16384xi32, #tpu.memory_space<hbm>> -> memref<512xi32, #tpu.memory_space<hbm>>
      tpu.enqueue_dma source(%dma_start3A_19 : memref<512xi32, #tpu.memory_space<hbm>>) target(%arg9 : memref<512xi32, #tpu.memory_space<vmem>>) target_semaphore(%run_scoped3A : memref<!tpu.dma_semaphore, #tpu.memory_space<semaphore_mem>>)
      %dma_wait3A = tpu.memref_slice %arg2[%mul3A_2] : memref<16384xi32, #tpu.memory_space<hbm>> -> memref<512xi32, #tpu.memory_space<hbm>>
      %dma_wait3A_20 = tpu.memref_slice %arg2[%mul3A_2] : memref<16384xi32, #tpu.memory_space<hbm>> -> memref<512xi32, #tpu.memory_space<hbm>>
      tpu.wait_dma2 semaphore(%run_scoped3A : memref<!tpu.dma_semaphore, #tpu.memory_space<semaphore_mem>>) src(%dma_wait3A_20 : memref<512xi32, #tpu.memory_space<hbm>>) dst(%arg9 : memref<512xi32, #tpu.memory_space<vmem>>)
      tpu.yield
    }) : () -> ()
    "tpu.region"() ({
      %run_scoped3A = tpu.sem_alloc : memref<!tpu.dma_semaphore, #tpu.memory_space<semaphore_mem>>
      %dma_start3A = tpu.memref_slice %arg3[%mul3A_2] : memref<16384xi32, #tpu.memory_space<hbm>> -> memref<512xi32, #tpu.memory_space<hbm>>
      %dma_start3A_19 = tpu.memref_slice %arg3[%mul3A_2] : memref<16384xi32, #tpu.memory_space<hbm>> -> memref<512xi32, #tpu.memory_space<hbm>>
      tpu.enqueue_dma source(%dma_start3A_19 : memref<512xi32, #tpu.memory_space<hbm>>) target(%arg10 : memref<512xi32, #tpu.memory_space<vmem>>) target_semaphore(%run_scoped3A : memref<!tpu.dma_semaphore, #tpu.memory_space<semaphore_mem>>)
      %dma_wait3A = tpu.memref_slice %arg3[%mul3A_2] : memref<16384xi32, #tpu.memory_space<hbm>> -> memref<512xi32, #tpu.memory_space<hbm>>
      %dma_wait3A_20 = tpu.memref_slice %arg3[%mul3A_2] : memref<16384xi32, #tpu.memory_space<hbm>> -> memref<512xi32, #tpu.memory_space<hbm>>
      tpu.wait_dma2 semaphore(%run_scoped3A : memref<!tpu.dma_semaphore, #tpu.memory_space<semaphore_mem>>) src(%dma_wait3A_20 : memref<512xi32, #tpu.memory_space<hbm>>) dst(%arg10 : memref<512xi32, #tpu.memory_space<vmem>>)
      tpu.yield
    }) : () -> ()
    "tpu.region"() ({
      %run_scoped3A = tpu.sem_alloc : memref<!tpu.dma_semaphore, #tpu.memory_space<semaphore_mem>>
      %dma_start3A = tpu.memref_slice %arg4[%mul3A_2] : memref<16384xi32, #tpu.memory_space<hbm>> -> memref<512xi32, #tpu.memory_space<hbm>>
      %dma_start3A_19 = tpu.memref_slice %arg4[%mul3A_2] : memref<16384xi32, #tpu.memory_space<hbm>> -> memref<512xi32, #tpu.memory_space<hbm>>
      tpu.enqueue_dma source(%dma_start3A_19 : memref<512xi32, #tpu.memory_space<hbm>>) target(%arg11 : memref<512xi32, #tpu.memory_space<vmem>>) target_semaphore(%run_scoped3A : memref<!tpu.dma_semaphore, #tpu.memory_space<semaphore_mem>>)
      %dma_wait3A = tpu.memref_slice %arg4[%mul3A_2] : memref<16384xi32, #tpu.memory_space<hbm>> -> memref<512xi32, #tpu.memory_space<hbm>>
      %dma_wait3A_20 = tpu.memref_slice %arg4[%mul3A_2] : memref<16384xi32, #tpu.memory_space<hbm>> -> memref<512xi32, #tpu.memory_space<hbm>>
      tpu.wait_dma2 semaphore(%run_scoped3A : memref<!tpu.dma_semaphore, #tpu.memory_space<semaphore_mem>>) src(%dma_wait3A_20 : memref<512xi32, #tpu.memory_space<hbm>>) dst(%arg11 : memref<512xi32, #tpu.memory_space<vmem>>)
      tpu.yield
    }) : () -> ()
    %iota3A = tpu.iota {dimensions = array<i32: 0>} : vector<16xi32>
    %xor3A = arith.constant 8 : i32
    %xor3A_3 = vector.broadcast %xor3A : i32 to vector<16xi32>
    %xor3A_4 = arith.xori %iota3A, %xor3A_3 : vector<16xi32>
    %xor3A_5 = arith.constant 4 : i32
    %xor3A_6 = vector.broadcast %xor3A_5 : i32 to vector<16xi32>
    %xor3A_7 = arith.xori %iota3A, %xor3A_6 : vector<16xi32>
    %xor3A_8 = arith.constant 2 : i32
    %xor3A_9 = vector.broadcast %xor3A_8 : i32 to vector<16xi32>
    %xor3A_10 = arith.xori %iota3A, %xor3A_9 : vector<16xi32>
    %xor3A_11 = arith.constant 1 : i32
    %xor3A_12 = vector.broadcast %xor3A_11 : i32 to vector<16xi32>
    %xor3A_13 = arith.xori %iota3A, %xor3A_12 : vector<16xi32>
    %scan3A = arith.constant 0 : i32
    %scan3A_14 = arith.constant 0 : i32
    %scan3A_15 = arith.constant 32 : i32
    %scan3A_16 = arith.addi %scan3A_14, %scan3A_15 : i32
    %scan3A_17 = arith.constant 1 : i32
    scf.for %scan3A_19 = %scan3A_14 to %scan3A_16 step %scan3A_17  : i32 {
      %mul3A_20 = arith.constant 16 : i32
      %mul3A_21 = arith.muli %scan3A_19, %mul3A_20 : i32
      %get3A = arith.index_cast %mul3A_21 : i32 to index
      %get3A_22 = tpu.vector_load %arg9[%get3A] {strides = array<i32>} : memref<512xi32, #tpu.memory_space<vmem>>, vector<16xi32>,
      %get3A_23 = vector.shape_cast %get3A_22 : vector<16xi32> to vector<16xi32>
      %shift_right_logical3A = arith.constant 3 : i32
      %shift_right_logical3A_24 = vector.broadcast %shift_right_logical3A : i32 to vector<16xi32>
      %shift_right_logical3A_25 = arith.shrui %get3A_23, %shift_right_logical3A_24 : vector<16xi32>
      %get3A_26 = arith.index_cast %mul3A_21 : i32 to index
      %get3A_27 = tpu.vector_load %arg10[%get3A_26] {strides = array<i32>} : memref<512xi32, #tpu.memory_space<vmem>>, vector<16xi32>,
      %get3A_28 = vector.shape_cast %get3A_27 : vector<16xi32> to vector<16xi32>
      %shift_right_logical3A_29 = arith.constant 3 : i32
      %shift_right_logical3A_30 = vector.broadcast %shift_right_logical3A_29 : i32 to vector<16xi32>
      %shift_right_logical3A_31 = arith.shrui %get3A_28, %shift_right_logical3A_30 : vector<16xi32>
      %get3A_32 = arith.index_cast %mul3A_21 : i32 to index
      %get3A_33 = tpu.vector_load %arg11[%get3A_32] {strides = array<i32>} : memref<512xi32, #tpu.memory_space<vmem>>, vector<16xi32>,
      %get3A_34 = vector.shape_cast %get3A_33 : vector<16xi32> to vector<16xi32>
      %shift_right_logical3A_35 = arith.constant 3 : i32
      %shift_right_logical3A_36 = vector.broadcast %shift_right_logical3A_35 : i32 to vector<16xi32>
      %shift_right_logical3A_37 = arith.shrui %get3A_34, %shift_right_logical3A_36 : vector<16xi32>
      %slice3A = vector.extract_strided_slice %shift_right_logical3A_25 {offsets = [0], sizes = [1], strides = [1]} : vector<16xi32> to vector<1xi32>
      %squeeze3A = vector.extract %slice3A[0] : i32 from vector<1xi32>
      %dma_start3A = arith.constant 0 : i32
      %dma_start3A_38 = arith.constant 0 : i32
      %dma_start3A_39 = arith.constant 0 : i32
      %dma_start3A_40 = tpu.memref_slice %arg12[%dma_start3A, %dma_start3A_38, %dma_start3A_39] : memref<16x8x64xf32, #tpu.memory_space<vmem>> -> memref<1x8x64xf32, #tpu.memory_space<vmem>>
      %dma_start3A_41 = tpu.memref_squeeze %dma_start3A_40 : memref<1x8x64xf32, #tpu.memory_space<vmem>> -> memref<8x64xf32, #tpu.memory_space<vmem>>
      %dma_start3A_42 = arith.constant 0 : i32
      %dma_start3A_43 = arith.constant 0 : i32
      %dma_start3A_44 = tpu.memref_slice %arg5[%squeeze3A, %dma_start3A_42, %dma_start3A_43] : memref<125000x8x64xf32, #tpu.memory_space<hbm>> -> memref<1x8x64xf32, #tpu.memory_space<hbm>>
      %dma_start3A_45 = tpu.memref_squeeze %dma_start3A_44 : memref<1x8x64xf32, #tpu.memory_space<hbm>> -> memref<8x64xf32, #tpu.memory_space<hbm>>
      %dma_start3A_46 = arith.constant 0 : i32
      %dma_start3A_47 = arith.constant 0 : i32
      %dma_start3A_48 = tpu.memref_slice %arg12[%dma_start3A, %dma_start3A_46, %dma_start3A_47] : memref<16x8x64xf32, #tpu.memory_space<vmem>> -> memref<1x8x64xf32, #tpu.memory_space<vmem>>
      %dma_start3A_49 = tpu.memref_squeeze %dma_start3A_48 : memref<1x8x64xf32, #tpu.memory_space<vmem>> -> memref<8x64xf32, #tpu.memory_space<vmem>>
      %dma_start3A_50 = arith.constant 0 : i32
      %dma_start3A_51 = arith.constant 0 : i32
      %dma_start3A_52 = tpu.memref_slice %arg5[%squeeze3A, %dma_start3A_50, %dma_start3A_51] : memref<125000x8x64xf32, #tpu.memory_space<hbm>> -> memref<1x8x64xf32, #tpu.memory_space<hbm>>
      %dma_start3A_53 = tpu.memref_squeeze %dma_start3A_52 : memref<1x8x64xf32, #tpu.memory_space<hbm>> -> memref<8x64xf32, #tpu.memory_space<hbm>>
      tpu.enqueue_dma source(%dma_start3A_53 : memref<8x64xf32, #tpu.memory_space<hbm>>) target(%dma_start3A_49 : memref<8x64xf32, #tpu.memory_space<vmem>>) target_semaphore(%arg17 : memref<!tpu.dma_semaphore, #tpu.memory_space<semaphore_mem>>)
      %slice3A_54 = vector.extract_strided_slice %shift_right_logical3A_31 {offsets = [0], sizes = [1], strides = [1]} : vector<16xi32> to vector<1xi32>
      %squeeze3A_55 = vector.extract %slice3A_54[0] : i32 from vector<1xi32>
      %dma_start3A_56 = arith.constant 0 : i32
      %dma_start3A_57 = arith.constant 0 : i32
      %dma_start3A_58 = arith.constant 0 : i32
      %dma_start3A_59 = tpu.memref_slice %arg13[%dma_start3A_56, %dma_start3A_57, %dma_start3A_58] : memref<16x8x64xf32, #tpu.memory_space<vmem>> -> memref<1x8x64xf32, #tpu.memory_space<vmem>>
      %dma_start3A_60 = tpu.memref_squeeze %dma_start3A_59 : memref<1x8x64xf32, #tpu.memory_space<vmem>> -> memref<8x64xf32, #tpu.memory_space<vmem>>
      %dma_start3A_61 = arith.constant 0 : i32
      %dma_start3A_62 = arith.constant 0 : i32
      %dma_start3A_63 = tpu.memref_slice %arg6[%squeeze3A_55, %dma_start3A_61, %dma_start3A_62] : memref<125000x8x64xf32, #tpu.memory_space<hbm>> -> memref<1x8x64xf32, #tpu.memory_space<hbm>>
      %dma_start3A_64 = tpu.memref_squeeze %dma_start3A_63 : memref<1x8x64xf32, #tpu.memory_space<hbm>> -> memref<8x64xf32, #tpu.memory_space<hbm>>
      %dma_start3A_65 = arith.constant 0 : i32
      %dma_start3A_66 = arith.constant 0 : i32
      %dma_start3A_67 = tpu.memref_slice %arg13[%dma_start3A_56, %dma_start3A_65, %dma_start3A_66] : memref<16x8x64xf32, #tpu.memory_space<vmem>> -> memref<1x8x64xf32, #tpu.memory_space<vmem>>
      %dma_start3A_68 = tpu.memref_squeeze %dma_start3A_67 : memref<1x8x64xf32, #tpu.memory_space<vmem>> -> memref<8x64xf32, #tpu.memory_space<vmem>>
      %dma_start3A_69 = arith.constant 0 : i32
      %dma_start3A_70 = arith.constant 0 : i32
      %dma_start3A_71 = tpu.memref_slice %arg6[%squeeze3A_55, %dma_start3A_69, %dma_start3A_70] : memref<125000x8x64xf32, #tpu.memory_space<hbm>> -> memref<1x8x64xf32, #tpu.memory_space<hbm>>
      %dma_start3A_72 = tpu.memref_squeeze %dma_start3A_71 : memref<1x8x64xf32, #tpu.memory_space<hbm>> -> memref<8x64xf32, #tpu.memory_space<hbm>>
      tpu.enqueue_dma source(%dma_start3A_72 : memref<8x64xf32, #tpu.memory_space<hbm>>) target(%dma_start3A_68 : memref<8x64xf32, #tpu.memory_space<vmem>>) target_semaphore(%arg17 : memref<!tpu.dma_semaphore, #tpu.memory_space<semaphore_mem>>)
      %slice3A_73 = vector.extract_strided_slice %shift_right_logical3A_37 {offsets = [0], sizes = [1], strides = [1]} : vector<16xi32> to vector<1xi32>
      %squeeze3A_74 = vector.extract %slice3A_73[0] : i32 from vector<1xi32>
      %dma_start3A_75 = arith.constant 0 : i32
      %dma_start3A_76 = arith.constant 0 : i32
      %dma_start3A_77 = arith.constant 0 : i32
      %dma_start3A_78 = tpu.memref_slice %arg14[%dma_start3A_75, %dma_start3A_76, %dma_start3A_77] : memref<16x8x64xf32, #tpu.memory_space<vmem>> -> memref<1x8x64xf32, #tpu.memory_space<vmem>>
      %dma_start3A_79 = tpu.memref_squeeze %dma_start3A_78 : memref<1x8x64xf32, #tpu.memory_space<vmem>> -> memref<8x64xf32, #tpu.memory_space<vmem>>
      %dma_start3A_80 = arith.constant 0 : i32
      %dma_start3A_81 = arith.constant 0 : i32
      %dma_start3A_82 = tpu.memref_slice %arg6[%squeeze3A_74, %dma_start3A_80, %dma_start3A_81] : memref<125000x8x64xf32, #tpu.memory_space<hbm>> -> memref<1x8x64xf32, #tpu.memory_space<hbm>>
      %dma_start3A_83 = tpu.memref_squeeze %dma_start3A_82 : memref<1x8x64xf32, #tpu.memory_space<hbm>> -> memref<8x64xf32, #tpu.memory_space<hbm>>
      %dma_start3A_84 = arith.constant 0 : i32
      %dma_start3A_85 = arith.constant 0 : i32
      %dma_start3A_86 = tpu.memref_slice %arg14[%dma_start3A_75, %dma_start3A_84, %dma_start3A_85] : memref<16x8x64xf32, #tpu.memory_space<vmem>> -> memref<1x8x64xf32, #tpu.memory_space<vmem>>
      %dma_start3A_87 = tpu.memref_squeeze %dma_start3A_86 : memref<1x8x64xf32, #tpu.memory_space<vmem>> -> memref<8x64xf32, #tpu.memory_space<vmem>>
      %dma_start3A_88 = arith.constant 0 : i32
      %dma_start3A_89 = arith.constant 0 : i32
      %dma_start3A_90 = tpu.memref_slice %arg6[%squeeze3A_74, %dma_start3A_88, %dma_start3A_89] : memref<125000x8x64xf32, #tpu.memory_space<hbm>> -> memref<1x8x64xf32, #tpu.memory_space<hbm>>
      %dma_start3A_91 = tpu.memref_squeeze %dma_start3A_90 : memref<1x8x64xf32, #tpu.memory_space<hbm>> -> memref<8x64xf32, #tpu.memory_space<hbm>>
      tpu.enqueue_dma source(%dma_start3A_91 : memref<8x64xf32, #tpu.memory_space<hbm>>) target(%dma_start3A_87 : memref<8x64xf32, #tpu.memory_space<vmem>>) target_semaphore(%arg17 : memref<!tpu.dma_semaphore, #tpu.memory_space<semaphore_mem>>)
      %slice3A_92 = vector.extract_strided_slice %shift_right_logical3A_25 {offsets = [1], sizes = [1], strides = [1]} : vector<16xi32> to vector<1xi32>
      %squeeze3A_93 = vector.extract %slice3A_92[0] : i32 from vector<1xi32>
      %dma_start3A_94 = arith.constant 1 : i32
      %dma_start3A_95 = arith.constant 0 : i32
      %dma_start3A_96 = arith.constant 0 : i32
      %dma_start3A_97 = tpu.memref_slice %arg12[%dma_start3A_94, %dma_start3A_95, %dma_start3A_96] : memref<16x8x64xf32, #tpu.memory_space<vmem>> -> memref<1x8x64xf32, #tpu.memory_space<vmem>>
      %dma_start3A_98 = tpu.memref_squeeze %dma_start3A_97 : memref<1x8x64xf32, #tpu.memory_space<vmem>> -> memref<8x64xf32, #tpu.memory_space<vmem>>
      %dma_start3A_99 = arith.constant 0 : i32
      %dma_start3A_100 = arith.constant 0 : i32
      %dma_start3A_101 = tpu.memref_slice %arg5[%squeeze3A_93, %dma_start3A_99, %dma_start3A_100] : memref<125000x8x64xf32, #tpu.memory_space<hbm>> -> memref<1x8x64xf32, #tpu.memory_space<hbm>>
      %dma_start3A_102 = tpu.memref_squeeze %dma_start3A_101 : memref<1x8x64xf32, #tpu.memory_space<hbm>> -> memref<8x64xf32, #tpu.memory_space<hbm>>
      %dma_start3A_103 = arith.constant 0 : i32
      %dma_start3A_104 = arith.constant 0 : i32
      %dma_start3A_105 = tpu.memref_slice %arg12[%dma_start3A_94, %dma_start3A_103, %dma_start3A_104] : memref<16x8x64xf32, #tpu.memory_space<vmem>> -> memref<1x8x64xf32, #tpu.memory_space<vmem>>
      %dma_start3A_106 = tpu.memref_squeeze %dma_start3A_105 : memref<1x8x64xf32, #tpu.memory_space<vmem>> -> memref<8x64xf32, #tpu.memory_space<vmem>>
      %dma_start3A_107 = arith.constant 0 : i32
      %dma_start3A_108 = arith.constant 0 : i32
      %dma_start3A_109 = tpu.memref_slice %arg5[%squeeze3A_93, %dma_start3A_107, %dma_start3A_108] : memref<125000x8x64xf32, #tpu.memory_space<hbm>> -> memref<1x8x64xf32, #tpu.memory_space<hbm>>
      %dma_start3A_110 = tpu.memref_squeeze %dma_start3A_109 : memref<1x8x64xf32, #tpu.memory_space<hbm>> -> memref<8x64xf32, #tpu.memory_space<hbm>>
      tpu.enqueue_dma source(%dma_start3A_110 : memref<8x64xf32, #tpu.memory_space<hbm>>) target(%dma_start3A_106 : memref<8x64xf32, #tpu.memory_space<vmem>>) target_semaphore(%arg17 : memref<!tpu.dma_semaphore, #tpu.memory_space<semaphore_mem>>)
      %slice3A_111 = vector.extract_strided_slice %shift_right_logical3A_31 {offsets = [1], sizes = [1], strides = [1]} : vector<16xi32> to vector<1xi32>
      %squeeze3A_112 = vector.extract %slice3A_111[0] : i32 from vector<1xi32>
      %dma_start3A_113 = arith.constant 1 : i32
      %dma_start3A_114 = arith.constant 0 : i32
      %dma_start3A_115 = arith.constant 0 : i32
      %dma_start3A_116 = tpu.memref_slice %arg13[%dma_start3A_113, %dma_start3A_114, %dma_start3A_115] : memref<16x8x64xf32, #tpu.memory_space<vmem>> -> memref<1x8x64xf32, #tpu.memory_space<vmem>>
      %dma_start3A_117 = tpu.memref_squeeze %dma_start3A_116 : memref<1x8x64xf32, #tpu.memory_space<vmem>> -> memref<8x64xf32, #tpu.memory_space<vmem>>
      %dma_start3A_118 = arith.constant 0 : i32
      %dma_start3A_119 = arith.constant 0 : i32
      %dma_start3A_120 = tpu.memref_slice %arg6[%squeeze3A_112, %dma_start3A_118, %dma_start3A_119] : memref<125000x8x64xf32, #tpu.memory_space<hbm>> -> memref<1x8x64xf32, #tpu.memory_space<hbm>>
      %dma_start3A_121 = tpu.memref_squeeze %dma_start3A_120 : memref<1x8x64xf32, #tpu.memory_space<hbm>> -> memref<8x64xf32, #tpu.memory_space<hbm>>
      %dma_start3A_122 = arith.constant 0 : i32
      %dma_start3A_123 = arith.constant 0 : i32
      %dma_start3A_124 = tpu.memref_slice %arg13[%dma_start3A_113, %dma_start3A_122, %dma_start3A_123] : memref<16x8x64xf32, #tpu.memory_space<vmem>> -> memref<1x8x64xf32, #tpu.memory_space<vmem>>
      %dma_start3A_125 = tpu.memref_squeeze %dma_start3A_124 : memref<1x8x64xf32, #tpu.memory_space<vmem>> -> memref<8x64xf32, #tpu.memory_space<vmem>>
      %dma_start3A_126 = arith.constant 0 : i32
      %dma_start3A_127 = arith.constant 0 : i32
      %dma_start3A_128 = tpu.memref_slice %arg6[%squeeze3A_112, %dma_start3A_126, %dma_start3A_127] : memref<125000x8x64xf32, #tpu.memory_space<hbm>> -> memref<1x8x64xf32, #tpu.memory_space<hbm>>
      %dma_start3A_129 = tpu.memref_squeeze %dma_start3A_128 : memref<1x8x64xf32, #tpu.memory_space<hbm>> -> memref<8x64xf32, #tpu.memory_space<hbm>>
      tpu.enqueue_dma source(%dma_start3A_129 : memref<8x64xf32, #tpu.memory_space<hbm>>) target(%dma_start3A_125 : memref<8x64xf32, #tpu.memory_space<vmem>>) target_semaphore(%arg17 : memref<!tpu.dma_semaphore, #tpu.memory_space<semaphore_mem>>)
      %slice3A_130 = vector.extract_strided_slice %shift_right_logical3A_37 {offsets = [1], sizes = [1], strides = [1]} : vector<16xi32> to vector<1xi32>
      %squeeze3A_131 = vector.extract %slice3A_130[0] : i32 from vector<1xi32>
      %dma_start3A_132 = arith.constant 1 : i32
      %dma_start3A_133 = arith.constant 0 : i32
      %dma_start3A_134 = arith.constant 0 : i32
      %dma_start3A_135 = tpu.memref_slice %arg14[%dma_start3A_132, %dma_start3A_133, %dma_start3A_134] : memref<16x8x64xf32, #tpu.memory_space<vmem>> -> memref<1x8x64xf32, #tpu.memory_space<vmem>>
      %dma_start3A_136 = tpu.memref_squeeze %dma_start3A_135 : memref<1x8x64xf32, #tpu.memory_space<vmem>> -> memref<8x64xf32, #tpu.memory_space<vmem>>
      %dma_start3A_137 = arith.constant 0 : i32
      %dma_start3A_138 = arith.constant 0 : i32
      %dma_start3A_139 = tpu.memref_slice %arg6[%squeeze3A_131, %dma_start3A_137, %dma_start3A_138] : memref<125000x8x64xf32, #tpu.memory_space<hbm>> -> memref<1x8x64xf32, #tpu.memory_space<hbm>>
      %dma_start3A_140 = tpu.memref_squeeze %dma_start3A_139 : memref<1x8x64xf32, #tpu.memory_space<hbm>> -> memref<8x64xf32, #tpu.memory_space<hbm>>
      %dma_start3A_141 = arith.constant 0 : i32
      %dma_start3A_142 = arith.constant 0 : i32
      %dma_start3A_143 = tpu.memref_slice %arg14[%dma_start3A_132, %dma_start3A_141, %dma_start3A_142] : memref<16x8x64xf32, #tpu.memory_space<vmem>> -> memref<1x8x64xf32, #tpu.memory_space<vmem>>
      %dma_start3A_144 = tpu.memref_squeeze %dma_start3A_143 : memref<1x8x64xf32, #tpu.memory_space<vmem>> -> memref<8x64xf32, #tpu.memory_space<vmem>>
      %dma_start3A_145 = arith.constant 0 : i32
      %dma_start3A_146 = arith.constant 0 : i32
      %dma_start3A_147 = tpu.memref_slice %arg6[%squeeze3A_131, %dma_start3A_145, %dma_start3A_146] : memref<125000x8x64xf32, #tpu.memory_space<hbm>> -> memref<1x8x64xf32, #tpu.memory_space<hbm>>
      %dma_start3A_148 = tpu.memref_squeeze %dma_start3A_147 : memref<1x8x64xf32, #tpu.memory_space<hbm>> -> memref<8x64xf32, #tpu.memory_space<hbm>>
      tpu.enqueue_dma source(%dma_start3A_148 : memref<8x64xf32, #tpu.memory_space<hbm>>) target(%dma_start3A_144 : memref<8x64xf32, #tpu.memory_space<vmem>>) target_semaphore(%arg17 : memref<!tpu.dma_semaphore, #tpu.memory_space<semaphore_mem>>)
      %slice3A_149 = vector.extract_strided_slice %shift_right_logical3A_25 {offsets = [2], sizes = [1], strides = [1]} : vector<16xi32> to vector<1xi32>
      %squeeze3A_150 = vector.extract %slice3A_149[0] : i32 from vector<1xi32>
      %dma_start3A_151 = arith.constant 2 : i32
      %dma_start3A_152 = arith.constant 0 : i32
      %dma_start3A_153 = arith.constant 0 : i32
      %dma_start3A_154 = tpu.memref_slice %arg12[%dma_start3A_151, %dma_start3A_152, %dma_start3A_153] : memref<16x8x64xf32, #tpu.memory_space<vmem>> -> memref<1x8x64xf32, #tpu.memory_space<vmem>>
      %dma_start3A_155 = tpu.memref_squeeze %dma_start3A_154 : memref<1x8x64xf32, #tpu.memory_space<vmem>> -> memref<8x64xf32, #tpu.memory_space<vmem>>
      %dma_start3A_156 = arith.constant 0 : i32
      %dma_start3A_157 = arith.constant 0 : i32
      %dma_start3A_158 = tpu.memref_slice %arg5[%squeeze3A_150, %dma_start3A_156, %dma_start3A_157] : memref<125000x8x64xf32, #tpu.memory_space<hbm>> -> memref<1x8x64xf32, #tpu.memory_space<hbm>>
      %dma_start3A_159 = tpu.memref_squeeze %dma_start3A_158 : memref<1x8x64xf32, #tpu.memory_space<hbm>> -> memref<8x64xf32, #tpu.memory_space<hbm>>
      %dma_start3A_160 = arith.constant 0 : i32
      %dma_start3A_161 = arith.constant 0 : i32
      %dma_start3A_162 = tpu.memref_slice %arg12[%dma_start3A_151, %dma_start3A_160, %dma_start3A_161] : memref<16x8x64xf32, #tpu.memory_space<vmem>> -> memref<1x8x64xf32, #tpu.memory_space<vmem>>
      %dma_start3A_163 = tpu.memref_squeeze %dma_start3A_162 : memref<1x8x64xf32, #tpu.memory_space<vmem>> -> memref<8x64xf32, #tpu.memory_space<vmem>>
      %dma_start3A_164 = arith.constant 0 : i32
      %dma_start3A_165 = arith.constant 0 : i32
      %dma_start3A_166 = tpu.memref_slice %arg5[%squeeze3A_150, %dma_start3A_164, %dma_start3A_165] : memref<125000x8x64xf32, #tpu.memory_space<hbm>> -> memref<1x8x64xf32, #tpu.memory_space<hbm>>
      %dma_start3A_167 = tpu.memref_squeeze %dma_start3A_166 : memref<1x8x64xf32, #tpu.memory_space<hbm>> -> memref<8x64xf32, #tpu.memory_space<hbm>>
      tpu.enqueue_dma source(%dma_start3A_167 : memref<8x64xf32, #tpu.memory_space<hbm>>) target(%dma_start3A_163 : memref<8x64xf32, #tpu.memory_space<vmem>>) target_semaphore(%arg17 : memref<!tpu.dma_semaphore, #tpu.memory_space<semaphore_mem>>)
      %slice3A_168 = vector.extract_strided_slice %shift_right_logical3A_31 {offsets = [2], sizes = [1], strides = [1]} : vector<16xi32> to vector<1xi32>
      %squeeze3A_169 = vector.extract %slice3A_168[0] : i32 from vector<1xi32>
      %dma_start3A_170 = arith.constant 2 : i32
      %dma_start3A_171 = arith.constant 0 : i32
      %dma_start3A_172 = arith.constant 0 : i32
      %dma_start3A_173 = tpu.memref_slice %arg13[%dma_start3A_170, %dma_start3A_171, %dma_start3A_172] : memref<16x8x64xf32, #tpu.memory_space<vmem>> -> memref<1x8x64xf32, #tpu.memory_space<vmem>>
      %dma_start3A_174 = tpu.memref_squeeze %dma_start3A_173 : memref<1x8x64xf32, #tpu.memory_space<vmem>> -> memref<8x64xf32, #tpu.memory_space<vmem>>
      %dma_start3A_175 = arith.constant 0 : i32
      %dma_start3A_176 = arith.constant 0 : i32
      %dma_start3A_177 = tpu.memref_slice %arg6[%squeeze3A_169, %dma_start3A_175, %dma_start3A_176] : memref<125000x8x64xf32, #tpu.memory_space<hbm>> -> memref<1x8x64xf32, #tpu.memory_space<hbm>>
      %dma_start3A_178 = tpu.memref_squeeze %dma_start3A_177 : memref<1x8x64xf32, #tpu.memory_space<hbm>> -> memref<8x64xf32, #tpu.memory_space<hbm>>
      %dma_start3A_179 = arith.constant 0 : i32
      %dma_start3A_180 = arith.constant 0 : i32
      %dma_start3A_181 = tpu.memref_slice %arg13[%dma_start3A_170, %dma_start3A_179, %dma_start3A_180] : memref<16x8x64xf32, #tpu.memory_space<vmem>> -> memref<1x8x64xf32, #tpu.memory_space<vmem>>
      %dma_start3A_182 = tpu.memref_squeeze %dma_start3A_181 : memref<1x8x64xf32, #tpu.memory_space<vmem>> -> memref<8x64xf32, #tpu.memory_space<vmem>>
      %dma_start3A_183 = arith.constant 0 : i32
      %dma_start3A_184 = arith.constant 0 : i32
      %dma_start3A_185 = tpu.memref_slice %arg6[%squeeze3A_169, %dma_start3A_183, %dma_start3A_184] : memref<125000x8x64xf32, #tpu.memory_space<hbm>> -> memref<1x8x64xf32, #tpu.memory_space<hbm>>
      %dma_start3A_186 = tpu.memref_squeeze %dma_start3A_185 : memref<1x8x64xf32, #tpu.memory_space<hbm>> -> memref<8x64xf32, #tpu.memory_space<hbm>>
      tpu.enqueue_dma source(%dma_start3A_186 : memref<8x64xf32, #tpu.memory_space<hbm>>) target(%dma_start3A_182 : memref<8x64xf32, #tpu.memory_space<vmem>>) target_semaphore(%arg17 : memref<!tpu.dma_semaphore, #tpu.memory_space<semaphore_mem>>)
      %slice3A_187 = vector.extract_strided_slice %shift_right_logical3A_37 {offsets = [2], sizes = [1], strides = [1]} : vector<16xi32> to vector<1xi32>
      %squeeze3A_188 = vector.extract %slice3A_187[0] : i32 from vector<1xi32>
      %dma_start3A_189 = arith.constant 2 : i32
      %dma_start3A_190 = arith.constant 0 : i32
      %dma_start3A_191 = arith.constant 0 : i32
      %dma_start3A_192 = tpu.memref_slice %arg14[%dma_start3A_189, %dma_start3A_190, %dma_start3A_191] : memref<16x8x64xf32, #tpu.memory_space<vmem>> -> memref<1x8x64xf32, #tpu.memory_space<vmem>>
      %dma_start3A_193 = tpu.memref_squeeze %dma_start3A_192 : memref<1x8x64xf32, #tpu.memory_space<vmem>> -> memref<8x64xf32, #tpu.memory_space<vmem>>
      %dma_start3A_194 = arith.constant 0 : i32
      %dma_start3A_195 = arith.constant 0 : i32
      %dma_start3A_196 = tpu.memref_slice %arg6[%squeeze3A_188, %dma_start3A_194, %dma_start3A_195] : memref<125000x8x64xf32, #tpu.memory_space<hbm>> -> memref<1x8x64xf32, #tpu.memory_space<hbm>>
      %dma_start3A_197 = tpu.memref_squeeze %dma_start3A_196 : memref<1x8x64xf32, #tpu.memory_space<hbm>> -> memref<8x64xf32, #tpu.memory_space<hbm>>
      %dma_start3A_198 = arith.constant 0 : i32
      %dma_start3A_199 = arith.constant 0 : i32
      %dma_start3A_200 = tpu.memref_slice %arg14[%dma_start3A_189, %dma_start3A_198, %dma_start3A_199] : memref<16x8x64xf32, #tpu.memory_space<vmem>> -> memref<1x8x64xf32, #tpu.memory_space<vmem>>
      %dma_start3A_201 = tpu.memref_squeeze %dma_start3A_200 : memref<1x8x64xf32, #tpu.memory_space<vmem>> -> memref<8x64xf32, #tpu.memory_space<vmem>>
      %dma_start3A_202 = arith.constant 0 : i32
      %dma_start3A_203 = arith.constant 0 : i32
      %dma_start3A_204 = tpu.memref_slice %arg6[%squeeze3A_188, %dma_start3A_202, %dma_start3A_203] : memref<125000x8x64xf32, #tpu.memory_space<hbm>> -> memref<1x8x64xf32, #tpu.memory_space<hbm>>
      %dma_start3A_205 = tpu.memref_squeeze %dma_start3A_204 : memref<1x8x64xf32, #tpu.memory_space<hbm>> -> memref<8x64xf32, #tpu.memory_space<hbm>>
      tpu.enqueue_dma source(%dma_start3A_205 : memref<8x64xf32, #tpu.memory_space<hbm>>) target(%dma_start3A_201 : memref<8x64xf32, #tpu.memory_space<vmem>>) target_semaphore(%arg17 : memref<!tpu.dma_semaphore, #tpu.memory_space<semaphore_mem>>)
      %slice3A_206 = vector.extract_strided_slice %shift_right_logical3A_25 {offsets = [3], sizes = [1], strides = [1]} : vector<16xi32> to vector<1xi32>
      %squeeze3A_207 = vector.extract %slice3A_206[0] : i32 from vector<1xi32>
      %dma_start3A_208 = arith.constant 3 : i32
      %dma_start3A_209 = arith.constant 0 : i32
      %dma_start3A_210 = arith.constant 0 : i32
      %dma_start3A_211 = tpu.memref_slice %arg12[%dma_start3A_208, %dma_start3A_209, %dma_start3A_210] : memref<16x8x64xf32, #tpu.memory_space<vmem>> -> memref<1x8x64xf32, #tpu.memory_space<vmem>>
      %dma_start3A_212 = tpu.memref_squeeze %dma_start3A_211 : memref<1x8x64xf32, #tpu.memory_space<vmem>> -> memref<8x64xf32, #tpu.memory_space<vmem>>
      %dma_start3A_213 = arith.constant 0 : i32
      %dma_start3A_214 = arith.constant 0 : i32
      %dma_start3A_215 = tpu.memref_slice %arg5[%squeeze3A_207, %dma_start3A_213, %dma_start3A_214] : memref<125000x8x64xf32, #tpu.memory_space<hbm>> -> memref<1x8x64xf32, #tpu.memory_space<hbm>>
      %dma_start3A_216 = tpu.memref_squeeze %dma_start3A_215 : memref<1x8x64xf32, #tpu.memory_space<hbm>> -> memref<8x64xf32, #tpu.memory_space<hbm>>
      %dma_start3A_217 = arith.constant 0 : i32
      %dma_start3A_218 = arith.constant 0 : i32
      %dma_start3A_219 = tpu.memref_slice %arg12[%dma_start3A_208, %dma_start3A_217, %dma_start3A_218] : memref<16x8x64xf32, #tpu.memory_space<vmem>> -> memref<1x8x64xf32, #tpu.memory_space<vmem>>
      %dma_start3A_220 = tpu.memref_squeeze %dma_start3A_219 : memref<1x8x64xf32, #tpu.memory_space<vmem>> -> memref<8x64xf32, #tpu.memory_space<vmem>>
      %dma_start3A_221 = arith.constant 0 : i32
      %dma_start3A_222 = arith.constant 0 : i32
      %dma_start3A_223 = tpu.memref_slice %arg5[%squeeze3A_207, %dma_start3A_221, %dma_start3A_222] : memref<125000x8x64xf32, #tpu.memory_space<hbm>> -> memref<1x8x64xf32, #tpu.memory_space<hbm>>
      %dma_start3A_224 = tpu.memref_squeeze %dma_start3A_223 : memref<1x8x64xf32, #tpu.memory_space<hbm>> -> memref<8x64xf32, #tpu.memory_space<hbm>>
      tpu.enqueue_dma source(%dma_start3A_224 : memref<8x64xf32, #tpu.memory_space<hbm>>) target(%dma_start3A_220 : memref<8x64xf32, #tpu.memory_space<vmem>>) target_semaphore(%arg17 : memref<!tpu.dma_semaphore, #tpu.memory_space<semaphore_mem>>)
      %slice3A_225 = vector.extract_strided_slice %shift_right_logical3A_31 {offsets = [3], sizes = [1], strides = [1]} : vector<16xi32> to vector<1xi32>
      %squeeze3A_226 = vector.extract %slice3A_225[0] : i32 from vector<1xi32>
      %dma_start3A_227 = arith.constant 3 : i32
      %dma_start3A_228 = arith.constant 0 : i32
      %dma_start3A_229 = arith.constant 0 : i32
      %dma_start3A_230 = tpu.memref_slice %arg13[%dma_start3A_227, %dma_start3A_228, %dma_start3A_229] : memref<16x8x64xf32, #tpu.memory_space<vmem>> -> memref<1x8x64xf32, #tpu.memory_space<vmem>>
      %dma_start3A_231 = tpu.memref_squeeze %dma_start3A_230 : memref<1x8x64xf32, #tpu.memory_space<vmem>> -> memref<8x64xf32, #tpu.memory_space<vmem>>
      %dma_start3A_232 = arith.constant 0 : i32
      %dma_start3A_233 = arith.constant 0 : i32
      %dma_start3A_234 = tpu.memref_slice %arg6[%squeeze3A_226, %dma_start3A_232, %dma_start3A_233] : memref<125000x8x64xf32, #tpu.memory_space<hbm>> -> memref<1x8x64xf32, #tpu.memory_space<hbm>>
      %dma_start3A_235 = tpu.memref_squeeze %dma_start3A_234 : memref<1x8x64xf32, #tpu.memory_space<hbm>> -> memref<8x64xf32, #tpu.memory_space<hbm>>
      %dma_start3A_236 = arith.constant 0 : i32
      %dma_start3A_237 = arith.constant 0 : i32
      %dma_start3A_238 = tpu.memref_slice %arg13[%dma_start3A_227, %dma_start3A_236, %dma_start3A_237] : memref<16x8x64xf32, #tpu.memory_space<vmem>> -> memref<1x8x64xf32, #tpu.memory_space<vmem>>
      %dma_start3A_239 = tpu.memref_squeeze %dma_start3A_238 : memref<1x8x64xf32, #tpu.memory_space<vmem>> -> memref<8x64xf32, #tpu.memory_space<vmem>>
      %dma_start3A_240 = arith.constant 0 : i32
      %dma_start3A_241 = arith.constant 0 : i32
      %dma_start3A_242 = tpu.memref_slice %arg6[%squeeze3A_226, %dma_start3A_240, %dma_start3A_241] : memref<125000x8x64xf32, #tpu.memory_space<hbm>> -> memref<1x8x64xf32, #tpu.memory_space<hbm>>
      %dma_start3A_243 = tpu.memref_squeeze %dma_start3A_242 : memref<1x8x64xf32, #tpu.memory_space<hbm>> -> memref<8x64xf32, #tpu.memory_space<hbm>>
      tpu.enqueue_dma source(%dma_start3A_243 : memref<8x64xf32, #tpu.memory_space<hbm>>) target(%dma_start3A_239 : memref<8x64xf32, #tpu.memory_space<vmem>>) target_semaphore(%arg17 : memref<!tpu.dma_semaphore, #tpu.memory_space<semaphore_mem>>)
      %slice3A_244 = vector.extract_strided_slice %shift_right_logical3A_37 {offsets = [3], sizes = [1], strides = [1]} : vector<16xi32> to vector<1xi32>
      %squeeze3A_245 = vector.extract %slice3A_244[0] : i32 from vector<1xi32>
      %dma_start3A_246 = arith.constant 3 : i32
      %dma_start3A_247 = arith.constant 0 : i32
      %dma_start3A_248 = arith.constant 0 : i32
      %dma_start3A_249 = tpu.memref_slice %arg14[%dma_start3A_246, %dma_start3A_247, %dma_start3A_248] : memref<16x8x64xf32, #tpu.memory_space<vmem>> -> memref<1x8x64xf32, #tpu.memory_space<vmem>>
      %dma_start3A_250 = tpu.memref_squeeze %dma_start3A_249 : memref<1x8x64xf32, #tpu.memory_space<vmem>> -> memref<8x64xf32, #tpu.memory_space<vmem>>
      %dma_start3A_251 = arith.constant 0 : i32
      %dma_start3A_252 = arith.constant 0 : i32
      %dma_start3A_253 = tpu.memref_slice %arg6[%squeeze3A_245, %dma_start3A_251, %dma_start3A_252] : memref<125000x8x64xf32, #tpu.memory_space<hbm>> -> memref<1x8x64xf32, #tpu.memory_space<hbm>>
      %dma_start3A_254 = tpu.memref_squeeze %dma_start3A_253 : memref<1x8x64xf32, #tpu.memory_space<hbm>> -> memref<8x64xf32, #tpu.memory_space<hbm>>
      %dma_start3A_255 = arith.constant 0 : i32
      %dma_start3A_256 = arith.constant 0 : i32
      %dma_start3A_257 = tpu.memref_slice %arg14[%dma_start3A_246, %dma_start3A_255, %dma_start3A_256] : memref<16x8x64xf32, #tpu.memory_space<vmem>> -> memref<1x8x64xf32, #tpu.memory_space<vmem>>
      %dma_start3A_258 = tpu.memref_squeeze %dma_start3A_257 : memref<1x8x64xf32, #tpu.memory_space<vmem>> -> memref<8x64xf32, #tpu.memory_space<vmem>>
      %dma_start3A_259 = arith.constant 0 : i32
      %dma_start3A_260 = arith.constant 0 : i32
      %dma_start3A_261 = tpu.memref_slice %arg6[%squeeze3A_245, %dma_start3A_259, %dma_start3A_260] : memref<125000x8x64xf32, #tpu.memory_space<hbm>> -> memref<1x8x64xf32, #tpu.memory_space<hbm>>
      %dma_start3A_262 = tpu.memref_squeeze %dma_start3A_261 : memref<1x8x64xf32, #tpu.memory_space<hbm>> -> memref<8x64xf32, #tpu.memory_space<hbm>>
      tpu.enqueue_dma source(%dma_start3A_262 : memref<8x64xf32, #tpu.memory_space<hbm>>) target(%dma_start3A_258 : memref<8x64xf32, #tpu.memory_space<vmem>>) target_semaphore(%arg17 : memref<!tpu.dma_semaphore, #tpu.memory_space<semaphore_mem>>)
      %slice3A_263 = vector.extract_strided_slice %shift_right_logical3A_25 {offsets = [4], sizes = [1], strides = [1]} : vector<16xi32> to vector<1xi32>
      %squeeze3A_264 = vector.extract %slice3A_263[0] : i32 from vector<1xi32>
      %dma_start3A_265 = arith.constant 4 : i32
      %dma_start3A_266 = arith.constant 0 : i32
      %dma_start3A_267 = arith.constant 0 : i32
      %dma_start3A_268 = tpu.memref_slice %arg12[%dma_start3A_265, %dma_start3A_266, %dma_start3A_267] : memref<16x8x64xf32, #tpu.memory_space<vmem>> -> memref<1x8x64xf32, #tpu.memory_space<vmem>>
      %dma_start3A_269 = tpu.memref_squeeze %dma_start3A_268 : memref<1x8x64xf32, #tpu.memory_space<vmem>> -> memref<8x64xf32, #tpu.memory_space<vmem>>
      %dma_start3A_270 = arith.constant 0 : i32
      %dma_start3A_271 = arith.constant 0 : i32
      %dma_start3A_272 = tpu.memref_slice %arg5[%squeeze3A_264, %dma_start3A_270, %dma_start3A_271] : memref<125000x8x64xf32, #tpu.memory_space<hbm>> -> memref<1x8x64xf32, #tpu.memory_space<hbm>>
      %dma_start3A_273 = tpu.memref_squeeze %dma_start3A_272 : memref<1x8x64xf32, #tpu.memory_space<hbm>> -> memref<8x64xf32, #tpu.memory_space<hbm>>
      %dma_start3A_274 = arith.constant 0 : i32
      %dma_start3A_275 = arith.constant 0 : i32
      %dma_start3A_276 = tpu.memref_slice %arg12[%dma_start3A_265, %dma_start3A_274, %dma_start3A_275] : memref<16x8x64xf32, #tpu.memory_space<vmem>> -> memref<1x8x64xf32, #tpu.memory_space<vmem>>
      %dma_start3A_277 = tpu.memref_squeeze %dma_start3A_276 : memref<1x8x64xf32, #tpu.memory_space<vmem>> -> memref<8x64xf32, #tpu.memory_space<vmem>>
      %dma_start3A_278 = arith.constant 0 : i32
      %dma_start3A_279 = arith.constant 0 : i32
      %dma_start3A_280 = tpu.memref_slice %arg5[%squeeze3A_264, %dma_start3A_278, %dma_start3A_279] : memref<125000x8x64xf32, #tpu.memory_space<hbm>> -> memref<1x8x64xf32, #tpu.memory_space<hbm>>
      %dma_start3A_281 = tpu.memref_squeeze %dma_start3A_280 : memref<1x8x64xf32, #tpu.memory_space<hbm>> -> memref<8x64xf32, #tpu.memory_space<hbm>>
      tpu.enqueue_dma source(%dma_start3A_281 : memref<8x64xf32, #tpu.memory_space<hbm>>) target(%dma_start3A_277 : memref<8x64xf32, #tpu.memory_space<vmem>>) target_semaphore(%arg17 : memref<!tpu.dma_semaphore, #tpu.memory_space<semaphore_mem>>)
      %slice3A_282 = vector.extract_strided_slice %shift_right_logical3A_31 {offsets = [4], sizes = [1], strides = [1]} : vector<16xi32> to vector<1xi32>
      %squeeze3A_283 = vector.extract %slice3A_282[0] : i32 from vector<1xi32>
      %dma_start3A_284 = arith.constant 4 : i32
      %dma_start3A_285 = arith.constant 0 : i32
      %dma_start3A_286 = arith.constant 0 : i32
      %dma_start3A_287 = tpu.memref_slice %arg13[%dma_start3A_284, %dma_start3A_285, %dma_start3A_286] : memref<16x8x64xf32, #tpu.memory_space<vmem>> -> memref<1x8x64xf32, #tpu.memory_space<vmem>>
      %dma_start3A_288 = tpu.memref_squeeze %dma_start3A_287 : memref<1x8x64xf32, #tpu.memory_space<vmem>> -> memref<8x64xf32, #tpu.memory_space<vmem>>
      %dma_start3A_289 = arith.constant 0 : i32
      %dma_start3A_290 = arith.constant 0 : i32
      %dma_start3A_291 = tpu.memref_slice %arg6[%squeeze3A_283, %dma_start3A_289, %dma_start3A_290] : memref<125000x8x64xf32, #tpu.memory_space<hbm>> -> memref<1x8x64xf32, #tpu.memory_space<hbm>>
      %dma_start3A_292 = tpu.memref_squeeze %dma_start3A_291 : memref<1x8x64xf32, #tpu.memory_space<hbm>> -> memref<8x64xf32, #tpu.memory_space<hbm>>
      %dma_start3A_293 = arith.constant 0 : i32
      %dma_start3A_294 = arith.constant 0 : i32
      %dma_start3A_295 = tpu.memref_slice %arg13[%dma_start3A_284, %dma_start3A_293, %dma_start3A_294] : memref<16x8x64xf32, #tpu.memory_space<vmem>> -> memref<1x8x64xf32, #tpu.memory_space<vmem>>
      %dma_start3A_296 = tpu.memref_squeeze %dma_start3A_295 : memref<1x8x64xf32, #tpu.memory_space<vmem>> -> memref<8x64xf32, #tpu.memory_space<vmem>>
      %dma_start3A_297 = arith.constant 0 : i32
      %dma_start3A_298 = arith.constant 0 : i32
      %dma_start3A_299 = tpu.memref_slice %arg6[%squeeze3A_283, %dma_start3A_297, %dma_start3A_298] : memref<125000x8x64xf32, #tpu.memory_space<hbm>> -> memref<1x8x64xf32, #tpu.memory_space<hbm>>
      %dma_start3A_300 = tpu.memref_squeeze %dma_start3A_299 : memref<1x8x64xf32, #tpu.memory_space<hbm>> -> memref<8x64xf32, #tpu.memory_space<hbm>>
      tpu.enqueue_dma source(%dma_start3A_300 : memref<8x64xf32, #tpu.memory_space<hbm>>) target(%dma_start3A_296 : memref<8x64xf32, #tpu.memory_space<vmem>>) target_semaphore(%arg17 : memref<!tpu.dma_semaphore, #tpu.memory_space<semaphore_mem>>)
      %slice3A_301 = vector.extract_strided_slice %shift_right_logical3A_37 {offsets = [4], sizes = [1], strides = [1]} : vector<16xi32> to vector<1xi32>
      %squeeze3A_302 = vector.extract %slice3A_301[0] : i32 from vector<1xi32>
      %dma_start3A_303 = arith.constant 4 : i32
      %dma_start3A_304 = arith.constant 0 : i32
      %dma_start3A_305 = arith.constant 0 : i32
      %dma_start3A_306 = tpu.memref_slice %arg14[%dma_start3A_303, %dma_start3A_304, %dma_start3A_305] : memref<16x8x64xf32, #tpu.memory_space<vmem>> -> memref<1x8x64xf32, #tpu.memory_space<vmem>>
      %dma_start3A_307 = tpu.memref_squeeze %dma_start3A_306 : memref<1x8x64xf32, #tpu.memory_space<vmem>> -> memref<8x64xf32, #tpu.memory_space<vmem>>
      %dma_start3A_308 = arith.constant 0 : i32
      %dma_start3A_309 = arith.constant 0 : i32
      %dma_start3A_310 = tpu.memref_slice %arg6[%squeeze3A_302, %dma_start3A_308, %dma_start3A_309] : memref<125000x8x64xf32, #tpu.memory_space<hbm>> -> memref<1x8x64xf32, #tpu.memory_space<hbm>>
      %dma_start3A_311 = tpu.memref_squeeze %dma_start3A_310 : memref<1x8x64xf32, #tpu.memory_space<hbm>> -> memref<8x64xf32, #tpu.memory_space<hbm>>
      %dma_start3A_312 = arith.constant 0 : i32
      %dma_start3A_313 = arith.constant 0 : i32
      %dma_start3A_314 = tpu.memref_slice %arg14[%dma_start3A_303, %dma_start3A_312, %dma_start3A_313] : memref<16x8x64xf32, #tpu.memory_space<vmem>> -> memref<1x8x64xf32, #tpu.memory_space<vmem>>
      %dma_start3A_315 = tpu.memref_squeeze %dma_start3A_314 : memref<1x8x64xf32, #tpu.memory_space<vmem>> -> memref<8x64xf32, #tpu.memory_space<vmem>>
      %dma_start3A_316 = arith.constant 0 : i32
      %dma_start3A_317 = arith.constant 0 : i32
      %dma_start3A_318 = tpu.memref_slice %arg6[%squeeze3A_302, %dma_start3A_316, %dma_start3A_317] : memref<125000x8x64xf32, #tpu.memory_space<hbm>> -> memref<1x8x64xf32, #tpu.memory_space<hbm>>
      %dma_start3A_319 = tpu.memref_squeeze %dma_start3A_318 : memref<1x8x64xf32, #tpu.memory_space<hbm>> -> memref<8x64xf32, #tpu.memory_space<hbm>>
      tpu.enqueue_dma source(%dma_start3A_319 : memref<8x64xf32, #tpu.memory_space<hbm>>) target(%dma_start3A_315 : memref<8x64xf32, #tpu.memory_space<vmem>>) target_semaphore(%arg17 : memref<!tpu.dma_semaphore, #tpu.memory_space<semaphore_mem>>)
      %slice3A_320 = vector.extract_strided_slice %shift_right_logical3A_25 {offsets = [5], sizes = [1], strides = [1]} : vector<16xi32> to vector<1xi32>
      %squeeze3A_321 = vector.extract %slice3A_320[0] : i32 from vector<1xi32>
      %dma_start3A_322 = arith.constant 5 : i32
      %dma_start3A_323 = arith.constant 0 : i32
      %dma_start3A_324 = arith.constant 0 : i32
      %dma_start3A_325 = tpu.memref_slice %arg12[%dma_start3A_322, %dma_start3A_323, %dma_start3A_324] : memref<16x8x64xf32, #tpu.memory_space<vmem>> -> memref<1x8x64xf32, #tpu.memory_space<vmem>>
      %dma_start3A_326 = tpu.memref_squeeze %dma_start3A_325 : memref<1x8x64xf32, #tpu.memory_space<vmem>> -> memref<8x64xf32, #tpu.memory_space<vmem>>
      %dma_start3A_327 = arith.constant 0 : i32
      %dma_start3A_328 = arith.constant 0 : i32
      %dma_start3A_329 = tpu.memref_slice %arg5[%squeeze3A_321, %dma_start3A_327, %dma_start3A_328] : memref<125000x8x64xf32, #tpu.memory_space<hbm>> -> memref<1x8x64xf32, #tpu.memory_space<hbm>>
      %dma_start3A_330 = tpu.memref_squeeze %dma_start3A_329 : memref<1x8x64xf32, #tpu.memory_space<hbm>> -> memref<8x64xf32, #tpu.memory_space<hbm>>
      %dma_start3A_331 = arith.constant 0 : i32
      %dma_start3A_332 = arith.constant 0 : i32
      %dma_start3A_333 = tpu.memref_slice %arg12[%dma_start3A_322, %dma_start3A_331, %dma_start3A_332] : memref<16x8x64xf32, #tpu.memory_space<vmem>> -> memref<1x8x64xf32, #tpu.memory_space<vmem>>
      %dma_start3A_334 = tpu.memref_squeeze %dma_start3A_333 : memref<1x8x64xf32, #tpu.memory_space<vmem>> -> memref<8x64xf32, #tpu.memory_space<vmem>>
      %dma_start3A_335 = arith.constant 0 : i32
      %dma_start3A_336 = arith.constant 0 : i32
      %dma_start3A_337 = tpu.memref_slice %arg5[%squeeze3A_321, %dma_start3A_335, %dma_start3A_336] : memref<125000x8x64xf32, #tpu.memory_space<hbm>> -> memref<1x8x64xf32, #tpu.memory_space<hbm>>
      %dma_start3A_338 = tpu.memref_squeeze %dma_start3A_337 : memref<1x8x64xf32, #tpu.memory_space<hbm>> -> memref<8x64xf32, #tpu.memory_space<hbm>>
      tpu.enqueue_dma source(%dma_start3A_338 : memref<8x64xf32, #tpu.memory_space<hbm>>) target(%dma_start3A_334 : memref<8x64xf32, #tpu.memory_space<vmem>>) target_semaphore(%arg17 : memref<!tpu.dma_semaphore, #tpu.memory_space<semaphore_mem>>)
      %slice3A_339 = vector.extract_strided_slice %shift_right_logical3A_31 {offsets = [5], sizes = [1], strides = [1]} : vector<16xi32> to vector<1xi32>
      %squeeze3A_340 = vector.extract %slice3A_339[0] : i32 from vector<1xi32>
      %dma_start3A_341 = arith.constant 5 : i32
      %dma_start3A_342 = arith.constant 0 : i32
      %dma_start3A_343 = arith.constant 0 : i32
      %dma_start3A_344 = tpu.memref_slice %arg13[%dma_start3A_341, %dma_start3A_342, %dma_start3A_343] : memref<16x8x64xf32, #tpu.memory_space<vmem>> -> memref<1x8x64xf32, #tpu.memory_space<vmem>>
      %dma_start3A_345 = tpu.memref_squeeze %dma_start3A_344 : memref<1x8x64xf32, #tpu.memory_space<vmem>> -> memref<8x64xf32, #tpu.memory_space<vmem>>
      %dma_start3A_346 = arith.constant 0 : i32
      %dma_start3A_347 = arith.constant 0 : i32
      %dma_start3A_348 = tpu.memref_slice %arg6[%squeeze3A_340, %dma_start3A_346, %dma_start3A_347] : memref<125000x8x64xf32, #tpu.memory_space<hbm>> -> memref<1x8x64xf32, #tpu.memory_space<hbm>>
      %dma_start3A_349 = tpu.memref_squeeze %dma_start3A_348 : memref<1x8x64xf32, #tpu.memory_space<hbm>> -> memref<8x64xf32, #tpu.memory_space<hbm>>
      %dma_start3A_350 = arith.constant 0 : i32
      %dma_start3A_351 = arith.constant 0 : i32
      %dma_start3A_352 = tpu.memref_slice %arg13[%dma_start3A_341, %dma_start3A_350, %dma_start3A_351] : memref<16x8x64xf32, #tpu.memory_space<vmem>> -> memref<1x8x64xf32, #tpu.memory_space<vmem>>
      %dma_start3A_353 = tpu.memref_squeeze %dma_start3A_352 : memref<1x8x64xf32, #tpu.memory_space<vmem>> -> memref<8x64xf32, #tpu.memory_space<vmem>>
      %dma_start3A_354 = arith.constant 0 : i32
      %dma_start3A_355 = arith.constant 0 : i32
      %dma_start3A_356 = tpu.memref_slice %arg6[%squeeze3A_340, %dma_start3A_354, %dma_start3A_355] : memref<125000x8x64xf32, #tpu.memory_space<hbm>> -> memref<1x8x64xf32, #tpu.memory_space<hbm>>
      %dma_start3A_357 = tpu.memref_squeeze %dma_start3A_356 : memref<1x8x64xf32, #tpu.memory_space<hbm>> -> memref<8x64xf32, #tpu.memory_space<hbm>>
      tpu.enqueue_dma source(%dma_start3A_357 : memref<8x64xf32, #tpu.memory_space<hbm>>) target(%dma_start3A_353 : memref<8x64xf32, #tpu.memory_space<vmem>>) target_semaphore(%arg17 : memref<!tpu.dma_semaphore, #tpu.memory_space<semaphore_mem>>)
      %slice3A_358 = vector.extract_strided_slice %shift_right_logical3A_37 {offsets = [5], sizes = [1], strides = [1]} : vector<16xi32> to vector<1xi32>
      %squeeze3A_359 = vector.extract %slice3A_358[0] : i32 from vector<1xi32>
      %dma_start3A_360 = arith.constant 5 : i32
      %dma_start3A_361 = arith.constant 0 : i32
      %dma_start3A_362 = arith.constant 0 : i32
      %dma_start3A_363 = tpu.memref_slice %arg14[%dma_start3A_360, %dma_start3A_361, %dma_start3A_362] : memref<16x8x64xf32, #tpu.memory_space<vmem>> -> memref<1x8x64xf32, #tpu.memory_space<vmem>>
      %dma_start3A_364 = tpu.memref_squeeze %dma_start3A_363 : memref<1x8x64xf32, #tpu.memory_space<vmem>> -> memref<8x64xf32, #tpu.memory_space<vmem>>
      %dma_start3A_365 = arith.constant 0 : i32
      %dma_start3A_366 = arith.constant 0 : i32
      %dma_start3A_367 = tpu.memref_slice %arg6[%squeeze3A_359, %dma_start3A_365, %dma_start3A_366] : memref<125000x8x64xf32, #tpu.memory_space<hbm>> -> memref<1x8x64xf32, #tpu.memory_space<hbm>>
      %dma_start3A_368 = tpu.memref_squeeze %dma_start3A_367 : memref<1x8x64xf32, #tpu.memory_space<hbm>> -> memref<8x64xf32, #tpu.memory_space<hbm>>
      %dma_start3A_369 = arith.constant 0 : i32
      %dma_start3A_370 = arith.constant 0 : i32
      %dma_start3A_371 = tpu.memref_slice %arg14[%dma_start3A_360, %dma_start3A_369, %dma_start3A_370] : memref<16x8x64xf32, #tpu.memory_space<vmem>> -> memref<1x8x64xf32, #tpu.memory_space<vmem>>
      %dma_start3A_372 = tpu.memref_squeeze %dma_start3A_371 : memref<1x8x64xf32, #tpu.memory_space<vmem>> -> memref<8x64xf32, #tpu.memory_space<vmem>>
      %dma_start3A_373 = arith.constant 0 : i32
      %dma_start3A_374 = arith.constant 0 : i32
      %dma_start3A_375 = tpu.memref_slice %arg6[%squeeze3A_359, %dma_start3A_373, %dma_start3A_374] : memref<125000x8x64xf32, #tpu.memory_space<hbm>> -> memref<1x8x64xf32, #tpu.memory_space<hbm>>
      %dma_start3A_376 = tpu.memref_squeeze %dma_start3A_375 : memref<1x8x64xf32, #tpu.memory_space<hbm>> -> memref<8x64xf32, #tpu.memory_space<hbm>>
      tpu.enqueue_dma source(%dma_start3A_376 : memref<8x64xf32, #tpu.memory_space<hbm>>) target(%dma_start3A_372 : memref<8x64xf32, #tpu.memory_space<vmem>>) target_semaphore(%arg17 : memref<!tpu.dma_semaphore, #tpu.memory_space<semaphore_mem>>)
      %slice3A_377 = vector.extract_strided_slice %shift_right_logical3A_25 {offsets = [6], sizes = [1], strides = [1]} : vector<16xi32> to vector<1xi32>
      %squeeze3A_378 = vector.extract %slice3A_377[0] : i32 from vector<1xi32>
      %dma_start3A_379 = arith.constant 6 : i32
      %dma_start3A_380 = arith.constant 0 : i32
      %dma_start3A_381 = arith.constant 0 : i32
      %dma_start3A_382 = tpu.memref_slice %arg12[%dma_start3A_379, %dma_start3A_380, %dma_start3A_381] : memref<16x8x64xf32, #tpu.memory_space<vmem>> -> memref<1x8x64xf32, #tpu.memory_space<vmem>>
      %dma_start3A_383 = tpu.memref_squeeze %dma_start3A_382 : memref<1x8x64xf32, #tpu.memory_space<vmem>> -> memref<8x64xf32, #tpu.memory_space<vmem>>
      %dma_start3A_384 = arith.constant 0 : i32
      %dma_start3A_385 = arith.constant 0 : i32
      %dma_start3A_386 = tpu.memref_slice %arg5[%squeeze3A_378, %dma_start3A_384, %dma_start3A_385] : memref<125000x8x64xf32, #tpu.memory_space<hbm>> -> memref<1x8x64xf32, #tpu.memory_space<hbm>>
      %dma_start3A_387 = tpu.memref_squeeze %dma_start3A_386 : memref<1x8x64xf32, #tpu.memory_space<hbm>> -> memref<8x64xf32, #tpu.memory_space<hbm>>
      %dma_start3A_388 = arith.constant 0 : i32
      %dma_start3A_389 = arith.constant 0 : i32
      %dma_start3A_390 = tpu.memref_slice %arg12[%dma_start3A_379, %dma_start3A_388, %dma_start3A_389] : memref<16x8x64xf32, #tpu.memory_space<vmem>> -> memref<1x8x64xf32, #tpu.memory_space<vmem>>
      %dma_start3A_391 = tpu.memref_squeeze %dma_start3A_390 : memref<1x8x64xf32, #tpu.memory_space<vmem>> -> memref<8x64xf32, #tpu.memory_space<vmem>>
      %dma_start3A_392 = arith.constant 0 : i32
      %dma_start3A_393 = arith.constant 0 : i32
      %dma_start3A_394 = tpu.memref_slice %arg5[%squeeze3A_378, %dma_start3A_392, %dma_start3A_393] : memref<125000x8x64xf32, #tpu.memory_space<hbm>> -> memref<1x8x64xf32, #tpu.memory_space<hbm>>
      %dma_start3A_395 = tpu.memref_squeeze %dma_start3A_394 : memref<1x8x64xf32, #tpu.memory_space<hbm>> -> memref<8x64xf32, #tpu.memory_space<hbm>>
      tpu.enqueue_dma source(%dma_start3A_395 : memref<8x64xf32, #tpu.memory_space<hbm>>) target(%dma_start3A_391 : memref<8x64xf32, #tpu.memory_space<vmem>>) target_semaphore(%arg17 : memref<!tpu.dma_semaphore, #tpu.memory_space<semaphore_mem>>)
      %slice3A_396 = vector.extract_strided_slice %shift_right_logical3A_31 {offsets = [6], sizes = [1], strides = [1]} : vector<16xi32> to vector<1xi32>
      %squeeze3A_397 = vector.extract %slice3A_396[0] : i32 from vector<1xi32>
      %dma_start3A_398 = arith.constant 6 : i32
      %dma_start3A_399 = arith.constant 0 : i32
      %dma_start3A_400 = arith.constant 0 : i32
      %dma_start3A_401 = tpu.memref_slice %arg13[%dma_start3A_398, %dma_start3A_399, %dma_start3A_400] : memref<16x8x64xf32, #tpu.memory_space<vmem>> -> memref<1x8x64xf32, #tpu.memory_space<vmem>>
      %dma_start3A_402 = tpu.memref_squeeze %dma_start3A_401 : memref<1x8x64xf32, #tpu.memory_space<vmem>> -> memref<8x64xf32, #tpu.memory_space<vmem>>
      %dma_start3A_403 = arith.constant 0 : i32
      %dma_start3A_404 = arith.constant 0 : i32
      %dma_start3A_405 = tpu.memref_slice %arg6[%squeeze3A_397, %dma_start3A_403, %dma_start3A_404] : memref<125000x8x64xf32, #tpu.memory_space<hbm>> -> memref<1x8x64xf32, #tpu.memory_space<hbm>>
      %dma_start3A_406 = tpu.memref_squeeze %dma_start3A_405 : memref<1x8x64xf32, #tpu.memory_space<hbm>> -> memref<8x64xf32, #tpu.memory_space<hbm>>
      %dma_start3A_407 = arith.constant 0 : i32
      %dma_start3A_408 = arith.constant 0 : i32
      %dma_start3A_409 = tpu.memref_slice %arg13[%dma_start3A_398, %dma_start3A_407, %dma_start3A_408] : memref<16x8x64xf32, #tpu.memory_space<vmem>> -> memref<1x8x64xf32, #tpu.memory_space<vmem>>
      %dma_start3A_410 = tpu.memref_squeeze %dma_start3A_409 : memref<1x8x64xf32, #tpu.memory_space<vmem>> -> memref<8x64xf32, #tpu.memory_space<vmem>>
      %dma_start3A_411 = arith.constant 0 : i32
      %dma_start3A_412 = arith.constant 0 : i32
      %dma_start3A_413 = tpu.memref_slice %arg6[%squeeze3A_397, %dma_start3A_411, %dma_start3A_412] : memref<125000x8x64xf32, #tpu.memory_space<hbm>> -> memref<1x8x64xf32, #tpu.memory_space<hbm>>
      %dma_start3A_414 = tpu.memref_squeeze %dma_start3A_413 : memref<1x8x64xf32, #tpu.memory_space<hbm>> -> memref<8x64xf32, #tpu.memory_space<hbm>>
      tpu.enqueue_dma source(%dma_start3A_414 : memref<8x64xf32, #tpu.memory_space<hbm>>) target(%dma_start3A_410 : memref<8x64xf32, #tpu.memory_space<vmem>>) target_semaphore(%arg17 : memref<!tpu.dma_semaphore, #tpu.memory_space<semaphore_mem>>)
      %slice3A_415 = vector.extract_strided_slice %shift_right_logical3A_37 {offsets = [6], sizes = [1], strides = [1]} : vector<16xi32> to vector<1xi32>
      %squeeze3A_416 = vector.extract %slice3A_415[0] : i32 from vector<1xi32>
      %dma_start3A_417 = arith.constant 6 : i32
      %dma_start3A_418 = arith.constant 0 : i32
      %dma_start3A_419 = arith.constant 0 : i32
      %dma_start3A_420 = tpu.memref_slice %arg14[%dma_start3A_417, %dma_start3A_418, %dma_start3A_419] : memref<16x8x64xf32, #tpu.memory_space<vmem>> -> memref<1x8x64xf32, #tpu.memory_space<vmem>>
      %dma_start3A_421 = tpu.memref_squeeze %dma_start3A_420 : memref<1x8x64xf32, #tpu.memory_space<vmem>> -> memref<8x64xf32, #tpu.memory_space<vmem>>
      %dma_start3A_422 = arith.constant 0 : i32
      %dma_start3A_423 = arith.constant 0 : i32
      %dma_start3A_424 = tpu.memref_slice %arg6[%squeeze3A_416, %dma_start3A_422, %dma_start3A_423] : memref<125000x8x64xf32, #tpu.memory_space<hbm>> -> memref<1x8x64xf32, #tpu.memory_space<hbm>>
      %dma_start3A_425 = tpu.memref_squeeze %dma_start3A_424 : memref<1x8x64xf32, #tpu.memory_space<hbm>> -> memref<8x64xf32, #tpu.memory_space<hbm>>
      %dma_start3A_426 = arith.constant 0 : i32
      %dma_start3A_427 = arith.constant 0 : i32
      %dma_start3A_428 = tpu.memref_slice %arg14[%dma_start3A_417, %dma_start3A_426, %dma_start3A_427] : memref<16x8x64xf32, #tpu.memory_space<vmem>> -> memref<1x8x64xf32, #tpu.memory_space<vmem>>
      %dma_start3A_429 = tpu.memref_squeeze %dma_start3A_428 : memref<1x8x64xf32, #tpu.memory_space<vmem>> -> memref<8x64xf32, #tpu.memory_space<vmem>>
      %dma_start3A_430 = arith.constant 0 : i32
      %dma_start3A_431 = arith.constant 0 : i32
      %dma_start3A_432 = tpu.memref_slice %arg6[%squeeze3A_416, %dma_start3A_430, %dma_start3A_431] : memref<125000x8x64xf32, #tpu.memory_space<hbm>> -> memref<1x8x64xf32, #tpu.memory_space<hbm>>
      %dma_start3A_433 = tpu.memref_squeeze %dma_start3A_432 : memref<1x8x64xf32, #tpu.memory_space<hbm>> -> memref<8x64xf32, #tpu.memory_space<hbm>>
      tpu.enqueue_dma source(%dma_start3A_433 : memref<8x64xf32, #tpu.memory_space<hbm>>) target(%dma_start3A_429 : memref<8x64xf32, #tpu.memory_space<vmem>>) target_semaphore(%arg17 : memref<!tpu.dma_semaphore, #tpu.memory_space<semaphore_mem>>)
      %slice3A_434 = vector.extract_strided_slice %shift_right_logical3A_25 {offsets = [7], sizes = [1], strides = [1]} : vector<16xi32> to vector<1xi32>
      %squeeze3A_435 = vector.extract %slice3A_434[0] : i32 from vector<1xi32>
      %dma_start3A_436 = arith.constant 7 : i32
      %dma_start3A_437 = arith.constant 0 : i32
      %dma_start3A_438 = arith.constant 0 : i32
      %dma_start3A_439 = tpu.memref_slice %arg12[%dma_start3A_436, %dma_start3A_437, %dma_start3A_438] : memref<16x8x64xf32, #tpu.memory_space<vmem>> -> memref<1x8x64xf32, #tpu.memory_space<vmem>>
      %dma_start3A_440 = tpu.memref_squeeze %dma_start3A_439 : memref<1x8x64xf32, #tpu.memory_space<vmem>> -> memref<8x64xf32, #tpu.memory_space<vmem>>
      %dma_start3A_441 = arith.constant 0 : i32
      %dma_start3A_442 = arith.constant 0 : i32
      %dma_start3A_443 = tpu.memref_slice %arg5[%squeeze3A_435, %dma_start3A_441, %dma_start3A_442] : memref<125000x8x64xf32, #tpu.memory_space<hbm>> -> memref<1x8x64xf32, #tpu.memory_space<hbm>>
      %dma_start3A_444 = tpu.memref_squeeze %dma_start3A_443 : memref<1x8x64xf32, #tpu.memory_space<hbm>> -> memref<8x64xf32, #tpu.memory_space<hbm>>
      %dma_start3A_445 = arith.constant 0 : i32
      %dma_start3A_446 = arith.constant 0 : i32
      %dma_start3A_447 = tpu.memref_slice %arg12[%dma_start3A_436, %dma_start3A_445, %dma_start3A_446] : memref<16x8x64xf32, #tpu.memory_space<vmem>> -> memref<1x8x64xf32, #tpu.memory_space<vmem>>
      %dma_start3A_448 = tpu.memref_squeeze %dma_start3A_447 : memref<1x8x64xf32, #tpu.memory_space<vmem>> -> memref<8x64xf32, #tpu.memory_space<vmem>>
      %dma_start3A_449 = arith.constant 0 : i32
      %dma_start3A_450 = arith.constant 0 : i32
      %dma_start3A_451 = tpu.memref_slice %arg5[%squeeze3A_435, %dma_start3A_449, %dma_start3A_450] : memref<125000x8x64xf32, #tpu.memory_space<hbm>> -> memref<1x8x64xf32, #tpu.memory_space<hbm>>
      %dma_start3A_452 = tpu.memref_squeeze %dma_start3A_451 : memref<1x8x64xf32, #tpu.memory_space<hbm>> -> memref<8x64xf32, #tpu.memory_space<hbm>>
      tpu.enqueue_dma source(%dma_start3A_452 : memref<8x64xf32, #tpu.memory_space<hbm>>) target(%dma_start3A_448 : memref<8x64xf32, #tpu.memory_space<vmem>>) target_semaphore(%arg17 : memref<!tpu.dma_semaphore, #tpu.memory_space<semaphore_mem>>)
      %slice3A_453 = vector.extract_strided_slice %shift_right_logical3A_31 {offsets = [7], sizes = [1], strides = [1]} : vector<16xi32> to vector<1xi32>
      %squeeze3A_454 = vector.extract %slice3A_453[0] : i32 from vector<1xi32>
      %dma_start3A_455 = arith.constant 7 : i32
      %dma_start3A_456 = arith.constant 0 : i32
      %dma_start3A_457 = arith.constant 0 : i32
      %dma_start3A_458 = tpu.memref_slice %arg13[%dma_start3A_455, %dma_start3A_456, %dma_start3A_457] : memref<16x8x64xf32, #tpu.memory_space<vmem>> -> memref<1x8x64xf32, #tpu.memory_space<vmem>>
      %dma_start3A_459 = tpu.memref_squeeze %dma_start3A_458 : memref<1x8x64xf32, #tpu.memory_space<vmem>> -> memref<8x64xf32, #tpu.memory_space<vmem>>
      %dma_start3A_460 = arith.constant 0 : i32
      %dma_start3A_461 = arith.constant 0 : i32
      %dma_start3A_462 = tpu.memref_slice %arg6[%squeeze3A_454, %dma_start3A_460, %dma_start3A_461] : memref<125000x8x64xf32, #tpu.memory_space<hbm>> -> memref<1x8x64xf32, #tpu.memory_space<hbm>>
      %dma_start3A_463 = tpu.memref_squeeze %dma_start3A_462 : memref<1x8x64xf32, #tpu.memory_space<hbm>> -> memref<8x64xf32, #tpu.memory_space<hbm>>
      %dma_start3A_464 = arith.constant 0 : i32
      %dma_start3A_465 = arith.constant 0 : i32
      %dma_start3A_466 = tpu.memref_slice %arg13[%dma_start3A_455, %dma_start3A_464, %dma_start3A_465] : memref<16x8x64xf32, #tpu.memory_space<vmem>> -> memref<1x8x64xf32, #tpu.memory_space<vmem>>
      %dma_start3A_467 = tpu.memref_squeeze %dma_start3A_466 : memref<1x8x64xf32, #tpu.memory_space<vmem>> -> memref<8x64xf32, #tpu.memory_space<vmem>>
      %dma_start3A_468 = arith.constant 0 : i32
      %dma_start3A_469 = arith.constant 0 : i32
      %dma_start3A_470 = tpu.memref_slice %arg6[%squeeze3A_454, %dma_start3A_468, %dma_start3A_469] : memref<125000x8x64xf32, #tpu.memory_space<hbm>> -> memref<1x8x64xf32, #tpu.memory_space<hbm>>
      %dma_start3A_471 = tpu.memref_squeeze %dma_start3A_470 : memref<1x8x64xf32, #tpu.memory_space<hbm>> -> memref<8x64xf32, #tpu.memory_space<hbm>>
      tpu.enqueue_dma source(%dma_start3A_471 : memref<8x64xf32, #tpu.memory_space<hbm>>) target(%dma_start3A_467 : memref<8x64xf32, #tpu.memory_space<vmem>>) target_semaphore(%arg17 : memref<!tpu.dma_semaphore, #tpu.memory_space<semaphore_mem>>)
      %slice3A_472 = vector.extract_strided_slice %shift_right_logical3A_37 {offsets = [7], sizes = [1], strides = [1]} : vector<16xi32> to vector<1xi32>
      %squeeze3A_473 = vector.extract %slice3A_472[0] : i32 from vector<1xi32>
      %dma_start3A_474 = arith.constant 7 : i32
      %dma_start3A_475 = arith.constant 0 : i32
      %dma_start3A_476 = arith.constant 0 : i32
      %dma_start3A_477 = tpu.memref_slice %arg14[%dma_start3A_474, %dma_start3A_475, %dma_start3A_476] : memref<16x8x64xf32, #tpu.memory_space<vmem>> -> memref<1x8x64xf32, #tpu.memory_space<vmem>>
      %dma_start3A_478 = tpu.memref_squeeze %dma_start3A_477 : memref<1x8x64xf32, #tpu.memory_space<vmem>> -> memref<8x64xf32, #tpu.memory_space<vmem>>
      %dma_start3A_479 = arith.constant 0 : i32
      %dma_start3A_480 = arith.constant 0 : i32
      %dma_start3A_481 = tpu.memref_slice %arg6[%squeeze3A_473, %dma_start3A_479, %dma_start3A_480] : memref<125000x8x64xf32, #tpu.memory_space<hbm>> -> memref<1x8x64xf32, #tpu.memory_space<hbm>>
      %dma_start3A_482 = tpu.memref_squeeze %dma_start3A_481 : memref<1x8x64xf32, #tpu.memory_space<hbm>> -> memref<8x64xf32, #tpu.memory_space<hbm>>
      %dma_start3A_483 = arith.constant 0 : i32
      %dma_start3A_484 = arith.constant 0 : i32
      %dma_start3A_485 = tpu.memref_slice %arg14[%dma_start3A_474, %dma_start3A_483, %dma_start3A_484] : memref<16x8x64xf32, #tpu.memory_space<vmem>> -> memref<1x8x64xf32, #tpu.memory_space<vmem>>
      %dma_start3A_486 = tpu.memref_squeeze %dma_start3A_485 : memref<1x8x64xf32, #tpu.memory_space<vmem>> -> memref<8x64xf32, #tpu.memory_space<vmem>>
      %dma_start3A_487 = arith.constant 0 : i32
      %dma_start3A_488 = arith.constant 0 : i32
      %dma_start3A_489 = tpu.memref_slice %arg6[%squeeze3A_473, %dma_start3A_487, %dma_start3A_488] : memref<125000x8x64xf32, #tpu.memory_space<hbm>> -> memref<1x8x64xf32, #tpu.memory_space<hbm>>
      %dma_start3A_490 = tpu.memref_squeeze %dma_start3A_489 : memref<1x8x64xf32, #tpu.memory_space<hbm>> -> memref<8x64xf32, #tpu.memory_space<hbm>>
      tpu.enqueue_dma source(%dma_start3A_490 : memref<8x64xf32, #tpu.memory_space<hbm>>) target(%dma_start3A_486 : memref<8x64xf32, #tpu.memory_space<vmem>>) target_semaphore(%arg17 : memref<!tpu.dma_semaphore, #tpu.memory_space<semaphore_mem>>)
      %slice3A_491 = vector.extract_strided_slice %shift_right_logical3A_25 {offsets = [8], sizes = [1], strides = [1]} : vector<16xi32> to vector<1xi32>
      %squeeze3A_492 = vector.extract %slice3A_491[0] : i32 from vector<1xi32>
      %dma_start3A_493 = arith.constant 8 : i32
      %dma_start3A_494 = arith.constant 0 : i32
      %dma_start3A_495 = arith.constant 0 : i32
      %dma_start3A_496 = tpu.memref_slice %arg12[%dma_start3A_493, %dma_start3A_494, %dma_start3A_495] : memref<16x8x64xf32, #tpu.memory_space<vmem>> -> memref<1x8x64xf32, #tpu.memory_space<vmem>>
      %dma_start3A_497 = tpu.memref_squeeze %dma_start3A_496 : memref<1x8x64xf32, #tpu.memory_space<vmem>> -> memref<8x64xf32, #tpu.memory_space<vmem>>
      %dma_start3A_498 = arith.constant 0 : i32
      %dma_start3A_499 = arith.constant 0 : i32
      %dma_start3A_500 = tpu.memref_slice %arg5[%squeeze3A_492, %dma_start3A_498, %dma_start3A_499] : memref<125000x8x64xf32, #tpu.memory_space<hbm>> -> memref<1x8x64xf32, #tpu.memory_space<hbm>>
      %dma_start3A_501 = tpu.memref_squeeze %dma_start3A_500 : memref<1x8x64xf32, #tpu.memory_space<hbm>> -> memref<8x64xf32, #tpu.memory_space<hbm>>
      %dma_start3A_502 = arith.constant 0 : i32
      %dma_start3A_503 = arith.constant 0 : i32
      %dma_start3A_504 = tpu.memref_slice %arg12[%dma_start3A_493, %dma_start3A_502, %dma_start3A_503] : memref<16x8x64xf32, #tpu.memory_space<vmem>> -> memref<1x8x64xf32, #tpu.memory_space<vmem>>
      %dma_start3A_505 = tpu.memref_squeeze %dma_start3A_504 : memref<1x8x64xf32, #tpu.memory_space<vmem>> -> memref<8x64xf32, #tpu.memory_space<vmem>>
      %dma_start3A_506 = arith.constant 0 : i32
      %dma_start3A_507 = arith.constant 0 : i32
      %dma_start3A_508 = tpu.memref_slice %arg5[%squeeze3A_492, %dma_start3A_506, %dma_start3A_507] : memref<125000x8x64xf32, #tpu.memory_space<hbm>> -> memref<1x8x64xf32, #tpu.memory_space<hbm>>
      %dma_start3A_509 = tpu.memref_squeeze %dma_start3A_508 : memref<1x8x64xf32, #tpu.memory_space<hbm>> -> memref<8x64xf32, #tpu.memory_space<hbm>>
      tpu.enqueue_dma source(%dma_start3A_509 : memref<8x64xf32, #tpu.memory_space<hbm>>) target(%dma_start3A_505 : memref<8x64xf32, #tpu.memory_space<vmem>>) target_semaphore(%arg17 : memref<!tpu.dma_semaphore, #tpu.memory_space<semaphore_mem>>)
      %slice3A_510 = vector.extract_strided_slice %shift_right_logical3A_31 {offsets = [8], sizes = [1], strides = [1]} : vector<16xi32> to vector<1xi32>
      %squeeze3A_511 = vector.extract %slice3A_510[0] : i32 from vector<1xi32>
      %dma_start3A_512 = arith.constant 8 : i32
      %dma_start3A_513 = arith.constant 0 : i32
      %dma_start3A_514 = arith.constant 0 : i32
      %dma_start3A_515 = tpu.memref_slice %arg13[%dma_start3A_512, %dma_start3A_513, %dma_start3A_514] : memref<16x8x64xf32, #tpu.memory_space<vmem>> -> memref<1x8x64xf32, #tpu.memory_space<vmem>>
      %dma_start3A_516 = tpu.memref_squeeze %dma_start3A_515 : memref<1x8x64xf32, #tpu.memory_space<vmem>> -> memref<8x64xf32, #tpu.memory_space<vmem>>
      %dma_start3A_517 = arith.constant 0 : i32
      %dma_start3A_518 = arith.constant 0 : i32
      %dma_start3A_519 = tpu.memref_slice %arg6[%squeeze3A_511, %dma_start3A_517, %dma_start3A_518] : memref<125000x8x64xf32, #tpu.memory_space<hbm>> -> memref<1x8x64xf32, #tpu.memory_space<hbm>>
      %dma_start3A_520 = tpu.memref_squeeze %dma_start3A_519 : memref<1x8x64xf32, #tpu.memory_space<hbm>> -> memref<8x64xf32, #tpu.memory_space<hbm>>
      %dma_start3A_521 = arith.constant 0 : i32
      %dma_start3A_522 = arith.constant 0 : i32
      %dma_start3A_523 = tpu.memref_slice %arg13[%dma_start3A_512, %dma_start3A_521, %dma_start3A_522] : memref<16x8x64xf32, #tpu.memory_space<vmem>> -> memref<1x8x64xf32, #tpu.memory_space<vmem>>
      %dma_start3A_524 = tpu.memref_squeeze %dma_start3A_523 : memref<1x8x64xf32, #tpu.memory_space<vmem>> -> memref<8x64xf32, #tpu.memory_space<vmem>>
      %dma_start3A_525 = arith.constant 0 : i32
      %dma_start3A_526 = arith.constant 0 : i32
      %dma_start3A_527 = tpu.memref_slice %arg6[%squeeze3A_511, %dma_start3A_525, %dma_start3A_526] : memref<125000x8x64xf32, #tpu.memory_space<hbm>> -> memref<1x8x64xf32, #tpu.memory_space<hbm>>
      %dma_start3A_528 = tpu.memref_squeeze %dma_start3A_527 : memref<1x8x64xf32, #tpu.memory_space<hbm>> -> memref<8x64xf32, #tpu.memory_space<hbm>>
      tpu.enqueue_dma source(%dma_start3A_528 : memref<8x64xf32, #tpu.memory_space<hbm>>) target(%dma_start3A_524 : memref<8x64xf32, #tpu.memory_space<vmem>>) target_semaphore(%arg17 : memref<!tpu.dma_semaphore, #tpu.memory_space<semaphore_mem>>)
      %slice3A_529 = vector.extract_strided_slice %shift_right_logical3A_37 {offsets = [8], sizes = [1], strides = [1]} : vector<16xi32> to vector<1xi32>
      %squeeze3A_530 = vector.extract %slice3A_529[0] : i32 from vector<1xi32>
      %dma_start3A_531 = arith.constant 8 : i32
      %dma_start3A_532 = arith.constant 0 : i32
      %dma_start3A_533 = arith.constant 0 : i32
      %dma_start3A_534 = tpu.memref_slice %arg14[%dma_start3A_531, %dma_start3A_532, %dma_start3A_533] : memref<16x8x64xf32, #tpu.memory_space<vmem>> -> memref<1x8x64xf32, #tpu.memory_space<vmem>>
      %dma_start3A_535 = tpu.memref_squeeze %dma_start3A_534 : memref<1x8x64xf32, #tpu.memory_space<vmem>> -> memref<8x64xf32, #tpu.memory_space<vmem>>
      %dma_start3A_536 = arith.constant 0 : i32
      %dma_start3A_537 = arith.constant 0 : i32
      %dma_start3A_538 = tpu.memref_slice %arg6[%squeeze3A_530, %dma_start3A_536, %dma_start3A_537] : memref<125000x8x64xf32, #tpu.memory_space<hbm>> -> memref<1x8x64xf32, #tpu.memory_space<hbm>>
      %dma_start3A_539 = tpu.memref_squeeze %dma_start3A_538 : memref<1x8x64xf32, #tpu.memory_space<hbm>> -> memref<8x64xf32, #tpu.memory_space<hbm>>
      %dma_start3A_540 = arith.constant 0 : i32
      %dma_start3A_541 = arith.constant 0 : i32
      %dma_start3A_542 = tpu.memref_slice %arg14[%dma_start3A_531, %dma_start3A_540, %dma_start3A_541] : memref<16x8x64xf32, #tpu.memory_space<vmem>> -> memref<1x8x64xf32, #tpu.memory_space<vmem>>
      %dma_start3A_543 = tpu.memref_squeeze %dma_start3A_542 : memref<1x8x64xf32, #tpu.memory_space<vmem>> -> memref<8x64xf32, #tpu.memory_space<vmem>>
      %dma_start3A_544 = arith.constant 0 : i32
      %dma_start3A_545 = arith.constant 0 : i32
      %dma_start3A_546 = tpu.memref_slice %arg6[%squeeze3A_530, %dma_start3A_544, %dma_start3A_545] : memref<125000x8x64xf32, #tpu.memory_space<hbm>> -> memref<1x8x64xf32, #tpu.memory_space<hbm>>
      %dma_start3A_547 = tpu.memref_squeeze %dma_start3A_546 : memref<1x8x64xf32, #tpu.memory_space<hbm>> -> memref<8x64xf32, #tpu.memory_space<hbm>>
      tpu.enqueue_dma source(%dma_start3A_547 : memref<8x64xf32, #tpu.memory_space<hbm>>) target(%dma_start3A_543 : memref<8x64xf32, #tpu.memory_space<vmem>>) target_semaphore(%arg17 : memref<!tpu.dma_semaphore, #tpu.memory_space<semaphore_mem>>)
      %slice3A_548 = vector.extract_strided_slice %shift_right_logical3A_25 {offsets = [9], sizes = [1], strides = [1]} : vector<16xi32> to vector<1xi32>
      %squeeze3A_549 = vector.extract %slice3A_548[0] : i32 from vector<1xi32>
      %dma_start3A_550 = arith.constant 9 : i32
      %dma_start3A_551 = arith.constant 0 : i32
      %dma_start3A_552 = arith.constant 0 : i32
      %dma_start3A_553 = tpu.memref_slice %arg12[%dma_start3A_550, %dma_start3A_551, %dma_start3A_552] : memref<16x8x64xf32, #tpu.memory_space<vmem>> -> memref<1x8x64xf32, #tpu.memory_space<vmem>>
      %dma_start3A_554 = tpu.memref_squeeze %dma_start3A_553 : memref<1x8x64xf32, #tpu.memory_space<vmem>> -> memref<8x64xf32, #tpu.memory_space<vmem>>
      %dma_start3A_555 = arith.constant 0 : i32
      %dma_start3A_556 = arith.constant 0 : i32
      %dma_start3A_557 = tpu.memref_slice %arg5[%squeeze3A_549, %dma_start3A_555, %dma_start3A_556] : memref<125000x8x64xf32, #tpu.memory_space<hbm>> -> memref<1x8x64xf32, #tpu.memory_space<hbm>>
      %dma_start3A_558 = tpu.memref_squeeze %dma_start3A_557 : memref<1x8x64xf32, #tpu.memory_space<hbm>> -> memref<8x64xf32, #tpu.memory_space<hbm>>
      %dma_start3A_559 = arith.constant 0 : i32
      %dma_start3A_560 = arith.constant 0 : i32
      %dma_start3A_561 = tpu.memref_slice %arg12[%dma_start3A_550, %dma_start3A_559, %dma_start3A_560] : memref<16x8x64xf32, #tpu.memory_space<vmem>> -> memref<1x8x64xf32, #tpu.memory_space<vmem>>
      %dma_start3A_562 = tpu.memref_squeeze %dma_start3A_561 : memref<1x8x64xf32, #tpu.memory_space<vmem>> -> memref<8x64xf32, #tpu.memory_space<vmem>>
      %dma_start3A_563 = arith.constant 0 : i32
      %dma_start3A_564 = arith.constant 0 : i32
      %dma_start3A_565 = tpu.memref_slice %arg5[%squeeze3A_549, %dma_start3A_563, %dma_start3A_564] : memref<125000x8x64xf32, #tpu.memory_space<hbm>> -> memref<1x8x64xf32, #tpu.memory_space<hbm>>
      %dma_start3A_566 = tpu.memref_squeeze %dma_start3A_565 : memref<1x8x64xf32, #tpu.memory_space<hbm>> -> memref<8x64xf32, #tpu.memory_space<hbm>>
      tpu.enqueue_dma source(%dma_start3A_566 : memref<8x64xf32, #tpu.memory_space<hbm>>) target(%dma_start3A_562 : memref<8x64xf32, #tpu.memory_space<vmem>>) target_semaphore(%arg17 : memref<!tpu.dma_semaphore, #tpu.memory_space<semaphore_mem>>)
      %slice3A_567 = vector.extract_strided_slice %shift_right_logical3A_31 {offsets = [9], sizes = [1], strides = [1]} : vector<16xi32> to vector<1xi32>
      %squeeze3A_568 = vector.extract %slice3A_567[0] : i32 from vector<1xi32>
      %dma_start3A_569 = arith.constant 9 : i32
      %dma_start3A_570 = arith.constant 0 : i32
      %dma_start3A_571 = arith.constant 0 : i32
      %dma_start3A_572 = tpu.memref_slice %arg13[%dma_start3A_569, %dma_start3A_570, %dma_start3A_571] : memref<16x8x64xf32, #tpu.memory_space<vmem>> -> memref<1x8x64xf32, #tpu.memory_space<vmem>>
      %dma_start3A_573 = tpu.memref_squeeze %dma_start3A_572 : memref<1x8x64xf32, #tpu.memory_space<vmem>> -> memref<8x64xf32, #tpu.memory_space<vmem>>
      %dma_start3A_574 = arith.constant 0 : i32
      %dma_start3A_575 = arith.constant 0 : i32
      %dma_start3A_576 = tpu.memref_slice %arg6[%squeeze3A_568, %dma_start3A_574, %dma_start3A_575] : memref<125000x8x64xf32, #tpu.memory_space<hbm>> -> memref<1x8x64xf32, #tpu.memory_space<hbm>>
      %dma_start3A_577 = tpu.memref_squeeze %dma_start3A_576 : memref<1x8x64xf32, #tpu.memory_space<hbm>> -> memref<8x64xf32, #tpu.memory_space<hbm>>
      %dma_start3A_578 = arith.constant 0 : i32
      %dma_start3A_579 = arith.constant 0 : i32
      %dma_start3A_580 = tpu.memref_slice %arg13[%dma_start3A_569, %dma_start3A_578, %dma_start3A_579] : memref<16x8x64xf32, #tpu.memory_space<vmem>> -> memref<1x8x64xf32, #tpu.memory_space<vmem>>
      %dma_start3A_581 = tpu.memref_squeeze %dma_start3A_580 : memref<1x8x64xf32, #tpu.memory_space<vmem>> -> memref<8x64xf32, #tpu.memory_space<vmem>>
      %dma_start3A_582 = arith.constant 0 : i32
      %dma_start3A_583 = arith.constant 0 : i32
      %dma_start3A_584 = tpu.memref_slice %arg6[%squeeze3A_568, %dma_start3A_582, %dma_start3A_583] : memref<125000x8x64xf32, #tpu.memory_space<hbm>> -> memref<1x8x64xf32, #tpu.memory_space<hbm>>
      %dma_start3A_585 = tpu.memref_squeeze %dma_start3A_584 : memref<1x8x64xf32, #tpu.memory_space<hbm>> -> memref<8x64xf32, #tpu.memory_space<hbm>>
      tpu.enqueue_dma source(%dma_start3A_585 : memref<8x64xf32, #tpu.memory_space<hbm>>) target(%dma_start3A_581 : memref<8x64xf32, #tpu.memory_space<vmem>>) target_semaphore(%arg17 : memref<!tpu.dma_semaphore, #tpu.memory_space<semaphore_mem>>)
      %slice3A_586 = vector.extract_strided_slice %shift_right_logical3A_37 {offsets = [9], sizes = [1], strides = [1]} : vector<16xi32> to vector<1xi32>
      %squeeze3A_587 = vector.extract %slice3A_586[0] : i32 from vector<1xi32>
      %dma_start3A_588 = arith.constant 9 : i32
      %dma_start3A_589 = arith.constant 0 : i32
      %dma_start3A_590 = arith.constant 0 : i32
      %dma_start3A_591 = tpu.memref_slice %arg14[%dma_start3A_588, %dma_start3A_589, %dma_start3A_590] : memref<16x8x64xf32, #tpu.memory_space<vmem>> -> memref<1x8x64xf32, #tpu.memory_space<vmem>>
      %dma_start3A_592 = tpu.memref_squeeze %dma_start3A_591 : memref<1x8x64xf32, #tpu.memory_space<vmem>> -> memref<8x64xf32, #tpu.memory_space<vmem>>
      %dma_start3A_593 = arith.constant 0 : i32
      %dma_start3A_594 = arith.constant 0 : i32
      %dma_start3A_595 = tpu.memref_slice %arg6[%squeeze3A_587, %dma_start3A_593, %dma_start3A_594] : memref<125000x8x64xf32, #tpu.memory_space<hbm>> -> memref<1x8x64xf32, #tpu.memory_space<hbm>>
      %dma_start3A_596 = tpu.memref_squeeze %dma_start3A_595 : memref<1x8x64xf32, #tpu.memory_space<hbm>> -> memref<8x64xf32, #tpu.memory_space<hbm>>
      %dma_start3A_597 = arith.constant 0 : i32
      %dma_start3A_598 = arith.constant 0 : i32
      %dma_start3A_599 = tpu.memref_slice %arg14[%dma_start3A_588, %dma_start3A_597, %dma_start3A_598] : memref<16x8x64xf32, #tpu.memory_space<vmem>> -> memref<1x8x64xf32, #tpu.memory_space<vmem>>
      %dma_start3A_600 = tpu.memref_squeeze %dma_start3A_599 : memref<1x8x64xf32, #tpu.memory_space<vmem>> -> memref<8x64xf32, #tpu.memory_space<vmem>>
      %dma_start3A_601 = arith.constant 0 : i32
      %dma_start3A_602 = arith.constant 0 : i32
      %dma_start3A_603 = tpu.memref_slice %arg6[%squeeze3A_587, %dma_start3A_601, %dma_start3A_602] : memref<125000x8x64xf32, #tpu.memory_space<hbm>> -> memref<1x8x64xf32, #tpu.memory_space<hbm>>
      %dma_start3A_604 = tpu.memref_squeeze %dma_start3A_603 : memref<1x8x64xf32, #tpu.memory_space<hbm>> -> memref<8x64xf32, #tpu.memory_space<hbm>>
      tpu.enqueue_dma source(%dma_start3A_604 : memref<8x64xf32, #tpu.memory_space<hbm>>) target(%dma_start3A_600 : memref<8x64xf32, #tpu.memory_space<vmem>>) target_semaphore(%arg17 : memref<!tpu.dma_semaphore, #tpu.memory_space<semaphore_mem>>)
      %slice3A_605 = vector.extract_strided_slice %shift_right_logical3A_25 {offsets = [10], sizes = [1], strides = [1]} : vector<16xi32> to vector<1xi32>
      %squeeze3A_606 = vector.extract %slice3A_605[0] : i32 from vector<1xi32>
      %dma_start3A_607 = arith.constant 10 : i32
      %dma_start3A_608 = arith.constant 0 : i32
      %dma_start3A_609 = arith.constant 0 : i32
      %dma_start3A_610 = tpu.memref_slice %arg12[%dma_start3A_607, %dma_start3A_608, %dma_start3A_609] : memref<16x8x64xf32, #tpu.memory_space<vmem>> -> memref<1x8x64xf32, #tpu.memory_space<vmem>>
      %dma_start3A_611 = tpu.memref_squeeze %dma_start3A_610 : memref<1x8x64xf32, #tpu.memory_space<vmem>> -> memref<8x64xf32, #tpu.memory_space<vmem>>
      %dma_start3A_612 = arith.constant 0 : i32
      %dma_start3A_613 = arith.constant 0 : i32
      %dma_start3A_614 = tpu.memref_slice %arg5[%squeeze3A_606, %dma_start3A_612, %dma_start3A_613] : memref<125000x8x64xf32, #tpu.memory_space<hbm>> -> memref<1x8x64xf32, #tpu.memory_space<hbm>>
      %dma_start3A_615 = tpu.memref_squeeze %dma_start3A_614 : memref<1x8x64xf32, #tpu.memory_space<hbm>> -> memref<8x64xf32, #tpu.memory_space<hbm>>
      %dma_start3A_616 = arith.constant 0 : i32
      %dma_start3A_617 = arith.constant 0 : i32
      %dma_start3A_618 = tpu.memref_slice %arg12[%dma_start3A_607, %dma_start3A_616, %dma_start3A_617] : memref<16x8x64xf32, #tpu.memory_space<vmem>> -> memref<1x8x64xf32, #tpu.memory_space<vmem>>
      %dma_start3A_619 = tpu.memref_squeeze %dma_start3A_618 : memref<1x8x64xf32, #tpu.memory_space<vmem>> -> memref<8x64xf32, #tpu.memory_space<vmem>>
      %dma_start3A_620 = arith.constant 0 : i32
      %dma_start3A_621 = arith.constant 0 : i32
      %dma_start3A_622 = tpu.memref_slice %arg5[%squeeze3A_606, %dma_start3A_620, %dma_start3A_621] : memref<125000x8x64xf32, #tpu.memory_space<hbm>> -> memref<1x8x64xf32, #tpu.memory_space<hbm>>
      %dma_start3A_623 = tpu.memref_squeeze %dma_start3A_622 : memref<1x8x64xf32, #tpu.memory_space<hbm>> -> memref<8x64xf32, #tpu.memory_space<hbm>>
      tpu.enqueue_dma source(%dma_start3A_623 : memref<8x64xf32, #tpu.memory_space<hbm>>) target(%dma_start3A_619 : memref<8x64xf32, #tpu.memory_space<vmem>>) target_semaphore(%arg17 : memref<!tpu.dma_semaphore, #tpu.memory_space<semaphore_mem>>)
      %slice3A_624 = vector.extract_strided_slice %shift_right_logical3A_31 {offsets = [10], sizes = [1], strides = [1]} : vector<16xi32> to vector<1xi32>
      %squeeze3A_625 = vector.extract %slice3A_624[0] : i32 from vector<1xi32>
      %dma_start3A_626 = arith.constant 10 : i32
      %dma_start3A_627 = arith.constant 0 : i32
      %dma_start3A_628 = arith.constant 0 : i32
      %dma_start3A_629 = tpu.memref_slice %arg13[%dma_start3A_626, %dma_start3A_627, %dma_start3A_628] : memref<16x8x64xf32, #tpu.memory_space<vmem>> -> memref<1x8x64xf32, #tpu.memory_space<vmem>>
      %dma_start3A_630 = tpu.memref_squeeze %dma_start3A_629 : memref<1x8x64xf32, #tpu.memory_space<vmem>> -> memref<8x64xf32, #tpu.memory_space<vmem>>
      %dma_start3A_631 = arith.constant 0 : i32
      %dma_start3A_632 = arith.constant 0 : i32
      %dma_start3A_633 = tpu.memref_slice %arg6[%squeeze3A_625, %dma_start3A_631, %dma_start3A_632] : memref<125000x8x64xf32, #tpu.memory_space<hbm>> -> memref<1x8x64xf32, #tpu.memory_space<hbm>>
      %dma_start3A_634 = tpu.memref_squeeze %dma_start3A_633 : memref<1x8x64xf32, #tpu.memory_space<hbm>> -> memref<8x64xf32, #tpu.memory_space<hbm>>
      %dma_start3A_635 = arith.constant 0 : i32
      %dma_start3A_636 = arith.constant 0 : i32
      %dma_start3A_637 = tpu.memref_slice %arg13[%dma_start3A_626, %dma_start3A_635, %dma_start3A_636] : memref<16x8x64xf32, #tpu.memory_space<vmem>> -> memref<1x8x64xf32, #tpu.memory_space<vmem>>
      %dma_start3A_638 = tpu.memref_squeeze %dma_start3A_637 : memref<1x8x64xf32, #tpu.memory_space<vmem>> -> memref<8x64xf32, #tpu.memory_space<vmem>>
      %dma_start3A_639 = arith.constant 0 : i32
      %dma_start3A_640 = arith.constant 0 : i32
      %dma_start3A_641 = tpu.memref_slice %arg6[%squeeze3A_625, %dma_start3A_639, %dma_start3A_640] : memref<125000x8x64xf32, #tpu.memory_space<hbm>> -> memref<1x8x64xf32, #tpu.memory_space<hbm>>
      %dma_start3A_642 = tpu.memref_squeeze %dma_start3A_641 : memref<1x8x64xf32, #tpu.memory_space<hbm>> -> memref<8x64xf32, #tpu.memory_space<hbm>>
      tpu.enqueue_dma source(%dma_start3A_642 : memref<8x64xf32, #tpu.memory_space<hbm>>) target(%dma_start3A_638 : memref<8x64xf32, #tpu.memory_space<vmem>>) target_semaphore(%arg17 : memref<!tpu.dma_semaphore, #tpu.memory_space<semaphore_mem>>)
      %slice3A_643 = vector.extract_strided_slice %shift_right_logical3A_37 {offsets = [10], sizes = [1], strides = [1]} : vector<16xi32> to vector<1xi32>
      %squeeze3A_644 = vector.extract %slice3A_643[0] : i32 from vector<1xi32>
      %dma_start3A_645 = arith.constant 10 : i32
      %dma_start3A_646 = arith.constant 0 : i32
      %dma_start3A_647 = arith.constant 0 : i32
      %dma_start3A_648 = tpu.memref_slice %arg14[%dma_start3A_645, %dma_start3A_646, %dma_start3A_647] : memref<16x8x64xf32, #tpu.memory_space<vmem>> -> memref<1x8x64xf32, #tpu.memory_space<vmem>>
      %dma_start3A_649 = tpu.memref_squeeze %dma_start3A_648 : memref<1x8x64xf32, #tpu.memory_space<vmem>> -> memref<8x64xf32, #tpu.memory_space<vmem>>
      %dma_start3A_650 = arith.constant 0 : i32
      %dma_start3A_651 = arith.constant 0 : i32
      %dma_start3A_652 = tpu.memref_slice %arg6[%squeeze3A_644, %dma_start3A_650, %dma_start3A_651] : memref<125000x8x64xf32, #tpu.memory_space<hbm>> -> memref<1x8x64xf32, #tpu.memory_space<hbm>>
      %dma_start3A_653 = tpu.memref_squeeze %dma_start3A_652 : memref<1x8x64xf32, #tpu.memory_space<hbm>> -> memref<8x64xf32, #tpu.memory_space<hbm>>
      %dma_start3A_654 = arith.constant 0 : i32
      %dma_start3A_655 = arith.constant 0 : i32
      %dma_start3A_656 = tpu.memref_slice %arg14[%dma_start3A_645, %dma_start3A_654, %dma_start3A_655] : memref<16x8x64xf32, #tpu.memory_space<vmem>> -> memref<1x8x64xf32, #tpu.memory_space<vmem>>
      %dma_start3A_657 = tpu.memref_squeeze %dma_start3A_656 : memref<1x8x64xf32, #tpu.memory_space<vmem>> -> memref<8x64xf32, #tpu.memory_space<vmem>>
      %dma_start3A_658 = arith.constant 0 : i32
      %dma_start3A_659 = arith.constant 0 : i32
      %dma_start3A_660 = tpu.memref_slice %arg6[%squeeze3A_644, %dma_start3A_658, %dma_start3A_659] : memref<125000x8x64xf32, #tpu.memory_space<hbm>> -> memref<1x8x64xf32, #tpu.memory_space<hbm>>
      %dma_start3A_661 = tpu.memref_squeeze %dma_start3A_660 : memref<1x8x64xf32, #tpu.memory_space<hbm>> -> memref<8x64xf32, #tpu.memory_space<hbm>>
      tpu.enqueue_dma source(%dma_start3A_661 : memref<8x64xf32, #tpu.memory_space<hbm>>) target(%dma_start3A_657 : memref<8x64xf32, #tpu.memory_space<vmem>>) target_semaphore(%arg17 : memref<!tpu.dma_semaphore, #tpu.memory_space<semaphore_mem>>)
      %slice3A_662 = vector.extract_strided_slice %shift_right_logical3A_25 {offsets = [11], sizes = [1], strides = [1]} : vector<16xi32> to vector<1xi32>
      %squeeze3A_663 = vector.extract %slice3A_662[0] : i32 from vector<1xi32>
      %dma_start3A_664 = arith.constant 11 : i32
      %dma_start3A_665 = arith.constant 0 : i32
      %dma_start3A_666 = arith.constant 0 : i32
      %dma_start3A_667 = tpu.memref_slice %arg12[%dma_start3A_664, %dma_start3A_665, %dma_start3A_666] : memref<16x8x64xf32, #tpu.memory_space<vmem>> -> memref<1x8x64xf32, #tpu.memory_space<vmem>>
      %dma_start3A_668 = tpu.memref_squeeze %dma_start3A_667 : memref<1x8x64xf32, #tpu.memory_space<vmem>> -> memref<8x64xf32, #tpu.memory_space<vmem>>
      %dma_start3A_669 = arith.constant 0 : i32
      %dma_start3A_670 = arith.constant 0 : i32
      %dma_start3A_671 = tpu.memref_slice %arg5[%squeeze3A_663, %dma_start3A_669, %dma_start3A_670] : memref<125000x8x64xf32, #tpu.memory_space<hbm>> -> memref<1x8x64xf32, #tpu.memory_space<hbm>>
      %dma_start3A_672 = tpu.memref_squeeze %dma_start3A_671 : memref<1x8x64xf32, #tpu.memory_space<hbm>> -> memref<8x64xf32, #tpu.memory_space<hbm>>
      %dma_start3A_673 = arith.constant 0 : i32
      %dma_start3A_674 = arith.constant 0 : i32
      %dma_start3A_675 = tpu.memref_slice %arg12[%dma_start3A_664, %dma_start3A_673, %dma_start3A_674] : memref<16x8x64xf32, #tpu.memory_space<vmem>> -> memref<1x8x64xf32, #tpu.memory_space<vmem>>
      %dma_start3A_676 = tpu.memref_squeeze %dma_start3A_675 : memref<1x8x64xf32, #tpu.memory_space<vmem>> -> memref<8x64xf32, #tpu.memory_space<vmem>>
      %dma_start3A_677 = arith.constant 0 : i32
      %dma_start3A_678 = arith.constant 0 : i32
      %dma_start3A_679 = tpu.memref_slice %arg5[%squeeze3A_663, %dma_start3A_677, %dma_start3A_678] : memref<125000x8x64xf32, #tpu.memory_space<hbm>> -> memref<1x8x64xf32, #tpu.memory_space<hbm>>
      %dma_start3A_680 = tpu.memref_squeeze %dma_start3A_679 : memref<1x8x64xf32, #tpu.memory_space<hbm>> -> memref<8x64xf32, #tpu.memory_space<hbm>>
      tpu.enqueue_dma source(%dma_start3A_680 : memref<8x64xf32, #tpu.memory_space<hbm>>) target(%dma_start3A_676 : memref<8x64xf32, #tpu.memory_space<vmem>>) target_semaphore(%arg17 : memref<!tpu.dma_semaphore, #tpu.memory_space<semaphore_mem>>)
      %slice3A_681 = vector.extract_strided_slice %shift_right_logical3A_31 {offsets = [11], sizes = [1], strides = [1]} : vector<16xi32> to vector<1xi32>
      %squeeze3A_682 = vector.extract %slice3A_681[0] : i32 from vector<1xi32>
      %dma_start3A_683 = arith.constant 11 : i32
      %dma_start3A_684 = arith.constant 0 : i32
      %dma_start3A_685 = arith.constant 0 : i32
      %dma_start3A_686 = tpu.memref_slice %arg13[%dma_start3A_683, %dma_start3A_684, %dma_start3A_685] : memref<16x8x64xf32, #tpu.memory_space<vmem>> -> memref<1x8x64xf32, #tpu.memory_space<vmem>>
      %dma_start3A_687 = tpu.memref_squeeze %dma_start3A_686 : memref<1x8x64xf32, #tpu.memory_space<vmem>> -> memref<8x64xf32, #tpu.memory_space<vmem>>
      %dma_start3A_688 = arith.constant 0 : i32
      %dma_start3A_689 = arith.constant 0 : i32
      %dma_start3A_690 = tpu.memref_slice %arg6[%squeeze3A_682, %dma_start3A_688, %dma_start3A_689] : memref<125000x8x64xf32, #tpu.memory_space<hbm>> -> memref<1x8x64xf32, #tpu.memory_space<hbm>>
      %dma_start3A_691 = tpu.memref_squeeze %dma_start3A_690 : memref<1x8x64xf32, #tpu.memory_space<hbm>> -> memref<8x64xf32, #tpu.memory_space<hbm>>
      %dma_start3A_692 = arith.constant 0 : i32
      %dma_start3A_693 = arith.constant 0 : i32
      %dma_start3A_694 = tpu.memref_slice %arg13[%dma_start3A_683, %dma_start3A_692, %dma_start3A_693] : memref<16x8x64xf32, #tpu.memory_space<vmem>> -> memref<1x8x64xf32, #tpu.memory_space<vmem>>
      %dma_start3A_695 = tpu.memref_squeeze %dma_start3A_694 : memref<1x8x64xf32, #tpu.memory_space<vmem>> -> memref<8x64xf32, #tpu.memory_space<vmem>>
      %dma_start3A_696 = arith.constant 0 : i32
      %dma_start3A_697 = arith.constant 0 : i32
      %dma_start3A_698 = tpu.memref_slice %arg6[%squeeze3A_682, %dma_start3A_696, %dma_start3A_697] : memref<125000x8x64xf32, #tpu.memory_space<hbm>> -> memref<1x8x64xf32, #tpu.memory_space<hbm>>
      %dma_start3A_699 = tpu.memref_squeeze %dma_start3A_698 : memref<1x8x64xf32, #tpu.memory_space<hbm>> -> memref<8x64xf32, #tpu.memory_space<hbm>>
      tpu.enqueue_dma source(%dma_start3A_699 : memref<8x64xf32, #tpu.memory_space<hbm>>) target(%dma_start3A_695 : memref<8x64xf32, #tpu.memory_space<vmem>>) target_semaphore(%arg17 : memref<!tpu.dma_semaphore, #tpu.memory_space<semaphore_mem>>)
      %slice3A_700 = vector.extract_strided_slice %shift_right_logical3A_37 {offsets = [11], sizes = [1], strides = [1]} : vector<16xi32> to vector<1xi32>
      %squeeze3A_701 = vector.extract %slice3A_700[0] : i32 from vector<1xi32>
      %dma_start3A_702 = arith.constant 11 : i32
      %dma_start3A_703 = arith.constant 0 : i32
      %dma_start3A_704 = arith.constant 0 : i32
      %dma_start3A_705 = tpu.memref_slice %arg14[%dma_start3A_702, %dma_start3A_703, %dma_start3A_704] : memref<16x8x64xf32, #tpu.memory_space<vmem>> -> memref<1x8x64xf32, #tpu.memory_space<vmem>>
      %dma_start3A_706 = tpu.memref_squeeze %dma_start3A_705 : memref<1x8x64xf32, #tpu.memory_space<vmem>> -> memref<8x64xf32, #tpu.memory_space<vmem>>
      %dma_start3A_707 = arith.constant 0 : i32
      %dma_start3A_708 = arith.constant 0 : i32
      %dma_start3A_709 = tpu.memref_slice %arg6[%squeeze3A_701, %dma_start3A_707, %dma_start3A_708] : memref<125000x8x64xf32, #tpu.memory_space<hbm>> -> memref<1x8x64xf32, #tpu.memory_space<hbm>>
      %dma_start3A_710 = tpu.memref_squeeze %dma_start3A_709 : memref<1x8x64xf32, #tpu.memory_space<hbm>> -> memref<8x64xf32, #tpu.memory_space<hbm>>
      %dma_start3A_711 = arith.constant 0 : i32
      %dma_start3A_712 = arith.constant 0 : i32
      %dma_start3A_713 = tpu.memref_slice %arg14[%dma_start3A_702, %dma_start3A_711, %dma_start3A_712] : memref<16x8x64xf32, #tpu.memory_space<vmem>> -> memref<1x8x64xf32, #tpu.memory_space<vmem>>
      %dma_start3A_714 = tpu.memref_squeeze %dma_start3A_713 : memref<1x8x64xf32, #tpu.memory_space<vmem>> -> memref<8x64xf32, #tpu.memory_space<vmem>>
      %dma_start3A_715 = arith.constant 0 : i32
      %dma_start3A_716 = arith.constant 0 : i32
      %dma_start3A_717 = tpu.memref_slice %arg6[%squeeze3A_701, %dma_start3A_715, %dma_start3A_716] : memref<125000x8x64xf32, #tpu.memory_space<hbm>> -> memref<1x8x64xf32, #tpu.memory_space<hbm>>
      %dma_start3A_718 = tpu.memref_squeeze %dma_start3A_717 : memref<1x8x64xf32, #tpu.memory_space<hbm>> -> memref<8x64xf32, #tpu.memory_space<hbm>>
      tpu.enqueue_dma source(%dma_start3A_718 : memref<8x64xf32, #tpu.memory_space<hbm>>) target(%dma_start3A_714 : memref<8x64xf32, #tpu.memory_space<vmem>>) target_semaphore(%arg17 : memref<!tpu.dma_semaphore, #tpu.memory_space<semaphore_mem>>)
      %slice3A_719 = vector.extract_strided_slice %shift_right_logical3A_25 {offsets = [12], sizes = [1], strides = [1]} : vector<16xi32> to vector<1xi32>
      %squeeze3A_720 = vector.extract %slice3A_719[0] : i32 from vector<1xi32>
      %dma_start3A_721 = arith.constant 12 : i32
      %dma_start3A_722 = arith.constant 0 : i32
      %dma_start3A_723 = arith.constant 0 : i32
      %dma_start3A_724 = tpu.memref_slice %arg12[%dma_start3A_721, %dma_start3A_722, %dma_start3A_723] : memref<16x8x64xf32, #tpu.memory_space<vmem>> -> memref<1x8x64xf32, #tpu.memory_space<vmem>>
      %dma_start3A_725 = tpu.memref_squeeze %dma_start3A_724 : memref<1x8x64xf32, #tpu.memory_space<vmem>> -> memref<8x64xf32, #tpu.memory_space<vmem>>
      %dma_start3A_726 = arith.constant 0 : i32
      %dma_start3A_727 = arith.constant 0 : i32
      %dma_start3A_728 = tpu.memref_slice %arg5[%squeeze3A_720, %dma_start3A_726, %dma_start3A_727] : memref<125000x8x64xf32, #tpu.memory_space<hbm>> -> memref<1x8x64xf32, #tpu.memory_space<hbm>>
      %dma_start3A_729 = tpu.memref_squeeze %dma_start3A_728 : memref<1x8x64xf32, #tpu.memory_space<hbm>> -> memref<8x64xf32, #tpu.memory_space<hbm>>
      %dma_start3A_730 = arith.constant 0 : i32
      %dma_start3A_731 = arith.constant 0 : i32
      %dma_start3A_732 = tpu.memref_slice %arg12[%dma_start3A_721, %dma_start3A_730, %dma_start3A_731] : memref<16x8x64xf32, #tpu.memory_space<vmem>> -> memref<1x8x64xf32, #tpu.memory_space<vmem>>
      %dma_start3A_733 = tpu.memref_squeeze %dma_start3A_732 : memref<1x8x64xf32, #tpu.memory_space<vmem>> -> memref<8x64xf32, #tpu.memory_space<vmem>>
      %dma_start3A_734 = arith.constant 0 : i32
      %dma_start3A_735 = arith.constant 0 : i32
      %dma_start3A_736 = tpu.memref_slice %arg5[%squeeze3A_720, %dma_start3A_734, %dma_start3A_735] : memref<125000x8x64xf32, #tpu.memory_space<hbm>> -> memref<1x8x64xf32, #tpu.memory_space<hbm>>
      %dma_start3A_737 = tpu.memref_squeeze %dma_start3A_736 : memref<1x8x64xf32, #tpu.memory_space<hbm>> -> memref<8x64xf32, #tpu.memory_space<hbm>>
      tpu.enqueue_dma source(%dma_start3A_737 : memref<8x64xf32, #tpu.memory_space<hbm>>) target(%dma_start3A_733 : memref<8x64xf32, #tpu.memory_space<vmem>>) target_semaphore(%arg17 : memref<!tpu.dma_semaphore, #tpu.memory_space<semaphore_mem>>)
      %slice3A_738 = vector.extract_strided_slice %shift_right_logical3A_31 {offsets = [12], sizes = [1], strides = [1]} : vector<16xi32> to vector<1xi32>
      %squeeze3A_739 = vector.extract %slice3A_738[0] : i32 from vector<1xi32>
      %dma_start3A_740 = arith.constant 12 : i32
      %dma_start3A_741 = arith.constant 0 : i32
      %dma_start3A_742 = arith.constant 0 : i32
      %dma_start3A_743 = tpu.memref_slice %arg13[%dma_start3A_740, %dma_start3A_741, %dma_start3A_742] : memref<16x8x64xf32, #tpu.memory_space<vmem>> -> memref<1x8x64xf32, #tpu.memory_space<vmem>>
      %dma_start3A_744 = tpu.memref_squeeze %dma_start3A_743 : memref<1x8x64xf32, #tpu.memory_space<vmem>> -> memref<8x64xf32, #tpu.memory_space<vmem>>
      %dma_start3A_745 = arith.constant 0 : i32
      %dma_start3A_746 = arith.constant 0 : i32
      %dma_start3A_747 = tpu.memref_slice %arg6[%squeeze3A_739, %dma_start3A_745, %dma_start3A_746] : memref<125000x8x64xf32, #tpu.memory_space<hbm>> -> memref<1x8x64xf32, #tpu.memory_space<hbm>>
      %dma_start3A_748 = tpu.memref_squeeze %dma_start3A_747 : memref<1x8x64xf32, #tpu.memory_space<hbm>> -> memref<8x64xf32, #tpu.memory_space<hbm>>
      %dma_start3A_749 = arith.constant 0 : i32
      %dma_start3A_750 = arith.constant 0 : i32
      %dma_start3A_751 = tpu.memref_slice %arg13[%dma_start3A_740, %dma_start3A_749, %dma_start3A_750] : memref<16x8x64xf32, #tpu.memory_space<vmem>> -> memref<1x8x64xf32, #tpu.memory_space<vmem>>
      %dma_start3A_752 = tpu.memref_squeeze %dma_start3A_751 : memref<1x8x64xf32, #tpu.memory_space<vmem>> -> memref<8x64xf32, #tpu.memory_space<vmem>>
      %dma_start3A_753 = arith.constant 0 : i32
      %dma_start3A_754 = arith.constant 0 : i32
      %dma_start3A_755 = tpu.memref_slice %arg6[%squeeze3A_739, %dma_start3A_753, %dma_start3A_754] : memref<125000x8x64xf32, #tpu.memory_space<hbm>> -> memref<1x8x64xf32, #tpu.memory_space<hbm>>
      %dma_start3A_756 = tpu.memref_squeeze %dma_start3A_755 : memref<1x8x64xf32, #tpu.memory_space<hbm>> -> memref<8x64xf32, #tpu.memory_space<hbm>>
      tpu.enqueue_dma source(%dma_start3A_756 : memref<8x64xf32, #tpu.memory_space<hbm>>) target(%dma_start3A_752 : memref<8x64xf32, #tpu.memory_space<vmem>>) target_semaphore(%arg17 : memref<!tpu.dma_semaphore, #tpu.memory_space<semaphore_mem>>)
      %slice3A_757 = vector.extract_strided_slice %shift_right_logical3A_37 {offsets = [12], sizes = [1], strides = [1]} : vector<16xi32> to vector<1xi32>
      %squeeze3A_758 = vector.extract %slice3A_757[0] : i32 from vector<1xi32>
      %dma_start3A_759 = arith.constant 12 : i32
      %dma_start3A_760 = arith.constant 0 : i32
      %dma_start3A_761 = arith.constant 0 : i32
      %dma_start3A_762 = tpu.memref_slice %arg14[%dma_start3A_759, %dma_start3A_760, %dma_start3A_761] : memref<16x8x64xf32, #tpu.memory_space<vmem>> -> memref<1x8x64xf32, #tpu.memory_space<vmem>>
      %dma_start3A_763 = tpu.memref_squeeze %dma_start3A_762 : memref<1x8x64xf32, #tpu.memory_space<vmem>> -> memref<8x64xf32, #tpu.memory_space<vmem>>
      %dma_start3A_764 = arith.constant 0 : i32
      %dma_start3A_765 = arith.constant 0 : i32
      %dma_start3A_766 = tpu.memref_slice %arg6[%squeeze3A_758, %dma_start3A_764, %dma_start3A_765] : memref<125000x8x64xf32, #tpu.memory_space<hbm>> -> memref<1x8x64xf32, #tpu.memory_space<hbm>>
      %dma_start3A_767 = tpu.memref_squeeze %dma_start3A_766 : memref<1x8x64xf32, #tpu.memory_space<hbm>> -> memref<8x64xf32, #tpu.memory_space<hbm>>
      %dma_start3A_768 = arith.constant 0 : i32
      %dma_start3A_769 = arith.constant 0 : i32
      %dma_start3A_770 = tpu.memref_slice %arg14[%dma_start3A_759, %dma_start3A_768, %dma_start3A_769] : memref<16x8x64xf32, #tpu.memory_space<vmem>> -> memref<1x8x64xf32, #tpu.memory_space<vmem>>
      %dma_start3A_771 = tpu.memref_squeeze %dma_start3A_770 : memref<1x8x64xf32, #tpu.memory_space<vmem>> -> memref<8x64xf32, #tpu.memory_space<vmem>>
      %dma_start3A_772 = arith.constant 0 : i32
      %dma_start3A_773 = arith.constant 0 : i32
      %dma_start3A_774 = tpu.memref_slice %arg6[%squeeze3A_758, %dma_start3A_772, %dma_start3A_773] : memref<125000x8x64xf32, #tpu.memory_space<hbm>> -> memref<1x8x64xf32, #tpu.memory_space<hbm>>
      %dma_start3A_775 = tpu.memref_squeeze %dma_start3A_774 : memref<1x8x64xf32, #tpu.memory_space<hbm>> -> memref<8x64xf32, #tpu.memory_space<hbm>>
      tpu.enqueue_dma source(%dma_start3A_775 : memref<8x64xf32, #tpu.memory_space<hbm>>) target(%dma_start3A_771 : memref<8x64xf32, #tpu.memory_space<vmem>>) target_semaphore(%arg17 : memref<!tpu.dma_semaphore, #tpu.memory_space<semaphore_mem>>)
      %slice3A_776 = vector.extract_strided_slice %shift_right_logical3A_25 {offsets = [13], sizes = [1], strides = [1]} : vector<16xi32> to vector<1xi32>
      %squeeze3A_777 = vector.extract %slice3A_776[0] : i32 from vector<1xi32>
      %dma_start3A_778 = arith.constant 13 : i32
      %dma_start3A_779 = arith.constant 0 : i32
      %dma_start3A_780 = arith.constant 0 : i32
      %dma_start3A_781 = tpu.memref_slice %arg12[%dma_start3A_778, %dma_start3A_779, %dma_start3A_780] : memref<16x8x64xf32, #tpu.memory_space<vmem>> -> memref<1x8x64xf32, #tpu.memory_space<vmem>>
      %dma_start3A_782 = tpu.memref_squeeze %dma_start3A_781 : memref<1x8x64xf32, #tpu.memory_space<vmem>> -> memref<8x64xf32, #tpu.memory_space<vmem>>
      %dma_start3A_783 = arith.constant 0 : i32
      %dma_start3A_784 = arith.constant 0 : i32
      %dma_start3A_785 = tpu.memref_slice %arg5[%squeeze3A_777, %dma_start3A_783, %dma_start3A_784] : memref<125000x8x64xf32, #tpu.memory_space<hbm>> -> memref<1x8x64xf32, #tpu.memory_space<hbm>>
      %dma_start3A_786 = tpu.memref_squeeze %dma_start3A_785 : memref<1x8x64xf32, #tpu.memory_space<hbm>> -> memref<8x64xf32, #tpu.memory_space<hbm>>
      %dma_start3A_787 = arith.constant 0 : i32
      %dma_start3A_788 = arith.constant 0 : i32
      %dma_start3A_789 = tpu.memref_slice %arg12[%dma_start3A_778, %dma_start3A_787, %dma_start3A_788] : memref<16x8x64xf32, #tpu.memory_space<vmem>> -> memref<1x8x64xf32, #tpu.memory_space<vmem>>
      %dma_start3A_790 = tpu.memref_squeeze %dma_start3A_789 : memref<1x8x64xf32, #tpu.memory_space<vmem>> -> memref<8x64xf32, #tpu.memory_space<vmem>>
      %dma_start3A_791 = arith.constant 0 : i32
      %dma_start3A_792 = arith.constant 0 : i32
      %dma_start3A_793 = tpu.memref_slice %arg5[%squeeze3A_777, %dma_start3A_791, %dma_start3A_792] : memref<125000x8x64xf32, #tpu.memory_space<hbm>> -> memref<1x8x64xf32, #tpu.memory_space<hbm>>
      %dma_start3A_794 = tpu.memref_squeeze %dma_start3A_793 : memref<1x8x64xf32, #tpu.memory_space<hbm>> -> memref<8x64xf32, #tpu.memory_space<hbm>>
      tpu.enqueue_dma source(%dma_start3A_794 : memref<8x64xf32, #tpu.memory_space<hbm>>) target(%dma_start3A_790 : memref<8x64xf32, #tpu.memory_space<vmem>>) target_semaphore(%arg17 : memref<!tpu.dma_semaphore, #tpu.memory_space<semaphore_mem>>)
      %slice3A_795 = vector.extract_strided_slice %shift_right_logical3A_31 {offsets = [13], sizes = [1], strides = [1]} : vector<16xi32> to vector<1xi32>
      %squeeze3A_796 = vector.extract %slice3A_795[0] : i32 from vector<1xi32>
      %dma_start3A_797 = arith.constant 13 : i32
      %dma_start3A_798 = arith.constant 0 : i32
      %dma_start3A_799 = arith.constant 0 : i32
      %dma_start3A_800 = tpu.memref_slice %arg13[%dma_start3A_797, %dma_start3A_798, %dma_start3A_799] : memref<16x8x64xf32, #tpu.memory_space<vmem>> -> memref<1x8x64xf32, #tpu.memory_space<vmem>>
      %dma_start3A_801 = tpu.memref_squeeze %dma_start3A_800 : memref<1x8x64xf32, #tpu.memory_space<vmem>> -> memref<8x64xf32, #tpu.memory_space<vmem>>
      %dma_start3A_802 = arith.constant 0 : i32
      %dma_start3A_803 = arith.constant 0 : i32
      %dma_start3A_804 = tpu.memref_slice %arg6[%squeeze3A_796, %dma_start3A_802, %dma_start3A_803] : memref<125000x8x64xf32, #tpu.memory_space<hbm>> -> memref<1x8x64xf32, #tpu.memory_space<hbm>>
      %dma_start3A_805 = tpu.memref_squeeze %dma_start3A_804 : memref<1x8x64xf32, #tpu.memory_space<hbm>> -> memref<8x64xf32, #tpu.memory_space<hbm>>
      %dma_start3A_806 = arith.constant 0 : i32
      %dma_start3A_807 = arith.constant 0 : i32
      %dma_start3A_808 = tpu.memref_slice %arg13[%dma_start3A_797, %dma_start3A_806, %dma_start3A_807] : memref<16x8x64xf32, #tpu.memory_space<vmem>> -> memref<1x8x64xf32, #tpu.memory_space<vmem>>
      %dma_start3A_809 = tpu.memref_squeeze %dma_start3A_808 : memref<1x8x64xf32, #tpu.memory_space<vmem>> -> memref<8x64xf32, #tpu.memory_space<vmem>>
      %dma_start3A_810 = arith.constant 0 : i32
      %dma_start3A_811 = arith.constant 0 : i32
      %dma_start3A_812 = tpu.memref_slice %arg6[%squeeze3A_796, %dma_start3A_810, %dma_start3A_811] : memref<125000x8x64xf32, #tpu.memory_space<hbm>> -> memref<1x8x64xf32, #tpu.memory_space<hbm>>
      %dma_start3A_813 = tpu.memref_squeeze %dma_start3A_812 : memref<1x8x64xf32, #tpu.memory_space<hbm>> -> memref<8x64xf32, #tpu.memory_space<hbm>>
      tpu.enqueue_dma source(%dma_start3A_813 : memref<8x64xf32, #tpu.memory_space<hbm>>) target(%dma_start3A_809 : memref<8x64xf32, #tpu.memory_space<vmem>>) target_semaphore(%arg17 : memref<!tpu.dma_semaphore, #tpu.memory_space<semaphore_mem>>)
      %slice3A_814 = vector.extract_strided_slice %shift_right_logical3A_37 {offsets = [13], sizes = [1], strides = [1]} : vector<16xi32> to vector<1xi32>
      %squeeze3A_815 = vector.extract %slice3A_814[0] : i32 from vector<1xi32>
      %dma_start3A_816 = arith.constant 13 : i32
      %dma_start3A_817 = arith.constant 0 : i32
      %dma_start3A_818 = arith.constant 0 : i32
      %dma_start3A_819 = tpu.memref_slice %arg14[%dma_start3A_816, %dma_start3A_817, %dma_start3A_818] : memref<16x8x64xf32, #tpu.memory_space<vmem>> -> memref<1x8x64xf32, #tpu.memory_space<vmem>>
      %dma_start3A_820 = tpu.memref_squeeze %dma_start3A_819 : memref<1x8x64xf32, #tpu.memory_space<vmem>> -> memref<8x64xf32, #tpu.memory_space<vmem>>
      %dma_start3A_821 = arith.constant 0 : i32
      %dma_start3A_822 = arith.constant 0 : i32
      %dma_start3A_823 = tpu.memref_slice %arg6[%squeeze3A_815, %dma_start3A_821, %dma_start3A_822] : memref<125000x8x64xf32, #tpu.memory_space<hbm>> -> memref<1x8x64xf32, #tpu.memory_space<hbm>>
      %dma_start3A_824 = tpu.memref_squeeze %dma_start3A_823 : memref<1x8x64xf32, #tpu.memory_space<hbm>> -> memref<8x64xf32, #tpu.memory_space<hbm>>
      %dma_start3A_825 = arith.constant 0 : i32
      %dma_start3A_826 = arith.constant 0 : i32
      %dma_start3A_827 = tpu.memref_slice %arg14[%dma_start3A_816, %dma_start3A_825, %dma_start3A_826] : memref<16x8x64xf32, #tpu.memory_space<vmem>> -> memref<1x8x64xf32, #tpu.memory_space<vmem>>
      %dma_start3A_828 = tpu.memref_squeeze %dma_start3A_827 : memref<1x8x64xf32, #tpu.memory_space<vmem>> -> memref<8x64xf32, #tpu.memory_space<vmem>>
      %dma_start3A_829 = arith.constant 0 : i32
      %dma_start3A_830 = arith.constant 0 : i32
      %dma_start3A_831 = tpu.memref_slice %arg6[%squeeze3A_815, %dma_start3A_829, %dma_start3A_830] : memref<125000x8x64xf32, #tpu.memory_space<hbm>> -> memref<1x8x64xf32, #tpu.memory_space<hbm>>
      %dma_start3A_832 = tpu.memref_squeeze %dma_start3A_831 : memref<1x8x64xf32, #tpu.memory_space<hbm>> -> memref<8x64xf32, #tpu.memory_space<hbm>>
      tpu.enqueue_dma source(%dma_start3A_832 : memref<8x64xf32, #tpu.memory_space<hbm>>) target(%dma_start3A_828 : memref<8x64xf32, #tpu.memory_space<vmem>>) target_semaphore(%arg17 : memref<!tpu.dma_semaphore, #tpu.memory_space<semaphore_mem>>)
      %slice3A_833 = vector.extract_strided_slice %shift_right_logical3A_25 {offsets = [14], sizes = [1], strides = [1]} : vector<16xi32> to vector<1xi32>
      %squeeze3A_834 = vector.extract %slice3A_833[0] : i32 from vector<1xi32>
      %dma_start3A_835 = arith.constant 14 : i32
      %dma_start3A_836 = arith.constant 0 : i32
      %dma_start3A_837 = arith.constant 0 : i32
      %dma_start3A_838 = tpu.memref_slice %arg12[%dma_start3A_835, %dma_start3A_836, %dma_start3A_837] : memref<16x8x64xf32, #tpu.memory_space<vmem>> -> memref<1x8x64xf32, #tpu.memory_space<vmem>>
      %dma_start3A_839 = tpu.memref_squeeze %dma_start3A_838 : memref<1x8x64xf32, #tpu.memory_space<vmem>> -> memref<8x64xf32, #tpu.memory_space<vmem>>
      %dma_start3A_840 = arith.constant 0 : i32
      %dma_start3A_841 = arith.constant 0 : i32
      %dma_start3A_842 = tpu.memref_slice %arg5[%squeeze3A_834, %dma_start3A_840, %dma_start3A_841] : memref<125000x8x64xf32, #tpu.memory_space<hbm>> -> memref<1x8x64xf32, #tpu.memory_space<hbm>>
      %dma_start3A_843 = tpu.memref_squeeze %dma_start3A_842 : memref<1x8x64xf32, #tpu.memory_space<hbm>> -> memref<8x64xf32, #tpu.memory_space<hbm>>
      %dma_start3A_844 = arith.constant 0 : i32
      %dma_start3A_845 = arith.constant 0 : i32
      %dma_start3A_846 = tpu.memref_slice %arg12[%dma_start3A_835, %dma_start3A_844, %dma_start3A_845] : memref<16x8x64xf32, #tpu.memory_space<vmem>> -> memref<1x8x64xf32, #tpu.memory_space<vmem>>
      %dma_start3A_847 = tpu.memref_squeeze %dma_start3A_846 : memref<1x8x64xf32, #tpu.memory_space<vmem>> -> memref<8x64xf32, #tpu.memory_space<vmem>>
      %dma_start3A_848 = arith.constant 0 : i32
      %dma_start3A_849 = arith.constant 0 : i32
      %dma_start3A_850 = tpu.memref_slice %arg5[%squeeze3A_834, %dma_start3A_848, %dma_start3A_849] : memref<125000x8x64xf32, #tpu.memory_space<hbm>> -> memref<1x8x64xf32, #tpu.memory_space<hbm>>
      %dma_start3A_851 = tpu.memref_squeeze %dma_start3A_850 : memref<1x8x64xf32, #tpu.memory_space<hbm>> -> memref<8x64xf32, #tpu.memory_space<hbm>>
      tpu.enqueue_dma source(%dma_start3A_851 : memref<8x64xf32, #tpu.memory_space<hbm>>) target(%dma_start3A_847 : memref<8x64xf32, #tpu.memory_space<vmem>>) target_semaphore(%arg17 : memref<!tpu.dma_semaphore, #tpu.memory_space<semaphore_mem>>)
      %slice3A_852 = vector.extract_strided_slice %shift_right_logical3A_31 {offsets = [14], sizes = [1], strides = [1]} : vector<16xi32> to vector<1xi32>
      %squeeze3A_853 = vector.extract %slice3A_852[0] : i32 from vector<1xi32>
      %dma_start3A_854 = arith.constant 14 : i32
      %dma_start3A_855 = arith.constant 0 : i32
      %dma_start3A_856 = arith.constant 0 : i32
      %dma_start3A_857 = tpu.memref_slice %arg13[%dma_start3A_854, %dma_start3A_855, %dma_start3A_856] : memref<16x8x64xf32, #tpu.memory_space<vmem>> -> memref<1x8x64xf32, #tpu.memory_space<vmem>>
      %dma_start3A_858 = tpu.memref_squeeze %dma_start3A_857 : memref<1x8x64xf32, #tpu.memory_space<vmem>> -> memref<8x64xf32, #tpu.memory_space<vmem>>
      %dma_start3A_859 = arith.constant 0 : i32
      %dma_start3A_860 = arith.constant 0 : i32
      %dma_start3A_861 = tpu.memref_slice %arg6[%squeeze3A_853, %dma_start3A_859, %dma_start3A_860] : memref<125000x8x64xf32, #tpu.memory_space<hbm>> -> memref<1x8x64xf32, #tpu.memory_space<hbm>>
      %dma_start3A_862 = tpu.memref_squeeze %dma_start3A_861 : memref<1x8x64xf32, #tpu.memory_space<hbm>> -> memref<8x64xf32, #tpu.memory_space<hbm>>
      %dma_start3A_863 = arith.constant 0 : i32
      %dma_start3A_864 = arith.constant 0 : i32
      %dma_start3A_865 = tpu.memref_slice %arg13[%dma_start3A_854, %dma_start3A_863, %dma_start3A_864] : memref<16x8x64xf32, #tpu.memory_space<vmem>> -> memref<1x8x64xf32, #tpu.memory_space<vmem>>
      %dma_start3A_866 = tpu.memref_squeeze %dma_start3A_865 : memref<1x8x64xf32, #tpu.memory_space<vmem>> -> memref<8x64xf32, #tpu.memory_space<vmem>>
      %dma_start3A_867 = arith.constant 0 : i32
      %dma_start3A_868 = arith.constant 0 : i32
      %dma_start3A_869 = tpu.memref_slice %arg6[%squeeze3A_853, %dma_start3A_867, %dma_start3A_868] : memref<125000x8x64xf32, #tpu.memory_space<hbm>> -> memref<1x8x64xf32, #tpu.memory_space<hbm>>
      %dma_start3A_870 = tpu.memref_squeeze %dma_start3A_869 : memref<1x8x64xf32, #tpu.memory_space<hbm>> -> memref<8x64xf32, #tpu.memory_space<hbm>>
      tpu.enqueue_dma source(%dma_start3A_870 : memref<8x64xf32, #tpu.memory_space<hbm>>) target(%dma_start3A_866 : memref<8x64xf32, #tpu.memory_space<vmem>>) target_semaphore(%arg17 : memref<!tpu.dma_semaphore, #tpu.memory_space<semaphore_mem>>)
      %slice3A_871 = vector.extract_strided_slice %shift_right_logical3A_37 {offsets = [14], sizes = [1], strides = [1]} : vector<16xi32> to vector<1xi32>
      %squeeze3A_872 = vector.extract %slice3A_871[0] : i32 from vector<1xi32>
      %dma_start3A_873 = arith.constant 14 : i32
      %dma_start3A_874 = arith.constant 0 : i32
      %dma_start3A_875 = arith.constant 0 : i32
      %dma_start3A_876 = tpu.memref_slice %arg14[%dma_start3A_873, %dma_start3A_874, %dma_start3A_875] : memref<16x8x64xf32, #tpu.memory_space<vmem>> -> memref<1x8x64xf32, #tpu.memory_space<vmem>>
      %dma_start3A_877 = tpu.memref_squeeze %dma_start3A_876 : memref<1x8x64xf32, #tpu.memory_space<vmem>> -> memref<8x64xf32, #tpu.memory_space<vmem>>
      %dma_start3A_878 = arith.constant 0 : i32
      %dma_start3A_879 = arith.constant 0 : i32
      %dma_start3A_880 = tpu.memref_slice %arg6[%squeeze3A_872, %dma_start3A_878, %dma_start3A_879] : memref<125000x8x64xf32, #tpu.memory_space<hbm>> -> memref<1x8x64xf32, #tpu.memory_space<hbm>>
      %dma_start3A_881 = tpu.memref_squeeze %dma_start3A_880 : memref<1x8x64xf32, #tpu.memory_space<hbm>> -> memref<8x64xf32, #tpu.memory_space<hbm>>
      %dma_start3A_882 = arith.constant 0 : i32
      %dma_start3A_883 = arith.constant 0 : i32
      %dma_start3A_884 = tpu.memref_slice %arg14[%dma_start3A_873, %dma_start3A_882, %dma_start3A_883] : memref<16x8x64xf32, #tpu.memory_space<vmem>> -> memref<1x8x64xf32, #tpu.memory_space<vmem>>
      %dma_start3A_885 = tpu.memref_squeeze %dma_start3A_884 : memref<1x8x64xf32, #tpu.memory_space<vmem>> -> memref<8x64xf32, #tpu.memory_space<vmem>>
      %dma_start3A_886 = arith.constant 0 : i32
      %dma_start3A_887 = arith.constant 0 : i32
      %dma_start3A_888 = tpu.memref_slice %arg6[%squeeze3A_872, %dma_start3A_886, %dma_start3A_887] : memref<125000x8x64xf32, #tpu.memory_space<hbm>> -> memref<1x8x64xf32, #tpu.memory_space<hbm>>
      %dma_start3A_889 = tpu.memref_squeeze %dma_start3A_888 : memref<1x8x64xf32, #tpu.memory_space<hbm>> -> memref<8x64xf32, #tpu.memory_space<hbm>>
      tpu.enqueue_dma source(%dma_start3A_889 : memref<8x64xf32, #tpu.memory_space<hbm>>) target(%dma_start3A_885 : memref<8x64xf32, #tpu.memory_space<vmem>>) target_semaphore(%arg17 : memref<!tpu.dma_semaphore, #tpu.memory_space<semaphore_mem>>)
      %slice3A_890 = vector.extract_strided_slice %shift_right_logical3A_25 {offsets = [15], sizes = [1], strides = [1]} : vector<16xi32> to vector<1xi32>
      %squeeze3A_891 = vector.extract %slice3A_890[0] : i32 from vector<1xi32>
      %dma_start3A_892 = arith.constant 15 : i32
      %dma_start3A_893 = arith.constant 0 : i32
      %dma_start3A_894 = arith.constant 0 : i32
      %dma_start3A_895 = tpu.memref_slice %arg12[%dma_start3A_892, %dma_start3A_893, %dma_start3A_894] : memref<16x8x64xf32, #tpu.memory_space<vmem>> -> memref<1x8x64xf32, #tpu.memory_space<vmem>>
      %dma_start3A_896 = tpu.memref_squeeze %dma_start3A_895 : memref<1x8x64xf32, #tpu.memory_space<vmem>> -> memref<8x64xf32, #tpu.memory_space<vmem>>
      %dma_start3A_897 = arith.constant 0 : i32
      %dma_start3A_898 = arith.constant 0 : i32
      %dma_start3A_899 = tpu.memref_slice %arg5[%squeeze3A_891, %dma_start3A_897, %dma_start3A_898] : memref<125000x8x64xf32, #tpu.memory_space<hbm>> -> memref<1x8x64xf32, #tpu.memory_space<hbm>>
      %dma_start3A_900 = tpu.memref_squeeze %dma_start3A_899 : memref<1x8x64xf32, #tpu.memory_space<hbm>> -> memref<8x64xf32, #tpu.memory_space<hbm>>
      %dma_start3A_901 = arith.constant 0 : i32
      %dma_start3A_902 = arith.constant 0 : i32
      %dma_start3A_903 = tpu.memref_slice %arg12[%dma_start3A_892, %dma_start3A_901, %dma_start3A_902] : memref<16x8x64xf32, #tpu.memory_space<vmem>> -> memref<1x8x64xf32, #tpu.memory_space<vmem>>
      %dma_start3A_904 = tpu.memref_squeeze %dma_start3A_903 : memref<1x8x64xf32, #tpu.memory_space<vmem>> -> memref<8x64xf32, #tpu.memory_space<vmem>>
      %dma_start3A_905 = arith.constant 0 : i32
      %dma_start3A_906 = arith.constant 0 : i32
      %dma_start3A_907 = tpu.memref_slice %arg5[%squeeze3A_891, %dma_start3A_905, %dma_start3A_906] : memref<125000x8x64xf32, #tpu.memory_space<hbm>> -> memref<1x8x64xf32, #tpu.memory_space<hbm>>
      %dma_start3A_908 = tpu.memref_squeeze %dma_start3A_907 : memref<1x8x64xf32, #tpu.memory_space<hbm>> -> memref<8x64xf32, #tpu.memory_space<hbm>>
      tpu.enqueue_dma source(%dma_start3A_908 : memref<8x64xf32, #tpu.memory_space<hbm>>) target(%dma_start3A_904 : memref<8x64xf32, #tpu.memory_space<vmem>>) target_semaphore(%arg17 : memref<!tpu.dma_semaphore, #tpu.memory_space<semaphore_mem>>)
      %slice3A_909 = vector.extract_strided_slice %shift_right_logical3A_31 {offsets = [15], sizes = [1], strides = [1]} : vector<16xi32> to vector<1xi32>
      %squeeze3A_910 = vector.extract %slice3A_909[0] : i32 from vector<1xi32>
      %dma_start3A_911 = arith.constant 15 : i32
      %dma_start3A_912 = arith.constant 0 : i32
      %dma_start3A_913 = arith.constant 0 : i32
      %dma_start3A_914 = tpu.memref_slice %arg13[%dma_start3A_911, %dma_start3A_912, %dma_start3A_913] : memref<16x8x64xf32, #tpu.memory_space<vmem>> -> memref<1x8x64xf32, #tpu.memory_space<vmem>>
      %dma_start3A_915 = tpu.memref_squeeze %dma_start3A_914 : memref<1x8x64xf32, #tpu.memory_space<vmem>> -> memref<8x64xf32, #tpu.memory_space<vmem>>
      %dma_start3A_916 = arith.constant 0 : i32
      %dma_start3A_917 = arith.constant 0 : i32
      %dma_start3A_918 = tpu.memref_slice %arg6[%squeeze3A_910, %dma_start3A_916, %dma_start3A_917] : memref<125000x8x64xf32, #tpu.memory_space<hbm>> -> memref<1x8x64xf32, #tpu.memory_space<hbm>>
      %dma_start3A_919 = tpu.memref_squeeze %dma_start3A_918 : memref<1x8x64xf32, #tpu.memory_space<hbm>> -> memref<8x64xf32, #tpu.memory_space<hbm>>
      %dma_start3A_920 = arith.constant 0 : i32
      %dma_start3A_921 = arith.constant 0 : i32
      %dma_start3A_922 = tpu.memref_slice %arg13[%dma_start3A_911, %dma_start3A_920, %dma_start3A_921] : memref<16x8x64xf32, #tpu.memory_space<vmem>> -> memref<1x8x64xf32, #tpu.memory_space<vmem>>
      %dma_start3A_923 = tpu.memref_squeeze %dma_start3A_922 : memref<1x8x64xf32, #tpu.memory_space<vmem>> -> memref<8x64xf32, #tpu.memory_space<vmem>>
      %dma_start3A_924 = arith.constant 0 : i32
      %dma_start3A_925 = arith.constant 0 : i32
      %dma_start3A_926 = tpu.memref_slice %arg6[%squeeze3A_910, %dma_start3A_924, %dma_start3A_925] : memref<125000x8x64xf32, #tpu.memory_space<hbm>> -> memref<1x8x64xf32, #tpu.memory_space<hbm>>
      %dma_start3A_927 = tpu.memref_squeeze %dma_start3A_926 : memref<1x8x64xf32, #tpu.memory_space<hbm>> -> memref<8x64xf32, #tpu.memory_space<hbm>>
      tpu.enqueue_dma source(%dma_start3A_927 : memref<8x64xf32, #tpu.memory_space<hbm>>) target(%dma_start3A_923 : memref<8x64xf32, #tpu.memory_space<vmem>>) target_semaphore(%arg17 : memref<!tpu.dma_semaphore, #tpu.memory_space<semaphore_mem>>)
      %slice3A_928 = vector.extract_strided_slice %shift_right_logical3A_37 {offsets = [15], sizes = [1], strides = [1]} : vector<16xi32> to vector<1xi32>
      %squeeze3A_929 = vector.extract %slice3A_928[0] : i32 from vector<1xi32>
      %dma_start3A_930 = arith.constant 15 : i32
      %dma_start3A_931 = arith.constant 0 : i32
      %dma_start3A_932 = arith.constant 0 : i32
      %dma_start3A_933 = tpu.memref_slice %arg14[%dma_start3A_930, %dma_start3A_931, %dma_start3A_932] : memref<16x8x64xf32, #tpu.memory_space<vmem>> -> memref<1x8x64xf32, #tpu.memory_space<vmem>>
      %dma_start3A_934 = tpu.memref_squeeze %dma_start3A_933 : memref<1x8x64xf32, #tpu.memory_space<vmem>> -> memref<8x64xf32, #tpu.memory_space<vmem>>
      %dma_start3A_935 = arith.constant 0 : i32
      %dma_start3A_936 = arith.constant 0 : i32
      %dma_start3A_937 = tpu.memref_slice %arg6[%squeeze3A_929, %dma_start3A_935, %dma_start3A_936] : memref<125000x8x64xf32, #tpu.memory_space<hbm>> -> memref<1x8x64xf32, #tpu.memory_space<hbm>>
      %dma_start3A_938 = tpu.memref_squeeze %dma_start3A_937 : memref<1x8x64xf32, #tpu.memory_space<hbm>> -> memref<8x64xf32, #tpu.memory_space<hbm>>
      %dma_start3A_939 = arith.constant 0 : i32
      %dma_start3A_940 = arith.constant 0 : i32
      %dma_start3A_941 = tpu.memref_slice %arg14[%dma_start3A_930, %dma_start3A_939, %dma_start3A_940] : memref<16x8x64xf32, #tpu.memory_space<vmem>> -> memref<1x8x64xf32, #tpu.memory_space<vmem>>
      %dma_start3A_942 = tpu.memref_squeeze %dma_start3A_941 : memref<1x8x64xf32, #tpu.memory_space<vmem>> -> memref<8x64xf32, #tpu.memory_space<vmem>>
      %dma_start3A_943 = arith.constant 0 : i32
      %dma_start3A_944 = arith.constant 0 : i32
      %dma_start3A_945 = tpu.memref_slice %arg6[%squeeze3A_929, %dma_start3A_943, %dma_start3A_944] : memref<125000x8x64xf32, #tpu.memory_space<hbm>> -> memref<1x8x64xf32, #tpu.memory_space<hbm>>
      %dma_start3A_946 = tpu.memref_squeeze %dma_start3A_945 : memref<1x8x64xf32, #tpu.memory_space<hbm>> -> memref<8x64xf32, #tpu.memory_space<hbm>>
      tpu.enqueue_dma source(%dma_start3A_946 : memref<8x64xf32, #tpu.memory_space<hbm>>) target(%dma_start3A_942 : memref<8x64xf32, #tpu.memory_space<vmem>>) target_semaphore(%arg17 : memref<!tpu.dma_semaphore, #tpu.memory_space<semaphore_mem>>)
      %dma_wait3A = arith.constant 0 : i32
      %dma_wait3A_947 = arith.constant 0 : i32
      %dma_wait3A_948 = arith.constant 0 : i32
      %dma_wait3A_949 = tpu.memref_slice %arg12[%dma_wait3A, %dma_wait3A_947, %dma_wait3A_948] : memref<16x8x64xf32, #tpu.memory_space<vmem>> -> memref<1x8x64xf32, #tpu.memory_space<vmem>>
      %dma_wait3A_950 = tpu.memref_squeeze %dma_wait3A_949 : memref<1x8x64xf32, #tpu.memory_space<vmem>> -> memref<8x64xf32, #tpu.memory_space<vmem>>
      %dma_wait3A_951 = arith.constant 0 : i32
      %dma_wait3A_952 = arith.constant 0 : i32
      %dma_wait3A_953 = tpu.memref_slice %arg5[%squeeze3A, %dma_wait3A_951, %dma_wait3A_952] : memref<125000x8x64xf32, #tpu.memory_space<hbm>> -> memref<1x8x64xf32, #tpu.memory_space<hbm>>
      %dma_wait3A_954 = tpu.memref_squeeze %dma_wait3A_953 : memref<1x8x64xf32, #tpu.memory_space<hbm>> -> memref<8x64xf32, #tpu.memory_space<hbm>>
      %dma_wait3A_955 = arith.constant 0 : i32
      %dma_wait3A_956 = arith.constant 0 : i32
      %dma_wait3A_957 = tpu.memref_slice %arg12[%dma_wait3A, %dma_wait3A_955, %dma_wait3A_956] : memref<16x8x64xf32, #tpu.memory_space<vmem>> -> memref<1x8x64xf32, #tpu.memory_space<vmem>>
      %dma_wait3A_958 = tpu.memref_squeeze %dma_wait3A_957 : memref<1x8x64xf32, #tpu.memory_space<vmem>> -> memref<8x64xf32, #tpu.memory_space<vmem>>
      %dma_wait3A_959 = arith.constant 0 : i32
      %dma_wait3A_960 = arith.constant 0 : i32
      %dma_wait3A_961 = tpu.memref_slice %arg5[%squeeze3A, %dma_wait3A_959, %dma_wait3A_960] : memref<125000x8x64xf32, #tpu.memory_space<hbm>> -> memref<1x8x64xf32, #tpu.memory_space<hbm>>
      %dma_wait3A_962 = tpu.memref_squeeze %dma_wait3A_961 : memref<1x8x64xf32, #tpu.memory_space<hbm>> -> memref<8x64xf32, #tpu.memory_space<hbm>>
      tpu.wait_dma2 semaphore(%arg17 : memref<!tpu.dma_semaphore, #tpu.memory_space<semaphore_mem>>) src(%dma_wait3A_962 : memref<8x64xf32, #tpu.memory_space<hbm>>) dst(%dma_wait3A_958 : memref<8x64xf32, #tpu.memory_space<vmem>>)
      %dma_wait3A_963 = arith.constant 0 : i32
      %dma_wait3A_964 = arith.constant 0 : i32
      %dma_wait3A_965 = arith.constant 0 : i32
      %dma_wait3A_966 = tpu.memref_slice %arg13[%dma_wait3A_963, %dma_wait3A_964, %dma_wait3A_965] : memref<16x8x64xf32, #tpu.memory_space<vmem>> -> memref<1x8x64xf32, #tpu.memory_space<vmem>>
      %dma_wait3A_967 = tpu.memref_squeeze %dma_wait3A_966 : memref<1x8x64xf32, #tpu.memory_space<vmem>> -> memref<8x64xf32, #tpu.memory_space<vmem>>
      %dma_wait3A_968 = arith.constant 0 : i32
      %dma_wait3A_969 = arith.constant 0 : i32
      %dma_wait3A_970 = tpu.memref_slice %arg6[%squeeze3A_55, %dma_wait3A_968, %dma_wait3A_969] : memref<125000x8x64xf32, #tpu.memory_space<hbm>> -> memref<1x8x64xf32, #tpu.memory_space<hbm>>
      %dma_wait3A_971 = tpu.memref_squeeze %dma_wait3A_970 : memref<1x8x64xf32, #tpu.memory_space<hbm>> -> memref<8x64xf32, #tpu.memory_space<hbm>>
      %dma_wait3A_972 = arith.constant 0 : i32
      %dma_wait3A_973 = arith.constant 0 : i32
      %dma_wait3A_974 = tpu.memref_slice %arg13[%dma_wait3A_963, %dma_wait3A_972, %dma_wait3A_973] : memref<16x8x64xf32, #tpu.memory_space<vmem>> -> memref<1x8x64xf32, #tpu.memory_space<vmem>>
      %dma_wait3A_975 = tpu.memref_squeeze %dma_wait3A_974 : memref<1x8x64xf32, #tpu.memory_space<vmem>> -> memref<8x64xf32, #tpu.memory_space<vmem>>
      %dma_wait3A_976 = arith.constant 0 : i32
      %dma_wait3A_977 = arith.constant 0 : i32
      %dma_wait3A_978 = tpu.memref_slice %arg6[%squeeze3A_55, %dma_wait3A_976, %dma_wait3A_977] : memref<125000x8x64xf32, #tpu.memory_space<hbm>> -> memref<1x8x64xf32, #tpu.memory_space<hbm>>
      %dma_wait3A_979 = tpu.memref_squeeze %dma_wait3A_978 : memref<1x8x64xf32, #tpu.memory_space<hbm>> -> memref<8x64xf32, #tpu.memory_space<hbm>>
      tpu.wait_dma2 semaphore(%arg17 : memref<!tpu.dma_semaphore, #tpu.memory_space<semaphore_mem>>) src(%dma_wait3A_979 : memref<8x64xf32, #tpu.memory_space<hbm>>) dst(%dma_wait3A_975 : memref<8x64xf32, #tpu.memory_space<vmem>>)
      %dma_wait3A_980 = arith.constant 0 : i32
      %dma_wait3A_981 = arith.constant 0 : i32
      %dma_wait3A_982 = arith.constant 0 : i32
      %dma_wait3A_983 = tpu.memref_slice %arg14[%dma_wait3A_980, %dma_wait3A_981, %dma_wait3A_982] : memref<16x8x64xf32, #tpu.memory_space<vmem>> -> memref<1x8x64xf32, #tpu.memory_space<vmem>>
      %dma_wait3A_984 = tpu.memref_squeeze %dma_wait3A_983 : memref<1x8x64xf32, #tpu.memory_space<vmem>> -> memref<8x64xf32, #tpu.memory_space<vmem>>
      %dma_wait3A_985 = arith.constant 0 : i32
      %dma_wait3A_986 = arith.constant 0 : i32
      %dma_wait3A_987 = tpu.memref_slice %arg6[%squeeze3A_74, %dma_wait3A_985, %dma_wait3A_986] : memref<125000x8x64xf32, #tpu.memory_space<hbm>> -> memref<1x8x64xf32, #tpu.memory_space<hbm>>
      %dma_wait3A_988 = tpu.memref_squeeze %dma_wait3A_987 : memref<1x8x64xf32, #tpu.memory_space<hbm>> -> memref<8x64xf32, #tpu.memory_space<hbm>>
      %dma_wait3A_989 = arith.constant 0 : i32
      %dma_wait3A_990 = arith.constant 0 : i32
      %dma_wait3A_991 = tpu.memref_slice %arg14[%dma_wait3A_980, %dma_wait3A_989, %dma_wait3A_990] : memref<16x8x64xf32, #tpu.memory_space<vmem>> -> memref<1x8x64xf32, #tpu.memory_space<vmem>>
      %dma_wait3A_992 = tpu.memref_squeeze %dma_wait3A_991 : memref<1x8x64xf32, #tpu.memory_space<vmem>> -> memref<8x64xf32, #tpu.memory_space<vmem>>
      %dma_wait3A_993 = arith.constant 0 : i32
      %dma_wait3A_994 = arith.constant 0 : i32
      %dma_wait3A_995 = tpu.memref_slice %arg6[%squeeze3A_74, %dma_wait3A_993, %dma_wait3A_994] : memref<125000x8x64xf32, #tpu.memory_space<hbm>> -> memref<1x8x64xf32, #tpu.memory_space<hbm>>
      %dma_wait3A_996 = tpu.memref_squeeze %dma_wait3A_995 : memref<1x8x64xf32, #tpu.memory_space<hbm>> -> memref<8x64xf32, #tpu.memory_space<hbm>>
      tpu.wait_dma2 semaphore(%arg17 : memref<!tpu.dma_semaphore, #tpu.memory_space<semaphore_mem>>) src(%dma_wait3A_996 : memref<8x64xf32, #tpu.memory_space<hbm>>) dst(%dma_wait3A_992 : memref<8x64xf32, #tpu.memory_space<vmem>>)
      %dma_wait3A_997 = arith.constant 1 : i32
      %dma_wait3A_998 = arith.constant 0 : i32
      %dma_wait3A_999 = arith.constant 0 : i32
      %dma_wait3A_1000 = tpu.memref_slice %arg12[%dma_wait3A_997, %dma_wait3A_998, %dma_wait3A_999] : memref<16x8x64xf32, #tpu.memory_space<vmem>> -> memref<1x8x64xf32, #tpu.memory_space<vmem>>
      %dma_wait3A_1001 = tpu.memref_squeeze %dma_wait3A_1000 : memref<1x8x64xf32, #tpu.memory_space<vmem>> -> memref<8x64xf32, #tpu.memory_space<vmem>>
      %dma_wait3A_1002 = arith.constant 0 : i32
      %dma_wait3A_1003 = arith.constant 0 : i32
      %dma_wait3A_1004 = tpu.memref_slice %arg5[%squeeze3A_93, %dma_wait3A_1002, %dma_wait3A_1003] : memref<125000x8x64xf32, #tpu.memory_space<hbm>> -> memref<1x8x64xf32, #tpu.memory_space<hbm>>
      %dma_wait3A_1005 = tpu.memref_squeeze %dma_wait3A_1004 : memref<1x8x64xf32, #tpu.memory_space<hbm>> -> memref<8x64xf32, #tpu.memory_space<hbm>>
      %dma_wait3A_1006 = arith.constant 0 : i32
      %dma_wait3A_1007 = arith.constant 0 : i32
      %dma_wait3A_1008 = tpu.memref_slice %arg12[%dma_wait3A_997, %dma_wait3A_1006, %dma_wait3A_1007] : memref<16x8x64xf32, #tpu.memory_space<vmem>> -> memref<1x8x64xf32, #tpu.memory_space<vmem>>
      %dma_wait3A_1009 = tpu.memref_squeeze %dma_wait3A_1008 : memref<1x8x64xf32, #tpu.memory_space<vmem>> -> memref<8x64xf32, #tpu.memory_space<vmem>>
      %dma_wait3A_1010 = arith.constant 0 : i32
      %dma_wait3A_1011 = arith.constant 0 : i32
      %dma_wait3A_1012 = tpu.memref_slice %arg5[%squeeze3A_93, %dma_wait3A_1010, %dma_wait3A_1011] : memref<125000x8x64xf32, #tpu.memory_space<hbm>> -> memref<1x8x64xf32, #tpu.memory_space<hbm>>
      %dma_wait3A_1013 = tpu.memref_squeeze %dma_wait3A_1012 : memref<1x8x64xf32, #tpu.memory_space<hbm>> -> memref<8x64xf32, #tpu.memory_space<hbm>>
      tpu.wait_dma2 semaphore(%arg17 : memref<!tpu.dma_semaphore, #tpu.memory_space<semaphore_mem>>) src(%dma_wait3A_1013 : memref<8x64xf32, #tpu.memory_space<hbm>>) dst(%dma_wait3A_1009 : memref<8x64xf32, #tpu.memory_space<vmem>>)
      %dma_wait3A_1014 = arith.constant 1 : i32
      %dma_wait3A_1015 = arith.constant 0 : i32
      %dma_wait3A_1016 = arith.constant 0 : i32
      %dma_wait3A_1017 = tpu.memref_slice %arg13[%dma_wait3A_1014, %dma_wait3A_1015, %dma_wait3A_1016] : memref<16x8x64xf32, #tpu.memory_space<vmem>> -> memref<1x8x64xf32, #tpu.memory_space<vmem>>
      %dma_wait3A_1018 = tpu.memref_squeeze %dma_wait3A_1017 : memref<1x8x64xf32, #tpu.memory_space<vmem>> -> memref<8x64xf32, #tpu.memory_space<vmem>>
      %dma_wait3A_1019 = arith.constant 0 : i32
      %dma_wait3A_1020 = arith.constant 0 : i32
      %dma_wait3A_1021 = tpu.memref_slice %arg6[%squeeze3A_112, %dma_wait3A_1019, %dma_wait3A_1020] : memref<125000x8x64xf32, #tpu.memory_space<hbm>> -> memref<1x8x64xf32, #tpu.memory_space<hbm>>
      %dma_wait3A_1022 = tpu.memref_squeeze %dma_wait3A_1021 : memref<1x8x64xf32, #tpu.memory_space<hbm>> -> memref<8x64xf32, #tpu.memory_space<hbm>>
      %dma_wait3A_1023 = arith.constant 0 : i32
      %dma_wait3A_1024 = arith.constant 0 : i32
      %dma_wait3A_1025 = tpu.memref_slice %arg13[%dma_wait3A_1014, %dma_wait3A_1023, %dma_wait3A_1024] : memref<16x8x64xf32, #tpu.memory_space<vmem>> -> memref<1x8x64xf32, #tpu.memory_space<vmem>>
      %dma_wait3A_1026 = tpu.memref_squeeze %dma_wait3A_1025 : memref<1x8x64xf32, #tpu.memory_space<vmem>> -> memref<8x64xf32, #tpu.memory_space<vmem>>
      %dma_wait3A_1027 = arith.constant 0 : i32
      %dma_wait3A_1028 = arith.constant 0 : i32
      %dma_wait3A_1029 = tpu.memref_slice %arg6[%squeeze3A_112, %dma_wait3A_1027, %dma_wait3A_1028] : memref<125000x8x64xf32, #tpu.memory_space<hbm>> -> memref<1x8x64xf32, #tpu.memory_space<hbm>>
      %dma_wait3A_1030 = tpu.memref_squeeze %dma_wait3A_1029 : memref<1x8x64xf32, #tpu.memory_space<hbm>> -> memref<8x64xf32, #tpu.memory_space<hbm>>
      tpu.wait_dma2 semaphore(%arg17 : memref<!tpu.dma_semaphore, #tpu.memory_space<semaphore_mem>>) src(%dma_wait3A_1030 : memref<8x64xf32, #tpu.memory_space<hbm>>) dst(%dma_wait3A_1026 : memref<8x64xf32, #tpu.memory_space<vmem>>)
      %dma_wait3A_1031 = arith.constant 1 : i32
      %dma_wait3A_1032 = arith.constant 0 : i32
      %dma_wait3A_1033 = arith.constant 0 : i32
      %dma_wait3A_1034 = tpu.memref_slice %arg14[%dma_wait3A_1031, %dma_wait3A_1032, %dma_wait3A_1033] : memref<16x8x64xf32, #tpu.memory_space<vmem>> -> memref<1x8x64xf32, #tpu.memory_space<vmem>>
      %dma_wait3A_1035 = tpu.memref_squeeze %dma_wait3A_1034 : memref<1x8x64xf32, #tpu.memory_space<vmem>> -> memref<8x64xf32, #tpu.memory_space<vmem>>
      %dma_wait3A_1036 = arith.constant 0 : i32
      %dma_wait3A_1037 = arith.constant 0 : i32
      %dma_wait3A_1038 = tpu.memref_slice %arg6[%squeeze3A_131, %dma_wait3A_1036, %dma_wait3A_1037] : memref<125000x8x64xf32, #tpu.memory_space<hbm>> -> memref<1x8x64xf32, #tpu.memory_space<hbm>>
      %dma_wait3A_1039 = tpu.memref_squeeze %dma_wait3A_1038 : memref<1x8x64xf32, #tpu.memory_space<hbm>> -> memref<8x64xf32, #tpu.memory_space<hbm>>
      %dma_wait3A_1040 = arith.constant 0 : i32
      %dma_wait3A_1041 = arith.constant 0 : i32
      %dma_wait3A_1042 = tpu.memref_slice %arg14[%dma_wait3A_1031, %dma_wait3A_1040, %dma_wait3A_1041] : memref<16x8x64xf32, #tpu.memory_space<vmem>> -> memref<1x8x64xf32, #tpu.memory_space<vmem>>
      %dma_wait3A_1043 = tpu.memref_squeeze %dma_wait3A_1042 : memref<1x8x64xf32, #tpu.memory_space<vmem>> -> memref<8x64xf32, #tpu.memory_space<vmem>>
      %dma_wait3A_1044 = arith.constant 0 : i32
      %dma_wait3A_1045 = arith.constant 0 : i32
      %dma_wait3A_1046 = tpu.memref_slice %arg6[%squeeze3A_131, %dma_wait3A_1044, %dma_wait3A_1045] : memref<125000x8x64xf32, #tpu.memory_space<hbm>> -> memref<1x8x64xf32, #tpu.memory_space<hbm>>
      %dma_wait3A_1047 = tpu.memref_squeeze %dma_wait3A_1046 : memref<1x8x64xf32, #tpu.memory_space<hbm>> -> memref<8x64xf32, #tpu.memory_space<hbm>>
      tpu.wait_dma2 semaphore(%arg17 : memref<!tpu.dma_semaphore, #tpu.memory_space<semaphore_mem>>) src(%dma_wait3A_1047 : memref<8x64xf32, #tpu.memory_space<hbm>>) dst(%dma_wait3A_1043 : memref<8x64xf32, #tpu.memory_space<vmem>>)
      %dma_wait3A_1048 = arith.constant 2 : i32
      %dma_wait3A_1049 = arith.constant 0 : i32
      %dma_wait3A_1050 = arith.constant 0 : i32
      %dma_wait3A_1051 = tpu.memref_slice %arg12[%dma_wait3A_1048, %dma_wait3A_1049, %dma_wait3A_1050] : memref<16x8x64xf32, #tpu.memory_space<vmem>> -> memref<1x8x64xf32, #tpu.memory_space<vmem>>
      %dma_wait3A_1052 = tpu.memref_squeeze %dma_wait3A_1051 : memref<1x8x64xf32, #tpu.memory_space<vmem>> -> memref<8x64xf32, #tpu.memory_space<vmem>>
      %dma_wait3A_1053 = arith.constant 0 : i32
      %dma_wait3A_1054 = arith.constant 0 : i32
      %dma_wait3A_1055 = tpu.memref_slice %arg5[%squeeze3A_150, %dma_wait3A_1053, %dma_wait3A_1054] : memref<125000x8x64xf32, #tpu.memory_space<hbm>> -> memref<1x8x64xf32, #tpu.memory_space<hbm>>
      %dma_wait3A_1056 = tpu.memref_squeeze %dma_wait3A_1055 : memref<1x8x64xf32, #tpu.memory_space<hbm>> -> memref<8x64xf32, #tpu.memory_space<hbm>>
      %dma_wait3A_1057 = arith.constant 0 : i32
      %dma_wait3A_1058 = arith.constant 0 : i32
      %dma_wait3A_1059 = tpu.memref_slice %arg12[%dma_wait3A_1048, %dma_wait3A_1057, %dma_wait3A_1058] : memref<16x8x64xf32, #tpu.memory_space<vmem>> -> memref<1x8x64xf32, #tpu.memory_space<vmem>>
      %dma_wait3A_1060 = tpu.memref_squeeze %dma_wait3A_1059 : memref<1x8x64xf32, #tpu.memory_space<vmem>> -> memref<8x64xf32, #tpu.memory_space<vmem>>
      %dma_wait3A_1061 = arith.constant 0 : i32
      %dma_wait3A_1062 = arith.constant 0 : i32
      %dma_wait3A_1063 = tpu.memref_slice %arg5[%squeeze3A_150, %dma_wait3A_1061, %dma_wait3A_1062] : memref<125000x8x64xf32, #tpu.memory_space<hbm>> -> memref<1x8x64xf32, #tpu.memory_space<hbm>>
      %dma_wait3A_1064 = tpu.memref_squeeze %dma_wait3A_1063 : memref<1x8x64xf32, #tpu.memory_space<hbm>> -> memref<8x64xf32, #tpu.memory_space<hbm>>
      tpu.wait_dma2 semaphore(%arg17 : memref<!tpu.dma_semaphore, #tpu.memory_space<semaphore_mem>>) src(%dma_wait3A_1064 : memref<8x64xf32, #tpu.memory_space<hbm>>) dst(%dma_wait3A_1060 : memref<8x64xf32, #tpu.memory_space<vmem>>)
      %dma_wait3A_1065 = arith.constant 2 : i32
      %dma_wait3A_1066 = arith.constant 0 : i32
      %dma_wait3A_1067 = arith.constant 0 : i32
      %dma_wait3A_1068 = tpu.memref_slice %arg13[%dma_wait3A_1065, %dma_wait3A_1066, %dma_wait3A_1067] : memref<16x8x64xf32, #tpu.memory_space<vmem>> -> memref<1x8x64xf32, #tpu.memory_space<vmem>>
      %dma_wait3A_1069 = tpu.memref_squeeze %dma_wait3A_1068 : memref<1x8x64xf32, #tpu.memory_space<vmem>> -> memref<8x64xf32, #tpu.memory_space<vmem>>
      %dma_wait3A_1070 = arith.constant 0 : i32
      %dma_wait3A_1071 = arith.constant 0 : i32
      %dma_wait3A_1072 = tpu.memref_slice %arg6[%squeeze3A_169, %dma_wait3A_1070, %dma_wait3A_1071] : memref<125000x8x64xf32, #tpu.memory_space<hbm>> -> memref<1x8x64xf32, #tpu.memory_space<hbm>>
      %dma_wait3A_1073 = tpu.memref_squeeze %dma_wait3A_1072 : memref<1x8x64xf32, #tpu.memory_space<hbm>> -> memref<8x64xf32, #tpu.memory_space<hbm>>
      %dma_wait3A_1074 = arith.constant 0 : i32
      %dma_wait3A_1075 = arith.constant 0 : i32
      %dma_wait3A_1076 = tpu.memref_slice %arg13[%dma_wait3A_1065, %dma_wait3A_1074, %dma_wait3A_1075] : memref<16x8x64xf32, #tpu.memory_space<vmem>> -> memref<1x8x64xf32, #tpu.memory_space<vmem>>
      %dma_wait3A_1077 = tpu.memref_squeeze %dma_wait3A_1076 : memref<1x8x64xf32, #tpu.memory_space<vmem>> -> memref<8x64xf32, #tpu.memory_space<vmem>>
      %dma_wait3A_1078 = arith.constant 0 : i32
      %dma_wait3A_1079 = arith.constant 0 : i32
      %dma_wait3A_1080 = tpu.memref_slice %arg6[%squeeze3A_169, %dma_wait3A_1078, %dma_wait3A_1079] : memref<125000x8x64xf32, #tpu.memory_space<hbm>> -> memref<1x8x64xf32, #tpu.memory_space<hbm>>
      %dma_wait3A_1081 = tpu.memref_squeeze %dma_wait3A_1080 : memref<1x8x64xf32, #tpu.memory_space<hbm>> -> memref<8x64xf32, #tpu.memory_space<hbm>>
      tpu.wait_dma2 semaphore(%arg17 : memref<!tpu.dma_semaphore, #tpu.memory_space<semaphore_mem>>) src(%dma_wait3A_1081 : memref<8x64xf32, #tpu.memory_space<hbm>>) dst(%dma_wait3A_1077 : memref<8x64xf32, #tpu.memory_space<vmem>>)
      %dma_wait3A_1082 = arith.constant 2 : i32
      %dma_wait3A_1083 = arith.constant 0 : i32
      %dma_wait3A_1084 = arith.constant 0 : i32
      %dma_wait3A_1085 = tpu.memref_slice %arg14[%dma_wait3A_1082, %dma_wait3A_1083, %dma_wait3A_1084] : memref<16x8x64xf32, #tpu.memory_space<vmem>> -> memref<1x8x64xf32, #tpu.memory_space<vmem>>
      %dma_wait3A_1086 = tpu.memref_squeeze %dma_wait3A_1085 : memref<1x8x64xf32, #tpu.memory_space<vmem>> -> memref<8x64xf32, #tpu.memory_space<vmem>>
      %dma_wait3A_1087 = arith.constant 0 : i32
      %dma_wait3A_1088 = arith.constant 0 : i32
      %dma_wait3A_1089 = tpu.memref_slice %arg6[%squeeze3A_188, %dma_wait3A_1087, %dma_wait3A_1088] : memref<125000x8x64xf32, #tpu.memory_space<hbm>> -> memref<1x8x64xf32, #tpu.memory_space<hbm>>
      %dma_wait3A_1090 = tpu.memref_squeeze %dma_wait3A_1089 : memref<1x8x64xf32, #tpu.memory_space<hbm>> -> memref<8x64xf32, #tpu.memory_space<hbm>>
      %dma_wait3A_1091 = arith.constant 0 : i32
      %dma_wait3A_1092 = arith.constant 0 : i32
      %dma_wait3A_1093 = tpu.memref_slice %arg14[%dma_wait3A_1082, %dma_wait3A_1091, %dma_wait3A_1092] : memref<16x8x64xf32, #tpu.memory_space<vmem>> -> memref<1x8x64xf32, #tpu.memory_space<vmem>>
      %dma_wait3A_1094 = tpu.memref_squeeze %dma_wait3A_1093 : memref<1x8x64xf32, #tpu.memory_space<vmem>> -> memref<8x64xf32, #tpu.memory_space<vmem>>
      %dma_wait3A_1095 = arith.constant 0 : i32
      %dma_wait3A_1096 = arith.constant 0 : i32
      %dma_wait3A_1097 = tpu.memref_slice %arg6[%squeeze3A_188, %dma_wait3A_1095, %dma_wait3A_1096] : memref<125000x8x64xf32, #tpu.memory_space<hbm>> -> memref<1x8x64xf32, #tpu.memory_space<hbm>>
      %dma_wait3A_1098 = tpu.memref_squeeze %dma_wait3A_1097 : memref<1x8x64xf32, #tpu.memory_space<hbm>> -> memref<8x64xf32, #tpu.memory_space<hbm>>
      tpu.wait_dma2 semaphore(%arg17 : memref<!tpu.dma_semaphore, #tpu.memory_space<semaphore_mem>>) src(%dma_wait3A_1098 : memref<8x64xf32, #tpu.memory_space<hbm>>) dst(%dma_wait3A_1094 : memref<8x64xf32, #tpu.memory_space<vmem>>)
      %dma_wait3A_1099 = arith.constant 3 : i32
      %dma_wait3A_1100 = arith.constant 0 : i32
      %dma_wait3A_1101 = arith.constant 0 : i32
      %dma_wait3A_1102 = tpu.memref_slice %arg12[%dma_wait3A_1099, %dma_wait3A_1100, %dma_wait3A_1101] : memref<16x8x64xf32, #tpu.memory_space<vmem>> -> memref<1x8x64xf32, #tpu.memory_space<vmem>>
      %dma_wait3A_1103 = tpu.memref_squeeze %dma_wait3A_1102 : memref<1x8x64xf32, #tpu.memory_space<vmem>> -> memref<8x64xf32, #tpu.memory_space<vmem>>
      %dma_wait3A_1104 = arith.constant 0 : i32
      %dma_wait3A_1105 = arith.constant 0 : i32
      %dma_wait3A_1106 = tpu.memref_slice %arg5[%squeeze3A_207, %dma_wait3A_1104, %dma_wait3A_1105] : memref<125000x8x64xf32, #tpu.memory_space<hbm>> -> memref<1x8x64xf32, #tpu.memory_space<hbm>>
      %dma_wait3A_1107 = tpu.memref_squeeze %dma_wait3A_1106 : memref<1x8x64xf32, #tpu.memory_space<hbm>> -> memref<8x64xf32, #tpu.memory_space<hbm>>
      %dma_wait3A_1108 = arith.constant 0 : i32
      %dma_wait3A_1109 = arith.constant 0 : i32
      %dma_wait3A_1110 = tpu.memref_slice %arg12[%dma_wait3A_1099, %dma_wait3A_1108, %dma_wait3A_1109] : memref<16x8x64xf32, #tpu.memory_space<vmem>> -> memref<1x8x64xf32, #tpu.memory_space<vmem>>
      %dma_wait3A_1111 = tpu.memref_squeeze %dma_wait3A_1110 : memref<1x8x64xf32, #tpu.memory_space<vmem>> -> memref<8x64xf32, #tpu.memory_space<vmem>>
      %dma_wait3A_1112 = arith.constant 0 : i32
      %dma_wait3A_1113 = arith.constant 0 : i32
      %dma_wait3A_1114 = tpu.memref_slice %arg5[%squeeze3A_207, %dma_wait3A_1112, %dma_wait3A_1113] : memref<125000x8x64xf32, #tpu.memory_space<hbm>> -> memref<1x8x64xf32, #tpu.memory_space<hbm>>
      %dma_wait3A_1115 = tpu.memref_squeeze %dma_wait3A_1114 : memref<1x8x64xf32, #tpu.memory_space<hbm>> -> memref<8x64xf32, #tpu.memory_space<hbm>>
      tpu.wait_dma2 semaphore(%arg17 : memref<!tpu.dma_semaphore, #tpu.memory_space<semaphore_mem>>) src(%dma_wait3A_1115 : memref<8x64xf32, #tpu.memory_space<hbm>>) dst(%dma_wait3A_1111 : memref<8x64xf32, #tpu.memory_space<vmem>>)
      %dma_wait3A_1116 = arith.constant 3 : i32
      %dma_wait3A_1117 = arith.constant 0 : i32
      %dma_wait3A_1118 = arith.constant 0 : i32
      %dma_wait3A_1119 = tpu.memref_slice %arg13[%dma_wait3A_1116, %dma_wait3A_1117, %dma_wait3A_1118] : memref<16x8x64xf32, #tpu.memory_space<vmem>> -> memref<1x8x64xf32, #tpu.memory_space<vmem>>
      %dma_wait3A_1120 = tpu.memref_squeeze %dma_wait3A_1119 : memref<1x8x64xf32, #tpu.memory_space<vmem>> -> memref<8x64xf32, #tpu.memory_space<vmem>>
      %dma_wait3A_1121 = arith.constant 0 : i32
      %dma_wait3A_1122 = arith.constant 0 : i32
      %dma_wait3A_1123 = tpu.memref_slice %arg6[%squeeze3A_226, %dma_wait3A_1121, %dma_wait3A_1122] : memref<125000x8x64xf32, #tpu.memory_space<hbm>> -> memref<1x8x64xf32, #tpu.memory_space<hbm>>
      %dma_wait3A_1124 = tpu.memref_squeeze %dma_wait3A_1123 : memref<1x8x64xf32, #tpu.memory_space<hbm>> -> memref<8x64xf32, #tpu.memory_space<hbm>>
      %dma_wait3A_1125 = arith.constant 0 : i32
      %dma_wait3A_1126 = arith.constant 0 : i32
      %dma_wait3A_1127 = tpu.memref_slice %arg13[%dma_wait3A_1116, %dma_wait3A_1125, %dma_wait3A_1126] : memref<16x8x64xf32, #tpu.memory_space<vmem>> -> memref<1x8x64xf32, #tpu.memory_space<vmem>>
      %dma_wait3A_1128 = tpu.memref_squeeze %dma_wait3A_1127 : memref<1x8x64xf32, #tpu.memory_space<vmem>> -> memref<8x64xf32, #tpu.memory_space<vmem>>
      %dma_wait3A_1129 = arith.constant 0 : i32
      %dma_wait3A_1130 = arith.constant 0 : i32
      %dma_wait3A_1131 = tpu.memref_slice %arg6[%squeeze3A_226, %dma_wait3A_1129, %dma_wait3A_1130] : memref<125000x8x64xf32, #tpu.memory_space<hbm>> -> memref<1x8x64xf32, #tpu.memory_space<hbm>>
      %dma_wait3A_1132 = tpu.memref_squeeze %dma_wait3A_1131 : memref<1x8x64xf32, #tpu.memory_space<hbm>> -> memref<8x64xf32, #tpu.memory_space<hbm>>
      tpu.wait_dma2 semaphore(%arg17 : memref<!tpu.dma_semaphore, #tpu.memory_space<semaphore_mem>>) src(%dma_wait3A_1132 : memref<8x64xf32, #tpu.memory_space<hbm>>) dst(%dma_wait3A_1128 : memref<8x64xf32, #tpu.memory_space<vmem>>)
      %dma_wait3A_1133 = arith.constant 3 : i32
      %dma_wait3A_1134 = arith.constant 0 : i32
      %dma_wait3A_1135 = arith.constant 0 : i32
      %dma_wait3A_1136 = tpu.memref_slice %arg14[%dma_wait3A_1133, %dma_wait3A_1134, %dma_wait3A_1135] : memref<16x8x64xf32, #tpu.memory_space<vmem>> -> memref<1x8x64xf32, #tpu.memory_space<vmem>>
      %dma_wait3A_1137 = tpu.memref_squeeze %dma_wait3A_1136 : memref<1x8x64xf32, #tpu.memory_space<vmem>> -> memref<8x64xf32, #tpu.memory_space<vmem>>
      %dma_wait3A_1138 = arith.constant 0 : i32
      %dma_wait3A_1139 = arith.constant 0 : i32
      %dma_wait3A_1140 = tpu.memref_slice %arg6[%squeeze3A_245, %dma_wait3A_1138, %dma_wait3A_1139] : memref<125000x8x64xf32, #tpu.memory_space<hbm>> -> memref<1x8x64xf32, #tpu.memory_space<hbm>>
      %dma_wait3A_1141 = tpu.memref_squeeze %dma_wait3A_1140 : memref<1x8x64xf32, #tpu.memory_space<hbm>> -> memref<8x64xf32, #tpu.memory_space<hbm>>
      %dma_wait3A_1142 = arith.constant 0 : i32
      %dma_wait3A_1143 = arith.constant 0 : i32
      %dma_wait3A_1144 = tpu.memref_slice %arg14[%dma_wait3A_1133, %dma_wait3A_1142, %dma_wait3A_1143] : memref<16x8x64xf32, #tpu.memory_space<vmem>> -> memref<1x8x64xf32, #tpu.memory_space<vmem>>
      %dma_wait3A_1145 = tpu.memref_squeeze %dma_wait3A_1144 : memref<1x8x64xf32, #tpu.memory_space<vmem>> -> memref<8x64xf32, #tpu.memory_space<vmem>>
      %dma_wait3A_1146 = arith.constant 0 : i32
      %dma_wait3A_1147 = arith.constant 0 : i32
      %dma_wait3A_1148 = tpu.memref_slice %arg6[%squeeze3A_245, %dma_wait3A_1146, %dma_wait3A_1147] : memref<125000x8x64xf32, #tpu.memory_space<hbm>> -> memref<1x8x64xf32, #tpu.memory_space<hbm>>
      %dma_wait3A_1149 = tpu.memref_squeeze %dma_wait3A_1148 : memref<1x8x64xf32, #tpu.memory_space<hbm>> -> memref<8x64xf32, #tpu.memory_space<hbm>>
      tpu.wait_dma2 semaphore(%arg17 : memref<!tpu.dma_semaphore, #tpu.memory_space<semaphore_mem>>) src(%dma_wait3A_1149 : memref<8x64xf32, #tpu.memory_space<hbm>>) dst(%dma_wait3A_1145 : memref<8x64xf32, #tpu.memory_space<vmem>>)
      %dma_wait3A_1150 = arith.constant 4 : i32
      %dma_wait3A_1151 = arith.constant 0 : i32
      %dma_wait3A_1152 = arith.constant 0 : i32
      %dma_wait3A_1153 = tpu.memref_slice %arg12[%dma_wait3A_1150, %dma_wait3A_1151, %dma_wait3A_1152] : memref<16x8x64xf32, #tpu.memory_space<vmem>> -> memref<1x8x64xf32, #tpu.memory_space<vmem>>
      %dma_wait3A_1154 = tpu.memref_squeeze %dma_wait3A_1153 : memref<1x8x64xf32, #tpu.memory_space<vmem>> -> memref<8x64xf32, #tpu.memory_space<vmem>>
      %dma_wait3A_1155 = arith.constant 0 : i32
      %dma_wait3A_1156 = arith.constant 0 : i32
      %dma_wait3A_1157 = tpu.memref_slice %arg5[%squeeze3A_264, %dma_wait3A_1155, %dma_wait3A_1156] : memref<125000x8x64xf32, #tpu.memory_space<hbm>> -> memref<1x8x64xf32, #tpu.memory_space<hbm>>
      %dma_wait3A_1158 = tpu.memref_squeeze %dma_wait3A_1157 : memref<1x8x64xf32, #tpu.memory_space<hbm>> -> memref<8x64xf32, #tpu.memory_space<hbm>>
      %dma_wait3A_1159 = arith.constant 0 : i32
      %dma_wait3A_1160 = arith.constant 0 : i32
      %dma_wait3A_1161 = tpu.memref_slice %arg12[%dma_wait3A_1150, %dma_wait3A_1159, %dma_wait3A_1160] : memref<16x8x64xf32, #tpu.memory_space<vmem>> -> memref<1x8x64xf32, #tpu.memory_space<vmem>>
      %dma_wait3A_1162 = tpu.memref_squeeze %dma_wait3A_1161 : memref<1x8x64xf32, #tpu.memory_space<vmem>> -> memref<8x64xf32, #tpu.memory_space<vmem>>
      %dma_wait3A_1163 = arith.constant 0 : i32
      %dma_wait3A_1164 = arith.constant 0 : i32
      %dma_wait3A_1165 = tpu.memref_slice %arg5[%squeeze3A_264, %dma_wait3A_1163, %dma_wait3A_1164] : memref<125000x8x64xf32, #tpu.memory_space<hbm>> -> memref<1x8x64xf32, #tpu.memory_space<hbm>>
      %dma_wait3A_1166 = tpu.memref_squeeze %dma_wait3A_1165 : memref<1x8x64xf32, #tpu.memory_space<hbm>> -> memref<8x64xf32, #tpu.memory_space<hbm>>
      tpu.wait_dma2 semaphore(%arg17 : memref<!tpu.dma_semaphore, #tpu.memory_space<semaphore_mem>>) src(%dma_wait3A_1166 : memref<8x64xf32, #tpu.memory_space<hbm>>) dst(%dma_wait3A_1162 : memref<8x64xf32, #tpu.memory_space<vmem>>)
      %dma_wait3A_1167 = arith.constant 4 : i32
      %dma_wait3A_1168 = arith.constant 0 : i32
      %dma_wait3A_1169 = arith.constant 0 : i32
      %dma_wait3A_1170 = tpu.memref_slice %arg13[%dma_wait3A_1167, %dma_wait3A_1168, %dma_wait3A_1169] : memref<16x8x64xf32, #tpu.memory_space<vmem>> -> memref<1x8x64xf32, #tpu.memory_space<vmem>>
      %dma_wait3A_1171 = tpu.memref_squeeze %dma_wait3A_1170 : memref<1x8x64xf32, #tpu.memory_space<vmem>> -> memref<8x64xf32, #tpu.memory_space<vmem>>
      %dma_wait3A_1172 = arith.constant 0 : i32
      %dma_wait3A_1173 = arith.constant 0 : i32
      %dma_wait3A_1174 = tpu.memref_slice %arg6[%squeeze3A_283, %dma_wait3A_1172, %dma_wait3A_1173] : memref<125000x8x64xf32, #tpu.memory_space<hbm>> -> memref<1x8x64xf32, #tpu.memory_space<hbm>>
      %dma_wait3A_1175 = tpu.memref_squeeze %dma_wait3A_1174 : memref<1x8x64xf32, #tpu.memory_space<hbm>> -> memref<8x64xf32, #tpu.memory_space<hbm>>
      %dma_wait3A_1176 = arith.constant 0 : i32
      %dma_wait3A_1177 = arith.constant 0 : i32
      %dma_wait3A_1178 = tpu.memref_slice %arg13[%dma_wait3A_1167, %dma_wait3A_1176, %dma_wait3A_1177] : memref<16x8x64xf32, #tpu.memory_space<vmem>> -> memref<1x8x64xf32, #tpu.memory_space<vmem>>
      %dma_wait3A_1179 = tpu.memref_squeeze %dma_wait3A_1178 : memref<1x8x64xf32, #tpu.memory_space<vmem>> -> memref<8x64xf32, #tpu.memory_space<vmem>>
      %dma_wait3A_1180 = arith.constant 0 : i32
      %dma_wait3A_1181 = arith.constant 0 : i32
      %dma_wait3A_1182 = tpu.memref_slice %arg6[%squeeze3A_283, %dma_wait3A_1180, %dma_wait3A_1181] : memref<125000x8x64xf32, #tpu.memory_space<hbm>> -> memref<1x8x64xf32, #tpu.memory_space<hbm>>
      %dma_wait3A_1183 = tpu.memref_squeeze %dma_wait3A_1182 : memref<1x8x64xf32, #tpu.memory_space<hbm>> -> memref<8x64xf32, #tpu.memory_space<hbm>>
      tpu.wait_dma2 semaphore(%arg17 : memref<!tpu.dma_semaphore, #tpu.memory_space<semaphore_mem>>) src(%dma_wait3A_1183 : memref<8x64xf32, #tpu.memory_space<hbm>>) dst(%dma_wait3A_1179 : memref<8x64xf32, #tpu.memory_space<vmem>>)
      %dma_wait3A_1184 = arith.constant 4 : i32
      %dma_wait3A_1185 = arith.constant 0 : i32
      %dma_wait3A_1186 = arith.constant 0 : i32
      %dma_wait3A_1187 = tpu.memref_slice %arg14[%dma_wait3A_1184, %dma_wait3A_1185, %dma_wait3A_1186] : memref<16x8x64xf32, #tpu.memory_space<vmem>> -> memref<1x8x64xf32, #tpu.memory_space<vmem>>
      %dma_wait3A_1188 = tpu.memref_squeeze %dma_wait3A_1187 : memref<1x8x64xf32, #tpu.memory_space<vmem>> -> memref<8x64xf32, #tpu.memory_space<vmem>>
      %dma_wait3A_1189 = arith.constant 0 : i32
      %dma_wait3A_1190 = arith.constant 0 : i32
      %dma_wait3A_1191 = tpu.memref_slice %arg6[%squeeze3A_302, %dma_wait3A_1189, %dma_wait3A_1190] : memref<125000x8x64xf32, #tpu.memory_space<hbm>> -> memref<1x8x64xf32, #tpu.memory_space<hbm>>
      %dma_wait3A_1192 = tpu.memref_squeeze %dma_wait3A_1191 : memref<1x8x64xf32, #tpu.memory_space<hbm>> -> memref<8x64xf32, #tpu.memory_space<hbm>>
      %dma_wait3A_1193 = arith.constant 0 : i32
      %dma_wait3A_1194 = arith.constant 0 : i32
      %dma_wait3A_1195 = tpu.memref_slice %arg14[%dma_wait3A_1184, %dma_wait3A_1193, %dma_wait3A_1194] : memref<16x8x64xf32, #tpu.memory_space<vmem>> -> memref<1x8x64xf32, #tpu.memory_space<vmem>>
      %dma_wait3A_1196 = tpu.memref_squeeze %dma_wait3A_1195 : memref<1x8x64xf32, #tpu.memory_space<vmem>> -> memref<8x64xf32, #tpu.memory_space<vmem>>
      %dma_wait3A_1197 = arith.constant 0 : i32
      %dma_wait3A_1198 = arith.constant 0 : i32
      %dma_wait3A_1199 = tpu.memref_slice %arg6[%squeeze3A_302, %dma_wait3A_1197, %dma_wait3A_1198] : memref<125000x8x64xf32, #tpu.memory_space<hbm>> -> memref<1x8x64xf32, #tpu.memory_space<hbm>>
      %dma_wait3A_1200 = tpu.memref_squeeze %dma_wait3A_1199 : memref<1x8x64xf32, #tpu.memory_space<hbm>> -> memref<8x64xf32, #tpu.memory_space<hbm>>
      tpu.wait_dma2 semaphore(%arg17 : memref<!tpu.dma_semaphore, #tpu.memory_space<semaphore_mem>>) src(%dma_wait3A_1200 : memref<8x64xf32, #tpu.memory_space<hbm>>) dst(%dma_wait3A_1196 : memref<8x64xf32, #tpu.memory_space<vmem>>)
      %dma_wait3A_1201 = arith.constant 5 : i32
      %dma_wait3A_1202 = arith.constant 0 : i32
      %dma_wait3A_1203 = arith.constant 0 : i32
      %dma_wait3A_1204 = tpu.memref_slice %arg12[%dma_wait3A_1201, %dma_wait3A_1202, %dma_wait3A_1203] : memref<16x8x64xf32, #tpu.memory_space<vmem>> -> memref<1x8x64xf32, #tpu.memory_space<vmem>>
      %dma_wait3A_1205 = tpu.memref_squeeze %dma_wait3A_1204 : memref<1x8x64xf32, #tpu.memory_space<vmem>> -> memref<8x64xf32, #tpu.memory_space<vmem>>
      %dma_wait3A_1206 = arith.constant 0 : i32
      %dma_wait3A_1207 = arith.constant 0 : i32
      %dma_wait3A_1208 = tpu.memref_slice %arg5[%squeeze3A_321, %dma_wait3A_1206, %dma_wait3A_1207] : memref<125000x8x64xf32, #tpu.memory_space<hbm>> -> memref<1x8x64xf32, #tpu.memory_space<hbm>>
      %dma_wait3A_1209 = tpu.memref_squeeze %dma_wait3A_1208 : memref<1x8x64xf32, #tpu.memory_space<hbm>> -> memref<8x64xf32, #tpu.memory_space<hbm>>
      %dma_wait3A_1210 = arith.constant 0 : i32
      %dma_wait3A_1211 = arith.constant 0 : i32
      %dma_wait3A_1212 = tpu.memref_slice %arg12[%dma_wait3A_1201, %dma_wait3A_1210, %dma_wait3A_1211] : memref<16x8x64xf32, #tpu.memory_space<vmem>> -> memref<1x8x64xf32, #tpu.memory_space<vmem>>
      %dma_wait3A_1213 = tpu.memref_squeeze %dma_wait3A_1212 : memref<1x8x64xf32, #tpu.memory_space<vmem>> -> memref<8x64xf32, #tpu.memory_space<vmem>>
      %dma_wait3A_1214 = arith.constant 0 : i32
      %dma_wait3A_1215 = arith.constant 0 : i32
      %dma_wait3A_1216 = tpu.memref_slice %arg5[%squeeze3A_321, %dma_wait3A_1214, %dma_wait3A_1215] : memref<125000x8x64xf32, #tpu.memory_space<hbm>> -> memref<1x8x64xf32, #tpu.memory_space<hbm>>
      %dma_wait3A_1217 = tpu.memref_squeeze %dma_wait3A_1216 : memref<1x8x64xf32, #tpu.memory_space<hbm>> -> memref<8x64xf32, #tpu.memory_space<hbm>>
      tpu.wait_dma2 semaphore(%arg17 : memref<!tpu.dma_semaphore, #tpu.memory_space<semaphore_mem>>) src(%dma_wait3A_1217 : memref<8x64xf32, #tpu.memory_space<hbm>>) dst(%dma_wait3A_1213 : memref<8x64xf32, #tpu.memory_space<vmem>>)
      %dma_wait3A_1218 = arith.constant 5 : i32
      %dma_wait3A_1219 = arith.constant 0 : i32
      %dma_wait3A_1220 = arith.constant 0 : i32
      %dma_wait3A_1221 = tpu.memref_slice %arg13[%dma_wait3A_1218, %dma_wait3A_1219, %dma_wait3A_1220] : memref<16x8x64xf32, #tpu.memory_space<vmem>> -> memref<1x8x64xf32, #tpu.memory_space<vmem>>
      %dma_wait3A_1222 = tpu.memref_squeeze %dma_wait3A_1221 : memref<1x8x64xf32, #tpu.memory_space<vmem>> -> memref<8x64xf32, #tpu.memory_space<vmem>>
      %dma_wait3A_1223 = arith.constant 0 : i32
      %dma_wait3A_1224 = arith.constant 0 : i32
      %dma_wait3A_1225 = tpu.memref_slice %arg6[%squeeze3A_340, %dma_wait3A_1223, %dma_wait3A_1224] : memref<125000x8x64xf32, #tpu.memory_space<hbm>> -> memref<1x8x64xf32, #tpu.memory_space<hbm>>
      %dma_wait3A_1226 = tpu.memref_squeeze %dma_wait3A_1225 : memref<1x8x64xf32, #tpu.memory_space<hbm>> -> memref<8x64xf32, #tpu.memory_space<hbm>>
      %dma_wait3A_1227 = arith.constant 0 : i32
      %dma_wait3A_1228 = arith.constant 0 : i32
      %dma_wait3A_1229 = tpu.memref_slice %arg13[%dma_wait3A_1218, %dma_wait3A_1227, %dma_wait3A_1228] : memref<16x8x64xf32, #tpu.memory_space<vmem>> -> memref<1x8x64xf32, #tpu.memory_space<vmem>>
      %dma_wait3A_1230 = tpu.memref_squeeze %dma_wait3A_1229 : memref<1x8x64xf32, #tpu.memory_space<vmem>> -> memref<8x64xf32, #tpu.memory_space<vmem>>
      %dma_wait3A_1231 = arith.constant 0 : i32
      %dma_wait3A_1232 = arith.constant 0 : i32
      %dma_wait3A_1233 = tpu.memref_slice %arg6[%squeeze3A_340, %dma_wait3A_1231, %dma_wait3A_1232] : memref<125000x8x64xf32, #tpu.memory_space<hbm>> -> memref<1x8x64xf32, #tpu.memory_space<hbm>>
      %dma_wait3A_1234 = tpu.memref_squeeze %dma_wait3A_1233 : memref<1x8x64xf32, #tpu.memory_space<hbm>> -> memref<8x64xf32, #tpu.memory_space<hbm>>
      tpu.wait_dma2 semaphore(%arg17 : memref<!tpu.dma_semaphore, #tpu.memory_space<semaphore_mem>>) src(%dma_wait3A_1234 : memref<8x64xf32, #tpu.memory_space<hbm>>) dst(%dma_wait3A_1230 : memref<8x64xf32, #tpu.memory_space<vmem>>)
      %dma_wait3A_1235 = arith.constant 5 : i32
      %dma_wait3A_1236 = arith.constant 0 : i32
      %dma_wait3A_1237 = arith.constant 0 : i32
      %dma_wait3A_1238 = tpu.memref_slice %arg14[%dma_wait3A_1235, %dma_wait3A_1236, %dma_wait3A_1237] : memref<16x8x64xf32, #tpu.memory_space<vmem>> -> memref<1x8x64xf32, #tpu.memory_space<vmem>>
      %dma_wait3A_1239 = tpu.memref_squeeze %dma_wait3A_1238 : memref<1x8x64xf32, #tpu.memory_space<vmem>> -> memref<8x64xf32, #tpu.memory_space<vmem>>
      %dma_wait3A_1240 = arith.constant 0 : i32
      %dma_wait3A_1241 = arith.constant 0 : i32
      %dma_wait3A_1242 = tpu.memref_slice %arg6[%squeeze3A_359, %dma_wait3A_1240, %dma_wait3A_1241] : memref<125000x8x64xf32, #tpu.memory_space<hbm>> -> memref<1x8x64xf32, #tpu.memory_space<hbm>>
      %dma_wait3A_1243 = tpu.memref_squeeze %dma_wait3A_1242 : memref<1x8x64xf32, #tpu.memory_space<hbm>> -> memref<8x64xf32, #tpu.memory_space<hbm>>
      %dma_wait3A_1244 = arith.constant 0 : i32
      %dma_wait3A_1245 = arith.constant 0 : i32
      %dma_wait3A_1246 = tpu.memref_slice %arg14[%dma_wait3A_1235, %dma_wait3A_1244, %dma_wait3A_1245] : memref<16x8x64xf32, #tpu.memory_space<vmem>> -> memref<1x8x64xf32, #tpu.memory_space<vmem>>
      %dma_wait3A_1247 = tpu.memref_squeeze %dma_wait3A_1246 : memref<1x8x64xf32, #tpu.memory_space<vmem>> -> memref<8x64xf32, #tpu.memory_space<vmem>>
      %dma_wait3A_1248 = arith.constant 0 : i32
      %dma_wait3A_1249 = arith.constant 0 : i32
      %dma_wait3A_1250 = tpu.memref_slice %arg6[%squeeze3A_359, %dma_wait3A_1248, %dma_wait3A_1249] : memref<125000x8x64xf32, #tpu.memory_space<hbm>> -> memref<1x8x64xf32, #tpu.memory_space<hbm>>
      %dma_wait3A_1251 = tpu.memref_squeeze %dma_wait3A_1250 : memref<1x8x64xf32, #tpu.memory_space<hbm>> -> memref<8x64xf32, #tpu.memory_space<hbm>>
      tpu.wait_dma2 semaphore(%arg17 : memref<!tpu.dma_semaphore, #tpu.memory_space<semaphore_mem>>) src(%dma_wait3A_1251 : memref<8x64xf32, #tpu.memory_space<hbm>>) dst(%dma_wait3A_1247 : memref<8x64xf32, #tpu.memory_space<vmem>>)
      %dma_wait3A_1252 = arith.constant 6 : i32
      %dma_wait3A_1253 = arith.constant 0 : i32
      %dma_wait3A_1254 = arith.constant 0 : i32
      %dma_wait3A_1255 = tpu.memref_slice %arg12[%dma_wait3A_1252, %dma_wait3A_1253, %dma_wait3A_1254] : memref<16x8x64xf32, #tpu.memory_space<vmem>> -> memref<1x8x64xf32, #tpu.memory_space<vmem>>
      %dma_wait3A_1256 = tpu.memref_squeeze %dma_wait3A_1255 : memref<1x8x64xf32, #tpu.memory_space<vmem>> -> memref<8x64xf32, #tpu.memory_space<vmem>>
      %dma_wait3A_1257 = arith.constant 0 : i32
      %dma_wait3A_1258 = arith.constant 0 : i32
      %dma_wait3A_1259 = tpu.memref_slice %arg5[%squeeze3A_378, %dma_wait3A_1257, %dma_wait3A_1258] : memref<125000x8x64xf32, #tpu.memory_space<hbm>> -> memref<1x8x64xf32, #tpu.memory_space<hbm>>
      %dma_wait3A_1260 = tpu.memref_squeeze %dma_wait3A_1259 : memref<1x8x64xf32, #tpu.memory_space<hbm>> -> memref<8x64xf32, #tpu.memory_space<hbm>>
      %dma_wait3A_1261 = arith.constant 0 : i32
      %dma_wait3A_1262 = arith.constant 0 : i32
      %dma_wait3A_1263 = tpu.memref_slice %arg12[%dma_wait3A_1252, %dma_wait3A_1261, %dma_wait3A_1262] : memref<16x8x64xf32, #tpu.memory_space<vmem>> -> memref<1x8x64xf32, #tpu.memory_space<vmem>>
      %dma_wait3A_1264 = tpu.memref_squeeze %dma_wait3A_1263 : memref<1x8x64xf32, #tpu.memory_space<vmem>> -> memref<8x64xf32, #tpu.memory_space<vmem>>
      %dma_wait3A_1265 = arith.constant 0 : i32
      %dma_wait3A_1266 = arith.constant 0 : i32
      %dma_wait3A_1267 = tpu.memref_slice %arg5[%squeeze3A_378, %dma_wait3A_1265, %dma_wait3A_1266] : memref<125000x8x64xf32, #tpu.memory_space<hbm>> -> memref<1x8x64xf32, #tpu.memory_space<hbm>>
      %dma_wait3A_1268 = tpu.memref_squeeze %dma_wait3A_1267 : memref<1x8x64xf32, #tpu.memory_space<hbm>> -> memref<8x64xf32, #tpu.memory_space<hbm>>
      tpu.wait_dma2 semaphore(%arg17 : memref<!tpu.dma_semaphore, #tpu.memory_space<semaphore_mem>>) src(%dma_wait3A_1268 : memref<8x64xf32, #tpu.memory_space<hbm>>) dst(%dma_wait3A_1264 : memref<8x64xf32, #tpu.memory_space<vmem>>)
      %dma_wait3A_1269 = arith.constant 6 : i32
      %dma_wait3A_1270 = arith.constant 0 : i32
      %dma_wait3A_1271 = arith.constant 0 : i32
      %dma_wait3A_1272 = tpu.memref_slice %arg13[%dma_wait3A_1269, %dma_wait3A_1270, %dma_wait3A_1271] : memref<16x8x64xf32, #tpu.memory_space<vmem>> -> memref<1x8x64xf32, #tpu.memory_space<vmem>>
      %dma_wait3A_1273 = tpu.memref_squeeze %dma_wait3A_1272 : memref<1x8x64xf32, #tpu.memory_space<vmem>> -> memref<8x64xf32, #tpu.memory_space<vmem>>
      %dma_wait3A_1274 = arith.constant 0 : i32
      %dma_wait3A_1275 = arith.constant 0 : i32
      %dma_wait3A_1276 = tpu.memref_slice %arg6[%squeeze3A_397, %dma_wait3A_1274, %dma_wait3A_1275] : memref<125000x8x64xf32, #tpu.memory_space<hbm>> -> memref<1x8x64xf32, #tpu.memory_space<hbm>>
      %dma_wait3A_1277 = tpu.memref_squeeze %dma_wait3A_1276 : memref<1x8x64xf32, #tpu.memory_space<hbm>> -> memref<8x64xf32, #tpu.memory_space<hbm>>
      %dma_wait3A_1278 = arith.constant 0 : i32
      %dma_wait3A_1279 = arith.constant 0 : i32
      %dma_wait3A_1280 = tpu.memref_slice %arg13[%dma_wait3A_1269, %dma_wait3A_1278, %dma_wait3A_1279] : memref<16x8x64xf32, #tpu.memory_space<vmem>> -> memref<1x8x64xf32, #tpu.memory_space<vmem>>
      %dma_wait3A_1281 = tpu.memref_squeeze %dma_wait3A_1280 : memref<1x8x64xf32, #tpu.memory_space<vmem>> -> memref<8x64xf32, #tpu.memory_space<vmem>>
      %dma_wait3A_1282 = arith.constant 0 : i32
      %dma_wait3A_1283 = arith.constant 0 : i32
      %dma_wait3A_1284 = tpu.memref_slice %arg6[%squeeze3A_397, %dma_wait3A_1282, %dma_wait3A_1283] : memref<125000x8x64xf32, #tpu.memory_space<hbm>> -> memref<1x8x64xf32, #tpu.memory_space<hbm>>
      %dma_wait3A_1285 = tpu.memref_squeeze %dma_wait3A_1284 : memref<1x8x64xf32, #tpu.memory_space<hbm>> -> memref<8x64xf32, #tpu.memory_space<hbm>>
      tpu.wait_dma2 semaphore(%arg17 : memref<!tpu.dma_semaphore, #tpu.memory_space<semaphore_mem>>) src(%dma_wait3A_1285 : memref<8x64xf32, #tpu.memory_space<hbm>>) dst(%dma_wait3A_1281 : memref<8x64xf32, #tpu.memory_space<vmem>>)
      %dma_wait3A_1286 = arith.constant 6 : i32
      %dma_wait3A_1287 = arith.constant 0 : i32
      %dma_wait3A_1288 = arith.constant 0 : i32
      %dma_wait3A_1289 = tpu.memref_slice %arg14[%dma_wait3A_1286, %dma_wait3A_1287, %dma_wait3A_1288] : memref<16x8x64xf32, #tpu.memory_space<vmem>> -> memref<1x8x64xf32, #tpu.memory_space<vmem>>
      %dma_wait3A_1290 = tpu.memref_squeeze %dma_wait3A_1289 : memref<1x8x64xf32, #tpu.memory_space<vmem>> -> memref<8x64xf32, #tpu.memory_space<vmem>>
      %dma_wait3A_1291 = arith.constant 0 : i32
      %dma_wait3A_1292 = arith.constant 0 : i32
      %dma_wait3A_1293 = tpu.memref_slice %arg6[%squeeze3A_416, %dma_wait3A_1291, %dma_wait3A_1292] : memref<125000x8x64xf32, #tpu.memory_space<hbm>> -> memref<1x8x64xf32, #tpu.memory_space<hbm>>
      %dma_wait3A_1294 = tpu.memref_squeeze %dma_wait3A_1293 : memref<1x8x64xf32, #tpu.memory_space<hbm>> -> memref<8x64xf32, #tpu.memory_space<hbm>>
      %dma_wait3A_1295 = arith.constant 0 : i32
      %dma_wait3A_1296 = arith.constant 0 : i32
      %dma_wait3A_1297 = tpu.memref_slice %arg14[%dma_wait3A_1286, %dma_wait3A_1295, %dma_wait3A_1296] : memref<16x8x64xf32, #tpu.memory_space<vmem>> -> memref<1x8x64xf32, #tpu.memory_space<vmem>>
      %dma_wait3A_1298 = tpu.memref_squeeze %dma_wait3A_1297 : memref<1x8x64xf32, #tpu.memory_space<vmem>> -> memref<8x64xf32, #tpu.memory_space<vmem>>
      %dma_wait3A_1299 = arith.constant 0 : i32
      %dma_wait3A_1300 = arith.constant 0 : i32
      %dma_wait3A_1301 = tpu.memref_slice %arg6[%squeeze3A_416, %dma_wait3A_1299, %dma_wait3A_1300] : memref<125000x8x64xf32, #tpu.memory_space<hbm>> -> memref<1x8x64xf32, #tpu.memory_space<hbm>>
      %dma_wait3A_1302 = tpu.memref_squeeze %dma_wait3A_1301 : memref<1x8x64xf32, #tpu.memory_space<hbm>> -> memref<8x64xf32, #tpu.memory_space<hbm>>
      tpu.wait_dma2 semaphore(%arg17 : memref<!tpu.dma_semaphore, #tpu.memory_space<semaphore_mem>>) src(%dma_wait3A_1302 : memref<8x64xf32, #tpu.memory_space<hbm>>) dst(%dma_wait3A_1298 : memref<8x64xf32, #tpu.memory_space<vmem>>)
      %dma_wait3A_1303 = arith.constant 7 : i32
      %dma_wait3A_1304 = arith.constant 0 : i32
      %dma_wait3A_1305 = arith.constant 0 : i32
      %dma_wait3A_1306 = tpu.memref_slice %arg12[%dma_wait3A_1303, %dma_wait3A_1304, %dma_wait3A_1305] : memref<16x8x64xf32, #tpu.memory_space<vmem>> -> memref<1x8x64xf32, #tpu.memory_space<vmem>>
      %dma_wait3A_1307 = tpu.memref_squeeze %dma_wait3A_1306 : memref<1x8x64xf32, #tpu.memory_space<vmem>> -> memref<8x64xf32, #tpu.memory_space<vmem>>
      %dma_wait3A_1308 = arith.constant 0 : i32
      %dma_wait3A_1309 = arith.constant 0 : i32
      %dma_wait3A_1310 = tpu.memref_slice %arg5[%squeeze3A_435, %dma_wait3A_1308, %dma_wait3A_1309] : memref<125000x8x64xf32, #tpu.memory_space<hbm>> -> memref<1x8x64xf32, #tpu.memory_space<hbm>>
      %dma_wait3A_1311 = tpu.memref_squeeze %dma_wait3A_1310 : memref<1x8x64xf32, #tpu.memory_space<hbm>> -> memref<8x64xf32, #tpu.memory_space<hbm>>
      %dma_wait3A_1312 = arith.constant 0 : i32
      %dma_wait3A_1313 = arith.constant 0 : i32
      %dma_wait3A_1314 = tpu.memref_slice %arg12[%dma_wait3A_1303, %dma_wait3A_1312, %dma_wait3A_1313] : memref<16x8x64xf32, #tpu.memory_space<vmem>> -> memref<1x8x64xf32, #tpu.memory_space<vmem>>
      %dma_wait3A_1315 = tpu.memref_squeeze %dma_wait3A_1314 : memref<1x8x64xf32, #tpu.memory_space<vmem>> -> memref<8x64xf32, #tpu.memory_space<vmem>>
      %dma_wait3A_1316 = arith.constant 0 : i32
      %dma_wait3A_1317 = arith.constant 0 : i32
      %dma_wait3A_1318 = tpu.memref_slice %arg5[%squeeze3A_435, %dma_wait3A_1316, %dma_wait3A_1317] : memref<125000x8x64xf32, #tpu.memory_space<hbm>> -> memref<1x8x64xf32, #tpu.memory_space<hbm>>
      %dma_wait3A_1319 = tpu.memref_squeeze %dma_wait3A_1318 : memref<1x8x64xf32, #tpu.memory_space<hbm>> -> memref<8x64xf32, #tpu.memory_space<hbm>>
      tpu.wait_dma2 semaphore(%arg17 : memref<!tpu.dma_semaphore, #tpu.memory_space<semaphore_mem>>) src(%dma_wait3A_1319 : memref<8x64xf32, #tpu.memory_space<hbm>>) dst(%dma_wait3A_1315 : memref<8x64xf32, #tpu.memory_space<vmem>>)
      %dma_wait3A_1320 = arith.constant 7 : i32
      %dma_wait3A_1321 = arith.constant 0 : i32
      %dma_wait3A_1322 = arith.constant 0 : i32
      %dma_wait3A_1323 = tpu.memref_slice %arg13[%dma_wait3A_1320, %dma_wait3A_1321, %dma_wait3A_1322] : memref<16x8x64xf32, #tpu.memory_space<vmem>> -> memref<1x8x64xf32, #tpu.memory_space<vmem>>
      %dma_wait3A_1324 = tpu.memref_squeeze %dma_wait3A_1323 : memref<1x8x64xf32, #tpu.memory_space<vmem>> -> memref<8x64xf32, #tpu.memory_space<vmem>>
      %dma_wait3A_1325 = arith.constant 0 : i32
      %dma_wait3A_1326 = arith.constant 0 : i32
      %dma_wait3A_1327 = tpu.memref_slice %arg6[%squeeze3A_454, %dma_wait3A_1325, %dma_wait3A_1326] : memref<125000x8x64xf32, #tpu.memory_space<hbm>> -> memref<1x8x64xf32, #tpu.memory_space<hbm>>
      %dma_wait3A_1328 = tpu.memref_squeeze %dma_wait3A_1327 : memref<1x8x64xf32, #tpu.memory_space<hbm>> -> memref<8x64xf32, #tpu.memory_space<hbm>>
      %dma_wait3A_1329 = arith.constant 0 : i32
      %dma_wait3A_1330 = arith.constant 0 : i32
      %dma_wait3A_1331 = tpu.memref_slice %arg13[%dma_wait3A_1320, %dma_wait3A_1329, %dma_wait3A_1330] : memref<16x8x64xf32, #tpu.memory_space<vmem>> -> memref<1x8x64xf32, #tpu.memory_space<vmem>>
      %dma_wait3A_1332 = tpu.memref_squeeze %dma_wait3A_1331 : memref<1x8x64xf32, #tpu.memory_space<vmem>> -> memref<8x64xf32, #tpu.memory_space<vmem>>
      %dma_wait3A_1333 = arith.constant 0 : i32
      %dma_wait3A_1334 = arith.constant 0 : i32
      %dma_wait3A_1335 = tpu.memref_slice %arg6[%squeeze3A_454, %dma_wait3A_1333, %dma_wait3A_1334] : memref<125000x8x64xf32, #tpu.memory_space<hbm>> -> memref<1x8x64xf32, #tpu.memory_space<hbm>>
      %dma_wait3A_1336 = tpu.memref_squeeze %dma_wait3A_1335 : memref<1x8x64xf32, #tpu.memory_space<hbm>> -> memref<8x64xf32, #tpu.memory_space<hbm>>
      tpu.wait_dma2 semaphore(%arg17 : memref<!tpu.dma_semaphore, #tpu.memory_space<semaphore_mem>>) src(%dma_wait3A_1336 : memref<8x64xf32, #tpu.memory_space<hbm>>) dst(%dma_wait3A_1332 : memref<8x64xf32, #tpu.memory_space<vmem>>)
      %dma_wait3A_1337 = arith.constant 7 : i32
      %dma_wait3A_1338 = arith.constant 0 : i32
      %dma_wait3A_1339 = arith.constant 0 : i32
      %dma_wait3A_1340 = tpu.memref_slice %arg14[%dma_wait3A_1337, %dma_wait3A_1338, %dma_wait3A_1339] : memref<16x8x64xf32, #tpu.memory_space<vmem>> -> memref<1x8x64xf32, #tpu.memory_space<vmem>>
      %dma_wait3A_1341 = tpu.memref_squeeze %dma_wait3A_1340 : memref<1x8x64xf32, #tpu.memory_space<vmem>> -> memref<8x64xf32, #tpu.memory_space<vmem>>
      %dma_wait3A_1342 = arith.constant 0 : i32
      %dma_wait3A_1343 = arith.constant 0 : i32
      %dma_wait3A_1344 = tpu.memref_slice %arg6[%squeeze3A_473, %dma_wait3A_1342, %dma_wait3A_1343] : memref<125000x8x64xf32, #tpu.memory_space<hbm>> -> memref<1x8x64xf32, #tpu.memory_space<hbm>>
      %dma_wait3A_1345 = tpu.memref_squeeze %dma_wait3A_1344 : memref<1x8x64xf32, #tpu.memory_space<hbm>> -> memref<8x64xf32, #tpu.memory_space<hbm>>
      %dma_wait3A_1346 = arith.constant 0 : i32
      %dma_wait3A_1347 = arith.constant 0 : i32
      %dma_wait3A_1348 = tpu.memref_slice %arg14[%dma_wait3A_1337, %dma_wait3A_1346, %dma_wait3A_1347] : memref<16x8x64xf32, #tpu.memory_space<vmem>> -> memref<1x8x64xf32, #tpu.memory_space<vmem>>
      %dma_wait3A_1349 = tpu.memref_squeeze %dma_wait3A_1348 : memref<1x8x64xf32, #tpu.memory_space<vmem>> -> memref<8x64xf32, #tpu.memory_space<vmem>>
      %dma_wait3A_1350 = arith.constant 0 : i32
      %dma_wait3A_1351 = arith.constant 0 : i32
      %dma_wait3A_1352 = tpu.memref_slice %arg6[%squeeze3A_473, %dma_wait3A_1350, %dma_wait3A_1351] : memref<125000x8x64xf32, #tpu.memory_space<hbm>> -> memref<1x8x64xf32, #tpu.memory_space<hbm>>
      %dma_wait3A_1353 = tpu.memref_squeeze %dma_wait3A_1352 : memref<1x8x64xf32, #tpu.memory_space<hbm>> -> memref<8x64xf32, #tpu.memory_space<hbm>>
      tpu.wait_dma2 semaphore(%arg17 : memref<!tpu.dma_semaphore, #tpu.memory_space<semaphore_mem>>) src(%dma_wait3A_1353 : memref<8x64xf32, #tpu.memory_space<hbm>>) dst(%dma_wait3A_1349 : memref<8x64xf32, #tpu.memory_space<vmem>>)
      %dma_wait3A_1354 = arith.constant 8 : i32
      %dma_wait3A_1355 = arith.constant 0 : i32
      %dma_wait3A_1356 = arith.constant 0 : i32
      %dma_wait3A_1357 = tpu.memref_slice %arg12[%dma_wait3A_1354, %dma_wait3A_1355, %dma_wait3A_1356] : memref<16x8x64xf32, #tpu.memory_space<vmem>> -> memref<1x8x64xf32, #tpu.memory_space<vmem>>
      %dma_wait3A_1358 = tpu.memref_squeeze %dma_wait3A_1357 : memref<1x8x64xf32, #tpu.memory_space<vmem>> -> memref<8x64xf32, #tpu.memory_space<vmem>>
      %dma_wait3A_1359 = arith.constant 0 : i32
      %dma_wait3A_1360 = arith.constant 0 : i32
      %dma_wait3A_1361 = tpu.memref_slice %arg5[%squeeze3A_492, %dma_wait3A_1359, %dma_wait3A_1360] : memref<125000x8x64xf32, #tpu.memory_space<hbm>> -> memref<1x8x64xf32, #tpu.memory_space<hbm>>
      %dma_wait3A_1362 = tpu.memref_squeeze %dma_wait3A_1361 : memref<1x8x64xf32, #tpu.memory_space<hbm>> -> memref<8x64xf32, #tpu.memory_space<hbm>>
      %dma_wait3A_1363 = arith.constant 0 : i32
      %dma_wait3A_1364 = arith.constant 0 : i32
      %dma_wait3A_1365 = tpu.memref_slice %arg12[%dma_wait3A_1354, %dma_wait3A_1363, %dma_wait3A_1364] : memref<16x8x64xf32, #tpu.memory_space<vmem>> -> memref<1x8x64xf32, #tpu.memory_space<vmem>>
      %dma_wait3A_1366 = tpu.memref_squeeze %dma_wait3A_1365 : memref<1x8x64xf32, #tpu.memory_space<vmem>> -> memref<8x64xf32, #tpu.memory_space<vmem>>
      %dma_wait3A_1367 = arith.constant 0 : i32
      %dma_wait3A_1368 = arith.constant 0 : i32
      %dma_wait3A_1369 = tpu.memref_slice %arg5[%squeeze3A_492, %dma_wait3A_1367, %dma_wait3A_1368] : memref<125000x8x64xf32, #tpu.memory_space<hbm>> -> memref<1x8x64xf32, #tpu.memory_space<hbm>>
      %dma_wait3A_1370 = tpu.memref_squeeze %dma_wait3A_1369 : memref<1x8x64xf32, #tpu.memory_space<hbm>> -> memref<8x64xf32, #tpu.memory_space<hbm>>
      tpu.wait_dma2 semaphore(%arg17 : memref<!tpu.dma_semaphore, #tpu.memory_space<semaphore_mem>>) src(%dma_wait3A_1370 : memref<8x64xf32, #tpu.memory_space<hbm>>) dst(%dma_wait3A_1366 : memref<8x64xf32, #tpu.memory_space<vmem>>)
      %dma_wait3A_1371 = arith.constant 8 : i32
      %dma_wait3A_1372 = arith.constant 0 : i32
      %dma_wait3A_1373 = arith.constant 0 : i32
      %dma_wait3A_1374 = tpu.memref_slice %arg13[%dma_wait3A_1371, %dma_wait3A_1372, %dma_wait3A_1373] : memref<16x8x64xf32, #tpu.memory_space<vmem>> -> memref<1x8x64xf32, #tpu.memory_space<vmem>>
      %dma_wait3A_1375 = tpu.memref_squeeze %dma_wait3A_1374 : memref<1x8x64xf32, #tpu.memory_space<vmem>> -> memref<8x64xf32, #tpu.memory_space<vmem>>
      %dma_wait3A_1376 = arith.constant 0 : i32
      %dma_wait3A_1377 = arith.constant 0 : i32
      %dma_wait3A_1378 = tpu.memref_slice %arg6[%squeeze3A_511, %dma_wait3A_1376, %dma_wait3A_1377] : memref<125000x8x64xf32, #tpu.memory_space<hbm>> -> memref<1x8x64xf32, #tpu.memory_space<hbm>>
      %dma_wait3A_1379 = tpu.memref_squeeze %dma_wait3A_1378 : memref<1x8x64xf32, #tpu.memory_space<hbm>> -> memref<8x64xf32, #tpu.memory_space<hbm>>
      %dma_wait3A_1380 = arith.constant 0 : i32
      %dma_wait3A_1381 = arith.constant 0 : i32
      %dma_wait3A_1382 = tpu.memref_slice %arg13[%dma_wait3A_1371, %dma_wait3A_1380, %dma_wait3A_1381] : memref<16x8x64xf32, #tpu.memory_space<vmem>> -> memref<1x8x64xf32, #tpu.memory_space<vmem>>
      %dma_wait3A_1383 = tpu.memref_squeeze %dma_wait3A_1382 : memref<1x8x64xf32, #tpu.memory_space<vmem>> -> memref<8x64xf32, #tpu.memory_space<vmem>>
      %dma_wait3A_1384 = arith.constant 0 : i32
      %dma_wait3A_1385 = arith.constant 0 : i32
      %dma_wait3A_1386 = tpu.memref_slice %arg6[%squeeze3A_511, %dma_wait3A_1384, %dma_wait3A_1385] : memref<125000x8x64xf32, #tpu.memory_space<hbm>> -> memref<1x8x64xf32, #tpu.memory_space<hbm>>
      %dma_wait3A_1387 = tpu.memref_squeeze %dma_wait3A_1386 : memref<1x8x64xf32, #tpu.memory_space<hbm>> -> memref<8x64xf32, #tpu.memory_space<hbm>>
      tpu.wait_dma2 semaphore(%arg17 : memref<!tpu.dma_semaphore, #tpu.memory_space<semaphore_mem>>) src(%dma_wait3A_1387 : memref<8x64xf32, #tpu.memory_space<hbm>>) dst(%dma_wait3A_1383 : memref<8x64xf32, #tpu.memory_space<vmem>>)
      %dma_wait3A_1388 = arith.constant 8 : i32
      %dma_wait3A_1389 = arith.constant 0 : i32
      %dma_wait3A_1390 = arith.constant 0 : i32
      %dma_wait3A_1391 = tpu.memref_slice %arg14[%dma_wait3A_1388, %dma_wait3A_1389, %dma_wait3A_1390] : memref<16x8x64xf32, #tpu.memory_space<vmem>> -> memref<1x8x64xf32, #tpu.memory_space<vmem>>
      %dma_wait3A_1392 = tpu.memref_squeeze %dma_wait3A_1391 : memref<1x8x64xf32, #tpu.memory_space<vmem>> -> memref<8x64xf32, #tpu.memory_space<vmem>>
      %dma_wait3A_1393 = arith.constant 0 : i32
      %dma_wait3A_1394 = arith.constant 0 : i32
      %dma_wait3A_1395 = tpu.memref_slice %arg6[%squeeze3A_530, %dma_wait3A_1393, %dma_wait3A_1394] : memref<125000x8x64xf32, #tpu.memory_space<hbm>> -> memref<1x8x64xf32, #tpu.memory_space<hbm>>
      %dma_wait3A_1396 = tpu.memref_squeeze %dma_wait3A_1395 : memref<1x8x64xf32, #tpu.memory_space<hbm>> -> memref<8x64xf32, #tpu.memory_space<hbm>>
      %dma_wait3A_1397 = arith.constant 0 : i32
      %dma_wait3A_1398 = arith.constant 0 : i32
      %dma_wait3A_1399 = tpu.memref_slice %arg14[%dma_wait3A_1388, %dma_wait3A_1397, %dma_wait3A_1398] : memref<16x8x64xf32, #tpu.memory_space<vmem>> -> memref<1x8x64xf32, #tpu.memory_space<vmem>>
      %dma_wait3A_1400 = tpu.memref_squeeze %dma_wait3A_1399 : memref<1x8x64xf32, #tpu.memory_space<vmem>> -> memref<8x64xf32, #tpu.memory_space<vmem>>
      %dma_wait3A_1401 = arith.constant 0 : i32
      %dma_wait3A_1402 = arith.constant 0 : i32
      %dma_wait3A_1403 = tpu.memref_slice %arg6[%squeeze3A_530, %dma_wait3A_1401, %dma_wait3A_1402] : memref<125000x8x64xf32, #tpu.memory_space<hbm>> -> memref<1x8x64xf32, #tpu.memory_space<hbm>>
      %dma_wait3A_1404 = tpu.memref_squeeze %dma_wait3A_1403 : memref<1x8x64xf32, #tpu.memory_space<hbm>> -> memref<8x64xf32, #tpu.memory_space<hbm>>
      tpu.wait_dma2 semaphore(%arg17 : memref<!tpu.dma_semaphore, #tpu.memory_space<semaphore_mem>>) src(%dma_wait3A_1404 : memref<8x64xf32, #tpu.memory_space<hbm>>) dst(%dma_wait3A_1400 : memref<8x64xf32, #tpu.memory_space<vmem>>)
      %dma_wait3A_1405 = arith.constant 9 : i32
      %dma_wait3A_1406 = arith.constant 0 : i32
      %dma_wait3A_1407 = arith.constant 0 : i32
      %dma_wait3A_1408 = tpu.memref_slice %arg12[%dma_wait3A_1405, %dma_wait3A_1406, %dma_wait3A_1407] : memref<16x8x64xf32, #tpu.memory_space<vmem>> -> memref<1x8x64xf32, #tpu.memory_space<vmem>>
      %dma_wait3A_1409 = tpu.memref_squeeze %dma_wait3A_1408 : memref<1x8x64xf32, #tpu.memory_space<vmem>> -> memref<8x64xf32, #tpu.memory_space<vmem>>
      %dma_wait3A_1410 = arith.constant 0 : i32
      %dma_wait3A_1411 = arith.constant 0 : i32
      %dma_wait3A_1412 = tpu.memref_slice %arg5[%squeeze3A_549, %dma_wait3A_1410, %dma_wait3A_1411] : memref<125000x8x64xf32, #tpu.memory_space<hbm>> -> memref<1x8x64xf32, #tpu.memory_space<hbm>>
      %dma_wait3A_1413 = tpu.memref_squeeze %dma_wait3A_1412 : memref<1x8x64xf32, #tpu.memory_space<hbm>> -> memref<8x64xf32, #tpu.memory_space<hbm>>
      %dma_wait3A_1414 = arith.constant 0 : i32
      %dma_wait3A_1415 = arith.constant 0 : i32
      %dma_wait3A_1416 = tpu.memref_slice %arg12[%dma_wait3A_1405, %dma_wait3A_1414, %dma_wait3A_1415] : memref<16x8x64xf32, #tpu.memory_space<vmem>> -> memref<1x8x64xf32, #tpu.memory_space<vmem>>
      %dma_wait3A_1417 = tpu.memref_squeeze %dma_wait3A_1416 : memref<1x8x64xf32, #tpu.memory_space<vmem>> -> memref<8x64xf32, #tpu.memory_space<vmem>>
      %dma_wait3A_1418 = arith.constant 0 : i32
      %dma_wait3A_1419 = arith.constant 0 : i32
      %dma_wait3A_1420 = tpu.memref_slice %arg5[%squeeze3A_549, %dma_wait3A_1418, %dma_wait3A_1419] : memref<125000x8x64xf32, #tpu.memory_space<hbm>> -> memref<1x8x64xf32, #tpu.memory_space<hbm>>
      %dma_wait3A_1421 = tpu.memref_squeeze %dma_wait3A_1420 : memref<1x8x64xf32, #tpu.memory_space<hbm>> -> memref<8x64xf32, #tpu.memory_space<hbm>>
      tpu.wait_dma2 semaphore(%arg17 : memref<!tpu.dma_semaphore, #tpu.memory_space<semaphore_mem>>) src(%dma_wait3A_1421 : memref<8x64xf32, #tpu.memory_space<hbm>>) dst(%dma_wait3A_1417 : memref<8x64xf32, #tpu.memory_space<vmem>>)
      %dma_wait3A_1422 = arith.constant 9 : i32
      %dma_wait3A_1423 = arith.constant 0 : i32
      %dma_wait3A_1424 = arith.constant 0 : i32
      %dma_wait3A_1425 = tpu.memref_slice %arg13[%dma_wait3A_1422, %dma_wait3A_1423, %dma_wait3A_1424] : memref<16x8x64xf32, #tpu.memory_space<vmem>> -> memref<1x8x64xf32, #tpu.memory_space<vmem>>
      %dma_wait3A_1426 = tpu.memref_squeeze %dma_wait3A_1425 : memref<1x8x64xf32, #tpu.memory_space<vmem>> -> memref<8x64xf32, #tpu.memory_space<vmem>>
      %dma_wait3A_1427 = arith.constant 0 : i32
      %dma_wait3A_1428 = arith.constant 0 : i32
      %dma_wait3A_1429 = tpu.memref_slice %arg6[%squeeze3A_568, %dma_wait3A_1427, %dma_wait3A_1428] : memref<125000x8x64xf32, #tpu.memory_space<hbm>> -> memref<1x8x64xf32, #tpu.memory_space<hbm>>
      %dma_wait3A_1430 = tpu.memref_squeeze %dma_wait3A_1429 : memref<1x8x64xf32, #tpu.memory_space<hbm>> -> memref<8x64xf32, #tpu.memory_space<hbm>>
      %dma_wait3A_1431 = arith.constant 0 : i32
      %dma_wait3A_1432 = arith.constant 0 : i32
      %dma_wait3A_1433 = tpu.memref_slice %arg13[%dma_wait3A_1422, %dma_wait3A_1431, %dma_wait3A_1432] : memref<16x8x64xf32, #tpu.memory_space<vmem>> -> memref<1x8x64xf32, #tpu.memory_space<vmem>>
      %dma_wait3A_1434 = tpu.memref_squeeze %dma_wait3A_1433 : memref<1x8x64xf32, #tpu.memory_space<vmem>> -> memref<8x64xf32, #tpu.memory_space<vmem>>
      %dma_wait3A_1435 = arith.constant 0 : i32
      %dma_wait3A_1436 = arith.constant 0 : i32
      %dma_wait3A_1437 = tpu.memref_slice %arg6[%squeeze3A_568, %dma_wait3A_1435, %dma_wait3A_1436] : memref<125000x8x64xf32, #tpu.memory_space<hbm>> -> memref<1x8x64xf32, #tpu.memory_space<hbm>>
      %dma_wait3A_1438 = tpu.memref_squeeze %dma_wait3A_1437 : memref<1x8x64xf32, #tpu.memory_space<hbm>> -> memref<8x64xf32, #tpu.memory_space<hbm>>
      tpu.wait_dma2 semaphore(%arg17 : memref<!tpu.dma_semaphore, #tpu.memory_space<semaphore_mem>>) src(%dma_wait3A_1438 : memref<8x64xf32, #tpu.memory_space<hbm>>) dst(%dma_wait3A_1434 : memref<8x64xf32, #tpu.memory_space<vmem>>)
      %dma_wait3A_1439 = arith.constant 9 : i32
      %dma_wait3A_1440 = arith.constant 0 : i32
      %dma_wait3A_1441 = arith.constant 0 : i32
      %dma_wait3A_1442 = tpu.memref_slice %arg14[%dma_wait3A_1439, %dma_wait3A_1440, %dma_wait3A_1441] : memref<16x8x64xf32, #tpu.memory_space<vmem>> -> memref<1x8x64xf32, #tpu.memory_space<vmem>>
      %dma_wait3A_1443 = tpu.memref_squeeze %dma_wait3A_1442 : memref<1x8x64xf32, #tpu.memory_space<vmem>> -> memref<8x64xf32, #tpu.memory_space<vmem>>
      %dma_wait3A_1444 = arith.constant 0 : i32
      %dma_wait3A_1445 = arith.constant 0 : i32
      %dma_wait3A_1446 = tpu.memref_slice %arg6[%squeeze3A_587, %dma_wait3A_1444, %dma_wait3A_1445] : memref<125000x8x64xf32, #tpu.memory_space<hbm>> -> memref<1x8x64xf32, #tpu.memory_space<hbm>>
      %dma_wait3A_1447 = tpu.memref_squeeze %dma_wait3A_1446 : memref<1x8x64xf32, #tpu.memory_space<hbm>> -> memref<8x64xf32, #tpu.memory_space<hbm>>
      %dma_wait3A_1448 = arith.constant 0 : i32
      %dma_wait3A_1449 = arith.constant 0 : i32
      %dma_wait3A_1450 = tpu.memref_slice %arg14[%dma_wait3A_1439, %dma_wait3A_1448, %dma_wait3A_1449] : memref<16x8x64xf32, #tpu.memory_space<vmem>> -> memref<1x8x64xf32, #tpu.memory_space<vmem>>
      %dma_wait3A_1451 = tpu.memref_squeeze %dma_wait3A_1450 : memref<1x8x64xf32, #tpu.memory_space<vmem>> -> memref<8x64xf32, #tpu.memory_space<vmem>>
      %dma_wait3A_1452 = arith.constant 0 : i32
      %dma_wait3A_1453 = arith.constant 0 : i32
      %dma_wait3A_1454 = tpu.memref_slice %arg6[%squeeze3A_587, %dma_wait3A_1452, %dma_wait3A_1453] : memref<125000x8x64xf32, #tpu.memory_space<hbm>> -> memref<1x8x64xf32, #tpu.memory_space<hbm>>
      %dma_wait3A_1455 = tpu.memref_squeeze %dma_wait3A_1454 : memref<1x8x64xf32, #tpu.memory_space<hbm>> -> memref<8x64xf32, #tpu.memory_space<hbm>>
      tpu.wait_dma2 semaphore(%arg17 : memref<!tpu.dma_semaphore, #tpu.memory_space<semaphore_mem>>) src(%dma_wait3A_1455 : memref<8x64xf32, #tpu.memory_space<hbm>>) dst(%dma_wait3A_1451 : memref<8x64xf32, #tpu.memory_space<vmem>>)
      %dma_wait3A_1456 = arith.constant 10 : i32
      %dma_wait3A_1457 = arith.constant 0 : i32
      %dma_wait3A_1458 = arith.constant 0 : i32
      %dma_wait3A_1459 = tpu.memref_slice %arg12[%dma_wait3A_1456, %dma_wait3A_1457, %dma_wait3A_1458] : memref<16x8x64xf32, #tpu.memory_space<vmem>> -> memref<1x8x64xf32, #tpu.memory_space<vmem>>
      %dma_wait3A_1460 = tpu.memref_squeeze %dma_wait3A_1459 : memref<1x8x64xf32, #tpu.memory_space<vmem>> -> memref<8x64xf32, #tpu.memory_space<vmem>>
      %dma_wait3A_1461 = arith.constant 0 : i32
      %dma_wait3A_1462 = arith.constant 0 : i32
      %dma_wait3A_1463 = tpu.memref_slice %arg5[%squeeze3A_606, %dma_wait3A_1461, %dma_wait3A_1462] : memref<125000x8x64xf32, #tpu.memory_space<hbm>> -> memref<1x8x64xf32, #tpu.memory_space<hbm>>
      %dma_wait3A_1464 = tpu.memref_squeeze %dma_wait3A_1463 : memref<1x8x64xf32, #tpu.memory_space<hbm>> -> memref<8x64xf32, #tpu.memory_space<hbm>>
      %dma_wait3A_1465 = arith.constant 0 : i32
      %dma_wait3A_1466 = arith.constant 0 : i32
      %dma_wait3A_1467 = tpu.memref_slice %arg12[%dma_wait3A_1456, %dma_wait3A_1465, %dma_wait3A_1466] : memref<16x8x64xf32, #tpu.memory_space<vmem>> -> memref<1x8x64xf32, #tpu.memory_space<vmem>>
      %dma_wait3A_1468 = tpu.memref_squeeze %dma_wait3A_1467 : memref<1x8x64xf32, #tpu.memory_space<vmem>> -> memref<8x64xf32, #tpu.memory_space<vmem>>
      %dma_wait3A_1469 = arith.constant 0 : i32
      %dma_wait3A_1470 = arith.constant 0 : i32
      %dma_wait3A_1471 = tpu.memref_slice %arg5[%squeeze3A_606, %dma_wait3A_1469, %dma_wait3A_1470] : memref<125000x8x64xf32, #tpu.memory_space<hbm>> -> memref<1x8x64xf32, #tpu.memory_space<hbm>>
      %dma_wait3A_1472 = tpu.memref_squeeze %dma_wait3A_1471 : memref<1x8x64xf32, #tpu.memory_space<hbm>> -> memref<8x64xf32, #tpu.memory_space<hbm>>
      tpu.wait_dma2 semaphore(%arg17 : memref<!tpu.dma_semaphore, #tpu.memory_space<semaphore_mem>>) src(%dma_wait3A_1472 : memref<8x64xf32, #tpu.memory_space<hbm>>) dst(%dma_wait3A_1468 : memref<8x64xf32, #tpu.memory_space<vmem>>)
      %dma_wait3A_1473 = arith.constant 10 : i32
      %dma_wait3A_1474 = arith.constant 0 : i32
      %dma_wait3A_1475 = arith.constant 0 : i32
      %dma_wait3A_1476 = tpu.memref_slice %arg13[%dma_wait3A_1473, %dma_wait3A_1474, %dma_wait3A_1475] : memref<16x8x64xf32, #tpu.memory_space<vmem>> -> memref<1x8x64xf32, #tpu.memory_space<vmem>>
      %dma_wait3A_1477 = tpu.memref_squeeze %dma_wait3A_1476 : memref<1x8x64xf32, #tpu.memory_space<vmem>> -> memref<8x64xf32, #tpu.memory_space<vmem>>
      %dma_wait3A_1478 = arith.constant 0 : i32
      %dma_wait3A_1479 = arith.constant 0 : i32
      %dma_wait3A_1480 = tpu.memref_slice %arg6[%squeeze3A_625, %dma_wait3A_1478, %dma_wait3A_1479] : memref<125000x8x64xf32, #tpu.memory_space<hbm>> -> memref<1x8x64xf32, #tpu.memory_space<hbm>>
      %dma_wait3A_1481 = tpu.memref_squeeze %dma_wait3A_1480 : memref<1x8x64xf32, #tpu.memory_space<hbm>> -> memref<8x64xf32, #tpu.memory_space<hbm>>
      %dma_wait3A_1482 = arith.constant 0 : i32
      %dma_wait3A_1483 = arith.constant 0 : i32
      %dma_wait3A_1484 = tpu.memref_slice %arg13[%dma_wait3A_1473, %dma_wait3A_1482, %dma_wait3A_1483] : memref<16x8x64xf32, #tpu.memory_space<vmem>> -> memref<1x8x64xf32, #tpu.memory_space<vmem>>
      %dma_wait3A_1485 = tpu.memref_squeeze %dma_wait3A_1484 : memref<1x8x64xf32, #tpu.memory_space<vmem>> -> memref<8x64xf32, #tpu.memory_space<vmem>>
      %dma_wait3A_1486 = arith.constant 0 : i32
      %dma_wait3A_1487 = arith.constant 0 : i32
      %dma_wait3A_1488 = tpu.memref_slice %arg6[%squeeze3A_625, %dma_wait3A_1486, %dma_wait3A_1487] : memref<125000x8x64xf32, #tpu.memory_space<hbm>> -> memref<1x8x64xf32, #tpu.memory_space<hbm>>
      %dma_wait3A_1489 = tpu.memref_squeeze %dma_wait3A_1488 : memref<1x8x64xf32, #tpu.memory_space<hbm>> -> memref<8x64xf32, #tpu.memory_space<hbm>>
      tpu.wait_dma2 semaphore(%arg17 : memref<!tpu.dma_semaphore, #tpu.memory_space<semaphore_mem>>) src(%dma_wait3A_1489 : memref<8x64xf32, #tpu.memory_space<hbm>>) dst(%dma_wait3A_1485 : memref<8x64xf32, #tpu.memory_space<vmem>>)
      %dma_wait3A_1490 = arith.constant 10 : i32
      %dma_wait3A_1491 = arith.constant 0 : i32
      %dma_wait3A_1492 = arith.constant 0 : i32
      %dma_wait3A_1493 = tpu.memref_slice %arg14[%dma_wait3A_1490, %dma_wait3A_1491, %dma_wait3A_1492] : memref<16x8x64xf32, #tpu.memory_space<vmem>> -> memref<1x8x64xf32, #tpu.memory_space<vmem>>
      %dma_wait3A_1494 = tpu.memref_squeeze %dma_wait3A_1493 : memref<1x8x64xf32, #tpu.memory_space<vmem>> -> memref<8x64xf32, #tpu.memory_space<vmem>>
      %dma_wait3A_1495 = arith.constant 0 : i32
      %dma_wait3A_1496 = arith.constant 0 : i32
      %dma_wait3A_1497 = tpu.memref_slice %arg6[%squeeze3A_644, %dma_wait3A_1495, %dma_wait3A_1496] : memref<125000x8x64xf32, #tpu.memory_space<hbm>> -> memref<1x8x64xf32, #tpu.memory_space<hbm>>
      %dma_wait3A_1498 = tpu.memref_squeeze %dma_wait3A_1497 : memref<1x8x64xf32, #tpu.memory_space<hbm>> -> memref<8x64xf32, #tpu.memory_space<hbm>>
      %dma_wait3A_1499 = arith.constant 0 : i32
      %dma_wait3A_1500 = arith.constant 0 : i32
      %dma_wait3A_1501 = tpu.memref_slice %arg14[%dma_wait3A_1490, %dma_wait3A_1499, %dma_wait3A_1500] : memref<16x8x64xf32, #tpu.memory_space<vmem>> -> memref<1x8x64xf32, #tpu.memory_space<vmem>>
      %dma_wait3A_1502 = tpu.memref_squeeze %dma_wait3A_1501 : memref<1x8x64xf32, #tpu.memory_space<vmem>> -> memref<8x64xf32, #tpu.memory_space<vmem>>
      %dma_wait3A_1503 = arith.constant 0 : i32
      %dma_wait3A_1504 = arith.constant 0 : i32
      %dma_wait3A_1505 = tpu.memref_slice %arg6[%squeeze3A_644, %dma_wait3A_1503, %dma_wait3A_1504] : memref<125000x8x64xf32, #tpu.memory_space<hbm>> -> memref<1x8x64xf32, #tpu.memory_space<hbm>>
      %dma_wait3A_1506 = tpu.memref_squeeze %dma_wait3A_1505 : memref<1x8x64xf32, #tpu.memory_space<hbm>> -> memref<8x64xf32, #tpu.memory_space<hbm>>
      tpu.wait_dma2 semaphore(%arg17 : memref<!tpu.dma_semaphore, #tpu.memory_space<semaphore_mem>>) src(%dma_wait3A_1506 : memref<8x64xf32, #tpu.memory_space<hbm>>) dst(%dma_wait3A_1502 : memref<8x64xf32, #tpu.memory_space<vmem>>)
      %dma_wait3A_1507 = arith.constant 11 : i32
      %dma_wait3A_1508 = arith.constant 0 : i32
      %dma_wait3A_1509 = arith.constant 0 : i32
      %dma_wait3A_1510 = tpu.memref_slice %arg12[%dma_wait3A_1507, %dma_wait3A_1508, %dma_wait3A_1509] : memref<16x8x64xf32, #tpu.memory_space<vmem>> -> memref<1x8x64xf32, #tpu.memory_space<vmem>>
      %dma_wait3A_1511 = tpu.memref_squeeze %dma_wait3A_1510 : memref<1x8x64xf32, #tpu.memory_space<vmem>> -> memref<8x64xf32, #tpu.memory_space<vmem>>
      %dma_wait3A_1512 = arith.constant 0 : i32
      %dma_wait3A_1513 = arith.constant 0 : i32
      %dma_wait3A_1514 = tpu.memref_slice %arg5[%squeeze3A_663, %dma_wait3A_1512, %dma_wait3A_1513] : memref<125000x8x64xf32, #tpu.memory_space<hbm>> -> memref<1x8x64xf32, #tpu.memory_space<hbm>>
      %dma_wait3A_1515 = tpu.memref_squeeze %dma_wait3A_1514 : memref<1x8x64xf32, #tpu.memory_space<hbm>> -> memref<8x64xf32, #tpu.memory_space<hbm>>
      %dma_wait3A_1516 = arith.constant 0 : i32
      %dma_wait3A_1517 = arith.constant 0 : i32
      %dma_wait3A_1518 = tpu.memref_slice %arg12[%dma_wait3A_1507, %dma_wait3A_1516, %dma_wait3A_1517] : memref<16x8x64xf32, #tpu.memory_space<vmem>> -> memref<1x8x64xf32, #tpu.memory_space<vmem>>
      %dma_wait3A_1519 = tpu.memref_squeeze %dma_wait3A_1518 : memref<1x8x64xf32, #tpu.memory_space<vmem>> -> memref<8x64xf32, #tpu.memory_space<vmem>>
      %dma_wait3A_1520 = arith.constant 0 : i32
      %dma_wait3A_1521 = arith.constant 0 : i32
      %dma_wait3A_1522 = tpu.memref_slice %arg5[%squeeze3A_663, %dma_wait3A_1520, %dma_wait3A_1521] : memref<125000x8x64xf32, #tpu.memory_space<hbm>> -> memref<1x8x64xf32, #tpu.memory_space<hbm>>
      %dma_wait3A_1523 = tpu.memref_squeeze %dma_wait3A_1522 : memref<1x8x64xf32, #tpu.memory_space<hbm>> -> memref<8x64xf32, #tpu.memory_space<hbm>>
      tpu.wait_dma2 semaphore(%arg17 : memref<!tpu.dma_semaphore, #tpu.memory_space<semaphore_mem>>) src(%dma_wait3A_1523 : memref<8x64xf32, #tpu.memory_space<hbm>>) dst(%dma_wait3A_1519 : memref<8x64xf32, #tpu.memory_space<vmem>>)
      %dma_wait3A_1524 = arith.constant 11 : i32
      %dma_wait3A_1525 = arith.constant 0 : i32
      %dma_wait3A_1526 = arith.constant 0 : i32
      %dma_wait3A_1527 = tpu.memref_slice %arg13[%dma_wait3A_1524, %dma_wait3A_1525, %dma_wait3A_1526] : memref<16x8x64xf32, #tpu.memory_space<vmem>> -> memref<1x8x64xf32, #tpu.memory_space<vmem>>
      %dma_wait3A_1528 = tpu.memref_squeeze %dma_wait3A_1527 : memref<1x8x64xf32, #tpu.memory_space<vmem>> -> memref<8x64xf32, #tpu.memory_space<vmem>>
      %dma_wait3A_1529 = arith.constant 0 : i32
      %dma_wait3A_1530 = arith.constant 0 : i32
      %dma_wait3A_1531 = tpu.memref_slice %arg6[%squeeze3A_682, %dma_wait3A_1529, %dma_wait3A_1530] : memref<125000x8x64xf32, #tpu.memory_space<hbm>> -> memref<1x8x64xf32, #tpu.memory_space<hbm>>
      %dma_wait3A_1532 = tpu.memref_squeeze %dma_wait3A_1531 : memref<1x8x64xf32, #tpu.memory_space<hbm>> -> memref<8x64xf32, #tpu.memory_space<hbm>>
      %dma_wait3A_1533 = arith.constant 0 : i32
      %dma_wait3A_1534 = arith.constant 0 : i32
      %dma_wait3A_1535 = tpu.memref_slice %arg13[%dma_wait3A_1524, %dma_wait3A_1533, %dma_wait3A_1534] : memref<16x8x64xf32, #tpu.memory_space<vmem>> -> memref<1x8x64xf32, #tpu.memory_space<vmem>>
      %dma_wait3A_1536 = tpu.memref_squeeze %dma_wait3A_1535 : memref<1x8x64xf32, #tpu.memory_space<vmem>> -> memref<8x64xf32, #tpu.memory_space<vmem>>
      %dma_wait3A_1537 = arith.constant 0 : i32
      %dma_wait3A_1538 = arith.constant 0 : i32
      %dma_wait3A_1539 = tpu.memref_slice %arg6[%squeeze3A_682, %dma_wait3A_1537, %dma_wait3A_1538] : memref<125000x8x64xf32, #tpu.memory_space<hbm>> -> memref<1x8x64xf32, #tpu.memory_space<hbm>>
      %dma_wait3A_1540 = tpu.memref_squeeze %dma_wait3A_1539 : memref<1x8x64xf32, #tpu.memory_space<hbm>> -> memref<8x64xf32, #tpu.memory_space<hbm>>
      tpu.wait_dma2 semaphore(%arg17 : memref<!tpu.dma_semaphore, #tpu.memory_space<semaphore_mem>>) src(%dma_wait3A_1540 : memref<8x64xf32, #tpu.memory_space<hbm>>) dst(%dma_wait3A_1536 : memref<8x64xf32, #tpu.memory_space<vmem>>)
      %dma_wait3A_1541 = arith.constant 11 : i32
      %dma_wait3A_1542 = arith.constant 0 : i32
      %dma_wait3A_1543 = arith.constant 0 : i32
      %dma_wait3A_1544 = tpu.memref_slice %arg14[%dma_wait3A_1541, %dma_wait3A_1542, %dma_wait3A_1543] : memref<16x8x64xf32, #tpu.memory_space<vmem>> -> memref<1x8x64xf32, #tpu.memory_space<vmem>>
      %dma_wait3A_1545 = tpu.memref_squeeze %dma_wait3A_1544 : memref<1x8x64xf32, #tpu.memory_space<vmem>> -> memref<8x64xf32, #tpu.memory_space<vmem>>
      %dma_wait3A_1546 = arith.constant 0 : i32
      %dma_wait3A_1547 = arith.constant 0 : i32
      %dma_wait3A_1548 = tpu.memref_slice %arg6[%squeeze3A_701, %dma_wait3A_1546, %dma_wait3A_1547] : memref<125000x8x64xf32, #tpu.memory_space<hbm>> -> memref<1x8x64xf32, #tpu.memory_space<hbm>>
      %dma_wait3A_1549 = tpu.memref_squeeze %dma_wait3A_1548 : memref<1x8x64xf32, #tpu.memory_space<hbm>> -> memref<8x64xf32, #tpu.memory_space<hbm>>
      %dma_wait3A_1550 = arith.constant 0 : i32
      %dma_wait3A_1551 = arith.constant 0 : i32
      %dma_wait3A_1552 = tpu.memref_slice %arg14[%dma_wait3A_1541, %dma_wait3A_1550, %dma_wait3A_1551] : memref<16x8x64xf32, #tpu.memory_space<vmem>> -> memref<1x8x64xf32, #tpu.memory_space<vmem>>
      %dma_wait3A_1553 = tpu.memref_squeeze %dma_wait3A_1552 : memref<1x8x64xf32, #tpu.memory_space<vmem>> -> memref<8x64xf32, #tpu.memory_space<vmem>>
      %dma_wait3A_1554 = arith.constant 0 : i32
      %dma_wait3A_1555 = arith.constant 0 : i32
      %dma_wait3A_1556 = tpu.memref_slice %arg6[%squeeze3A_701, %dma_wait3A_1554, %dma_wait3A_1555] : memref<125000x8x64xf32, #tpu.memory_space<hbm>> -> memref<1x8x64xf32, #tpu.memory_space<hbm>>
      %dma_wait3A_1557 = tpu.memref_squeeze %dma_wait3A_1556 : memref<1x8x64xf32, #tpu.memory_space<hbm>> -> memref<8x64xf32, #tpu.memory_space<hbm>>
      tpu.wait_dma2 semaphore(%arg17 : memref<!tpu.dma_semaphore, #tpu.memory_space<semaphore_mem>>) src(%dma_wait3A_1557 : memref<8x64xf32, #tpu.memory_space<hbm>>) dst(%dma_wait3A_1553 : memref<8x64xf32, #tpu.memory_space<vmem>>)
      %dma_wait3A_1558 = arith.constant 12 : i32
      %dma_wait3A_1559 = arith.constant 0 : i32
      %dma_wait3A_1560 = arith.constant 0 : i32
      %dma_wait3A_1561 = tpu.memref_slice %arg12[%dma_wait3A_1558, %dma_wait3A_1559, %dma_wait3A_1560] : memref<16x8x64xf32, #tpu.memory_space<vmem>> -> memref<1x8x64xf32, #tpu.memory_space<vmem>>
      %dma_wait3A_1562 = tpu.memref_squeeze %dma_wait3A_1561 : memref<1x8x64xf32, #tpu.memory_space<vmem>> -> memref<8x64xf32, #tpu.memory_space<vmem>>
      %dma_wait3A_1563 = arith.constant 0 : i32
      %dma_wait3A_1564 = arith.constant 0 : i32
      %dma_wait3A_1565 = tpu.memref_slice %arg5[%squeeze3A_720, %dma_wait3A_1563, %dma_wait3A_1564] : memref<125000x8x64xf32, #tpu.memory_space<hbm>> -> memref<1x8x64xf32, #tpu.memory_space<hbm>>
      %dma_wait3A_1566 = tpu.memref_squeeze %dma_wait3A_1565 : memref<1x8x64xf32, #tpu.memory_space<hbm>> -> memref<8x64xf32, #tpu.memory_space<hbm>>
      %dma_wait3A_1567 = arith.constant 0 : i32
      %dma_wait3A_1568 = arith.constant 0 : i32
      %dma_wait3A_1569 = tpu.memref_slice %arg12[%dma_wait3A_1558, %dma_wait3A_1567, %dma_wait3A_1568] : memref<16x8x64xf32, #tpu.memory_space<vmem>> -> memref<1x8x64xf32, #tpu.memory_space<vmem>>
      %dma_wait3A_1570 = tpu.memref_squeeze %dma_wait3A_1569 : memref<1x8x64xf32, #tpu.memory_space<vmem>> -> memref<8x64xf32, #tpu.memory_space<vmem>>
      %dma_wait3A_1571 = arith.constant 0 : i32
      %dma_wait3A_1572 = arith.constant 0 : i32
      %dma_wait3A_1573 = tpu.memref_slice %arg5[%squeeze3A_720, %dma_wait3A_1571, %dma_wait3A_1572] : memref<125000x8x64xf32, #tpu.memory_space<hbm>> -> memref<1x8x64xf32, #tpu.memory_space<hbm>>
      %dma_wait3A_1574 = tpu.memref_squeeze %dma_wait3A_1573 : memref<1x8x64xf32, #tpu.memory_space<hbm>> -> memref<8x64xf32, #tpu.memory_space<hbm>>
      tpu.wait_dma2 semaphore(%arg17 : memref<!tpu.dma_semaphore, #tpu.memory_space<semaphore_mem>>) src(%dma_wait3A_1574 : memref<8x64xf32, #tpu.memory_space<hbm>>) dst(%dma_wait3A_1570 : memref<8x64xf32, #tpu.memory_space<vmem>>)
      %dma_wait3A_1575 = arith.constant 12 : i32
      %dma_wait3A_1576 = arith.constant 0 : i32
      %dma_wait3A_1577 = arith.constant 0 : i32
      %dma_wait3A_1578 = tpu.memref_slice %arg13[%dma_wait3A_1575, %dma_wait3A_1576, %dma_wait3A_1577] : memref<16x8x64xf32, #tpu.memory_space<vmem>> -> memref<1x8x64xf32, #tpu.memory_space<vmem>>
      %dma_wait3A_1579 = tpu.memref_squeeze %dma_wait3A_1578 : memref<1x8x64xf32, #tpu.memory_space<vmem>> -> memref<8x64xf32, #tpu.memory_space<vmem>>
      %dma_wait3A_1580 = arith.constant 0 : i32
      %dma_wait3A_1581 = arith.constant 0 : i32
      %dma_wait3A_1582 = tpu.memref_slice %arg6[%squeeze3A_739, %dma_wait3A_1580, %dma_wait3A_1581] : memref<125000x8x64xf32, #tpu.memory_space<hbm>> -> memref<1x8x64xf32, #tpu.memory_space<hbm>>
      %dma_wait3A_1583 = tpu.memref_squeeze %dma_wait3A_1582 : memref<1x8x64xf32, #tpu.memory_space<hbm>> -> memref<8x64xf32, #tpu.memory_space<hbm>>
      %dma_wait3A_1584 = arith.constant 0 : i32
      %dma_wait3A_1585 = arith.constant 0 : i32
      %dma_wait3A_1586 = tpu.memref_slice %arg13[%dma_wait3A_1575, %dma_wait3A_1584, %dma_wait3A_1585] : memref<16x8x64xf32, #tpu.memory_space<vmem>> -> memref<1x8x64xf32, #tpu.memory_space<vmem>>
      %dma_wait3A_1587 = tpu.memref_squeeze %dma_wait3A_1586 : memref<1x8x64xf32, #tpu.memory_space<vmem>> -> memref<8x64xf32, #tpu.memory_space<vmem>>
      %dma_wait3A_1588 = arith.constant 0 : i32
      %dma_wait3A_1589 = arith.constant 0 : i32
      %dma_wait3A_1590 = tpu.memref_slice %arg6[%squeeze3A_739, %dma_wait3A_1588, %dma_wait3A_1589] : memref<125000x8x64xf32, #tpu.memory_space<hbm>> -> memref<1x8x64xf32, #tpu.memory_space<hbm>>
      %dma_wait3A_1591 = tpu.memref_squeeze %dma_wait3A_1590 : memref<1x8x64xf32, #tpu.memory_space<hbm>> -> memref<8x64xf32, #tpu.memory_space<hbm>>
      tpu.wait_dma2 semaphore(%arg17 : memref<!tpu.dma_semaphore, #tpu.memory_space<semaphore_mem>>) src(%dma_wait3A_1591 : memref<8x64xf32, #tpu.memory_space<hbm>>) dst(%dma_wait3A_1587 : memref<8x64xf32, #tpu.memory_space<vmem>>)
      %dma_wait3A_1592 = arith.constant 12 : i32
      %dma_wait3A_1593 = arith.constant 0 : i32
      %dma_wait3A_1594 = arith.constant 0 : i32
      %dma_wait3A_1595 = tpu.memref_slice %arg14[%dma_wait3A_1592, %dma_wait3A_1593, %dma_wait3A_1594] : memref<16x8x64xf32, #tpu.memory_space<vmem>> -> memref<1x8x64xf32, #tpu.memory_space<vmem>>
      %dma_wait3A_1596 = tpu.memref_squeeze %dma_wait3A_1595 : memref<1x8x64xf32, #tpu.memory_space<vmem>> -> memref<8x64xf32, #tpu.memory_space<vmem>>
      %dma_wait3A_1597 = arith.constant 0 : i32
      %dma_wait3A_1598 = arith.constant 0 : i32
      %dma_wait3A_1599 = tpu.memref_slice %arg6[%squeeze3A_758, %dma_wait3A_1597, %dma_wait3A_1598] : memref<125000x8x64xf32, #tpu.memory_space<hbm>> -> memref<1x8x64xf32, #tpu.memory_space<hbm>>
      %dma_wait3A_1600 = tpu.memref_squeeze %dma_wait3A_1599 : memref<1x8x64xf32, #tpu.memory_space<hbm>> -> memref<8x64xf32, #tpu.memory_space<hbm>>
      %dma_wait3A_1601 = arith.constant 0 : i32
      %dma_wait3A_1602 = arith.constant 0 : i32
      %dma_wait3A_1603 = tpu.memref_slice %arg14[%dma_wait3A_1592, %dma_wait3A_1601, %dma_wait3A_1602] : memref<16x8x64xf32, #tpu.memory_space<vmem>> -> memref<1x8x64xf32, #tpu.memory_space<vmem>>
      %dma_wait3A_1604 = tpu.memref_squeeze %dma_wait3A_1603 : memref<1x8x64xf32, #tpu.memory_space<vmem>> -> memref<8x64xf32, #tpu.memory_space<vmem>>
      %dma_wait3A_1605 = arith.constant 0 : i32
      %dma_wait3A_1606 = arith.constant 0 : i32
      %dma_wait3A_1607 = tpu.memref_slice %arg6[%squeeze3A_758, %dma_wait3A_1605, %dma_wait3A_1606] : memref<125000x8x64xf32, #tpu.memory_space<hbm>> -> memref<1x8x64xf32, #tpu.memory_space<hbm>>
      %dma_wait3A_1608 = tpu.memref_squeeze %dma_wait3A_1607 : memref<1x8x64xf32, #tpu.memory_space<hbm>> -> memref<8x64xf32, #tpu.memory_space<hbm>>
      tpu.wait_dma2 semaphore(%arg17 : memref<!tpu.dma_semaphore, #tpu.memory_space<semaphore_mem>>) src(%dma_wait3A_1608 : memref<8x64xf32, #tpu.memory_space<hbm>>) dst(%dma_wait3A_1604 : memref<8x64xf32, #tpu.memory_space<vmem>>)
      %dma_wait3A_1609 = arith.constant 13 : i32
      %dma_wait3A_1610 = arith.constant 0 : i32
      %dma_wait3A_1611 = arith.constant 0 : i32
      %dma_wait3A_1612 = tpu.memref_slice %arg12[%dma_wait3A_1609, %dma_wait3A_1610, %dma_wait3A_1611] : memref<16x8x64xf32, #tpu.memory_space<vmem>> -> memref<1x8x64xf32, #tpu.memory_space<vmem>>
      %dma_wait3A_1613 = tpu.memref_squeeze %dma_wait3A_1612 : memref<1x8x64xf32, #tpu.memory_space<vmem>> -> memref<8x64xf32, #tpu.memory_space<vmem>>
      %dma_wait3A_1614 = arith.constant 0 : i32
      %dma_wait3A_1615 = arith.constant 0 : i32
      %dma_wait3A_1616 = tpu.memref_slice %arg5[%squeeze3A_777, %dma_wait3A_1614, %dma_wait3A_1615] : memref<125000x8x64xf32, #tpu.memory_space<hbm>> -> memref<1x8x64xf32, #tpu.memory_space<hbm>>
      %dma_wait3A_1617 = tpu.memref_squeeze %dma_wait3A_1616 : memref<1x8x64xf32, #tpu.memory_space<hbm>> -> memref<8x64xf32, #tpu.memory_space<hbm>>
      %dma_wait3A_1618 = arith.constant 0 : i32
      %dma_wait3A_1619 = arith.constant 0 : i32
      %dma_wait3A_1620 = tpu.memref_slice %arg12[%dma_wait3A_1609, %dma_wait3A_1618, %dma_wait3A_1619] : memref<16x8x64xf32, #tpu.memory_space<vmem>> -> memref<1x8x64xf32, #tpu.memory_space<vmem>>
      %dma_wait3A_1621 = tpu.memref_squeeze %dma_wait3A_1620 : memref<1x8x64xf32, #tpu.memory_space<vmem>> -> memref<8x64xf32, #tpu.memory_space<vmem>>
      %dma_wait3A_1622 = arith.constant 0 : i32
      %dma_wait3A_1623 = arith.constant 0 : i32
      %dma_wait3A_1624 = tpu.memref_slice %arg5[%squeeze3A_777, %dma_wait3A_1622, %dma_wait3A_1623] : memref<125000x8x64xf32, #tpu.memory_space<hbm>> -> memref<1x8x64xf32, #tpu.memory_space<hbm>>
      %dma_wait3A_1625 = tpu.memref_squeeze %dma_wait3A_1624 : memref<1x8x64xf32, #tpu.memory_space<hbm>> -> memref<8x64xf32, #tpu.memory_space<hbm>>
      tpu.wait_dma2 semaphore(%arg17 : memref<!tpu.dma_semaphore, #tpu.memory_space<semaphore_mem>>) src(%dma_wait3A_1625 : memref<8x64xf32, #tpu.memory_space<hbm>>) dst(%dma_wait3A_1621 : memref<8x64xf32, #tpu.memory_space<vmem>>)
      %dma_wait3A_1626 = arith.constant 13 : i32
      %dma_wait3A_1627 = arith.constant 0 : i32
      %dma_wait3A_1628 = arith.constant 0 : i32
      %dma_wait3A_1629 = tpu.memref_slice %arg13[%dma_wait3A_1626, %dma_wait3A_1627, %dma_wait3A_1628] : memref<16x8x64xf32, #tpu.memory_space<vmem>> -> memref<1x8x64xf32, #tpu.memory_space<vmem>>
      %dma_wait3A_1630 = tpu.memref_squeeze %dma_wait3A_1629 : memref<1x8x64xf32, #tpu.memory_space<vmem>> -> memref<8x64xf32, #tpu.memory_space<vmem>>
      %dma_wait3A_1631 = arith.constant 0 : i32
      %dma_wait3A_1632 = arith.constant 0 : i32
      %dma_wait3A_1633 = tpu.memref_slice %arg6[%squeeze3A_796, %dma_wait3A_1631, %dma_wait3A_1632] : memref<125000x8x64xf32, #tpu.memory_space<hbm>> -> memref<1x8x64xf32, #tpu.memory_space<hbm>>
      %dma_wait3A_1634 = tpu.memref_squeeze %dma_wait3A_1633 : memref<1x8x64xf32, #tpu.memory_space<hbm>> -> memref<8x64xf32, #tpu.memory_space<hbm>>
      %dma_wait3A_1635 = arith.constant 0 : i32
      %dma_wait3A_1636 = arith.constant 0 : i32
      %dma_wait3A_1637 = tpu.memref_slice %arg13[%dma_wait3A_1626, %dma_wait3A_1635, %dma_wait3A_1636] : memref<16x8x64xf32, #tpu.memory_space<vmem>> -> memref<1x8x64xf32, #tpu.memory_space<vmem>>
      %dma_wait3A_1638 = tpu.memref_squeeze %dma_wait3A_1637 : memref<1x8x64xf32, #tpu.memory_space<vmem>> -> memref<8x64xf32, #tpu.memory_space<vmem>>
      %dma_wait3A_1639 = arith.constant 0 : i32
      %dma_wait3A_1640 = arith.constant 0 : i32
      %dma_wait3A_1641 = tpu.memref_slice %arg6[%squeeze3A_796, %dma_wait3A_1639, %dma_wait3A_1640] : memref<125000x8x64xf32, #tpu.memory_space<hbm>> -> memref<1x8x64xf32, #tpu.memory_space<hbm>>
      %dma_wait3A_1642 = tpu.memref_squeeze %dma_wait3A_1641 : memref<1x8x64xf32, #tpu.memory_space<hbm>> -> memref<8x64xf32, #tpu.memory_space<hbm>>
      tpu.wait_dma2 semaphore(%arg17 : memref<!tpu.dma_semaphore, #tpu.memory_space<semaphore_mem>>) src(%dma_wait3A_1642 : memref<8x64xf32, #tpu.memory_space<hbm>>) dst(%dma_wait3A_1638 : memref<8x64xf32, #tpu.memory_space<vmem>>)
      %dma_wait3A_1643 = arith.constant 13 : i32
      %dma_wait3A_1644 = arith.constant 0 : i32
      %dma_wait3A_1645 = arith.constant 0 : i32
      %dma_wait3A_1646 = tpu.memref_slice %arg14[%dma_wait3A_1643, %dma_wait3A_1644, %dma_wait3A_1645] : memref<16x8x64xf32, #tpu.memory_space<vmem>> -> memref<1x8x64xf32, #tpu.memory_space<vmem>>
      %dma_wait3A_1647 = tpu.memref_squeeze %dma_wait3A_1646 : memref<1x8x64xf32, #tpu.memory_space<vmem>> -> memref<8x64xf32, #tpu.memory_space<vmem>>
      %dma_wait3A_1648 = arith.constant 0 : i32
      %dma_wait3A_1649 = arith.constant 0 : i32
      %dma_wait3A_1650 = tpu.memref_slice %arg6[%squeeze3A_815, %dma_wait3A_1648, %dma_wait3A_1649] : memref<125000x8x64xf32, #tpu.memory_space<hbm>> -> memref<1x8x64xf32, #tpu.memory_space<hbm>>
      %dma_wait3A_1651 = tpu.memref_squeeze %dma_wait3A_1650 : memref<1x8x64xf32, #tpu.memory_space<hbm>> -> memref<8x64xf32, #tpu.memory_space<hbm>>
      %dma_wait3A_1652 = arith.constant 0 : i32
      %dma_wait3A_1653 = arith.constant 0 : i32
      %dma_wait3A_1654 = tpu.memref_slice %arg14[%dma_wait3A_1643, %dma_wait3A_1652, %dma_wait3A_1653] : memref<16x8x64xf32, #tpu.memory_space<vmem>> -> memref<1x8x64xf32, #tpu.memory_space<vmem>>
      %dma_wait3A_1655 = tpu.memref_squeeze %dma_wait3A_1654 : memref<1x8x64xf32, #tpu.memory_space<vmem>> -> memref<8x64xf32, #tpu.memory_space<vmem>>
      %dma_wait3A_1656 = arith.constant 0 : i32
      %dma_wait3A_1657 = arith.constant 0 : i32
      %dma_wait3A_1658 = tpu.memref_slice %arg6[%squeeze3A_815, %dma_wait3A_1656, %dma_wait3A_1657] : memref<125000x8x64xf32, #tpu.memory_space<hbm>> -> memref<1x8x64xf32, #tpu.memory_space<hbm>>
      %dma_wait3A_1659 = tpu.memref_squeeze %dma_wait3A_1658 : memref<1x8x64xf32, #tpu.memory_space<hbm>> -> memref<8x64xf32, #tpu.memory_space<hbm>>
      tpu.wait_dma2 semaphore(%arg17 : memref<!tpu.dma_semaphore, #tpu.memory_space<semaphore_mem>>) src(%dma_wait3A_1659 : memref<8x64xf32, #tpu.memory_space<hbm>>) dst(%dma_wait3A_1655 : memref<8x64xf32, #tpu.memory_space<vmem>>)
      %dma_wait3A_1660 = arith.constant 14 : i32
      %dma_wait3A_1661 = arith.constant 0 : i32
      %dma_wait3A_1662 = arith.constant 0 : i32
      %dma_wait3A_1663 = tpu.memref_slice %arg12[%dma_wait3A_1660, %dma_wait3A_1661, %dma_wait3A_1662] : memref<16x8x64xf32, #tpu.memory_space<vmem>> -> memref<1x8x64xf32, #tpu.memory_space<vmem>>
      %dma_wait3A_1664 = tpu.memref_squeeze %dma_wait3A_1663 : memref<1x8x64xf32, #tpu.memory_space<vmem>> -> memref<8x64xf32, #tpu.memory_space<vmem>>
      %dma_wait3A_1665 = arith.constant 0 : i32
      %dma_wait3A_1666 = arith.constant 0 : i32
      %dma_wait3A_1667 = tpu.memref_slice %arg5[%squeeze3A_834, %dma_wait3A_1665, %dma_wait3A_1666] : memref<125000x8x64xf32, #tpu.memory_space<hbm>> -> memref<1x8x64xf32, #tpu.memory_space<hbm>>
      %dma_wait3A_1668 = tpu.memref_squeeze %dma_wait3A_1667 : memref<1x8x64xf32, #tpu.memory_space<hbm>> -> memref<8x64xf32, #tpu.memory_space<hbm>>
      %dma_wait3A_1669 = arith.constant 0 : i32
      %dma_wait3A_1670 = arith.constant 0 : i32
      %dma_wait3A_1671 = tpu.memref_slice %arg12[%dma_wait3A_1660, %dma_wait3A_1669, %dma_wait3A_1670] : memref<16x8x64xf32, #tpu.memory_space<vmem>> -> memref<1x8x64xf32, #tpu.memory_space<vmem>>
      %dma_wait3A_1672 = tpu.memref_squeeze %dma_wait3A_1671 : memref<1x8x64xf32, #tpu.memory_space<vmem>> -> memref<8x64xf32, #tpu.memory_space<vmem>>
      %dma_wait3A_1673 = arith.constant 0 : i32
      %dma_wait3A_1674 = arith.constant 0 : i32
      %dma_wait3A_1675 = tpu.memref_slice %arg5[%squeeze3A_834, %dma_wait3A_1673, %dma_wait3A_1674] : memref<125000x8x64xf32, #tpu.memory_space<hbm>> -> memref<1x8x64xf32, #tpu.memory_space<hbm>>
      %dma_wait3A_1676 = tpu.memref_squeeze %dma_wait3A_1675 : memref<1x8x64xf32, #tpu.memory_space<hbm>> -> memref<8x64xf32, #tpu.memory_space<hbm>>
      tpu.wait_dma2 semaphore(%arg17 : memref<!tpu.dma_semaphore, #tpu.memory_space<semaphore_mem>>) src(%dma_wait3A_1676 : memref<8x64xf32, #tpu.memory_space<hbm>>) dst(%dma_wait3A_1672 : memref<8x64xf32, #tpu.memory_space<vmem>>)
      %dma_wait3A_1677 = arith.constant 14 : i32
      %dma_wait3A_1678 = arith.constant 0 : i32
      %dma_wait3A_1679 = arith.constant 0 : i32
      %dma_wait3A_1680 = tpu.memref_slice %arg13[%dma_wait3A_1677, %dma_wait3A_1678, %dma_wait3A_1679] : memref<16x8x64xf32, #tpu.memory_space<vmem>> -> memref<1x8x64xf32, #tpu.memory_space<vmem>>
      %dma_wait3A_1681 = tpu.memref_squeeze %dma_wait3A_1680 : memref<1x8x64xf32, #tpu.memory_space<vmem>> -> memref<8x64xf32, #tpu.memory_space<vmem>>
      %dma_wait3A_1682 = arith.constant 0 : i32
      %dma_wait3A_1683 = arith.constant 0 : i32
      %dma_wait3A_1684 = tpu.memref_slice %arg6[%squeeze3A_853, %dma_wait3A_1682, %dma_wait3A_1683] : memref<125000x8x64xf32, #tpu.memory_space<hbm>> -> memref<1x8x64xf32, #tpu.memory_space<hbm>>
      %dma_wait3A_1685 = tpu.memref_squeeze %dma_wait3A_1684 : memref<1x8x64xf32, #tpu.memory_space<hbm>> -> memref<8x64xf32, #tpu.memory_space<hbm>>
      %dma_wait3A_1686 = arith.constant 0 : i32
      %dma_wait3A_1687 = arith.constant 0 : i32
      %dma_wait3A_1688 = tpu.memref_slice %arg13[%dma_wait3A_1677, %dma_wait3A_1686, %dma_wait3A_1687] : memref<16x8x64xf32, #tpu.memory_space<vmem>> -> memref<1x8x64xf32, #tpu.memory_space<vmem>>
      %dma_wait3A_1689 = tpu.memref_squeeze %dma_wait3A_1688 : memref<1x8x64xf32, #tpu.memory_space<vmem>> -> memref<8x64xf32, #tpu.memory_space<vmem>>
      %dma_wait3A_1690 = arith.constant 0 : i32
      %dma_wait3A_1691 = arith.constant 0 : i32
      %dma_wait3A_1692 = tpu.memref_slice %arg6[%squeeze3A_853, %dma_wait3A_1690, %dma_wait3A_1691] : memref<125000x8x64xf32, #tpu.memory_space<hbm>> -> memref<1x8x64xf32, #tpu.memory_space<hbm>>
      %dma_wait3A_1693 = tpu.memref_squeeze %dma_wait3A_1692 : memref<1x8x64xf32, #tpu.memory_space<hbm>> -> memref<8x64xf32, #tpu.memory_space<hbm>>
      tpu.wait_dma2 semaphore(%arg17 : memref<!tpu.dma_semaphore, #tpu.memory_space<semaphore_mem>>) src(%dma_wait3A_1693 : memref<8x64xf32, #tpu.memory_space<hbm>>) dst(%dma_wait3A_1689 : memref<8x64xf32, #tpu.memory_space<vmem>>)
      %dma_wait3A_1694 = arith.constant 14 : i32
      %dma_wait3A_1695 = arith.constant 0 : i32
      %dma_wait3A_1696 = arith.constant 0 : i32
      %dma_wait3A_1697 = tpu.memref_slice %arg14[%dma_wait3A_1694, %dma_wait3A_1695, %dma_wait3A_1696] : memref<16x8x64xf32, #tpu.memory_space<vmem>> -> memref<1x8x64xf32, #tpu.memory_space<vmem>>
      %dma_wait3A_1698 = tpu.memref_squeeze %dma_wait3A_1697 : memref<1x8x64xf32, #tpu.memory_space<vmem>> -> memref<8x64xf32, #tpu.memory_space<vmem>>
      %dma_wait3A_1699 = arith.constant 0 : i32
      %dma_wait3A_1700 = arith.constant 0 : i32
      %dma_wait3A_1701 = tpu.memref_slice %arg6[%squeeze3A_872, %dma_wait3A_1699, %dma_wait3A_1700] : memref<125000x8x64xf32, #tpu.memory_space<hbm>> -> memref<1x8x64xf32, #tpu.memory_space<hbm>>
      %dma_wait3A_1702 = tpu.memref_squeeze %dma_wait3A_1701 : memref<1x8x64xf32, #tpu.memory_space<hbm>> -> memref<8x64xf32, #tpu.memory_space<hbm>>
      %dma_wait3A_1703 = arith.constant 0 : i32
      %dma_wait3A_1704 = arith.constant 0 : i32
      %dma_wait3A_1705 = tpu.memref_slice %arg14[%dma_wait3A_1694, %dma_wait3A_1703, %dma_wait3A_1704] : memref<16x8x64xf32, #tpu.memory_space<vmem>> -> memref<1x8x64xf32, #tpu.memory_space<vmem>>
      %dma_wait3A_1706 = tpu.memref_squeeze %dma_wait3A_1705 : memref<1x8x64xf32, #tpu.memory_space<vmem>> -> memref<8x64xf32, #tpu.memory_space<vmem>>
      %dma_wait3A_1707 = arith.constant 0 : i32
      %dma_wait3A_1708 = arith.constant 0 : i32
      %dma_wait3A_1709 = tpu.memref_slice %arg6[%squeeze3A_872, %dma_wait3A_1707, %dma_wait3A_1708] : memref<125000x8x64xf32, #tpu.memory_space<hbm>> -> memref<1x8x64xf32, #tpu.memory_space<hbm>>
      %dma_wait3A_1710 = tpu.memref_squeeze %dma_wait3A_1709 : memref<1x8x64xf32, #tpu.memory_space<hbm>> -> memref<8x64xf32, #tpu.memory_space<hbm>>
      tpu.wait_dma2 semaphore(%arg17 : memref<!tpu.dma_semaphore, #tpu.memory_space<semaphore_mem>>) src(%dma_wait3A_1710 : memref<8x64xf32, #tpu.memory_space<hbm>>) dst(%dma_wait3A_1706 : memref<8x64xf32, #tpu.memory_space<vmem>>)
      %dma_wait3A_1711 = arith.constant 15 : i32
      %dma_wait3A_1712 = arith.constant 0 : i32
      %dma_wait3A_1713 = arith.constant 0 : i32
      %dma_wait3A_1714 = tpu.memref_slice %arg12[%dma_wait3A_1711, %dma_wait3A_1712, %dma_wait3A_1713] : memref<16x8x64xf32, #tpu.memory_space<vmem>> -> memref<1x8x64xf32, #tpu.memory_space<vmem>>
      %dma_wait3A_1715 = tpu.memref_squeeze %dma_wait3A_1714 : memref<1x8x64xf32, #tpu.memory_space<vmem>> -> memref<8x64xf32, #tpu.memory_space<vmem>>
      %dma_wait3A_1716 = arith.constant 0 : i32
      %dma_wait3A_1717 = arith.constant 0 : i32
      %dma_wait3A_1718 = tpu.memref_slice %arg5[%squeeze3A_891, %dma_wait3A_1716, %dma_wait3A_1717] : memref<125000x8x64xf32, #tpu.memory_space<hbm>> -> memref<1x8x64xf32, #tpu.memory_space<hbm>>
      %dma_wait3A_1719 = tpu.memref_squeeze %dma_wait3A_1718 : memref<1x8x64xf32, #tpu.memory_space<hbm>> -> memref<8x64xf32, #tpu.memory_space<hbm>>
      %dma_wait3A_1720 = arith.constant 0 : i32
      %dma_wait3A_1721 = arith.constant 0 : i32
      %dma_wait3A_1722 = tpu.memref_slice %arg12[%dma_wait3A_1711, %dma_wait3A_1720, %dma_wait3A_1721] : memref<16x8x64xf32, #tpu.memory_space<vmem>> -> memref<1x8x64xf32, #tpu.memory_space<vmem>>
      %dma_wait3A_1723 = tpu.memref_squeeze %dma_wait3A_1722 : memref<1x8x64xf32, #tpu.memory_space<vmem>> -> memref<8x64xf32, #tpu.memory_space<vmem>>
      %dma_wait3A_1724 = arith.constant 0 : i32
      %dma_wait3A_1725 = arith.constant 0 : i32
      %dma_wait3A_1726 = tpu.memref_slice %arg5[%squeeze3A_891, %dma_wait3A_1724, %dma_wait3A_1725] : memref<125000x8x64xf32, #tpu.memory_space<hbm>> -> memref<1x8x64xf32, #tpu.memory_space<hbm>>
      %dma_wait3A_1727 = tpu.memref_squeeze %dma_wait3A_1726 : memref<1x8x64xf32, #tpu.memory_space<hbm>> -> memref<8x64xf32, #tpu.memory_space<hbm>>
      tpu.wait_dma2 semaphore(%arg17 : memref<!tpu.dma_semaphore, #tpu.memory_space<semaphore_mem>>) src(%dma_wait3A_1727 : memref<8x64xf32, #tpu.memory_space<hbm>>) dst(%dma_wait3A_1723 : memref<8x64xf32, #tpu.memory_space<vmem>>)
      %dma_wait3A_1728 = arith.constant 15 : i32
      %dma_wait3A_1729 = arith.constant 0 : i32
      %dma_wait3A_1730 = arith.constant 0 : i32
      %dma_wait3A_1731 = tpu.memref_slice %arg13[%dma_wait3A_1728, %dma_wait3A_1729, %dma_wait3A_1730] : memref<16x8x64xf32, #tpu.memory_space<vmem>> -> memref<1x8x64xf32, #tpu.memory_space<vmem>>
      %dma_wait3A_1732 = tpu.memref_squeeze %dma_wait3A_1731 : memref<1x8x64xf32, #tpu.memory_space<vmem>> -> memref<8x64xf32, #tpu.memory_space<vmem>>
      %dma_wait3A_1733 = arith.constant 0 : i32
      %dma_wait3A_1734 = arith.constant 0 : i32
      %dma_wait3A_1735 = tpu.memref_slice %arg6[%squeeze3A_910, %dma_wait3A_1733, %dma_wait3A_1734] : memref<125000x8x64xf32, #tpu.memory_space<hbm>> -> memref<1x8x64xf32, #tpu.memory_space<hbm>>
      %dma_wait3A_1736 = tpu.memref_squeeze %dma_wait3A_1735 : memref<1x8x64xf32, #tpu.memory_space<hbm>> -> memref<8x64xf32, #tpu.memory_space<hbm>>
      %dma_wait3A_1737 = arith.constant 0 : i32
      %dma_wait3A_1738 = arith.constant 0 : i32
      %dma_wait3A_1739 = tpu.memref_slice %arg13[%dma_wait3A_1728, %dma_wait3A_1737, %dma_wait3A_1738] : memref<16x8x64xf32, #tpu.memory_space<vmem>> -> memref<1x8x64xf32, #tpu.memory_space<vmem>>
      %dma_wait3A_1740 = tpu.memref_squeeze %dma_wait3A_1739 : memref<1x8x64xf32, #tpu.memory_space<vmem>> -> memref<8x64xf32, #tpu.memory_space<vmem>>
      %dma_wait3A_1741 = arith.constant 0 : i32
      %dma_wait3A_1742 = arith.constant 0 : i32
      %dma_wait3A_1743 = tpu.memref_slice %arg6[%squeeze3A_910, %dma_wait3A_1741, %dma_wait3A_1742] : memref<125000x8x64xf32, #tpu.memory_space<hbm>> -> memref<1x8x64xf32, #tpu.memory_space<hbm>>
      %dma_wait3A_1744 = tpu.memref_squeeze %dma_wait3A_1743 : memref<1x8x64xf32, #tpu.memory_space<hbm>> -> memref<8x64xf32, #tpu.memory_space<hbm>>
      tpu.wait_dma2 semaphore(%arg17 : memref<!tpu.dma_semaphore, #tpu.memory_space<semaphore_mem>>) src(%dma_wait3A_1744 : memref<8x64xf32, #tpu.memory_space<hbm>>) dst(%dma_wait3A_1740 : memref<8x64xf32, #tpu.memory_space<vmem>>)
      %dma_wait3A_1745 = arith.constant 15 : i32
      %dma_wait3A_1746 = arith.constant 0 : i32
      %dma_wait3A_1747 = arith.constant 0 : i32
      %dma_wait3A_1748 = tpu.memref_slice %arg14[%dma_wait3A_1745, %dma_wait3A_1746, %dma_wait3A_1747] : memref<16x8x64xf32, #tpu.memory_space<vmem>> -> memref<1x8x64xf32, #tpu.memory_space<vmem>>
      %dma_wait3A_1749 = tpu.memref_squeeze %dma_wait3A_1748 : memref<1x8x64xf32, #tpu.memory_space<vmem>> -> memref<8x64xf32, #tpu.memory_space<vmem>>
      %dma_wait3A_1750 = arith.constant 0 : i32
      %dma_wait3A_1751 = arith.constant 0 : i32
      %dma_wait3A_1752 = tpu.memref_slice %arg6[%squeeze3A_929, %dma_wait3A_1750, %dma_wait3A_1751] : memref<125000x8x64xf32, #tpu.memory_space<hbm>> -> memref<1x8x64xf32, #tpu.memory_space<hbm>>
      %dma_wait3A_1753 = tpu.memref_squeeze %dma_wait3A_1752 : memref<1x8x64xf32, #tpu.memory_space<hbm>> -> memref<8x64xf32, #tpu.memory_space<hbm>>
      %dma_wait3A_1754 = arith.constant 0 : i32
      %dma_wait3A_1755 = arith.constant 0 : i32
      %dma_wait3A_1756 = tpu.memref_slice %arg14[%dma_wait3A_1745, %dma_wait3A_1754, %dma_wait3A_1755] : memref<16x8x64xf32, #tpu.memory_space<vmem>> -> memref<1x8x64xf32, #tpu.memory_space<vmem>>
      %dma_wait3A_1757 = tpu.memref_squeeze %dma_wait3A_1756 : memref<1x8x64xf32, #tpu.memory_space<vmem>> -> memref<8x64xf32, #tpu.memory_space<vmem>>
      %dma_wait3A_1758 = arith.constant 0 : i32
      %dma_wait3A_1759 = arith.constant 0 : i32
      %dma_wait3A_1760 = tpu.memref_slice %arg6[%squeeze3A_929, %dma_wait3A_1758, %dma_wait3A_1759] : memref<125000x8x64xf32, #tpu.memory_space<hbm>> -> memref<1x8x64xf32, #tpu.memory_space<hbm>>
      %dma_wait3A_1761 = tpu.memref_squeeze %dma_wait3A_1760 : memref<1x8x64xf32, #tpu.memory_space<hbm>> -> memref<8x64xf32, #tpu.memory_space<hbm>>
      tpu.wait_dma2 semaphore(%arg17 : memref<!tpu.dma_semaphore, #tpu.memory_space<semaphore_mem>>) src(%dma_wait3A_1761 : memref<8x64xf32, #tpu.memory_space<hbm>>) dst(%dma_wait3A_1757 : memref<8x64xf32, #tpu.memory_space<vmem>>)
      %get3A_1762 = arith.index_cast %mul3A_21 : i32 to index
      %get3A_1763 = tpu.vector_load %arg9[%get3A_1762] {strides = array<i32>} : memref<512xi32, #tpu.memory_space<vmem>>, vector<16xi32>,
      %get3A_1764 = vector.shape_cast %get3A_1763 : vector<16xi32> to vector<16xi32>
      %and3A = arith.constant 7 : i32
      %and3A_1765 = vector.broadcast %and3A : i32 to vector<16xi32>
      %and3A_1766 = arith.andi %get3A_1764, %and3A_1765 : vector<16xi32>
      %get3A_1767 = arith.index_cast %mul3A_21 : i32 to index
      %get3A_1768 = tpu.vector_load %arg10[%get3A_1767] {strides = array<i32>} : memref<512xi32, #tpu.memory_space<vmem>>, vector<16xi32>,
      %get3A_1769 = vector.shape_cast %get3A_1768 : vector<16xi32> to vector<16xi32>
      %and3A_1770 = arith.constant 7 : i32
      %and3A_1771 = vector.broadcast %and3A_1770 : i32 to vector<16xi32>
      %and3A_1772 = arith.andi %get3A_1769, %and3A_1771 : vector<16xi32>
      %get3A_1773 = arith.index_cast %mul3A_21 : i32 to index
      %get3A_1774 = tpu.vector_load %arg11[%get3A_1773] {strides = array<i32>} : memref<512xi32, #tpu.memory_space<vmem>>, vector<16xi32>,
      %get3A_1775 = vector.shape_cast %get3A_1774 : vector<16xi32> to vector<16xi32>
      %and3A_1776 = arith.constant 7 : i32
      %and3A_1777 = vector.broadcast %and3A_1776 : i32 to vector<16xi32>
      %and3A_1778 = arith.andi %get3A_1775, %and3A_1777 : vector<16xi32>
      %broadcast_in_dim3A = arith.constant 0.000000e+00 : f32
      %broadcast_in_dim3A_1779 = vector.broadcast %broadcast_in_dim3A : f32 to vector<16xf32>
      %broadcast_in_dim3A_1780 = arith.constant 0.000000e+00 : f32
      %broadcast_in_dim3A_1781 = vector.broadcast %broadcast_in_dim3A_1780 : f32 to vector<16xf32>
      %slice3A_1782 = vector.extract_strided_slice %and3A_1766 {offsets = [0], sizes = [1], strides = [1]} : vector<16xi32> to vector<1xi32>
      %squeeze3A_1783 = vector.extract %slice3A_1782[0] : i32 from vector<1xi32>
      %slice3A_1784 = vector.extract_strided_slice %and3A_1772 {offsets = [0], sizes = [1], strides = [1]} : vector<16xi32> to vector<1xi32>
      %squeeze3A_1785 = vector.extract %slice3A_1784[0] : i32 from vector<1xi32>
      %slice3A_1786 = vector.extract_strided_slice %and3A_1778 {offsets = [0], sizes = [1], strides = [1]} : vector<16xi32> to vector<1xi32>
      %squeeze3A_1787 = vector.extract %slice3A_1786[0] : i32 from vector<1xi32>
      %broadcast_in_dim3A_1788 = arith.constant 0.000000e+00 : f32
      %broadcast_in_dim3A_1789 = vector.broadcast %broadcast_in_dim3A_1788 : f32 to vector<16xf32>
      %broadcast_in_dim3A_1790 = arith.constant 0.000000e+00 : f32
      %broadcast_in_dim3A_1791 = vector.broadcast %broadcast_in_dim3A_1790 : f32 to vector<16xf32>
      %get3A_1792 = arith.constant 0 : i32
      %get3A_1793 = arith.index_cast %get3A_1792 : i32 to index
      %get3A_1794 = arith.index_cast %squeeze3A_1783 : i32 to index
      %get3A_1795 = arith.constant 0 : index
      %get3A_1796 = tpu.vector_load %arg12[%get3A_1793, %get3A_1794, %get3A_1795] {strides = array<i32>} : memref<16x8x64xf32, #tpu.memory_space<vmem>>, vector<1x1x16xf32>,
      %get3A_1797 = vector.shape_cast %get3A_1796 : vector<1x1x16xf32> to vector<16xf32>
      %get3A_1798 = arith.constant 0 : i32
      %get3A_1799 = arith.index_cast %get3A_1798 : i32 to index
      %get3A_1800 = arith.index_cast %squeeze3A_1785 : i32 to index
      %get3A_1801 = arith.constant 0 : index
      %get3A_1802 = tpu.vector_load %arg13[%get3A_1799, %get3A_1800, %get3A_1801] {strides = array<i32>} : memref<16x8x64xf32, #tpu.memory_space<vmem>>, vector<1x1x16xf32>,
      %get3A_1803 = vector.shape_cast %get3A_1802 : vector<1x1x16xf32> to vector<16xf32>
      %get3A_1804 = arith.constant 0 : i32
      %get3A_1805 = arith.index_cast %get3A_1804 : i32 to index
      %get3A_1806 = arith.index_cast %squeeze3A_1787 : i32 to index
      %get3A_1807 = arith.constant 0 : index
      %get3A_1808 = tpu.vector_load %arg14[%get3A_1805, %get3A_1806, %get3A_1807] {strides = array<i32>} : memref<16x8x64xf32, #tpu.memory_space<vmem>>, vector<1x1x16xf32>,
      %get3A_1809 = vector.shape_cast %get3A_1808 : vector<1x1x16xf32> to vector<16xf32>
      %mul3A_1810 = arith.mulf %get3A_1797, %get3A_1803 : vector<16xf32>
      %add3A_1811 = arith.addf %broadcast_in_dim3A_1789, %mul3A_1810 : vector<16xf32>
      %mul3A_1812 = arith.mulf %get3A_1797, %get3A_1809 : vector<16xf32>
      %add3A_1813 = arith.addf %broadcast_in_dim3A_1791, %mul3A_1812 : vector<16xf32>
      %get3A_1814 = arith.constant 0 : i32
      %get3A_1815 = arith.index_cast %get3A_1814 : i32 to index
      %get3A_1816 = arith.index_cast %squeeze3A_1783 : i32 to index
      %get3A_1817 = arith.constant 16 : index
      %get3A_1818 = tpu.vector_load %arg12[%get3A_1815, %get3A_1816, %get3A_1817] {strides = array<i32>} : memref<16x8x64xf32, #tpu.memory_space<vmem>>, vector<1x1x16xf32>,
      %get3A_1819 = vector.shape_cast %get3A_1818 : vector<1x1x16xf32> to vector<16xf32>
      %get3A_1820 = arith.constant 0 : i32
      %get3A_1821 = arith.index_cast %get3A_1820 : i32 to index
      %get3A_1822 = arith.index_cast %squeeze3A_1785 : i32 to index
      %get3A_1823 = arith.constant 16 : index
      %get3A_1824 = tpu.vector_load %arg13[%get3A_1821, %get3A_1822, %get3A_1823] {strides = array<i32>} : memref<16x8x64xf32, #tpu.memory_space<vmem>>, vector<1x1x16xf32>,
      %get3A_1825 = vector.shape_cast %get3A_1824 : vector<1x1x16xf32> to vector<16xf32>
      %get3A_1826 = arith.constant 0 : i32
      %get3A_1827 = arith.index_cast %get3A_1826 : i32 to index
      %get3A_1828 = arith.index_cast %squeeze3A_1787 : i32 to index
      %get3A_1829 = arith.constant 16 : index
      %get3A_1830 = tpu.vector_load %arg14[%get3A_1827, %get3A_1828, %get3A_1829] {strides = array<i32>} : memref<16x8x64xf32, #tpu.memory_space<vmem>>, vector<1x1x16xf32>,
      %get3A_1831 = vector.shape_cast %get3A_1830 : vector<1x1x16xf32> to vector<16xf32>
      %mul3A_1832 = arith.mulf %get3A_1819, %get3A_1825 : vector<16xf32>
      %add3A_1833 = arith.addf %add3A_1811, %mul3A_1832 : vector<16xf32>
      %mul3A_1834 = arith.mulf %get3A_1819, %get3A_1831 : vector<16xf32>
      %add3A_1835 = arith.addf %add3A_1813, %mul3A_1834 : vector<16xf32>
      %get3A_1836 = arith.constant 0 : i32
      %get3A_1837 = arith.index_cast %get3A_1836 : i32 to index
      %get3A_1838 = arith.index_cast %squeeze3A_1783 : i32 to index
      %get3A_1839 = arith.constant 32 : index
      %get3A_1840 = tpu.vector_load %arg12[%get3A_1837, %get3A_1838, %get3A_1839] {strides = array<i32>} : memref<16x8x64xf32, #tpu.memory_space<vmem>>, vector<1x1x16xf32>,
      %get3A_1841 = vector.shape_cast %get3A_1840 : vector<1x1x16xf32> to vector<16xf32>
      %get3A_1842 = arith.constant 0 : i32
      %get3A_1843 = arith.index_cast %get3A_1842 : i32 to index
      %get3A_1844 = arith.index_cast %squeeze3A_1785 : i32 to index
      %get3A_1845 = arith.constant 32 : index
      %get3A_1846 = tpu.vector_load %arg13[%get3A_1843, %get3A_1844, %get3A_1845] {strides = array<i32>} : memref<16x8x64xf32, #tpu.memory_space<vmem>>, vector<1x1x16xf32>,
      %get3A_1847 = vector.shape_cast %get3A_1846 : vector<1x1x16xf32> to vector<16xf32>
      %get3A_1848 = arith.constant 0 : i32
      %get3A_1849 = arith.index_cast %get3A_1848 : i32 to index
      %get3A_1850 = arith.index_cast %squeeze3A_1787 : i32 to index
      %get3A_1851 = arith.constant 32 : index
      %get3A_1852 = tpu.vector_load %arg14[%get3A_1849, %get3A_1850, %get3A_1851] {strides = array<i32>} : memref<16x8x64xf32, #tpu.memory_space<vmem>>, vector<1x1x16xf32>,
      %get3A_1853 = vector.shape_cast %get3A_1852 : vector<1x1x16xf32> to vector<16xf32>
      %mul3A_1854 = arith.mulf %get3A_1841, %get3A_1847 : vector<16xf32>
      %add3A_1855 = arith.addf %add3A_1833, %mul3A_1854 : vector<16xf32>
      %mul3A_1856 = arith.mulf %get3A_1841, %get3A_1853 : vector<16xf32>
      %add3A_1857 = arith.addf %add3A_1835, %mul3A_1856 : vector<16xf32>
      %get3A_1858 = arith.constant 0 : i32
      %get3A_1859 = arith.index_cast %get3A_1858 : i32 to index
      %get3A_1860 = arith.index_cast %squeeze3A_1783 : i32 to index
      %get3A_1861 = arith.constant 48 : index
      %get3A_1862 = tpu.vector_load %arg12[%get3A_1859, %get3A_1860, %get3A_1861] {strides = array<i32>} : memref<16x8x64xf32, #tpu.memory_space<vmem>>, vector<1x1x16xf32>,
      %get3A_1863 = vector.shape_cast %get3A_1862 : vector<1x1x16xf32> to vector<16xf32>
      %get3A_1864 = arith.constant 0 : i32
      %get3A_1865 = arith.index_cast %get3A_1864 : i32 to index
      %get3A_1866 = arith.index_cast %squeeze3A_1785 : i32 to index
      %get3A_1867 = arith.constant 48 : index
      %get3A_1868 = tpu.vector_load %arg13[%get3A_1865, %get3A_1866, %get3A_1867] {strides = array<i32>} : memref<16x8x64xf32, #tpu.memory_space<vmem>>, vector<1x1x16xf32>,
      %get3A_1869 = vector.shape_cast %get3A_1868 : vector<1x1x16xf32> to vector<16xf32>
      %get3A_1870 = arith.constant 0 : i32
      %get3A_1871 = arith.index_cast %get3A_1870 : i32 to index
      %get3A_1872 = arith.index_cast %squeeze3A_1787 : i32 to index
      %get3A_1873 = arith.constant 48 : index
      %get3A_1874 = tpu.vector_load %arg14[%get3A_1871, %get3A_1872, %get3A_1873] {strides = array<i32>} : memref<16x8x64xf32, #tpu.memory_space<vmem>>, vector<1x1x16xf32>,
      %get3A_1875 = vector.shape_cast %get3A_1874 : vector<1x1x16xf32> to vector<16xf32>
      %mul3A_1876 = arith.mulf %get3A_1863, %get3A_1869 : vector<16xf32>
      %add3A_1877 = arith.addf %add3A_1855, %mul3A_1876 : vector<16xf32>
      %mul3A_1878 = arith.mulf %get3A_1863, %get3A_1875 : vector<16xf32>
      %add3A_1879 = arith.addf %add3A_1857, %mul3A_1878 : vector<16xf32>
      %eq3A = arith.constant 0 : i32
      %eq3A_1880 = vector.broadcast %eq3A : i32 to vector<16xi32>
      %eq3A_1881 = arith.cmpi eq, %iota3A, %eq3A_1880 : vector<16xi32>
      %broadcast_in_dim3A_1882 = vector.shape_cast %xor3A_4 : vector<16xi32> to vector<16x1xi32>
      %gather3A = vector.shape_cast %broadcast_in_dim3A_1882 : vector<16x1xi32> to vector<16xi32>
      %gather3A_1883 = tpu.dynamic_gather %add3A_1877[%gather3A] in [0] : vector<16xf32>, vector<16xi32> -> vector<16xf32>
      %add3A_1884 = arith.addf %add3A_1877, %gather3A_1883 : vector<16xf32>
      %broadcast_in_dim3A_1885 = vector.shape_cast %xor3A_7 : vector<16xi32> to vector<16x1xi32>
      %gather3A_1886 = vector.shape_cast %broadcast_in_dim3A_1885 : vector<16x1xi32> to vector<16xi32>
      %gather3A_1887 = tpu.dynamic_gather %add3A_1884[%gather3A_1886] in [0] : vector<16xf32>, vector<16xi32> -> vector<16xf32>
      %add3A_1888 = arith.addf %add3A_1884, %gather3A_1887 : vector<16xf32>
      %broadcast_in_dim3A_1889 = vector.shape_cast %xor3A_10 : vector<16xi32> to vector<16x1xi32>
      %gather3A_1890 = vector.shape_cast %broadcast_in_dim3A_1889 : vector<16x1xi32> to vector<16xi32>
      %gather3A_1891 = tpu.dynamic_gather %add3A_1888[%gather3A_1890] in [0] : vector<16xf32>, vector<16xi32> -> vector<16xf32>
      %add3A_1892 = arith.addf %add3A_1888, %gather3A_1891 : vector<16xf32>
      %broadcast_in_dim3A_1893 = vector.shape_cast %xor3A_13 : vector<16xi32> to vector<16x1xi32>
      %gather3A_1894 = vector.shape_cast %broadcast_in_dim3A_1893 : vector<16x1xi32> to vector<16xi32>
      %gather3A_1895 = tpu.dynamic_gather %add3A_1892[%gather3A_1894] in [0] : vector<16xf32>, vector<16xi32> -> vector<16xf32>
      %add3A_1896 = arith.addf %add3A_1892, %gather3A_1895 : vector<16xf32>
      %select_n3A = arith.select %eq3A_1881, %add3A_1896, %broadcast_in_dim3A_1779 : vector<16xi1>, vector<16xf32>
      %broadcast_in_dim3A_1897 = vector.shape_cast %xor3A_4 : vector<16xi32> to vector<16x1xi32>
      %gather3A_1898 = vector.shape_cast %broadcast_in_dim3A_1897 : vector<16x1xi32> to vector<16xi32>
      %gather3A_1899 = tpu.dynamic_gather %add3A_1879[%gather3A_1898] in [0] : vector<16xf32>, vector<16xi32> -> vector<16xf32>
      %add3A_1900 = arith.addf %add3A_1879, %gather3A_1899 : vector<16xf32>
      %broadcast_in_dim3A_1901 = vector.shape_cast %xor3A_7 : vector<16xi32> to vector<16x1xi32>
      %gather3A_1902 = vector.shape_cast %broadcast_in_dim3A_1901 : vector<16x1xi32> to vector<16xi32>
      %gather3A_1903 = tpu.dynamic_gather %add3A_1900[%gather3A_1902] in [0] : vector<16xf32>, vector<16xi32> -> vector<16xf32>
      %add3A_1904 = arith.addf %add3A_1900, %gather3A_1903 : vector<16xf32>
      %broadcast_in_dim3A_1905 = vector.shape_cast %xor3A_10 : vector<16xi32> to vector<16x1xi32>
      %gather3A_1906 = vector.shape_cast %broadcast_in_dim3A_1905 : vector<16x1xi32> to vector<16xi32>
      %gather3A_1907 = tpu.dynamic_gather %add3A_1904[%gather3A_1906] in [0] : vector<16xf32>, vector<16xi32> -> vector<16xf32>
      %add3A_1908 = arith.addf %add3A_1904, %gather3A_1907 : vector<16xf32>
      %broadcast_in_dim3A_1909 = vector.shape_cast %xor3A_13 : vector<16xi32> to vector<16x1xi32>
      %gather3A_1910 = vector.shape_cast %broadcast_in_dim3A_1909 : vector<16x1xi32> to vector<16xi32>
      %gather3A_1911 = tpu.dynamic_gather %add3A_1908[%gather3A_1910] in [0] : vector<16xf32>, vector<16xi32> -> vector<16xf32>
      %add3A_1912 = arith.addf %add3A_1908, %gather3A_1911 : vector<16xf32>
      %select_n3A_1913 = arith.select %eq3A_1881, %add3A_1912, %broadcast_in_dim3A_1781 : vector<16xi1>, vector<16xf32>
      %slice3A_1914 = vector.extract_strided_slice %and3A_1766 {offsets = [1], sizes = [1], strides = [1]} : vector<16xi32> to vector<1xi32>
      %squeeze3A_1915 = vector.extract %slice3A_1914[0] : i32 from vector<1xi32>
      %slice3A_1916 = vector.extract_strided_slice %and3A_1772 {offsets = [1], sizes = [1], strides = [1]} : vector<16xi32> to vector<1xi32>
      %squeeze3A_1917 = vector.extract %slice3A_1916[0] : i32 from vector<1xi32>
      %slice3A_1918 = vector.extract_strided_slice %and3A_1778 {offsets = [1], sizes = [1], strides = [1]} : vector<16xi32> to vector<1xi32>
      %squeeze3A_1919 = vector.extract %slice3A_1918[0] : i32 from vector<1xi32>
      %broadcast_in_dim3A_1920 = arith.constant 0.000000e+00 : f32
      %broadcast_in_dim3A_1921 = vector.broadcast %broadcast_in_dim3A_1920 : f32 to vector<16xf32>
      %broadcast_in_dim3A_1922 = arith.constant 0.000000e+00 : f32
      %broadcast_in_dim3A_1923 = vector.broadcast %broadcast_in_dim3A_1922 : f32 to vector<16xf32>
      %get3A_1924 = arith.constant 1 : i32
      %get3A_1925 = arith.index_cast %get3A_1924 : i32 to index
      %get3A_1926 = arith.index_cast %squeeze3A_1915 : i32 to index
      %get3A_1927 = arith.constant 0 : index
      %get3A_1928 = tpu.vector_load %arg12[%get3A_1925, %get3A_1926, %get3A_1927] {strides = array<i32>} : memref<16x8x64xf32, #tpu.memory_space<vmem>>, vector<1x1x16xf32>,
      %get3A_1929 = vector.shape_cast %get3A_1928 : vector<1x1x16xf32> to vector<16xf32>
      %get3A_1930 = arith.constant 1 : i32
      %get3A_1931 = arith.index_cast %get3A_1930 : i32 to index
      %get3A_1932 = arith.index_cast %squeeze3A_1917 : i32 to index
      %get3A_1933 = arith.constant 0 : index
      %get3A_1934 = tpu.vector_load %arg13[%get3A_1931, %get3A_1932, %get3A_1933] {strides = array<i32>} : memref<16x8x64xf32, #tpu.memory_space<vmem>>, vector<1x1x16xf32>,
      %get3A_1935 = vector.shape_cast %get3A_1934 : vector<1x1x16xf32> to vector<16xf32>
      %get3A_1936 = arith.constant 1 : i32
      %get3A_1937 = arith.index_cast %get3A_1936 : i32 to index
      %get3A_1938 = arith.index_cast %squeeze3A_1919 : i32 to index
      %get3A_1939 = arith.constant 0 : index
      %get3A_1940 = tpu.vector_load %arg14[%get3A_1937, %get3A_1938, %get3A_1939] {strides = array<i32>} : memref<16x8x64xf32, #tpu.memory_space<vmem>>, vector<1x1x16xf32>,
      %get3A_1941 = vector.shape_cast %get3A_1940 : vector<1x1x16xf32> to vector<16xf32>
      %mul3A_1942 = arith.mulf %get3A_1929, %get3A_1935 : vector<16xf32>
      %add3A_1943 = arith.addf %broadcast_in_dim3A_1921, %mul3A_1942 : vector<16xf32>
      %mul3A_1944 = arith.mulf %get3A_1929, %get3A_1941 : vector<16xf32>
      %add3A_1945 = arith.addf %broadcast_in_dim3A_1923, %mul3A_1944 : vector<16xf32>
      %get3A_1946 = arith.constant 1 : i32
      %get3A_1947 = arith.index_cast %get3A_1946 : i32 to index
      %get3A_1948 = arith.index_cast %squeeze3A_1915 : i32 to index
      %get3A_1949 = arith.constant 16 : index
      %get3A_1950 = tpu.vector_load %arg12[%get3A_1947, %get3A_1948, %get3A_1949] {strides = array<i32>} : memref<16x8x64xf32, #tpu.memory_space<vmem>>, vector<1x1x16xf32>,
      %get3A_1951 = vector.shape_cast %get3A_1950 : vector<1x1x16xf32> to vector<16xf32>
      %get3A_1952 = arith.constant 1 : i32
      %get3A_1953 = arith.index_cast %get3A_1952 : i32 to index
      %get3A_1954 = arith.index_cast %squeeze3A_1917 : i32 to index
      %get3A_1955 = arith.constant 16 : index
      %get3A_1956 = tpu.vector_load %arg13[%get3A_1953, %get3A_1954, %get3A_1955] {strides = array<i32>} : memref<16x8x64xf32, #tpu.memory_space<vmem>>, vector<1x1x16xf32>,
      %get3A_1957 = vector.shape_cast %get3A_1956 : vector<1x1x16xf32> to vector<16xf32>
      %get3A_1958 = arith.constant 1 : i32
      %get3A_1959 = arith.index_cast %get3A_1958 : i32 to index
      %get3A_1960 = arith.index_cast %squeeze3A_1919 : i32 to index
      %get3A_1961 = arith.constant 16 : index
      %get3A_1962 = tpu.vector_load %arg14[%get3A_1959, %get3A_1960, %get3A_1961] {strides = array<i32>} : memref<16x8x64xf32, #tpu.memory_space<vmem>>, vector<1x1x16xf32>,
      %get3A_1963 = vector.shape_cast %get3A_1962 : vector<1x1x16xf32> to vector<16xf32>
      %mul3A_1964 = arith.mulf %get3A_1951, %get3A_1957 : vector<16xf32>
      %add3A_1965 = arith.addf %add3A_1943, %mul3A_1964 : vector<16xf32>
      %mul3A_1966 = arith.mulf %get3A_1951, %get3A_1963 : vector<16xf32>
      %add3A_1967 = arith.addf %add3A_1945, %mul3A_1966 : vector<16xf32>
      %get3A_1968 = arith.constant 1 : i32
      %get3A_1969 = arith.index_cast %get3A_1968 : i32 to index
      %get3A_1970 = arith.index_cast %squeeze3A_1915 : i32 to index
      %get3A_1971 = arith.constant 32 : index
      %get3A_1972 = tpu.vector_load %arg12[%get3A_1969, %get3A_1970, %get3A_1971] {strides = array<i32>} : memref<16x8x64xf32, #tpu.memory_space<vmem>>, vector<1x1x16xf32>,
      %get3A_1973 = vector.shape_cast %get3A_1972 : vector<1x1x16xf32> to vector<16xf32>
      %get3A_1974 = arith.constant 1 : i32
      %get3A_1975 = arith.index_cast %get3A_1974 : i32 to index
      %get3A_1976 = arith.index_cast %squeeze3A_1917 : i32 to index
      %get3A_1977 = arith.constant 32 : index
      %get3A_1978 = tpu.vector_load %arg13[%get3A_1975, %get3A_1976, %get3A_1977] {strides = array<i32>} : memref<16x8x64xf32, #tpu.memory_space<vmem>>, vector<1x1x16xf32>,
      %get3A_1979 = vector.shape_cast %get3A_1978 : vector<1x1x16xf32> to vector<16xf32>
      %get3A_1980 = arith.constant 1 : i32
      %get3A_1981 = arith.index_cast %get3A_1980 : i32 to index
      %get3A_1982 = arith.index_cast %squeeze3A_1919 : i32 to index
      %get3A_1983 = arith.constant 32 : index
      %get3A_1984 = tpu.vector_load %arg14[%get3A_1981, %get3A_1982, %get3A_1983] {strides = array<i32>} : memref<16x8x64xf32, #tpu.memory_space<vmem>>, vector<1x1x16xf32>,
      %get3A_1985 = vector.shape_cast %get3A_1984 : vector<1x1x16xf32> to vector<16xf32>
      %mul3A_1986 = arith.mulf %get3A_1973, %get3A_1979 : vector<16xf32>
      %add3A_1987 = arith.addf %add3A_1965, %mul3A_1986 : vector<16xf32>
      %mul3A_1988 = arith.mulf %get3A_1973, %get3A_1985 : vector<16xf32>
      %add3A_1989 = arith.addf %add3A_1967, %mul3A_1988 : vector<16xf32>
      %get3A_1990 = arith.constant 1 : i32
      %get3A_1991 = arith.index_cast %get3A_1990 : i32 to index
      %get3A_1992 = arith.index_cast %squeeze3A_1915 : i32 to index
      %get3A_1993 = arith.constant 48 : index
      %get3A_1994 = tpu.vector_load %arg12[%get3A_1991, %get3A_1992, %get3A_1993] {strides = array<i32>} : memref<16x8x64xf32, #tpu.memory_space<vmem>>, vector<1x1x16xf32>,
      %get3A_1995 = vector.shape_cast %get3A_1994 : vector<1x1x16xf32> to vector<16xf32>
      %get3A_1996 = arith.constant 1 : i32
      %get3A_1997 = arith.index_cast %get3A_1996 : i32 to index
      %get3A_1998 = arith.index_cast %squeeze3A_1917 : i32 to index
      %get3A_1999 = arith.constant 48 : index
      %get3A_2000 = tpu.vector_load %arg13[%get3A_1997, %get3A_1998, %get3A_1999] {strides = array<i32>} : memref<16x8x64xf32, #tpu.memory_space<vmem>>, vector<1x1x16xf32>,
      %get3A_2001 = vector.shape_cast %get3A_2000 : vector<1x1x16xf32> to vector<16xf32>
      %get3A_2002 = arith.constant 1 : i32
      %get3A_2003 = arith.index_cast %get3A_2002 : i32 to index
      %get3A_2004 = arith.index_cast %squeeze3A_1919 : i32 to index
      %get3A_2005 = arith.constant 48 : index
      %get3A_2006 = tpu.vector_load %arg14[%get3A_2003, %get3A_2004, %get3A_2005] {strides = array<i32>} : memref<16x8x64xf32, #tpu.memory_space<vmem>>, vector<1x1x16xf32>,
      %get3A_2007 = vector.shape_cast %get3A_2006 : vector<1x1x16xf32> to vector<16xf32>
      %mul3A_2008 = arith.mulf %get3A_1995, %get3A_2001 : vector<16xf32>
      %add3A_2009 = arith.addf %add3A_1987, %mul3A_2008 : vector<16xf32>
      %mul3A_2010 = arith.mulf %get3A_1995, %get3A_2007 : vector<16xf32>
      %add3A_2011 = arith.addf %add3A_1989, %mul3A_2010 : vector<16xf32>
      %eq3A_2012 = arith.constant 1 : i32
      %eq3A_2013 = vector.broadcast %eq3A_2012 : i32 to vector<16xi32>
      %eq3A_2014 = arith.cmpi eq, %iota3A, %eq3A_2013 : vector<16xi32>
      %broadcast_in_dim3A_2015 = vector.shape_cast %xor3A_4 : vector<16xi32> to vector<16x1xi32>
      %gather3A_2016 = vector.shape_cast %broadcast_in_dim3A_2015 : vector<16x1xi32> to vector<16xi32>
      %gather3A_2017 = tpu.dynamic_gather %add3A_2009[%gather3A_2016] in [0] : vector<16xf32>, vector<16xi32> -> vector<16xf32>
      %add3A_2018 = arith.addf %add3A_2009, %gather3A_2017 : vector<16xf32>
      %broadcast_in_dim3A_2019 = vector.shape_cast %xor3A_7 : vector<16xi32> to vector<16x1xi32>
      %gather3A_2020 = vector.shape_cast %broadcast_in_dim3A_2019 : vector<16x1xi32> to vector<16xi32>
      %gather3A_2021 = tpu.dynamic_gather %add3A_2018[%gather3A_2020] in [0] : vector<16xf32>, vector<16xi32> -> vector<16xf32>
      %add3A_2022 = arith.addf %add3A_2018, %gather3A_2021 : vector<16xf32>
      %broadcast_in_dim3A_2023 = vector.shape_cast %xor3A_10 : vector<16xi32> to vector<16x1xi32>
      %gather3A_2024 = vector.shape_cast %broadcast_in_dim3A_2023 : vector<16x1xi32> to vector<16xi32>
      %gather3A_2025 = tpu.dynamic_gather %add3A_2022[%gather3A_2024] in [0] : vector<16xf32>, vector<16xi32> -> vector<16xf32>
      %add3A_2026 = arith.addf %add3A_2022, %gather3A_2025 : vector<16xf32>
      %broadcast_in_dim3A_2027 = vector.shape_cast %xor3A_13 : vector<16xi32> to vector<16x1xi32>
      %gather3A_2028 = vector.shape_cast %broadcast_in_dim3A_2027 : vector<16x1xi32> to vector<16xi32>
      %gather3A_2029 = tpu.dynamic_gather %add3A_2026[%gather3A_2028] in [0] : vector<16xf32>, vector<16xi32> -> vector<16xf32>
      %add3A_2030 = arith.addf %add3A_2026, %gather3A_2029 : vector<16xf32>
      %select_n3A_2031 = arith.select %eq3A_2014, %add3A_2030, %select_n3A : vector<16xi1>, vector<16xf32>
      %broadcast_in_dim3A_2032 = vector.shape_cast %xor3A_4 : vector<16xi32> to vector<16x1xi32>
      %gather3A_2033 = vector.shape_cast %broadcast_in_dim3A_2032 : vector<16x1xi32> to vector<16xi32>
      %gather3A_2034 = tpu.dynamic_gather %add3A_2011[%gather3A_2033] in [0] : vector<16xf32>, vector<16xi32> -> vector<16xf32>
      %add3A_2035 = arith.addf %add3A_2011, %gather3A_2034 : vector<16xf32>
      %broadcast_in_dim3A_2036 = vector.shape_cast %xor3A_7 : vector<16xi32> to vector<16x1xi32>
      %gather3A_2037 = vector.shape_cast %broadcast_in_dim3A_2036 : vector<16x1xi32> to vector<16xi32>
      %gather3A_2038 = tpu.dynamic_gather %add3A_2035[%gather3A_2037] in [0] : vector<16xf32>, vector<16xi32> -> vector<16xf32>
      %add3A_2039 = arith.addf %add3A_2035, %gather3A_2038 : vector<16xf32>
      %broadcast_in_dim3A_2040 = vector.shape_cast %xor3A_10 : vector<16xi32> to vector<16x1xi32>
      %gather3A_2041 = vector.shape_cast %broadcast_in_dim3A_2040 : vector<16x1xi32> to vector<16xi32>
      %gather3A_2042 = tpu.dynamic_gather %add3A_2039[%gather3A_2041] in [0] : vector<16xf32>, vector<16xi32> -> vector<16xf32>
      %add3A_2043 = arith.addf %add3A_2039, %gather3A_2042 : vector<16xf32>
      %broadcast_in_dim3A_2044 = vector.shape_cast %xor3A_13 : vector<16xi32> to vector<16x1xi32>
      %gather3A_2045 = vector.shape_cast %broadcast_in_dim3A_2044 : vector<16x1xi32> to vector<16xi32>
      %gather3A_2046 = tpu.dynamic_gather %add3A_2043[%gather3A_2045] in [0] : vector<16xf32>, vector<16xi32> -> vector<16xf32>
      %add3A_2047 = arith.addf %add3A_2043, %gather3A_2046 : vector<16xf32>
      %select_n3A_2048 = arith.select %eq3A_2014, %add3A_2047, %select_n3A_1913 : vector<16xi1>, vector<16xf32>
      %slice3A_2049 = vector.extract_strided_slice %and3A_1766 {offsets = [2], sizes = [1], strides = [1]} : vector<16xi32> to vector<1xi32>
      %squeeze3A_2050 = vector.extract %slice3A_2049[0] : i32 from vector<1xi32>
      %slice3A_2051 = vector.extract_strided_slice %and3A_1772 {offsets = [2], sizes = [1], strides = [1]} : vector<16xi32> to vector<1xi32>
      %squeeze3A_2052 = vector.extract %slice3A_2051[0] : i32 from vector<1xi32>
      %slice3A_2053 = vector.extract_strided_slice %and3A_1778 {offsets = [2], sizes = [1], strides = [1]} : vector<16xi32> to vector<1xi32>
      %squeeze3A_2054 = vector.extract %slice3A_2053[0] : i32 from vector<1xi32>
      %broadcast_in_dim3A_2055 = arith.constant 0.000000e+00 : f32
      %broadcast_in_dim3A_2056 = vector.broadcast %broadcast_in_dim3A_2055 : f32 to vector<16xf32>
      %broadcast_in_dim3A_2057 = arith.constant 0.000000e+00 : f32
      %broadcast_in_dim3A_2058 = vector.broadcast %broadcast_in_dim3A_2057 : f32 to vector<16xf32>
      %get3A_2059 = arith.constant 2 : i32
      %get3A_2060 = arith.index_cast %get3A_2059 : i32 to index
      %get3A_2061 = arith.index_cast %squeeze3A_2050 : i32 to index
      %get3A_2062 = arith.constant 0 : index
      %get3A_2063 = tpu.vector_load %arg12[%get3A_2060, %get3A_2061, %get3A_2062] {strides = array<i32>} : memref<16x8x64xf32, #tpu.memory_space<vmem>>, vector<1x1x16xf32>,
      %get3A_2064 = vector.shape_cast %get3A_2063 : vector<1x1x16xf32> to vector<16xf32>
      %get3A_2065 = arith.constant 2 : i32
      %get3A_2066 = arith.index_cast %get3A_2065 : i32 to index
      %get3A_2067 = arith.index_cast %squeeze3A_2052 : i32 to index
      %get3A_2068 = arith.constant 0 : index
      %get3A_2069 = tpu.vector_load %arg13[%get3A_2066, %get3A_2067, %get3A_2068] {strides = array<i32>} : memref<16x8x64xf32, #tpu.memory_space<vmem>>, vector<1x1x16xf32>,
      %get3A_2070 = vector.shape_cast %get3A_2069 : vector<1x1x16xf32> to vector<16xf32>
      %get3A_2071 = arith.constant 2 : i32
      %get3A_2072 = arith.index_cast %get3A_2071 : i32 to index
      %get3A_2073 = arith.index_cast %squeeze3A_2054 : i32 to index
      %get3A_2074 = arith.constant 0 : index
      %get3A_2075 = tpu.vector_load %arg14[%get3A_2072, %get3A_2073, %get3A_2074] {strides = array<i32>} : memref<16x8x64xf32, #tpu.memory_space<vmem>>, vector<1x1x16xf32>,
      %get3A_2076 = vector.shape_cast %get3A_2075 : vector<1x1x16xf32> to vector<16xf32>
      %mul3A_2077 = arith.mulf %get3A_2064, %get3A_2070 : vector<16xf32>
      %add3A_2078 = arith.addf %broadcast_in_dim3A_2056, %mul3A_2077 : vector<16xf32>
      %mul3A_2079 = arith.mulf %get3A_2064, %get3A_2076 : vector<16xf32>
      %add3A_2080 = arith.addf %broadcast_in_dim3A_2058, %mul3A_2079 : vector<16xf32>
      %get3A_2081 = arith.constant 2 : i32
      %get3A_2082 = arith.index_cast %get3A_2081 : i32 to index
      %get3A_2083 = arith.index_cast %squeeze3A_2050 : i32 to index
      %get3A_2084 = arith.constant 16 : index
      %get3A_2085 = tpu.vector_load %arg12[%get3A_2082, %get3A_2083, %get3A_2084] {strides = array<i32>} : memref<16x8x64xf32, #tpu.memory_space<vmem>>, vector<1x1x16xf32>,
      %get3A_2086 = vector.shape_cast %get3A_2085 : vector<1x1x16xf32> to vector<16xf32>
      %get3A_2087 = arith.constant 2 : i32
      %get3A_2088 = arith.index_cast %get3A_2087 : i32 to index
      %get3A_2089 = arith.index_cast %squeeze3A_2052 : i32 to index
      %get3A_2090 = arith.constant 16 : index
      %get3A_2091 = tpu.vector_load %arg13[%get3A_2088, %get3A_2089, %get3A_2090] {strides = array<i32>} : memref<16x8x64xf32, #tpu.memory_space<vmem>>, vector<1x1x16xf32>,
      %get3A_2092 = vector.shape_cast %get3A_2091 : vector<1x1x16xf32> to vector<16xf32>
      %get3A_2093 = arith.constant 2 : i32
      %get3A_2094 = arith.index_cast %get3A_2093 : i32 to index
      %get3A_2095 = arith.index_cast %squeeze3A_2054 : i32 to index
      %get3A_2096 = arith.constant 16 : index
      %get3A_2097 = tpu.vector_load %arg14[%get3A_2094, %get3A_2095, %get3A_2096] {strides = array<i32>} : memref<16x8x64xf32, #tpu.memory_space<vmem>>, vector<1x1x16xf32>,
      %get3A_2098 = vector.shape_cast %get3A_2097 : vector<1x1x16xf32> to vector<16xf32>
      %mul3A_2099 = arith.mulf %get3A_2086, %get3A_2092 : vector<16xf32>
      %add3A_2100 = arith.addf %add3A_2078, %mul3A_2099 : vector<16xf32>
      %mul3A_2101 = arith.mulf %get3A_2086, %get3A_2098 : vector<16xf32>
      %add3A_2102 = arith.addf %add3A_2080, %mul3A_2101 : vector<16xf32>
      %get3A_2103 = arith.constant 2 : i32
      %get3A_2104 = arith.index_cast %get3A_2103 : i32 to index
      %get3A_2105 = arith.index_cast %squeeze3A_2050 : i32 to index
      %get3A_2106 = arith.constant 32 : index
      %get3A_2107 = tpu.vector_load %arg12[%get3A_2104, %get3A_2105, %get3A_2106] {strides = array<i32>} : memref<16x8x64xf32, #tpu.memory_space<vmem>>, vector<1x1x16xf32>,
      %get3A_2108 = vector.shape_cast %get3A_2107 : vector<1x1x16xf32> to vector<16xf32>
      %get3A_2109 = arith.constant 2 : i32
      %get3A_2110 = arith.index_cast %get3A_2109 : i32 to index
      %get3A_2111 = arith.index_cast %squeeze3A_2052 : i32 to index
      %get3A_2112 = arith.constant 32 : index
      %get3A_2113 = tpu.vector_load %arg13[%get3A_2110, %get3A_2111, %get3A_2112] {strides = array<i32>} : memref<16x8x64xf32, #tpu.memory_space<vmem>>, vector<1x1x16xf32>,
      %get3A_2114 = vector.shape_cast %get3A_2113 : vector<1x1x16xf32> to vector<16xf32>
      %get3A_2115 = arith.constant 2 : i32
      %get3A_2116 = arith.index_cast %get3A_2115 : i32 to index
      %get3A_2117 = arith.index_cast %squeeze3A_2054 : i32 to index
      %get3A_2118 = arith.constant 32 : index
      %get3A_2119 = tpu.vector_load %arg14[%get3A_2116, %get3A_2117, %get3A_2118] {strides = array<i32>} : memref<16x8x64xf32, #tpu.memory_space<vmem>>, vector<1x1x16xf32>,
      %get3A_2120 = vector.shape_cast %get3A_2119 : vector<1x1x16xf32> to vector<16xf32>
      %mul3A_2121 = arith.mulf %get3A_2108, %get3A_2114 : vector<16xf32>
      %add3A_2122 = arith.addf %add3A_2100, %mul3A_2121 : vector<16xf32>
      %mul3A_2123 = arith.mulf %get3A_2108, %get3A_2120 : vector<16xf32>
      %add3A_2124 = arith.addf %add3A_2102, %mul3A_2123 : vector<16xf32>
      %get3A_2125 = arith.constant 2 : i32
      %get3A_2126 = arith.index_cast %get3A_2125 : i32 to index
      %get3A_2127 = arith.index_cast %squeeze3A_2050 : i32 to index
      %get3A_2128 = arith.constant 48 : index
      %get3A_2129 = tpu.vector_load %arg12[%get3A_2126, %get3A_2127, %get3A_2128] {strides = array<i32>} : memref<16x8x64xf32, #tpu.memory_space<vmem>>, vector<1x1x16xf32>,
      %get3A_2130 = vector.shape_cast %get3A_2129 : vector<1x1x16xf32> to vector<16xf32>
      %get3A_2131 = arith.constant 2 : i32
      %get3A_2132 = arith.index_cast %get3A_2131 : i32 to index
      %get3A_2133 = arith.index_cast %squeeze3A_2052 : i32 to index
      %get3A_2134 = arith.constant 48 : index
      %get3A_2135 = tpu.vector_load %arg13[%get3A_2132, %get3A_2133, %get3A_2134] {strides = array<i32>} : memref<16x8x64xf32, #tpu.memory_space<vmem>>, vector<1x1x16xf32>,
      %get3A_2136 = vector.shape_cast %get3A_2135 : vector<1x1x16xf32> to vector<16xf32>
      %get3A_2137 = arith.constant 2 : i32
      %get3A_2138 = arith.index_cast %get3A_2137 : i32 to index
      %get3A_2139 = arith.index_cast %squeeze3A_2054 : i32 to index
      %get3A_2140 = arith.constant 48 : index
      %get3A_2141 = tpu.vector_load %arg14[%get3A_2138, %get3A_2139, %get3A_2140] {strides = array<i32>} : memref<16x8x64xf32, #tpu.memory_space<vmem>>, vector<1x1x16xf32>,
      %get3A_2142 = vector.shape_cast %get3A_2141 : vector<1x1x16xf32> to vector<16xf32>
      %mul3A_2143 = arith.mulf %get3A_2130, %get3A_2136 : vector<16xf32>
      %add3A_2144 = arith.addf %add3A_2122, %mul3A_2143 : vector<16xf32>
      %mul3A_2145 = arith.mulf %get3A_2130, %get3A_2142 : vector<16xf32>
      %add3A_2146 = arith.addf %add3A_2124, %mul3A_2145 : vector<16xf32>
      %eq3A_2147 = arith.constant 2 : i32
      %eq3A_2148 = vector.broadcast %eq3A_2147 : i32 to vector<16xi32>
      %eq3A_2149 = arith.cmpi eq, %iota3A, %eq3A_2148 : vector<16xi32>
      %broadcast_in_dim3A_2150 = vector.shape_cast %xor3A_4 : vector<16xi32> to vector<16x1xi32>
      %gather3A_2151 = vector.shape_cast %broadcast_in_dim3A_2150 : vector<16x1xi32> to vector<16xi32>
      %gather3A_2152 = tpu.dynamic_gather %add3A_2144[%gather3A_2151] in [0] : vector<16xf32>, vector<16xi32> -> vector<16xf32>
      %add3A_2153 = arith.addf %add3A_2144, %gather3A_2152 : vector<16xf32>
      %broadcast_in_dim3A_2154 = vector.shape_cast %xor3A_7 : vector<16xi32> to vector<16x1xi32>
      %gather3A_2155 = vector.shape_cast %broadcast_in_dim3A_2154 : vector<16x1xi32> to vector<16xi32>
      %gather3A_2156 = tpu.dynamic_gather %add3A_2153[%gather3A_2155] in [0] : vector<16xf32>, vector<16xi32> -> vector<16xf32>
      %add3A_2157 = arith.addf %add3A_2153, %gather3A_2156 : vector<16xf32>
      %broadcast_in_dim3A_2158 = vector.shape_cast %xor3A_10 : vector<16xi32> to vector<16x1xi32>
      %gather3A_2159 = vector.shape_cast %broadcast_in_dim3A_2158 : vector<16x1xi32> to vector<16xi32>
      %gather3A_2160 = tpu.dynamic_gather %add3A_2157[%gather3A_2159] in [0] : vector<16xf32>, vector<16xi32> -> vector<16xf32>
      %add3A_2161 = arith.addf %add3A_2157, %gather3A_2160 : vector<16xf32>
      %broadcast_in_dim3A_2162 = vector.shape_cast %xor3A_13 : vector<16xi32> to vector<16x1xi32>
      %gather3A_2163 = vector.shape_cast %broadcast_in_dim3A_2162 : vector<16x1xi32> to vector<16xi32>
      %gather3A_2164 = tpu.dynamic_gather %add3A_2161[%gather3A_2163] in [0] : vector<16xf32>, vector<16xi32> -> vector<16xf32>
      %add3A_2165 = arith.addf %add3A_2161, %gather3A_2164 : vector<16xf32>
      %select_n3A_2166 = arith.select %eq3A_2149, %add3A_2165, %select_n3A_2031 : vector<16xi1>, vector<16xf32>
      %broadcast_in_dim3A_2167 = vector.shape_cast %xor3A_4 : vector<16xi32> to vector<16x1xi32>
      %gather3A_2168 = vector.shape_cast %broadcast_in_dim3A_2167 : vector<16x1xi32> to vector<16xi32>
      %gather3A_2169 = tpu.dynamic_gather %add3A_2146[%gather3A_2168] in [0] : vector<16xf32>, vector<16xi32> -> vector<16xf32>
      %add3A_2170 = arith.addf %add3A_2146, %gather3A_2169 : vector<16xf32>
      %broadcast_in_dim3A_2171 = vector.shape_cast %xor3A_7 : vector<16xi32> to vector<16x1xi32>
      %gather3A_2172 = vector.shape_cast %broadcast_in_dim3A_2171 : vector<16x1xi32> to vector<16xi32>
      %gather3A_2173 = tpu.dynamic_gather %add3A_2170[%gather3A_2172] in [0] : vector<16xf32>, vector<16xi32> -> vector<16xf32>
      %add3A_2174 = arith.addf %add3A_2170, %gather3A_2173 : vector<16xf32>
      %broadcast_in_dim3A_2175 = vector.shape_cast %xor3A_10 : vector<16xi32> to vector<16x1xi32>
      %gather3A_2176 = vector.shape_cast %broadcast_in_dim3A_2175 : vector<16x1xi32> to vector<16xi32>
      %gather3A_2177 = tpu.dynamic_gather %add3A_2174[%gather3A_2176] in [0] : vector<16xf32>, vector<16xi32> -> vector<16xf32>
      %add3A_2178 = arith.addf %add3A_2174, %gather3A_2177 : vector<16xf32>
      %broadcast_in_dim3A_2179 = vector.shape_cast %xor3A_13 : vector<16xi32> to vector<16x1xi32>
      %gather3A_2180 = vector.shape_cast %broadcast_in_dim3A_2179 : vector<16x1xi32> to vector<16xi32>
      %gather3A_2181 = tpu.dynamic_gather %add3A_2178[%gather3A_2180] in [0] : vector<16xf32>, vector<16xi32> -> vector<16xf32>
      %add3A_2182 = arith.addf %add3A_2178, %gather3A_2181 : vector<16xf32>
      %select_n3A_2183 = arith.select %eq3A_2149, %add3A_2182, %select_n3A_2048 : vector<16xi1>, vector<16xf32>
      %slice3A_2184 = vector.extract_strided_slice %and3A_1766 {offsets = [3], sizes = [1], strides = [1]} : vector<16xi32> to vector<1xi32>
      %squeeze3A_2185 = vector.extract %slice3A_2184[0] : i32 from vector<1xi32>
      %slice3A_2186 = vector.extract_strided_slice %and3A_1772 {offsets = [3], sizes = [1], strides = [1]} : vector<16xi32> to vector<1xi32>
      %squeeze3A_2187 = vector.extract %slice3A_2186[0] : i32 from vector<1xi32>
      %slice3A_2188 = vector.extract_strided_slice %and3A_1778 {offsets = [3], sizes = [1], strides = [1]} : vector<16xi32> to vector<1xi32>
      %squeeze3A_2189 = vector.extract %slice3A_2188[0] : i32 from vector<1xi32>
      %broadcast_in_dim3A_2190 = arith.constant 0.000000e+00 : f32
      %broadcast_in_dim3A_2191 = vector.broadcast %broadcast_in_dim3A_2190 : f32 to vector<16xf32>
      %broadcast_in_dim3A_2192 = arith.constant 0.000000e+00 : f32
      %broadcast_in_dim3A_2193 = vector.broadcast %broadcast_in_dim3A_2192 : f32 to vector<16xf32>
      %get3A_2194 = arith.constant 3 : i32
      %get3A_2195 = arith.index_cast %get3A_2194 : i32 to index
      %get3A_2196 = arith.index_cast %squeeze3A_2185 : i32 to index
      %get3A_2197 = arith.constant 0 : index
      %get3A_2198 = tpu.vector_load %arg12[%get3A_2195, %get3A_2196, %get3A_2197] {strides = array<i32>} : memref<16x8x64xf32, #tpu.memory_space<vmem>>, vector<1x1x16xf32>,
      %get3A_2199 = vector.shape_cast %get3A_2198 : vector<1x1x16xf32> to vector<16xf32>
      %get3A_2200 = arith.constant 3 : i32
      %get3A_2201 = arith.index_cast %get3A_2200 : i32 to index
      %get3A_2202 = arith.index_cast %squeeze3A_2187 : i32 to index
      %get3A_2203 = arith.constant 0 : index
      %get3A_2204 = tpu.vector_load %arg13[%get3A_2201, %get3A_2202, %get3A_2203] {strides = array<i32>} : memref<16x8x64xf32, #tpu.memory_space<vmem>>, vector<1x1x16xf32>,
      %get3A_2205 = vector.shape_cast %get3A_2204 : vector<1x1x16xf32> to vector<16xf32>
      %get3A_2206 = arith.constant 3 : i32
      %get3A_2207 = arith.index_cast %get3A_2206 : i32 to index
      %get3A_2208 = arith.index_cast %squeeze3A_2189 : i32 to index
      %get3A_2209 = arith.constant 0 : index
      %get3A_2210 = tpu.vector_load %arg14[%get3A_2207, %get3A_2208, %get3A_2209] {strides = array<i32>} : memref<16x8x64xf32, #tpu.memory_space<vmem>>, vector<1x1x16xf32>,
      %get3A_2211 = vector.shape_cast %get3A_2210 : vector<1x1x16xf32> to vector<16xf32>
      %mul3A_2212 = arith.mulf %get3A_2199, %get3A_2205 : vector<16xf32>
      %add3A_2213 = arith.addf %broadcast_in_dim3A_2191, %mul3A_2212 : vector<16xf32>
      %mul3A_2214 = arith.mulf %get3A_2199, %get3A_2211 : vector<16xf32>
      %add3A_2215 = arith.addf %broadcast_in_dim3A_2193, %mul3A_2214 : vector<16xf32>
      %get3A_2216 = arith.constant 3 : i32
      %get3A_2217 = arith.index_cast %get3A_2216 : i32 to index
      %get3A_2218 = arith.index_cast %squeeze3A_2185 : i32 to index
      %get3A_2219 = arith.constant 16 : index
      %get3A_2220 = tpu.vector_load %arg12[%get3A_2217, %get3A_2218, %get3A_2219] {strides = array<i32>} : memref<16x8x64xf32, #tpu.memory_space<vmem>>, vector<1x1x16xf32>,
      %get3A_2221 = vector.shape_cast %get3A_2220 : vector<1x1x16xf32> to vector<16xf32>
      %get3A_2222 = arith.constant 3 : i32
      %get3A_2223 = arith.index_cast %get3A_2222 : i32 to index
      %get3A_2224 = arith.index_cast %squeeze3A_2187 : i32 to index
      %get3A_2225 = arith.constant 16 : index
      %get3A_2226 = tpu.vector_load %arg13[%get3A_2223, %get3A_2224, %get3A_2225] {strides = array<i32>} : memref<16x8x64xf32, #tpu.memory_space<vmem>>, vector<1x1x16xf32>,
      %get3A_2227 = vector.shape_cast %get3A_2226 : vector<1x1x16xf32> to vector<16xf32>
      %get3A_2228 = arith.constant 3 : i32
      %get3A_2229 = arith.index_cast %get3A_2228 : i32 to index
      %get3A_2230 = arith.index_cast %squeeze3A_2189 : i32 to index
      %get3A_2231 = arith.constant 16 : index
      %get3A_2232 = tpu.vector_load %arg14[%get3A_2229, %get3A_2230, %get3A_2231] {strides = array<i32>} : memref<16x8x64xf32, #tpu.memory_space<vmem>>, vector<1x1x16xf32>,
      %get3A_2233 = vector.shape_cast %get3A_2232 : vector<1x1x16xf32> to vector<16xf32>
      %mul3A_2234 = arith.mulf %get3A_2221, %get3A_2227 : vector<16xf32>
      %add3A_2235 = arith.addf %add3A_2213, %mul3A_2234 : vector<16xf32>
      %mul3A_2236 = arith.mulf %get3A_2221, %get3A_2233 : vector<16xf32>
      %add3A_2237 = arith.addf %add3A_2215, %mul3A_2236 : vector<16xf32>
      %get3A_2238 = arith.constant 3 : i32
      %get3A_2239 = arith.index_cast %get3A_2238 : i32 to index
      %get3A_2240 = arith.index_cast %squeeze3A_2185 : i32 to index
      %get3A_2241 = arith.constant 32 : index
      %get3A_2242 = tpu.vector_load %arg12[%get3A_2239, %get3A_2240, %get3A_2241] {strides = array<i32>} : memref<16x8x64xf32, #tpu.memory_space<vmem>>, vector<1x1x16xf32>,
      %get3A_2243 = vector.shape_cast %get3A_2242 : vector<1x1x16xf32> to vector<16xf32>
      %get3A_2244 = arith.constant 3 : i32
      %get3A_2245 = arith.index_cast %get3A_2244 : i32 to index
      %get3A_2246 = arith.index_cast %squeeze3A_2187 : i32 to index
      %get3A_2247 = arith.constant 32 : index
      %get3A_2248 = tpu.vector_load %arg13[%get3A_2245, %get3A_2246, %get3A_2247] {strides = array<i32>} : memref<16x8x64xf32, #tpu.memory_space<vmem>>, vector<1x1x16xf32>,
      %get3A_2249 = vector.shape_cast %get3A_2248 : vector<1x1x16xf32> to vector<16xf32>
      %get3A_2250 = arith.constant 3 : i32
      %get3A_2251 = arith.index_cast %get3A_2250 : i32 to index
      %get3A_2252 = arith.index_cast %squeeze3A_2189 : i32 to index
      %get3A_2253 = arith.constant 32 : index
      %get3A_2254 = tpu.vector_load %arg14[%get3A_2251, %get3A_2252, %get3A_2253] {strides = array<i32>} : memref<16x8x64xf32, #tpu.memory_space<vmem>>, vector<1x1x16xf32>,
      %get3A_2255 = vector.shape_cast %get3A_2254 : vector<1x1x16xf32> to vector<16xf32>
      %mul3A_2256 = arith.mulf %get3A_2243, %get3A_2249 : vector<16xf32>
      %add3A_2257 = arith.addf %add3A_2235, %mul3A_2256 : vector<16xf32>
      %mul3A_2258 = arith.mulf %get3A_2243, %get3A_2255 : vector<16xf32>
      %add3A_2259 = arith.addf %add3A_2237, %mul3A_2258 : vector<16xf32>
      %get3A_2260 = arith.constant 3 : i32
      %get3A_2261 = arith.index_cast %get3A_2260 : i32 to index
      %get3A_2262 = arith.index_cast %squeeze3A_2185 : i32 to index
      %get3A_2263 = arith.constant 48 : index
      %get3A_2264 = tpu.vector_load %arg12[%get3A_2261, %get3A_2262, %get3A_2263] {strides = array<i32>} : memref<16x8x64xf32, #tpu.memory_space<vmem>>, vector<1x1x16xf32>,
      %get3A_2265 = vector.shape_cast %get3A_2264 : vector<1x1x16xf32> to vector<16xf32>
      %get3A_2266 = arith.constant 3 : i32
      %get3A_2267 = arith.index_cast %get3A_2266 : i32 to index
      %get3A_2268 = arith.index_cast %squeeze3A_2187 : i32 to index
      %get3A_2269 = arith.constant 48 : index
      %get3A_2270 = tpu.vector_load %arg13[%get3A_2267, %get3A_2268, %get3A_2269] {strides = array<i32>} : memref<16x8x64xf32, #tpu.memory_space<vmem>>, vector<1x1x16xf32>,
      %get3A_2271 = vector.shape_cast %get3A_2270 : vector<1x1x16xf32> to vector<16xf32>
      %get3A_2272 = arith.constant 3 : i32
      %get3A_2273 = arith.index_cast %get3A_2272 : i32 to index
      %get3A_2274 = arith.index_cast %squeeze3A_2189 : i32 to index
      %get3A_2275 = arith.constant 48 : index
      %get3A_2276 = tpu.vector_load %arg14[%get3A_2273, %get3A_2274, %get3A_2275] {strides = array<i32>} : memref<16x8x64xf32, #tpu.memory_space<vmem>>, vector<1x1x16xf32>,
      %get3A_2277 = vector.shape_cast %get3A_2276 : vector<1x1x16xf32> to vector<16xf32>
      %mul3A_2278 = arith.mulf %get3A_2265, %get3A_2271 : vector<16xf32>
      %add3A_2279 = arith.addf %add3A_2257, %mul3A_2278 : vector<16xf32>
      %mul3A_2280 = arith.mulf %get3A_2265, %get3A_2277 : vector<16xf32>
      %add3A_2281 = arith.addf %add3A_2259, %mul3A_2280 : vector<16xf32>
      %eq3A_2282 = arith.constant 3 : i32
      %eq3A_2283 = vector.broadcast %eq3A_2282 : i32 to vector<16xi32>
      %eq3A_2284 = arith.cmpi eq, %iota3A, %eq3A_2283 : vector<16xi32>
      %broadcast_in_dim3A_2285 = vector.shape_cast %xor3A_4 : vector<16xi32> to vector<16x1xi32>
      %gather3A_2286 = vector.shape_cast %broadcast_in_dim3A_2285 : vector<16x1xi32> to vector<16xi32>
      %gather3A_2287 = tpu.dynamic_gather %add3A_2279[%gather3A_2286] in [0] : vector<16xf32>, vector<16xi32> -> vector<16xf32>
      %add3A_2288 = arith.addf %add3A_2279, %gather3A_2287 : vector<16xf32>
      %broadcast_in_dim3A_2289 = vector.shape_cast %xor3A_7 : vector<16xi32> to vector<16x1xi32>
      %gather3A_2290 = vector.shape_cast %broadcast_in_dim3A_2289 : vector<16x1xi32> to vector<16xi32>
      %gather3A_2291 = tpu.dynamic_gather %add3A_2288[%gather3A_2290] in [0] : vector<16xf32>, vector<16xi32> -> vector<16xf32>
      %add3A_2292 = arith.addf %add3A_2288, %gather3A_2291 : vector<16xf32>
      %broadcast_in_dim3A_2293 = vector.shape_cast %xor3A_10 : vector<16xi32> to vector<16x1xi32>
      %gather3A_2294 = vector.shape_cast %broadcast_in_dim3A_2293 : vector<16x1xi32> to vector<16xi32>
      %gather3A_2295 = tpu.dynamic_gather %add3A_2292[%gather3A_2294] in [0] : vector<16xf32>, vector<16xi32> -> vector<16xf32>
      %add3A_2296 = arith.addf %add3A_2292, %gather3A_2295 : vector<16xf32>
      %broadcast_in_dim3A_2297 = vector.shape_cast %xor3A_13 : vector<16xi32> to vector<16x1xi32>
      %gather3A_2298 = vector.shape_cast %broadcast_in_dim3A_2297 : vector<16x1xi32> to vector<16xi32>
      %gather3A_2299 = tpu.dynamic_gather %add3A_2296[%gather3A_2298] in [0] : vector<16xf32>, vector<16xi32> -> vector<16xf32>
      %add3A_2300 = arith.addf %add3A_2296, %gather3A_2299 : vector<16xf32>
      %select_n3A_2301 = arith.select %eq3A_2284, %add3A_2300, %select_n3A_2166 : vector<16xi1>, vector<16xf32>
      %broadcast_in_dim3A_2302 = vector.shape_cast %xor3A_4 : vector<16xi32> to vector<16x1xi32>
      %gather3A_2303 = vector.shape_cast %broadcast_in_dim3A_2302 : vector<16x1xi32> to vector<16xi32>
      %gather3A_2304 = tpu.dynamic_gather %add3A_2281[%gather3A_2303] in [0] : vector<16xf32>, vector<16xi32> -> vector<16xf32>
      %add3A_2305 = arith.addf %add3A_2281, %gather3A_2304 : vector<16xf32>
      %broadcast_in_dim3A_2306 = vector.shape_cast %xor3A_7 : vector<16xi32> to vector<16x1xi32>
      %gather3A_2307 = vector.shape_cast %broadcast_in_dim3A_2306 : vector<16x1xi32> to vector<16xi32>
      %gather3A_2308 = tpu.dynamic_gather %add3A_2305[%gather3A_2307] in [0] : vector<16xf32>, vector<16xi32> -> vector<16xf32>
      %add3A_2309 = arith.addf %add3A_2305, %gather3A_2308 : vector<16xf32>
      %broadcast_in_dim3A_2310 = vector.shape_cast %xor3A_10 : vector<16xi32> to vector<16x1xi32>
      %gather3A_2311 = vector.shape_cast %broadcast_in_dim3A_2310 : vector<16x1xi32> to vector<16xi32>
      %gather3A_2312 = tpu.dynamic_gather %add3A_2309[%gather3A_2311] in [0] : vector<16xf32>, vector<16xi32> -> vector<16xf32>
      %add3A_2313 = arith.addf %add3A_2309, %gather3A_2312 : vector<16xf32>
      %broadcast_in_dim3A_2314 = vector.shape_cast %xor3A_13 : vector<16xi32> to vector<16x1xi32>
      %gather3A_2315 = vector.shape_cast %broadcast_in_dim3A_2314 : vector<16x1xi32> to vector<16xi32>
      %gather3A_2316 = tpu.dynamic_gather %add3A_2313[%gather3A_2315] in [0] : vector<16xf32>, vector<16xi32> -> vector<16xf32>
      %add3A_2317 = arith.addf %add3A_2313, %gather3A_2316 : vector<16xf32>
      %select_n3A_2318 = arith.select %eq3A_2284, %add3A_2317, %select_n3A_2183 : vector<16xi1>, vector<16xf32>
      %slice3A_2319 = vector.extract_strided_slice %and3A_1766 {offsets = [4], sizes = [1], strides = [1]} : vector<16xi32> to vector<1xi32>
      %squeeze3A_2320 = vector.extract %slice3A_2319[0] : i32 from vector<1xi32>
      %slice3A_2321 = vector.extract_strided_slice %and3A_1772 {offsets = [4], sizes = [1], strides = [1]} : vector<16xi32> to vector<1xi32>
      %squeeze3A_2322 = vector.extract %slice3A_2321[0] : i32 from vector<1xi32>
      %slice3A_2323 = vector.extract_strided_slice %and3A_1778 {offsets = [4], sizes = [1], strides = [1]} : vector<16xi32> to vector<1xi32>
      %squeeze3A_2324 = vector.extract %slice3A_2323[0] : i32 from vector<1xi32>
      %broadcast_in_dim3A_2325 = arith.constant 0.000000e+00 : f32
      %broadcast_in_dim3A_2326 = vector.broadcast %broadcast_in_dim3A_2325 : f32 to vector<16xf32>
      %broadcast_in_dim3A_2327 = arith.constant 0.000000e+00 : f32
      %broadcast_in_dim3A_2328 = vector.broadcast %broadcast_in_dim3A_2327 : f32 to vector<16xf32>
      %get3A_2329 = arith.constant 4 : i32
      %get3A_2330 = arith.index_cast %get3A_2329 : i32 to index
      %get3A_2331 = arith.index_cast %squeeze3A_2320 : i32 to index
      %get3A_2332 = arith.constant 0 : index
      %get3A_2333 = tpu.vector_load %arg12[%get3A_2330, %get3A_2331, %get3A_2332] {strides = array<i32>} : memref<16x8x64xf32, #tpu.memory_space<vmem>>, vector<1x1x16xf32>,
      %get3A_2334 = vector.shape_cast %get3A_2333 : vector<1x1x16xf32> to vector<16xf32>
      %get3A_2335 = arith.constant 4 : i32
      %get3A_2336 = arith.index_cast %get3A_2335 : i32 to index
      %get3A_2337 = arith.index_cast %squeeze3A_2322 : i32 to index
      %get3A_2338 = arith.constant 0 : index
      %get3A_2339 = tpu.vector_load %arg13[%get3A_2336, %get3A_2337, %get3A_2338] {strides = array<i32>} : memref<16x8x64xf32, #tpu.memory_space<vmem>>, vector<1x1x16xf32>,
      %get3A_2340 = vector.shape_cast %get3A_2339 : vector<1x1x16xf32> to vector<16xf32>
      %get3A_2341 = arith.constant 4 : i32
      %get3A_2342 = arith.index_cast %get3A_2341 : i32 to index
      %get3A_2343 = arith.index_cast %squeeze3A_2324 : i32 to index
      %get3A_2344 = arith.constant 0 : index
      %get3A_2345 = tpu.vector_load %arg14[%get3A_2342, %get3A_2343, %get3A_2344] {strides = array<i32>} : memref<16x8x64xf32, #tpu.memory_space<vmem>>, vector<1x1x16xf32>,
      %get3A_2346 = vector.shape_cast %get3A_2345 : vector<1x1x16xf32> to vector<16xf32>
      %mul3A_2347 = arith.mulf %get3A_2334, %get3A_2340 : vector<16xf32>
      %add3A_2348 = arith.addf %broadcast_in_dim3A_2326, %mul3A_2347 : vector<16xf32>
      %mul3A_2349 = arith.mulf %get3A_2334, %get3A_2346 : vector<16xf32>
      %add3A_2350 = arith.addf %broadcast_in_dim3A_2328, %mul3A_2349 : vector<16xf32>
      %get3A_2351 = arith.constant 4 : i32
      %get3A_2352 = arith.index_cast %get3A_2351 : i32 to index
      %get3A_2353 = arith.index_cast %squeeze3A_2320 : i32 to index
      %get3A_2354 = arith.constant 16 : index
      %get3A_2355 = tpu.vector_load %arg12[%get3A_2352, %get3A_2353, %get3A_2354] {strides = array<i32>} : memref<16x8x64xf32, #tpu.memory_space<vmem>>, vector<1x1x16xf32>,
      %get3A_2356 = vector.shape_cast %get3A_2355 : vector<1x1x16xf32> to vector<16xf32>
      %get3A_2357 = arith.constant 4 : i32
      %get3A_2358 = arith.index_cast %get3A_2357 : i32 to index
      %get3A_2359 = arith.index_cast %squeeze3A_2322 : i32 to index
      %get3A_2360 = arith.constant 16 : index
      %get3A_2361 = tpu.vector_load %arg13[%get3A_2358, %get3A_2359, %get3A_2360] {strides = array<i32>} : memref<16x8x64xf32, #tpu.memory_space<vmem>>, vector<1x1x16xf32>,
      %get3A_2362 = vector.shape_cast %get3A_2361 : vector<1x1x16xf32> to vector<16xf32>
      %get3A_2363 = arith.constant 4 : i32
      %get3A_2364 = arith.index_cast %get3A_2363 : i32 to index
      %get3A_2365 = arith.index_cast %squeeze3A_2324 : i32 to index
      %get3A_2366 = arith.constant 16 : index
      %get3A_2367 = tpu.vector_load %arg14[%get3A_2364, %get3A_2365, %get3A_2366] {strides = array<i32>} : memref<16x8x64xf32, #tpu.memory_space<vmem>>, vector<1x1x16xf32>,
      %get3A_2368 = vector.shape_cast %get3A_2367 : vector<1x1x16xf32> to vector<16xf32>
      %mul3A_2369 = arith.mulf %get3A_2356, %get3A_2362 : vector<16xf32>
      %add3A_2370 = arith.addf %add3A_2348, %mul3A_2369 : vector<16xf32>
      %mul3A_2371 = arith.mulf %get3A_2356, %get3A_2368 : vector<16xf32>
      %add3A_2372 = arith.addf %add3A_2350, %mul3A_2371 : vector<16xf32>
      %get3A_2373 = arith.constant 4 : i32
      %get3A_2374 = arith.index_cast %get3A_2373 : i32 to index
      %get3A_2375 = arith.index_cast %squeeze3A_2320 : i32 to index
      %get3A_2376 = arith.constant 32 : index
      %get3A_2377 = tpu.vector_load %arg12[%get3A_2374, %get3A_2375, %get3A_2376] {strides = array<i32>} : memref<16x8x64xf32, #tpu.memory_space<vmem>>, vector<1x1x16xf32>,
      %get3A_2378 = vector.shape_cast %get3A_2377 : vector<1x1x16xf32> to vector<16xf32>
      %get3A_2379 = arith.constant 4 : i32
      %get3A_2380 = arith.index_cast %get3A_2379 : i32 to index
      %get3A_2381 = arith.index_cast %squeeze3A_2322 : i32 to index
      %get3A_2382 = arith.constant 32 : index
      %get3A_2383 = tpu.vector_load %arg13[%get3A_2380, %get3A_2381, %get3A_2382] {strides = array<i32>} : memref<16x8x64xf32, #tpu.memory_space<vmem>>, vector<1x1x16xf32>,
      %get3A_2384 = vector.shape_cast %get3A_2383 : vector<1x1x16xf32> to vector<16xf32>
      %get3A_2385 = arith.constant 4 : i32
      %get3A_2386 = arith.index_cast %get3A_2385 : i32 to index
      %get3A_2387 = arith.index_cast %squeeze3A_2324 : i32 to index
      %get3A_2388 = arith.constant 32 : index
      %get3A_2389 = tpu.vector_load %arg14[%get3A_2386, %get3A_2387, %get3A_2388] {strides = array<i32>} : memref<16x8x64xf32, #tpu.memory_space<vmem>>, vector<1x1x16xf32>,
      %get3A_2390 = vector.shape_cast %get3A_2389 : vector<1x1x16xf32> to vector<16xf32>
      %mul3A_2391 = arith.mulf %get3A_2378, %get3A_2384 : vector<16xf32>
      %add3A_2392 = arith.addf %add3A_2370, %mul3A_2391 : vector<16xf32>
      %mul3A_2393 = arith.mulf %get3A_2378, %get3A_2390 : vector<16xf32>
      %add3A_2394 = arith.addf %add3A_2372, %mul3A_2393 : vector<16xf32>
      %get3A_2395 = arith.constant 4 : i32
      %get3A_2396 = arith.index_cast %get3A_2395 : i32 to index
      %get3A_2397 = arith.index_cast %squeeze3A_2320 : i32 to index
      %get3A_2398 = arith.constant 48 : index
      %get3A_2399 = tpu.vector_load %arg12[%get3A_2396, %get3A_2397, %get3A_2398] {strides = array<i32>} : memref<16x8x64xf32, #tpu.memory_space<vmem>>, vector<1x1x16xf32>,
      %get3A_2400 = vector.shape_cast %get3A_2399 : vector<1x1x16xf32> to vector<16xf32>
      %get3A_2401 = arith.constant 4 : i32
      %get3A_2402 = arith.index_cast %get3A_2401 : i32 to index
      %get3A_2403 = arith.index_cast %squeeze3A_2322 : i32 to index
      %get3A_2404 = arith.constant 48 : index
      %get3A_2405 = tpu.vector_load %arg13[%get3A_2402, %get3A_2403, %get3A_2404] {strides = array<i32>} : memref<16x8x64xf32, #tpu.memory_space<vmem>>, vector<1x1x16xf32>,
      %get3A_2406 = vector.shape_cast %get3A_2405 : vector<1x1x16xf32> to vector<16xf32>
      %get3A_2407 = arith.constant 4 : i32
      %get3A_2408 = arith.index_cast %get3A_2407 : i32 to index
      %get3A_2409 = arith.index_cast %squeeze3A_2324 : i32 to index
      %get3A_2410 = arith.constant 48 : index
      %get3A_2411 = tpu.vector_load %arg14[%get3A_2408, %get3A_2409, %get3A_2410] {strides = array<i32>} : memref<16x8x64xf32, #tpu.memory_space<vmem>>, vector<1x1x16xf32>,
      %get3A_2412 = vector.shape_cast %get3A_2411 : vector<1x1x16xf32> to vector<16xf32>
      %mul3A_2413 = arith.mulf %get3A_2400, %get3A_2406 : vector<16xf32>
      %add3A_2414 = arith.addf %add3A_2392, %mul3A_2413 : vector<16xf32>
      %mul3A_2415 = arith.mulf %get3A_2400, %get3A_2412 : vector<16xf32>
      %add3A_2416 = arith.addf %add3A_2394, %mul3A_2415 : vector<16xf32>
      %eq3A_2417 = arith.constant 4 : i32
      %eq3A_2418 = vector.broadcast %eq3A_2417 : i32 to vector<16xi32>
      %eq3A_2419 = arith.cmpi eq, %iota3A, %eq3A_2418 : vector<16xi32>
      %broadcast_in_dim3A_2420 = vector.shape_cast %xor3A_4 : vector<16xi32> to vector<16x1xi32>
      %gather3A_2421 = vector.shape_cast %broadcast_in_dim3A_2420 : vector<16x1xi32> to vector<16xi32>
      %gather3A_2422 = tpu.dynamic_gather %add3A_2414[%gather3A_2421] in [0] : vector<16xf32>, vector<16xi32> -> vector<16xf32>
      %add3A_2423 = arith.addf %add3A_2414, %gather3A_2422 : vector<16xf32>
      %broadcast_in_dim3A_2424 = vector.shape_cast %xor3A_7 : vector<16xi32> to vector<16x1xi32>
      %gather3A_2425 = vector.shape_cast %broadcast_in_dim3A_2424 : vector<16x1xi32> to vector<16xi32>
      %gather3A_2426 = tpu.dynamic_gather %add3A_2423[%gather3A_2425] in [0] : vector<16xf32>, vector<16xi32> -> vector<16xf32>
      %add3A_2427 = arith.addf %add3A_2423, %gather3A_2426 : vector<16xf32>
      %broadcast_in_dim3A_2428 = vector.shape_cast %xor3A_10 : vector<16xi32> to vector<16x1xi32>
      %gather3A_2429 = vector.shape_cast %broadcast_in_dim3A_2428 : vector<16x1xi32> to vector<16xi32>
      %gather3A_2430 = tpu.dynamic_gather %add3A_2427[%gather3A_2429] in [0] : vector<16xf32>, vector<16xi32> -> vector<16xf32>
      %add3A_2431 = arith.addf %add3A_2427, %gather3A_2430 : vector<16xf32>
      %broadcast_in_dim3A_2432 = vector.shape_cast %xor3A_13 : vector<16xi32> to vector<16x1xi32>
      %gather3A_2433 = vector.shape_cast %broadcast_in_dim3A_2432 : vector<16x1xi32> to vector<16xi32>
      %gather3A_2434 = tpu.dynamic_gather %add3A_2431[%gather3A_2433] in [0] : vector<16xf32>, vector<16xi32> -> vector<16xf32>
      %add3A_2435 = arith.addf %add3A_2431, %gather3A_2434 : vector<16xf32>
      %select_n3A_2436 = arith.select %eq3A_2419, %add3A_2435, %select_n3A_2301 : vector<16xi1>, vector<16xf32>
      %broadcast_in_dim3A_2437 = vector.shape_cast %xor3A_4 : vector<16xi32> to vector<16x1xi32>
      %gather3A_2438 = vector.shape_cast %broadcast_in_dim3A_2437 : vector<16x1xi32> to vector<16xi32>
      %gather3A_2439 = tpu.dynamic_gather %add3A_2416[%gather3A_2438] in [0] : vector<16xf32>, vector<16xi32> -> vector<16xf32>
      %add3A_2440 = arith.addf %add3A_2416, %gather3A_2439 : vector<16xf32>
      %broadcast_in_dim3A_2441 = vector.shape_cast %xor3A_7 : vector<16xi32> to vector<16x1xi32>
      %gather3A_2442 = vector.shape_cast %broadcast_in_dim3A_2441 : vector<16x1xi32> to vector<16xi32>
      %gather3A_2443 = tpu.dynamic_gather %add3A_2440[%gather3A_2442] in [0] : vector<16xf32>, vector<16xi32> -> vector<16xf32>
      %add3A_2444 = arith.addf %add3A_2440, %gather3A_2443 : vector<16xf32>
      %broadcast_in_dim3A_2445 = vector.shape_cast %xor3A_10 : vector<16xi32> to vector<16x1xi32>
      %gather3A_2446 = vector.shape_cast %broadcast_in_dim3A_2445 : vector<16x1xi32> to vector<16xi32>
      %gather3A_2447 = tpu.dynamic_gather %add3A_2444[%gather3A_2446] in [0] : vector<16xf32>, vector<16xi32> -> vector<16xf32>
      %add3A_2448 = arith.addf %add3A_2444, %gather3A_2447 : vector<16xf32>
      %broadcast_in_dim3A_2449 = vector.shape_cast %xor3A_13 : vector<16xi32> to vector<16x1xi32>
      %gather3A_2450 = vector.shape_cast %broadcast_in_dim3A_2449 : vector<16x1xi32> to vector<16xi32>
      %gather3A_2451 = tpu.dynamic_gather %add3A_2448[%gather3A_2450] in [0] : vector<16xf32>, vector<16xi32> -> vector<16xf32>
      %add3A_2452 = arith.addf %add3A_2448, %gather3A_2451 : vector<16xf32>
      %select_n3A_2453 = arith.select %eq3A_2419, %add3A_2452, %select_n3A_2318 : vector<16xi1>, vector<16xf32>
      %slice3A_2454 = vector.extract_strided_slice %and3A_1766 {offsets = [5], sizes = [1], strides = [1]} : vector<16xi32> to vector<1xi32>
      %squeeze3A_2455 = vector.extract %slice3A_2454[0] : i32 from vector<1xi32>
      %slice3A_2456 = vector.extract_strided_slice %and3A_1772 {offsets = [5], sizes = [1], strides = [1]} : vector<16xi32> to vector<1xi32>
      %squeeze3A_2457 = vector.extract %slice3A_2456[0] : i32 from vector<1xi32>
      %slice3A_2458 = vector.extract_strided_slice %and3A_1778 {offsets = [5], sizes = [1], strides = [1]} : vector<16xi32> to vector<1xi32>
      %squeeze3A_2459 = vector.extract %slice3A_2458[0] : i32 from vector<1xi32>
      %broadcast_in_dim3A_2460 = arith.constant 0.000000e+00 : f32
      %broadcast_in_dim3A_2461 = vector.broadcast %broadcast_in_dim3A_2460 : f32 to vector<16xf32>
      %broadcast_in_dim3A_2462 = arith.constant 0.000000e+00 : f32
      %broadcast_in_dim3A_2463 = vector.broadcast %broadcast_in_dim3A_2462 : f32 to vector<16xf32>
      %get3A_2464 = arith.constant 5 : i32
      %get3A_2465 = arith.index_cast %get3A_2464 : i32 to index
      %get3A_2466 = arith.index_cast %squeeze3A_2455 : i32 to index
      %get3A_2467 = arith.constant 0 : index
      %get3A_2468 = tpu.vector_load %arg12[%get3A_2465, %get3A_2466, %get3A_2467] {strides = array<i32>} : memref<16x8x64xf32, #tpu.memory_space<vmem>>, vector<1x1x16xf32>,
      %get3A_2469 = vector.shape_cast %get3A_2468 : vector<1x1x16xf32> to vector<16xf32>
      %get3A_2470 = arith.constant 5 : i32
      %get3A_2471 = arith.index_cast %get3A_2470 : i32 to index
      %get3A_2472 = arith.index_cast %squeeze3A_2457 : i32 to index
      %get3A_2473 = arith.constant 0 : index
      %get3A_2474 = tpu.vector_load %arg13[%get3A_2471, %get3A_2472, %get3A_2473] {strides = array<i32>} : memref<16x8x64xf32, #tpu.memory_space<vmem>>, vector<1x1x16xf32>,
      %get3A_2475 = vector.shape_cast %get3A_2474 : vector<1x1x16xf32> to vector<16xf32>
      %get3A_2476 = arith.constant 5 : i32
      %get3A_2477 = arith.index_cast %get3A_2476 : i32 to index
      %get3A_2478 = arith.index_cast %squeeze3A_2459 : i32 to index
      %get3A_2479 = arith.constant 0 : index
      %get3A_2480 = tpu.vector_load %arg14[%get3A_2477, %get3A_2478, %get3A_2479] {strides = array<i32>} : memref<16x8x64xf32, #tpu.memory_space<vmem>>, vector<1x1x16xf32>,
      %get3A_2481 = vector.shape_cast %get3A_2480 : vector<1x1x16xf32> to vector<16xf32>
      %mul3A_2482 = arith.mulf %get3A_2469, %get3A_2475 : vector<16xf32>
      %add3A_2483 = arith.addf %broadcast_in_dim3A_2461, %mul3A_2482 : vector<16xf32>
      %mul3A_2484 = arith.mulf %get3A_2469, %get3A_2481 : vector<16xf32>
      %add3A_2485 = arith.addf %broadcast_in_dim3A_2463, %mul3A_2484 : vector<16xf32>
      %get3A_2486 = arith.constant 5 : i32
      %get3A_2487 = arith.index_cast %get3A_2486 : i32 to index
      %get3A_2488 = arith.index_cast %squeeze3A_2455 : i32 to index
      %get3A_2489 = arith.constant 16 : index
      %get3A_2490 = tpu.vector_load %arg12[%get3A_2487, %get3A_2488, %get3A_2489] {strides = array<i32>} : memref<16x8x64xf32, #tpu.memory_space<vmem>>, vector<1x1x16xf32>,
      %get3A_2491 = vector.shape_cast %get3A_2490 : vector<1x1x16xf32> to vector<16xf32>
      %get3A_2492 = arith.constant 5 : i32
      %get3A_2493 = arith.index_cast %get3A_2492 : i32 to index
      %get3A_2494 = arith.index_cast %squeeze3A_2457 : i32 to index
      %get3A_2495 = arith.constant 16 : index
      %get3A_2496 = tpu.vector_load %arg13[%get3A_2493, %get3A_2494, %get3A_2495] {strides = array<i32>} : memref<16x8x64xf32, #tpu.memory_space<vmem>>, vector<1x1x16xf32>,
      %get3A_2497 = vector.shape_cast %get3A_2496 : vector<1x1x16xf32> to vector<16xf32>
      %get3A_2498 = arith.constant 5 : i32
      %get3A_2499 = arith.index_cast %get3A_2498 : i32 to index
      %get3A_2500 = arith.index_cast %squeeze3A_2459 : i32 to index
      %get3A_2501 = arith.constant 16 : index
      %get3A_2502 = tpu.vector_load %arg14[%get3A_2499, %get3A_2500, %get3A_2501] {strides = array<i32>} : memref<16x8x64xf32, #tpu.memory_space<vmem>>, vector<1x1x16xf32>,
      %get3A_2503 = vector.shape_cast %get3A_2502 : vector<1x1x16xf32> to vector<16xf32>
      %mul3A_2504 = arith.mulf %get3A_2491, %get3A_2497 : vector<16xf32>
      %add3A_2505 = arith.addf %add3A_2483, %mul3A_2504 : vector<16xf32>
      %mul3A_2506 = arith.mulf %get3A_2491, %get3A_2503 : vector<16xf32>
      %add3A_2507 = arith.addf %add3A_2485, %mul3A_2506 : vector<16xf32>
      %get3A_2508 = arith.constant 5 : i32
      %get3A_2509 = arith.index_cast %get3A_2508 : i32 to index
      %get3A_2510 = arith.index_cast %squeeze3A_2455 : i32 to index
      %get3A_2511 = arith.constant 32 : index
      %get3A_2512 = tpu.vector_load %arg12[%get3A_2509, %get3A_2510, %get3A_2511] {strides = array<i32>} : memref<16x8x64xf32, #tpu.memory_space<vmem>>, vector<1x1x16xf32>,
      %get3A_2513 = vector.shape_cast %get3A_2512 : vector<1x1x16xf32> to vector<16xf32>
      %get3A_2514 = arith.constant 5 : i32
      %get3A_2515 = arith.index_cast %get3A_2514 : i32 to index
      %get3A_2516 = arith.index_cast %squeeze3A_2457 : i32 to index
      %get3A_2517 = arith.constant 32 : index
      %get3A_2518 = tpu.vector_load %arg13[%get3A_2515, %get3A_2516, %get3A_2517] {strides = array<i32>} : memref<16x8x64xf32, #tpu.memory_space<vmem>>, vector<1x1x16xf32>,
      %get3A_2519 = vector.shape_cast %get3A_2518 : vector<1x1x16xf32> to vector<16xf32>
      %get3A_2520 = arith.constant 5 : i32
      %get3A_2521 = arith.index_cast %get3A_2520 : i32 to index
      %get3A_2522 = arith.index_cast %squeeze3A_2459 : i32 to index
      %get3A_2523 = arith.constant 32 : index
      %get3A_2524 = tpu.vector_load %arg14[%get3A_2521, %get3A_2522, %get3A_2523] {strides = array<i32>} : memref<16x8x64xf32, #tpu.memory_space<vmem>>, vector<1x1x16xf32>,
      %get3A_2525 = vector.shape_cast %get3A_2524 : vector<1x1x16xf32> to vector<16xf32>
      %mul3A_2526 = arith.mulf %get3A_2513, %get3A_2519 : vector<16xf32>
      %add3A_2527 = arith.addf %add3A_2505, %mul3A_2526 : vector<16xf32>
      %mul3A_2528 = arith.mulf %get3A_2513, %get3A_2525 : vector<16xf32>
      %add3A_2529 = arith.addf %add3A_2507, %mul3A_2528 : vector<16xf32>
      %get3A_2530 = arith.constant 5 : i32
      %get3A_2531 = arith.index_cast %get3A_2530 : i32 to index
      %get3A_2532 = arith.index_cast %squeeze3A_2455 : i32 to index
      %get3A_2533 = arith.constant 48 : index
      %get3A_2534 = tpu.vector_load %arg12[%get3A_2531, %get3A_2532, %get3A_2533] {strides = array<i32>} : memref<16x8x64xf32, #tpu.memory_space<vmem>>, vector<1x1x16xf32>,
      %get3A_2535 = vector.shape_cast %get3A_2534 : vector<1x1x16xf32> to vector<16xf32>
      %get3A_2536 = arith.constant 5 : i32
      %get3A_2537 = arith.index_cast %get3A_2536 : i32 to index
      %get3A_2538 = arith.index_cast %squeeze3A_2457 : i32 to index
      %get3A_2539 = arith.constant 48 : index
      %get3A_2540 = tpu.vector_load %arg13[%get3A_2537, %get3A_2538, %get3A_2539] {strides = array<i32>} : memref<16x8x64xf32, #tpu.memory_space<vmem>>, vector<1x1x16xf32>,
      %get3A_2541 = vector.shape_cast %get3A_2540 : vector<1x1x16xf32> to vector<16xf32>
      %get3A_2542 = arith.constant 5 : i32
      %get3A_2543 = arith.index_cast %get3A_2542 : i32 to index
      %get3A_2544 = arith.index_cast %squeeze3A_2459 : i32 to index
      %get3A_2545 = arith.constant 48 : index
      %get3A_2546 = tpu.vector_load %arg14[%get3A_2543, %get3A_2544, %get3A_2545] {strides = array<i32>} : memref<16x8x64xf32, #tpu.memory_space<vmem>>, vector<1x1x16xf32>,
      %get3A_2547 = vector.shape_cast %get3A_2546 : vector<1x1x16xf32> to vector<16xf32>
      %mul3A_2548 = arith.mulf %get3A_2535, %get3A_2541 : vector<16xf32>
      %add3A_2549 = arith.addf %add3A_2527, %mul3A_2548 : vector<16xf32>
      %mul3A_2550 = arith.mulf %get3A_2535, %get3A_2547 : vector<16xf32>
      %add3A_2551 = arith.addf %add3A_2529, %mul3A_2550 : vector<16xf32>
      %eq3A_2552 = arith.constant 5 : i32
      %eq3A_2553 = vector.broadcast %eq3A_2552 : i32 to vector<16xi32>
      %eq3A_2554 = arith.cmpi eq, %iota3A, %eq3A_2553 : vector<16xi32>
      %broadcast_in_dim3A_2555 = vector.shape_cast %xor3A_4 : vector<16xi32> to vector<16x1xi32>
      %gather3A_2556 = vector.shape_cast %broadcast_in_dim3A_2555 : vector<16x1xi32> to vector<16xi32>
      %gather3A_2557 = tpu.dynamic_gather %add3A_2549[%gather3A_2556] in [0] : vector<16xf32>, vector<16xi32> -> vector<16xf32>
      %add3A_2558 = arith.addf %add3A_2549, %gather3A_2557 : vector<16xf32>
      %broadcast_in_dim3A_2559 = vector.shape_cast %xor3A_7 : vector<16xi32> to vector<16x1xi32>
      %gather3A_2560 = vector.shape_cast %broadcast_in_dim3A_2559 : vector<16x1xi32> to vector<16xi32>
      %gather3A_2561 = tpu.dynamic_gather %add3A_2558[%gather3A_2560] in [0] : vector<16xf32>, vector<16xi32> -> vector<16xf32>
      %add3A_2562 = arith.addf %add3A_2558, %gather3A_2561 : vector<16xf32>
      %broadcast_in_dim3A_2563 = vector.shape_cast %xor3A_10 : vector<16xi32> to vector<16x1xi32>
      %gather3A_2564 = vector.shape_cast %broadcast_in_dim3A_2563 : vector<16x1xi32> to vector<16xi32>
      %gather3A_2565 = tpu.dynamic_gather %add3A_2562[%gather3A_2564] in [0] : vector<16xf32>, vector<16xi32> -> vector<16xf32>
      %add3A_2566 = arith.addf %add3A_2562, %gather3A_2565 : vector<16xf32>
      %broadcast_in_dim3A_2567 = vector.shape_cast %xor3A_13 : vector<16xi32> to vector<16x1xi32>
      %gather3A_2568 = vector.shape_cast %broadcast_in_dim3A_2567 : vector<16x1xi32> to vector<16xi32>
      %gather3A_2569 = tpu.dynamic_gather %add3A_2566[%gather3A_2568] in [0] : vector<16xf32>, vector<16xi32> -> vector<16xf32>
      %add3A_2570 = arith.addf %add3A_2566, %gather3A_2569 : vector<16xf32>
      %select_n3A_2571 = arith.select %eq3A_2554, %add3A_2570, %select_n3A_2436 : vector<16xi1>, vector<16xf32>
      %broadcast_in_dim3A_2572 = vector.shape_cast %xor3A_4 : vector<16xi32> to vector<16x1xi32>
      %gather3A_2573 = vector.shape_cast %broadcast_in_dim3A_2572 : vector<16x1xi32> to vector<16xi32>
      %gather3A_2574 = tpu.dynamic_gather %add3A_2551[%gather3A_2573] in [0] : vector<16xf32>, vector<16xi32> -> vector<16xf32>
      %add3A_2575 = arith.addf %add3A_2551, %gather3A_2574 : vector<16xf32>
      %broadcast_in_dim3A_2576 = vector.shape_cast %xor3A_7 : vector<16xi32> to vector<16x1xi32>
      %gather3A_2577 = vector.shape_cast %broadcast_in_dim3A_2576 : vector<16x1xi32> to vector<16xi32>
      %gather3A_2578 = tpu.dynamic_gather %add3A_2575[%gather3A_2577] in [0] : vector<16xf32>, vector<16xi32> -> vector<16xf32>
      %add3A_2579 = arith.addf %add3A_2575, %gather3A_2578 : vector<16xf32>
      %broadcast_in_dim3A_2580 = vector.shape_cast %xor3A_10 : vector<16xi32> to vector<16x1xi32>
      %gather3A_2581 = vector.shape_cast %broadcast_in_dim3A_2580 : vector<16x1xi32> to vector<16xi32>
      %gather3A_2582 = tpu.dynamic_gather %add3A_2579[%gather3A_2581] in [0] : vector<16xf32>, vector<16xi32> -> vector<16xf32>
      %add3A_2583 = arith.addf %add3A_2579, %gather3A_2582 : vector<16xf32>
      %broadcast_in_dim3A_2584 = vector.shape_cast %xor3A_13 : vector<16xi32> to vector<16x1xi32>
      %gather3A_2585 = vector.shape_cast %broadcast_in_dim3A_2584 : vector<16x1xi32> to vector<16xi32>
      %gather3A_2586 = tpu.dynamic_gather %add3A_2583[%gather3A_2585] in [0] : vector<16xf32>, vector<16xi32> -> vector<16xf32>
      %add3A_2587 = arith.addf %add3A_2583, %gather3A_2586 : vector<16xf32>
      %select_n3A_2588 = arith.select %eq3A_2554, %add3A_2587, %select_n3A_2453 : vector<16xi1>, vector<16xf32>
      %slice3A_2589 = vector.extract_strided_slice %and3A_1766 {offsets = [6], sizes = [1], strides = [1]} : vector<16xi32> to vector<1xi32>
      %squeeze3A_2590 = vector.extract %slice3A_2589[0] : i32 from vector<1xi32>
      %slice3A_2591 = vector.extract_strided_slice %and3A_1772 {offsets = [6], sizes = [1], strides = [1]} : vector<16xi32> to vector<1xi32>
      %squeeze3A_2592 = vector.extract %slice3A_2591[0] : i32 from vector<1xi32>
      %slice3A_2593 = vector.extract_strided_slice %and3A_1778 {offsets = [6], sizes = [1], strides = [1]} : vector<16xi32> to vector<1xi32>
      %squeeze3A_2594 = vector.extract %slice3A_2593[0] : i32 from vector<1xi32>
      %broadcast_in_dim3A_2595 = arith.constant 0.000000e+00 : f32
      %broadcast_in_dim3A_2596 = vector.broadcast %broadcast_in_dim3A_2595 : f32 to vector<16xf32>
      %broadcast_in_dim3A_2597 = arith.constant 0.000000e+00 : f32
      %broadcast_in_dim3A_2598 = vector.broadcast %broadcast_in_dim3A_2597 : f32 to vector<16xf32>
      %get3A_2599 = arith.constant 6 : i32
      %get3A_2600 = arith.index_cast %get3A_2599 : i32 to index
      %get3A_2601 = arith.index_cast %squeeze3A_2590 : i32 to index
      %get3A_2602 = arith.constant 0 : index
      %get3A_2603 = tpu.vector_load %arg12[%get3A_2600, %get3A_2601, %get3A_2602] {strides = array<i32>} : memref<16x8x64xf32, #tpu.memory_space<vmem>>, vector<1x1x16xf32>,
      %get3A_2604 = vector.shape_cast %get3A_2603 : vector<1x1x16xf32> to vector<16xf32>
      %get3A_2605 = arith.constant 6 : i32
      %get3A_2606 = arith.index_cast %get3A_2605 : i32 to index
      %get3A_2607 = arith.index_cast %squeeze3A_2592 : i32 to index
      %get3A_2608 = arith.constant 0 : index
      %get3A_2609 = tpu.vector_load %arg13[%get3A_2606, %get3A_2607, %get3A_2608] {strides = array<i32>} : memref<16x8x64xf32, #tpu.memory_space<vmem>>, vector<1x1x16xf32>,
      %get3A_2610 = vector.shape_cast %get3A_2609 : vector<1x1x16xf32> to vector<16xf32>
      %get3A_2611 = arith.constant 6 : i32
      %get3A_2612 = arith.index_cast %get3A_2611 : i32 to index
      %get3A_2613 = arith.index_cast %squeeze3A_2594 : i32 to index
      %get3A_2614 = arith.constant 0 : index
      %get3A_2615 = tpu.vector_load %arg14[%get3A_2612, %get3A_2613, %get3A_2614] {strides = array<i32>} : memref<16x8x64xf32, #tpu.memory_space<vmem>>, vector<1x1x16xf32>,
      %get3A_2616 = vector.shape_cast %get3A_2615 : vector<1x1x16xf32> to vector<16xf32>
      %mul3A_2617 = arith.mulf %get3A_2604, %get3A_2610 : vector<16xf32>
      %add3A_2618 = arith.addf %broadcast_in_dim3A_2596, %mul3A_2617 : vector<16xf32>
      %mul3A_2619 = arith.mulf %get3A_2604, %get3A_2616 : vector<16xf32>
      %add3A_2620 = arith.addf %broadcast_in_dim3A_2598, %mul3A_2619 : vector<16xf32>
      %get3A_2621 = arith.constant 6 : i32
      %get3A_2622 = arith.index_cast %get3A_2621 : i32 to index
      %get3A_2623 = arith.index_cast %squeeze3A_2590 : i32 to index
      %get3A_2624 = arith.constant 16 : index
      %get3A_2625 = tpu.vector_load %arg12[%get3A_2622, %get3A_2623, %get3A_2624] {strides = array<i32>} : memref<16x8x64xf32, #tpu.memory_space<vmem>>, vector<1x1x16xf32>,
      %get3A_2626 = vector.shape_cast %get3A_2625 : vector<1x1x16xf32> to vector<16xf32>
      %get3A_2627 = arith.constant 6 : i32
      %get3A_2628 = arith.index_cast %get3A_2627 : i32 to index
      %get3A_2629 = arith.index_cast %squeeze3A_2592 : i32 to index
      %get3A_2630 = arith.constant 16 : index
      %get3A_2631 = tpu.vector_load %arg13[%get3A_2628, %get3A_2629, %get3A_2630] {strides = array<i32>} : memref<16x8x64xf32, #tpu.memory_space<vmem>>, vector<1x1x16xf32>,
      %get3A_2632 = vector.shape_cast %get3A_2631 : vector<1x1x16xf32> to vector<16xf32>
      %get3A_2633 = arith.constant 6 : i32
      %get3A_2634 = arith.index_cast %get3A_2633 : i32 to index
      %get3A_2635 = arith.index_cast %squeeze3A_2594 : i32 to index
      %get3A_2636 = arith.constant 16 : index
      %get3A_2637 = tpu.vector_load %arg14[%get3A_2634, %get3A_2635, %get3A_2636] {strides = array<i32>} : memref<16x8x64xf32, #tpu.memory_space<vmem>>, vector<1x1x16xf32>,
      %get3A_2638 = vector.shape_cast %get3A_2637 : vector<1x1x16xf32> to vector<16xf32>
      %mul3A_2639 = arith.mulf %get3A_2626, %get3A_2632 : vector<16xf32>
      %add3A_2640 = arith.addf %add3A_2618, %mul3A_2639 : vector<16xf32>
      %mul3A_2641 = arith.mulf %get3A_2626, %get3A_2638 : vector<16xf32>
      %add3A_2642 = arith.addf %add3A_2620, %mul3A_2641 : vector<16xf32>
      %get3A_2643 = arith.constant 6 : i32
      %get3A_2644 = arith.index_cast %get3A_2643 : i32 to index
      %get3A_2645 = arith.index_cast %squeeze3A_2590 : i32 to index
      %get3A_2646 = arith.constant 32 : index
      %get3A_2647 = tpu.vector_load %arg12[%get3A_2644, %get3A_2645, %get3A_2646] {strides = array<i32>} : memref<16x8x64xf32, #tpu.memory_space<vmem>>, vector<1x1x16xf32>,
      %get3A_2648 = vector.shape_cast %get3A_2647 : vector<1x1x16xf32> to vector<16xf32>
      %get3A_2649 = arith.constant 6 : i32
      %get3A_2650 = arith.index_cast %get3A_2649 : i32 to index
      %get3A_2651 = arith.index_cast %squeeze3A_2592 : i32 to index
      %get3A_2652 = arith.constant 32 : index
      %get3A_2653 = tpu.vector_load %arg13[%get3A_2650, %get3A_2651, %get3A_2652] {strides = array<i32>} : memref<16x8x64xf32, #tpu.memory_space<vmem>>, vector<1x1x16xf32>,
      %get3A_2654 = vector.shape_cast %get3A_2653 : vector<1x1x16xf32> to vector<16xf32>
      %get3A_2655 = arith.constant 6 : i32
      %get3A_2656 = arith.index_cast %get3A_2655 : i32 to index
      %get3A_2657 = arith.index_cast %squeeze3A_2594 : i32 to index
      %get3A_2658 = arith.constant 32 : index
      %get3A_2659 = tpu.vector_load %arg14[%get3A_2656, %get3A_2657, %get3A_2658] {strides = array<i32>} : memref<16x8x64xf32, #tpu.memory_space<vmem>>, vector<1x1x16xf32>,
      %get3A_2660 = vector.shape_cast %get3A_2659 : vector<1x1x16xf32> to vector<16xf32>
      %mul3A_2661 = arith.mulf %get3A_2648, %get3A_2654 : vector<16xf32>
      %add3A_2662 = arith.addf %add3A_2640, %mul3A_2661 : vector<16xf32>
      %mul3A_2663 = arith.mulf %get3A_2648, %get3A_2660 : vector<16xf32>
      %add3A_2664 = arith.addf %add3A_2642, %mul3A_2663 : vector<16xf32>
      %get3A_2665 = arith.constant 6 : i32
      %get3A_2666 = arith.index_cast %get3A_2665 : i32 to index
      %get3A_2667 = arith.index_cast %squeeze3A_2590 : i32 to index
      %get3A_2668 = arith.constant 48 : index
      %get3A_2669 = tpu.vector_load %arg12[%get3A_2666, %get3A_2667, %get3A_2668] {strides = array<i32>} : memref<16x8x64xf32, #tpu.memory_space<vmem>>, vector<1x1x16xf32>,
      %get3A_2670 = vector.shape_cast %get3A_2669 : vector<1x1x16xf32> to vector<16xf32>
      %get3A_2671 = arith.constant 6 : i32
      %get3A_2672 = arith.index_cast %get3A_2671 : i32 to index
      %get3A_2673 = arith.index_cast %squeeze3A_2592 : i32 to index
      %get3A_2674 = arith.constant 48 : index
      %get3A_2675 = tpu.vector_load %arg13[%get3A_2672, %get3A_2673, %get3A_2674] {strides = array<i32>} : memref<16x8x64xf32, #tpu.memory_space<vmem>>, vector<1x1x16xf32>,
      %get3A_2676 = vector.shape_cast %get3A_2675 : vector<1x1x16xf32> to vector<16xf32>
      %get3A_2677 = arith.constant 6 : i32
      %get3A_2678 = arith.index_cast %get3A_2677 : i32 to index
      %get3A_2679 = arith.index_cast %squeeze3A_2594 : i32 to index
      %get3A_2680 = arith.constant 48 : index
      %get3A_2681 = tpu.vector_load %arg14[%get3A_2678, %get3A_2679, %get3A_2680] {strides = array<i32>} : memref<16x8x64xf32, #tpu.memory_space<vmem>>, vector<1x1x16xf32>,
      %get3A_2682 = vector.shape_cast %get3A_2681 : vector<1x1x16xf32> to vector<16xf32>
      %mul3A_2683 = arith.mulf %get3A_2670, %get3A_2676 : vector<16xf32>
      %add3A_2684 = arith.addf %add3A_2662, %mul3A_2683 : vector<16xf32>
      %mul3A_2685 = arith.mulf %get3A_2670, %get3A_2682 : vector<16xf32>
      %add3A_2686 = arith.addf %add3A_2664, %mul3A_2685 : vector<16xf32>
      %eq3A_2687 = arith.constant 6 : i32
      %eq3A_2688 = vector.broadcast %eq3A_2687 : i32 to vector<16xi32>
      %eq3A_2689 = arith.cmpi eq, %iota3A, %eq3A_2688 : vector<16xi32>
      %broadcast_in_dim3A_2690 = vector.shape_cast %xor3A_4 : vector<16xi32> to vector<16x1xi32>
      %gather3A_2691 = vector.shape_cast %broadcast_in_dim3A_2690 : vector<16x1xi32> to vector<16xi32>
      %gather3A_2692 = tpu.dynamic_gather %add3A_2684[%gather3A_2691] in [0] : vector<16xf32>, vector<16xi32> -> vector<16xf32>
      %add3A_2693 = arith.addf %add3A_2684, %gather3A_2692 : vector<16xf32>
      %broadcast_in_dim3A_2694 = vector.shape_cast %xor3A_7 : vector<16xi32> to vector<16x1xi32>
      %gather3A_2695 = vector.shape_cast %broadcast_in_dim3A_2694 : vector<16x1xi32> to vector<16xi32>
      %gather3A_2696 = tpu.dynamic_gather %add3A_2693[%gather3A_2695] in [0] : vector<16xf32>, vector<16xi32> -> vector<16xf32>
      %add3A_2697 = arith.addf %add3A_2693, %gather3A_2696 : vector<16xf32>
      %broadcast_in_dim3A_2698 = vector.shape_cast %xor3A_10 : vector<16xi32> to vector<16x1xi32>
      %gather3A_2699 = vector.shape_cast %broadcast_in_dim3A_2698 : vector<16x1xi32> to vector<16xi32>
      %gather3A_2700 = tpu.dynamic_gather %add3A_2697[%gather3A_2699] in [0] : vector<16xf32>, vector<16xi32> -> vector<16xf32>
      %add3A_2701 = arith.addf %add3A_2697, %gather3A_2700 : vector<16xf32>
      %broadcast_in_dim3A_2702 = vector.shape_cast %xor3A_13 : vector<16xi32> to vector<16x1xi32>
      %gather3A_2703 = vector.shape_cast %broadcast_in_dim3A_2702 : vector<16x1xi32> to vector<16xi32>
      %gather3A_2704 = tpu.dynamic_gather %add3A_2701[%gather3A_2703] in [0] : vector<16xf32>, vector<16xi32> -> vector<16xf32>
      %add3A_2705 = arith.addf %add3A_2701, %gather3A_2704 : vector<16xf32>
      %select_n3A_2706 = arith.select %eq3A_2689, %add3A_2705, %select_n3A_2571 : vector<16xi1>, vector<16xf32>
      %broadcast_in_dim3A_2707 = vector.shape_cast %xor3A_4 : vector<16xi32> to vector<16x1xi32>
      %gather3A_2708 = vector.shape_cast %broadcast_in_dim3A_2707 : vector<16x1xi32> to vector<16xi32>
      %gather3A_2709 = tpu.dynamic_gather %add3A_2686[%gather3A_2708] in [0] : vector<16xf32>, vector<16xi32> -> vector<16xf32>
      %add3A_2710 = arith.addf %add3A_2686, %gather3A_2709 : vector<16xf32>
      %broadcast_in_dim3A_2711 = vector.shape_cast %xor3A_7 : vector<16xi32> to vector<16x1xi32>
      %gather3A_2712 = vector.shape_cast %broadcast_in_dim3A_2711 : vector<16x1xi32> to vector<16xi32>
      %gather3A_2713 = tpu.dynamic_gather %add3A_2710[%gather3A_2712] in [0] : vector<16xf32>, vector<16xi32> -> vector<16xf32>
      %add3A_2714 = arith.addf %add3A_2710, %gather3A_2713 : vector<16xf32>
      %broadcast_in_dim3A_2715 = vector.shape_cast %xor3A_10 : vector<16xi32> to vector<16x1xi32>
      %gather3A_2716 = vector.shape_cast %broadcast_in_dim3A_2715 : vector<16x1xi32> to vector<16xi32>
      %gather3A_2717 = tpu.dynamic_gather %add3A_2714[%gather3A_2716] in [0] : vector<16xf32>, vector<16xi32> -> vector<16xf32>
      %add3A_2718 = arith.addf %add3A_2714, %gather3A_2717 : vector<16xf32>
      %broadcast_in_dim3A_2719 = vector.shape_cast %xor3A_13 : vector<16xi32> to vector<16x1xi32>
      %gather3A_2720 = vector.shape_cast %broadcast_in_dim3A_2719 : vector<16x1xi32> to vector<16xi32>
      %gather3A_2721 = tpu.dynamic_gather %add3A_2718[%gather3A_2720] in [0] : vector<16xf32>, vector<16xi32> -> vector<16xf32>
      %add3A_2722 = arith.addf %add3A_2718, %gather3A_2721 : vector<16xf32>
      %select_n3A_2723 = arith.select %eq3A_2689, %add3A_2722, %select_n3A_2588 : vector<16xi1>, vector<16xf32>
      %slice3A_2724 = vector.extract_strided_slice %and3A_1766 {offsets = [7], sizes = [1], strides = [1]} : vector<16xi32> to vector<1xi32>
      %squeeze3A_2725 = vector.extract %slice3A_2724[0] : i32 from vector<1xi32>
      %slice3A_2726 = vector.extract_strided_slice %and3A_1772 {offsets = [7], sizes = [1], strides = [1]} : vector<16xi32> to vector<1xi32>
      %squeeze3A_2727 = vector.extract %slice3A_2726[0] : i32 from vector<1xi32>
      %slice3A_2728 = vector.extract_strided_slice %and3A_1778 {offsets = [7], sizes = [1], strides = [1]} : vector<16xi32> to vector<1xi32>
      %squeeze3A_2729 = vector.extract %slice3A_2728[0] : i32 from vector<1xi32>
      %broadcast_in_dim3A_2730 = arith.constant 0.000000e+00 : f32
      %broadcast_in_dim3A_2731 = vector.broadcast %broadcast_in_dim3A_2730 : f32 to vector<16xf32>
      %broadcast_in_dim3A_2732 = arith.constant 0.000000e+00 : f32
      %broadcast_in_dim3A_2733 = vector.broadcast %broadcast_in_dim3A_2732 : f32 to vector<16xf32>
      %get3A_2734 = arith.constant 7 : i32
      %get3A_2735 = arith.index_cast %get3A_2734 : i32 to index
      %get3A_2736 = arith.index_cast %squeeze3A_2725 : i32 to index
      %get3A_2737 = arith.constant 0 : index
      %get3A_2738 = tpu.vector_load %arg12[%get3A_2735, %get3A_2736, %get3A_2737] {strides = array<i32>} : memref<16x8x64xf32, #tpu.memory_space<vmem>>, vector<1x1x16xf32>,
      %get3A_2739 = vector.shape_cast %get3A_2738 : vector<1x1x16xf32> to vector<16xf32>
      %get3A_2740 = arith.constant 7 : i32
      %get3A_2741 = arith.index_cast %get3A_2740 : i32 to index
      %get3A_2742 = arith.index_cast %squeeze3A_2727 : i32 to index
      %get3A_2743 = arith.constant 0 : index
      %get3A_2744 = tpu.vector_load %arg13[%get3A_2741, %get3A_2742, %get3A_2743] {strides = array<i32>} : memref<16x8x64xf32, #tpu.memory_space<vmem>>, vector<1x1x16xf32>,
      %get3A_2745 = vector.shape_cast %get3A_2744 : vector<1x1x16xf32> to vector<16xf32>
      %get3A_2746 = arith.constant 7 : i32
      %get3A_2747 = arith.index_cast %get3A_2746 : i32 to index
      %get3A_2748 = arith.index_cast %squeeze3A_2729 : i32 to index
      %get3A_2749 = arith.constant 0 : index
      %get3A_2750 = tpu.vector_load %arg14[%get3A_2747, %get3A_2748, %get3A_2749] {strides = array<i32>} : memref<16x8x64xf32, #tpu.memory_space<vmem>>, vector<1x1x16xf32>,
      %get3A_2751 = vector.shape_cast %get3A_2750 : vector<1x1x16xf32> to vector<16xf32>
      %mul3A_2752 = arith.mulf %get3A_2739, %get3A_2745 : vector<16xf32>
      %add3A_2753 = arith.addf %broadcast_in_dim3A_2731, %mul3A_2752 : vector<16xf32>
      %mul3A_2754 = arith.mulf %get3A_2739, %get3A_2751 : vector<16xf32>
      %add3A_2755 = arith.addf %broadcast_in_dim3A_2733, %mul3A_2754 : vector<16xf32>
      %get3A_2756 = arith.constant 7 : i32
      %get3A_2757 = arith.index_cast %get3A_2756 : i32 to index
      %get3A_2758 = arith.index_cast %squeeze3A_2725 : i32 to index
      %get3A_2759 = arith.constant 16 : index
      %get3A_2760 = tpu.vector_load %arg12[%get3A_2757, %get3A_2758, %get3A_2759] {strides = array<i32>} : memref<16x8x64xf32, #tpu.memory_space<vmem>>, vector<1x1x16xf32>,
      %get3A_2761 = vector.shape_cast %get3A_2760 : vector<1x1x16xf32> to vector<16xf32>
      %get3A_2762 = arith.constant 7 : i32
      %get3A_2763 = arith.index_cast %get3A_2762 : i32 to index
      %get3A_2764 = arith.index_cast %squeeze3A_2727 : i32 to index
      %get3A_2765 = arith.constant 16 : index
      %get3A_2766 = tpu.vector_load %arg13[%get3A_2763, %get3A_2764, %get3A_2765] {strides = array<i32>} : memref<16x8x64xf32, #tpu.memory_space<vmem>>, vector<1x1x16xf32>,
      %get3A_2767 = vector.shape_cast %get3A_2766 : vector<1x1x16xf32> to vector<16xf32>
      %get3A_2768 = arith.constant 7 : i32
      %get3A_2769 = arith.index_cast %get3A_2768 : i32 to index
      %get3A_2770 = arith.index_cast %squeeze3A_2729 : i32 to index
      %get3A_2771 = arith.constant 16 : index
      %get3A_2772 = tpu.vector_load %arg14[%get3A_2769, %get3A_2770, %get3A_2771] {strides = array<i32>} : memref<16x8x64xf32, #tpu.memory_space<vmem>>, vector<1x1x16xf32>,
      %get3A_2773 = vector.shape_cast %get3A_2772 : vector<1x1x16xf32> to vector<16xf32>
      %mul3A_2774 = arith.mulf %get3A_2761, %get3A_2767 : vector<16xf32>
      %add3A_2775 = arith.addf %add3A_2753, %mul3A_2774 : vector<16xf32>
      %mul3A_2776 = arith.mulf %get3A_2761, %get3A_2773 : vector<16xf32>
      %add3A_2777 = arith.addf %add3A_2755, %mul3A_2776 : vector<16xf32>
      %get3A_2778 = arith.constant 7 : i32
      %get3A_2779 = arith.index_cast %get3A_2778 : i32 to index
      %get3A_2780 = arith.index_cast %squeeze3A_2725 : i32 to index
      %get3A_2781 = arith.constant 32 : index
      %get3A_2782 = tpu.vector_load %arg12[%get3A_2779, %get3A_2780, %get3A_2781] {strides = array<i32>} : memref<16x8x64xf32, #tpu.memory_space<vmem>>, vector<1x1x16xf32>,
      %get3A_2783 = vector.shape_cast %get3A_2782 : vector<1x1x16xf32> to vector<16xf32>
      %get3A_2784 = arith.constant 7 : i32
      %get3A_2785 = arith.index_cast %get3A_2784 : i32 to index
      %get3A_2786 = arith.index_cast %squeeze3A_2727 : i32 to index
      %get3A_2787 = arith.constant 32 : index
      %get3A_2788 = tpu.vector_load %arg13[%get3A_2785, %get3A_2786, %get3A_2787] {strides = array<i32>} : memref<16x8x64xf32, #tpu.memory_space<vmem>>, vector<1x1x16xf32>,
      %get3A_2789 = vector.shape_cast %get3A_2788 : vector<1x1x16xf32> to vector<16xf32>
      %get3A_2790 = arith.constant 7 : i32
      %get3A_2791 = arith.index_cast %get3A_2790 : i32 to index
      %get3A_2792 = arith.index_cast %squeeze3A_2729 : i32 to index
      %get3A_2793 = arith.constant 32 : index
      %get3A_2794 = tpu.vector_load %arg14[%get3A_2791, %get3A_2792, %get3A_2793] {strides = array<i32>} : memref<16x8x64xf32, #tpu.memory_space<vmem>>, vector<1x1x16xf32>,
      %get3A_2795 = vector.shape_cast %get3A_2794 : vector<1x1x16xf32> to vector<16xf32>
      %mul3A_2796 = arith.mulf %get3A_2783, %get3A_2789 : vector<16xf32>
      %add3A_2797 = arith.addf %add3A_2775, %mul3A_2796 : vector<16xf32>
      %mul3A_2798 = arith.mulf %get3A_2783, %get3A_2795 : vector<16xf32>
      %add3A_2799 = arith.addf %add3A_2777, %mul3A_2798 : vector<16xf32>
      %get3A_2800 = arith.constant 7 : i32
      %get3A_2801 = arith.index_cast %get3A_2800 : i32 to index
      %get3A_2802 = arith.index_cast %squeeze3A_2725 : i32 to index
      %get3A_2803 = arith.constant 48 : index
      %get3A_2804 = tpu.vector_load %arg12[%get3A_2801, %get3A_2802, %get3A_2803] {strides = array<i32>} : memref<16x8x64xf32, #tpu.memory_space<vmem>>, vector<1x1x16xf32>,
      %get3A_2805 = vector.shape_cast %get3A_2804 : vector<1x1x16xf32> to vector<16xf32>
      %get3A_2806 = arith.constant 7 : i32
      %get3A_2807 = arith.index_cast %get3A_2806 : i32 to index
      %get3A_2808 = arith.index_cast %squeeze3A_2727 : i32 to index
      %get3A_2809 = arith.constant 48 : index
      %get3A_2810 = tpu.vector_load %arg13[%get3A_2807, %get3A_2808, %get3A_2809] {strides = array<i32>} : memref<16x8x64xf32, #tpu.memory_space<vmem>>, vector<1x1x16xf32>,
      %get3A_2811 = vector.shape_cast %get3A_2810 : vector<1x1x16xf32> to vector<16xf32>
      %get3A_2812 = arith.constant 7 : i32
      %get3A_2813 = arith.index_cast %get3A_2812 : i32 to index
      %get3A_2814 = arith.index_cast %squeeze3A_2729 : i32 to index
      %get3A_2815 = arith.constant 48 : index
      %get3A_2816 = tpu.vector_load %arg14[%get3A_2813, %get3A_2814, %get3A_2815] {strides = array<i32>} : memref<16x8x64xf32, #tpu.memory_space<vmem>>, vector<1x1x16xf32>,
      %get3A_2817 = vector.shape_cast %get3A_2816 : vector<1x1x16xf32> to vector<16xf32>
      %mul3A_2818 = arith.mulf %get3A_2805, %get3A_2811 : vector<16xf32>
      %add3A_2819 = arith.addf %add3A_2797, %mul3A_2818 : vector<16xf32>
      %mul3A_2820 = arith.mulf %get3A_2805, %get3A_2817 : vector<16xf32>
      %add3A_2821 = arith.addf %add3A_2799, %mul3A_2820 : vector<16xf32>
      %eq3A_2822 = arith.constant 7 : i32
      %eq3A_2823 = vector.broadcast %eq3A_2822 : i32 to vector<16xi32>
      %eq3A_2824 = arith.cmpi eq, %iota3A, %eq3A_2823 : vector<16xi32>
      %broadcast_in_dim3A_2825 = vector.shape_cast %xor3A_4 : vector<16xi32> to vector<16x1xi32>
      %gather3A_2826 = vector.shape_cast %broadcast_in_dim3A_2825 : vector<16x1xi32> to vector<16xi32>
      %gather3A_2827 = tpu.dynamic_gather %add3A_2819[%gather3A_2826] in [0] : vector<16xf32>, vector<16xi32> -> vector<16xf32>
      %add3A_2828 = arith.addf %add3A_2819, %gather3A_2827 : vector<16xf32>
      %broadcast_in_dim3A_2829 = vector.shape_cast %xor3A_7 : vector<16xi32> to vector<16x1xi32>
      %gather3A_2830 = vector.shape_cast %broadcast_in_dim3A_2829 : vector<16x1xi32> to vector<16xi32>
      %gather3A_2831 = tpu.dynamic_gather %add3A_2828[%gather3A_2830] in [0] : vector<16xf32>, vector<16xi32> -> vector<16xf32>
      %add3A_2832 = arith.addf %add3A_2828, %gather3A_2831 : vector<16xf32>
      %broadcast_in_dim3A_2833 = vector.shape_cast %xor3A_10 : vector<16xi32> to vector<16x1xi32>
      %gather3A_2834 = vector.shape_cast %broadcast_in_dim3A_2833 : vector<16x1xi32> to vector<16xi32>
      %gather3A_2835 = tpu.dynamic_gather %add3A_2832[%gather3A_2834] in [0] : vector<16xf32>, vector<16xi32> -> vector<16xf32>
      %add3A_2836 = arith.addf %add3A_2832, %gather3A_2835 : vector<16xf32>
      %broadcast_in_dim3A_2837 = vector.shape_cast %xor3A_13 : vector<16xi32> to vector<16x1xi32>
      %gather3A_2838 = vector.shape_cast %broadcast_in_dim3A_2837 : vector<16x1xi32> to vector<16xi32>
      %gather3A_2839 = tpu.dynamic_gather %add3A_2836[%gather3A_2838] in [0] : vector<16xf32>, vector<16xi32> -> vector<16xf32>
      %add3A_2840 = arith.addf %add3A_2836, %gather3A_2839 : vector<16xf32>
      %select_n3A_2841 = arith.select %eq3A_2824, %add3A_2840, %select_n3A_2706 : vector<16xi1>, vector<16xf32>
      %broadcast_in_dim3A_2842 = vector.shape_cast %xor3A_4 : vector<16xi32> to vector<16x1xi32>
      %gather3A_2843 = vector.shape_cast %broadcast_in_dim3A_2842 : vector<16x1xi32> to vector<16xi32>
      %gather3A_2844 = tpu.dynamic_gather %add3A_2821[%gather3A_2843] in [0] : vector<16xf32>, vector<16xi32> -> vector<16xf32>
      %add3A_2845 = arith.addf %add3A_2821, %gather3A_2844 : vector<16xf32>
      %broadcast_in_dim3A_2846 = vector.shape_cast %xor3A_7 : vector<16xi32> to vector<16x1xi32>
      %gather3A_2847 = vector.shape_cast %broadcast_in_dim3A_2846 : vector<16x1xi32> to vector<16xi32>
      %gather3A_2848 = tpu.dynamic_gather %add3A_2845[%gather3A_2847] in [0] : vector<16xf32>, vector<16xi32> -> vector<16xf32>
      %add3A_2849 = arith.addf %add3A_2845, %gather3A_2848 : vector<16xf32>
      %broadcast_in_dim3A_2850 = vector.shape_cast %xor3A_10 : vector<16xi32> to vector<16x1xi32>
      %gather3A_2851 = vector.shape_cast %broadcast_in_dim3A_2850 : vector<16x1xi32> to vector<16xi32>
      %gather3A_2852 = tpu.dynamic_gather %add3A_2849[%gather3A_2851] in [0] : vector<16xf32>, vector<16xi32> -> vector<16xf32>
      %add3A_2853 = arith.addf %add3A_2849, %gather3A_2852 : vector<16xf32>
      %broadcast_in_dim3A_2854 = vector.shape_cast %xor3A_13 : vector<16xi32> to vector<16x1xi32>
      %gather3A_2855 = vector.shape_cast %broadcast_in_dim3A_2854 : vector<16x1xi32> to vector<16xi32>
      %gather3A_2856 = tpu.dynamic_gather %add3A_2853[%gather3A_2855] in [0] : vector<16xf32>, vector<16xi32> -> vector<16xf32>
      %add3A_2857 = arith.addf %add3A_2853, %gather3A_2856 : vector<16xf32>
      %select_n3A_2858 = arith.select %eq3A_2824, %add3A_2857, %select_n3A_2723 : vector<16xi1>, vector<16xf32>
      %slice3A_2859 = vector.extract_strided_slice %and3A_1766 {offsets = [8], sizes = [1], strides = [1]} : vector<16xi32> to vector<1xi32>
      %squeeze3A_2860 = vector.extract %slice3A_2859[0] : i32 from vector<1xi32>
      %slice3A_2861 = vector.extract_strided_slice %and3A_1772 {offsets = [8], sizes = [1], strides = [1]} : vector<16xi32> to vector<1xi32>
      %squeeze3A_2862 = vector.extract %slice3A_2861[0] : i32 from vector<1xi32>
      %slice3A_2863 = vector.extract_strided_slice %and3A_1778 {offsets = [8], sizes = [1], strides = [1]} : vector<16xi32> to vector<1xi32>
      %squeeze3A_2864 = vector.extract %slice3A_2863[0] : i32 from vector<1xi32>
      %broadcast_in_dim3A_2865 = arith.constant 0.000000e+00 : f32
      %broadcast_in_dim3A_2866 = vector.broadcast %broadcast_in_dim3A_2865 : f32 to vector<16xf32>
      %broadcast_in_dim3A_2867 = arith.constant 0.000000e+00 : f32
      %broadcast_in_dim3A_2868 = vector.broadcast %broadcast_in_dim3A_2867 : f32 to vector<16xf32>
      %get3A_2869 = arith.constant 8 : i32
      %get3A_2870 = arith.index_cast %get3A_2869 : i32 to index
      %get3A_2871 = arith.index_cast %squeeze3A_2860 : i32 to index
      %get3A_2872 = arith.constant 0 : index
      %get3A_2873 = tpu.vector_load %arg12[%get3A_2870, %get3A_2871, %get3A_2872] {strides = array<i32>} : memref<16x8x64xf32, #tpu.memory_space<vmem>>, vector<1x1x16xf32>,
      %get3A_2874 = vector.shape_cast %get3A_2873 : vector<1x1x16xf32> to vector<16xf32>
      %get3A_2875 = arith.constant 8 : i32
      %get3A_2876 = arith.index_cast %get3A_2875 : i32 to index
      %get3A_2877 = arith.index_cast %squeeze3A_2862 : i32 to index
      %get3A_2878 = arith.constant 0 : index
      %get3A_2879 = tpu.vector_load %arg13[%get3A_2876, %get3A_2877, %get3A_2878] {strides = array<i32>} : memref<16x8x64xf32, #tpu.memory_space<vmem>>, vector<1x1x16xf32>,
      %get3A_2880 = vector.shape_cast %get3A_2879 : vector<1x1x16xf32> to vector<16xf32>
      %get3A_2881 = arith.constant 8 : i32
      %get3A_2882 = arith.index_cast %get3A_2881 : i32 to index
      %get3A_2883 = arith.index_cast %squeeze3A_2864 : i32 to index
      %get3A_2884 = arith.constant 0 : index
      %get3A_2885 = tpu.vector_load %arg14[%get3A_2882, %get3A_2883, %get3A_2884] {strides = array<i32>} : memref<16x8x64xf32, #tpu.memory_space<vmem>>, vector<1x1x16xf32>,
      %get3A_2886 = vector.shape_cast %get3A_2885 : vector<1x1x16xf32> to vector<16xf32>
      %mul3A_2887 = arith.mulf %get3A_2874, %get3A_2880 : vector<16xf32>
      %add3A_2888 = arith.addf %broadcast_in_dim3A_2866, %mul3A_2887 : vector<16xf32>
      %mul3A_2889 = arith.mulf %get3A_2874, %get3A_2886 : vector<16xf32>
      %add3A_2890 = arith.addf %broadcast_in_dim3A_2868, %mul3A_2889 : vector<16xf32>
      %get3A_2891 = arith.constant 8 : i32
      %get3A_2892 = arith.index_cast %get3A_2891 : i32 to index
      %get3A_2893 = arith.index_cast %squeeze3A_2860 : i32 to index
      %get3A_2894 = arith.constant 16 : index
      %get3A_2895 = tpu.vector_load %arg12[%get3A_2892, %get3A_2893, %get3A_2894] {strides = array<i32>} : memref<16x8x64xf32, #tpu.memory_space<vmem>>, vector<1x1x16xf32>,
      %get3A_2896 = vector.shape_cast %get3A_2895 : vector<1x1x16xf32> to vector<16xf32>
      %get3A_2897 = arith.constant 8 : i32
      %get3A_2898 = arith.index_cast %get3A_2897 : i32 to index
      %get3A_2899 = arith.index_cast %squeeze3A_2862 : i32 to index
      %get3A_2900 = arith.constant 16 : index
      %get3A_2901 = tpu.vector_load %arg13[%get3A_2898, %get3A_2899, %get3A_2900] {strides = array<i32>} : memref<16x8x64xf32, #tpu.memory_space<vmem>>, vector<1x1x16xf32>,
      %get3A_2902 = vector.shape_cast %get3A_2901 : vector<1x1x16xf32> to vector<16xf32>
      %get3A_2903 = arith.constant 8 : i32
      %get3A_2904 = arith.index_cast %get3A_2903 : i32 to index
      %get3A_2905 = arith.index_cast %squeeze3A_2864 : i32 to index
      %get3A_2906 = arith.constant 16 : index
      %get3A_2907 = tpu.vector_load %arg14[%get3A_2904, %get3A_2905, %get3A_2906] {strides = array<i32>} : memref<16x8x64xf32, #tpu.memory_space<vmem>>, vector<1x1x16xf32>,
      %get3A_2908 = vector.shape_cast %get3A_2907 : vector<1x1x16xf32> to vector<16xf32>
      %mul3A_2909 = arith.mulf %get3A_2896, %get3A_2902 : vector<16xf32>
      %add3A_2910 = arith.addf %add3A_2888, %mul3A_2909 : vector<16xf32>
      %mul3A_2911 = arith.mulf %get3A_2896, %get3A_2908 : vector<16xf32>
      %add3A_2912 = arith.addf %add3A_2890, %mul3A_2911 : vector<16xf32>
      %get3A_2913 = arith.constant 8 : i32
      %get3A_2914 = arith.index_cast %get3A_2913 : i32 to index
      %get3A_2915 = arith.index_cast %squeeze3A_2860 : i32 to index
      %get3A_2916 = arith.constant 32 : index
      %get3A_2917 = tpu.vector_load %arg12[%get3A_2914, %get3A_2915, %get3A_2916] {strides = array<i32>} : memref<16x8x64xf32, #tpu.memory_space<vmem>>, vector<1x1x16xf32>,
      %get3A_2918 = vector.shape_cast %get3A_2917 : vector<1x1x16xf32> to vector<16xf32>
      %get3A_2919 = arith.constant 8 : i32
      %get3A_2920 = arith.index_cast %get3A_2919 : i32 to index
      %get3A_2921 = arith.index_cast %squeeze3A_2862 : i32 to index
      %get3A_2922 = arith.constant 32 : index
      %get3A_2923 = tpu.vector_load %arg13[%get3A_2920, %get3A_2921, %get3A_2922] {strides = array<i32>} : memref<16x8x64xf32, #tpu.memory_space<vmem>>, vector<1x1x16xf32>,
      %get3A_2924 = vector.shape_cast %get3A_2923 : vector<1x1x16xf32> to vector<16xf32>
      %get3A_2925 = arith.constant 8 : i32
      %get3A_2926 = arith.index_cast %get3A_2925 : i32 to index
      %get3A_2927 = arith.index_cast %squeeze3A_2864 : i32 to index
      %get3A_2928 = arith.constant 32 : index
      %get3A_2929 = tpu.vector_load %arg14[%get3A_2926, %get3A_2927, %get3A_2928] {strides = array<i32>} : memref<16x8x64xf32, #tpu.memory_space<vmem>>, vector<1x1x16xf32>,
      %get3A_2930 = vector.shape_cast %get3A_2929 : vector<1x1x16xf32> to vector<16xf32>
      %mul3A_2931 = arith.mulf %get3A_2918, %get3A_2924 : vector<16xf32>
      %add3A_2932 = arith.addf %add3A_2910, %mul3A_2931 : vector<16xf32>
      %mul3A_2933 = arith.mulf %get3A_2918, %get3A_2930 : vector<16xf32>
      %add3A_2934 = arith.addf %add3A_2912, %mul3A_2933 : vector<16xf32>
      %get3A_2935 = arith.constant 8 : i32
      %get3A_2936 = arith.index_cast %get3A_2935 : i32 to index
      %get3A_2937 = arith.index_cast %squeeze3A_2860 : i32 to index
      %get3A_2938 = arith.constant 48 : index
      %get3A_2939 = tpu.vector_load %arg12[%get3A_2936, %get3A_2937, %get3A_2938] {strides = array<i32>} : memref<16x8x64xf32, #tpu.memory_space<vmem>>, vector<1x1x16xf32>,
      %get3A_2940 = vector.shape_cast %get3A_2939 : vector<1x1x16xf32> to vector<16xf32>
      %get3A_2941 = arith.constant 8 : i32
      %get3A_2942 = arith.index_cast %get3A_2941 : i32 to index
      %get3A_2943 = arith.index_cast %squeeze3A_2862 : i32 to index
      %get3A_2944 = arith.constant 48 : index
      %get3A_2945 = tpu.vector_load %arg13[%get3A_2942, %get3A_2943, %get3A_2944] {strides = array<i32>} : memref<16x8x64xf32, #tpu.memory_space<vmem>>, vector<1x1x16xf32>,
      %get3A_2946 = vector.shape_cast %get3A_2945 : vector<1x1x16xf32> to vector<16xf32>
      %get3A_2947 = arith.constant 8 : i32
      %get3A_2948 = arith.index_cast %get3A_2947 : i32 to index
      %get3A_2949 = arith.index_cast %squeeze3A_2864 : i32 to index
      %get3A_2950 = arith.constant 48 : index
      %get3A_2951 = tpu.vector_load %arg14[%get3A_2948, %get3A_2949, %get3A_2950] {strides = array<i32>} : memref<16x8x64xf32, #tpu.memory_space<vmem>>, vector<1x1x16xf32>,
      %get3A_2952 = vector.shape_cast %get3A_2951 : vector<1x1x16xf32> to vector<16xf32>
      %mul3A_2953 = arith.mulf %get3A_2940, %get3A_2946 : vector<16xf32>
      %add3A_2954 = arith.addf %add3A_2932, %mul3A_2953 : vector<16xf32>
      %mul3A_2955 = arith.mulf %get3A_2940, %get3A_2952 : vector<16xf32>
      %add3A_2956 = arith.addf %add3A_2934, %mul3A_2955 : vector<16xf32>
      %eq3A_2957 = arith.constant 8 : i32
      %eq3A_2958 = vector.broadcast %eq3A_2957 : i32 to vector<16xi32>
      %eq3A_2959 = arith.cmpi eq, %iota3A, %eq3A_2958 : vector<16xi32>
      %broadcast_in_dim3A_2960 = vector.shape_cast %xor3A_4 : vector<16xi32> to vector<16x1xi32>
      %gather3A_2961 = vector.shape_cast %broadcast_in_dim3A_2960 : vector<16x1xi32> to vector<16xi32>
      %gather3A_2962 = tpu.dynamic_gather %add3A_2954[%gather3A_2961] in [0] : vector<16xf32>, vector<16xi32> -> vector<16xf32>
      %add3A_2963 = arith.addf %add3A_2954, %gather3A_2962 : vector<16xf32>
      %broadcast_in_dim3A_2964 = vector.shape_cast %xor3A_7 : vector<16xi32> to vector<16x1xi32>
      %gather3A_2965 = vector.shape_cast %broadcast_in_dim3A_2964 : vector<16x1xi32> to vector<16xi32>
      %gather3A_2966 = tpu.dynamic_gather %add3A_2963[%gather3A_2965] in [0] : vector<16xf32>, vector<16xi32> -> vector<16xf32>
      %add3A_2967 = arith.addf %add3A_2963, %gather3A_2966 : vector<16xf32>
      %broadcast_in_dim3A_2968 = vector.shape_cast %xor3A_10 : vector<16xi32> to vector<16x1xi32>
      %gather3A_2969 = vector.shape_cast %broadcast_in_dim3A_2968 : vector<16x1xi32> to vector<16xi32>
      %gather3A_2970 = tpu.dynamic_gather %add3A_2967[%gather3A_2969] in [0] : vector<16xf32>, vector<16xi32> -> vector<16xf32>
      %add3A_2971 = arith.addf %add3A_2967, %gather3A_2970 : vector<16xf32>
      %broadcast_in_dim3A_2972 = vector.shape_cast %xor3A_13 : vector<16xi32> to vector<16x1xi32>
      %gather3A_2973 = vector.shape_cast %broadcast_in_dim3A_2972 : vector<16x1xi32> to vector<16xi32>
      %gather3A_2974 = tpu.dynamic_gather %add3A_2971[%gather3A_2973] in [0] : vector<16xf32>, vector<16xi32> -> vector<16xf32>
      %add3A_2975 = arith.addf %add3A_2971, %gather3A_2974 : vector<16xf32>
      %select_n3A_2976 = arith.select %eq3A_2959, %add3A_2975, %select_n3A_2841 : vector<16xi1>, vector<16xf32>
      %broadcast_in_dim3A_2977 = vector.shape_cast %xor3A_4 : vector<16xi32> to vector<16x1xi32>
      %gather3A_2978 = vector.shape_cast %broadcast_in_dim3A_2977 : vector<16x1xi32> to vector<16xi32>
      %gather3A_2979 = tpu.dynamic_gather %add3A_2956[%gather3A_2978] in [0] : vector<16xf32>, vector<16xi32> -> vector<16xf32>
      %add3A_2980 = arith.addf %add3A_2956, %gather3A_2979 : vector<16xf32>
      %broadcast_in_dim3A_2981 = vector.shape_cast %xor3A_7 : vector<16xi32> to vector<16x1xi32>
      %gather3A_2982 = vector.shape_cast %broadcast_in_dim3A_2981 : vector<16x1xi32> to vector<16xi32>
      %gather3A_2983 = tpu.dynamic_gather %add3A_2980[%gather3A_2982] in [0] : vector<16xf32>, vector<16xi32> -> vector<16xf32>
      %add3A_2984 = arith.addf %add3A_2980, %gather3A_2983 : vector<16xf32>
      %broadcast_in_dim3A_2985 = vector.shape_cast %xor3A_10 : vector<16xi32> to vector<16x1xi32>
      %gather3A_2986 = vector.shape_cast %broadcast_in_dim3A_2985 : vector<16x1xi32> to vector<16xi32>
      %gather3A_2987 = tpu.dynamic_gather %add3A_2984[%gather3A_2986] in [0] : vector<16xf32>, vector<16xi32> -> vector<16xf32>
      %add3A_2988 = arith.addf %add3A_2984, %gather3A_2987 : vector<16xf32>
      %broadcast_in_dim3A_2989 = vector.shape_cast %xor3A_13 : vector<16xi32> to vector<16x1xi32>
      %gather3A_2990 = vector.shape_cast %broadcast_in_dim3A_2989 : vector<16x1xi32> to vector<16xi32>
      %gather3A_2991 = tpu.dynamic_gather %add3A_2988[%gather3A_2990] in [0] : vector<16xf32>, vector<16xi32> -> vector<16xf32>
      %add3A_2992 = arith.addf %add3A_2988, %gather3A_2991 : vector<16xf32>
      %select_n3A_2993 = arith.select %eq3A_2959, %add3A_2992, %select_n3A_2858 : vector<16xi1>, vector<16xf32>
      %slice3A_2994 = vector.extract_strided_slice %and3A_1766 {offsets = [9], sizes = [1], strides = [1]} : vector<16xi32> to vector<1xi32>
      %squeeze3A_2995 = vector.extract %slice3A_2994[0] : i32 from vector<1xi32>
      %slice3A_2996 = vector.extract_strided_slice %and3A_1772 {offsets = [9], sizes = [1], strides = [1]} : vector<16xi32> to vector<1xi32>
      %squeeze3A_2997 = vector.extract %slice3A_2996[0] : i32 from vector<1xi32>
      %slice3A_2998 = vector.extract_strided_slice %and3A_1778 {offsets = [9], sizes = [1], strides = [1]} : vector<16xi32> to vector<1xi32>
      %squeeze3A_2999 = vector.extract %slice3A_2998[0] : i32 from vector<1xi32>
      %broadcast_in_dim3A_3000 = arith.constant 0.000000e+00 : f32
      %broadcast_in_dim3A_3001 = vector.broadcast %broadcast_in_dim3A_3000 : f32 to vector<16xf32>
      %broadcast_in_dim3A_3002 = arith.constant 0.000000e+00 : f32
      %broadcast_in_dim3A_3003 = vector.broadcast %broadcast_in_dim3A_3002 : f32 to vector<16xf32>
      %get3A_3004 = arith.constant 9 : i32
      %get3A_3005 = arith.index_cast %get3A_3004 : i32 to index
      %get3A_3006 = arith.index_cast %squeeze3A_2995 : i32 to index
      %get3A_3007 = arith.constant 0 : index
      %get3A_3008 = tpu.vector_load %arg12[%get3A_3005, %get3A_3006, %get3A_3007] {strides = array<i32>} : memref<16x8x64xf32, #tpu.memory_space<vmem>>, vector<1x1x16xf32>,
      %get3A_3009 = vector.shape_cast %get3A_3008 : vector<1x1x16xf32> to vector<16xf32>
      %get3A_3010 = arith.constant 9 : i32
      %get3A_3011 = arith.index_cast %get3A_3010 : i32 to index
      %get3A_3012 = arith.index_cast %squeeze3A_2997 : i32 to index
      %get3A_3013 = arith.constant 0 : index
      %get3A_3014 = tpu.vector_load %arg13[%get3A_3011, %get3A_3012, %get3A_3013] {strides = array<i32>} : memref<16x8x64xf32, #tpu.memory_space<vmem>>, vector<1x1x16xf32>,
      %get3A_3015 = vector.shape_cast %get3A_3014 : vector<1x1x16xf32> to vector<16xf32>
      %get3A_3016 = arith.constant 9 : i32
      %get3A_3017 = arith.index_cast %get3A_3016 : i32 to index
      %get3A_3018 = arith.index_cast %squeeze3A_2999 : i32 to index
      %get3A_3019 = arith.constant 0 : index
      %get3A_3020 = tpu.vector_load %arg14[%get3A_3017, %get3A_3018, %get3A_3019] {strides = array<i32>} : memref<16x8x64xf32, #tpu.memory_space<vmem>>, vector<1x1x16xf32>,
      %get3A_3021 = vector.shape_cast %get3A_3020 : vector<1x1x16xf32> to vector<16xf32>
      %mul3A_3022 = arith.mulf %get3A_3009, %get3A_3015 : vector<16xf32>
      %add3A_3023 = arith.addf %broadcast_in_dim3A_3001, %mul3A_3022 : vector<16xf32>
      %mul3A_3024 = arith.mulf %get3A_3009, %get3A_3021 : vector<16xf32>
      %add3A_3025 = arith.addf %broadcast_in_dim3A_3003, %mul3A_3024 : vector<16xf32>
      %get3A_3026 = arith.constant 9 : i32
      %get3A_3027 = arith.index_cast %get3A_3026 : i32 to index
      %get3A_3028 = arith.index_cast %squeeze3A_2995 : i32 to index
      %get3A_3029 = arith.constant 16 : index
      %get3A_3030 = tpu.vector_load %arg12[%get3A_3027, %get3A_3028, %get3A_3029] {strides = array<i32>} : memref<16x8x64xf32, #tpu.memory_space<vmem>>, vector<1x1x16xf32>,
      %get3A_3031 = vector.shape_cast %get3A_3030 : vector<1x1x16xf32> to vector<16xf32>
      %get3A_3032 = arith.constant 9 : i32
      %get3A_3033 = arith.index_cast %get3A_3032 : i32 to index
      %get3A_3034 = arith.index_cast %squeeze3A_2997 : i32 to index
      %get3A_3035 = arith.constant 16 : index
      %get3A_3036 = tpu.vector_load %arg13[%get3A_3033, %get3A_3034, %get3A_3035] {strides = array<i32>} : memref<16x8x64xf32, #tpu.memory_space<vmem>>, vector<1x1x16xf32>,
      %get3A_3037 = vector.shape_cast %get3A_3036 : vector<1x1x16xf32> to vector<16xf32>
      %get3A_3038 = arith.constant 9 : i32
      %get3A_3039 = arith.index_cast %get3A_3038 : i32 to index
      %get3A_3040 = arith.index_cast %squeeze3A_2999 : i32 to index
      %get3A_3041 = arith.constant 16 : index
      %get3A_3042 = tpu.vector_load %arg14[%get3A_3039, %get3A_3040, %get3A_3041] {strides = array<i32>} : memref<16x8x64xf32, #tpu.memory_space<vmem>>, vector<1x1x16xf32>,
      %get3A_3043 = vector.shape_cast %get3A_3042 : vector<1x1x16xf32> to vector<16xf32>
      %mul3A_3044 = arith.mulf %get3A_3031, %get3A_3037 : vector<16xf32>
      %add3A_3045 = arith.addf %add3A_3023, %mul3A_3044 : vector<16xf32>
      %mul3A_3046 = arith.mulf %get3A_3031, %get3A_3043 : vector<16xf32>
      %add3A_3047 = arith.addf %add3A_3025, %mul3A_3046 : vector<16xf32>
      %get3A_3048 = arith.constant 9 : i32
      %get3A_3049 = arith.index_cast %get3A_3048 : i32 to index
      %get3A_3050 = arith.index_cast %squeeze3A_2995 : i32 to index
      %get3A_3051 = arith.constant 32 : index
      %get3A_3052 = tpu.vector_load %arg12[%get3A_3049, %get3A_3050, %get3A_3051] {strides = array<i32>} : memref<16x8x64xf32, #tpu.memory_space<vmem>>, vector<1x1x16xf32>,
      %get3A_3053 = vector.shape_cast %get3A_3052 : vector<1x1x16xf32> to vector<16xf32>
      %get3A_3054 = arith.constant 9 : i32
      %get3A_3055 = arith.index_cast %get3A_3054 : i32 to index
      %get3A_3056 = arith.index_cast %squeeze3A_2997 : i32 to index
      %get3A_3057 = arith.constant 32 : index
      %get3A_3058 = tpu.vector_load %arg13[%get3A_3055, %get3A_3056, %get3A_3057] {strides = array<i32>} : memref<16x8x64xf32, #tpu.memory_space<vmem>>, vector<1x1x16xf32>,
      %get3A_3059 = vector.shape_cast %get3A_3058 : vector<1x1x16xf32> to vector<16xf32>
      %get3A_3060 = arith.constant 9 : i32
      %get3A_3061 = arith.index_cast %get3A_3060 : i32 to index
      %get3A_3062 = arith.index_cast %squeeze3A_2999 : i32 to index
      %get3A_3063 = arith.constant 32 : index
      %get3A_3064 = tpu.vector_load %arg14[%get3A_3061, %get3A_3062, %get3A_3063] {strides = array<i32>} : memref<16x8x64xf32, #tpu.memory_space<vmem>>, vector<1x1x16xf32>,
      %get3A_3065 = vector.shape_cast %get3A_3064 : vector<1x1x16xf32> to vector<16xf32>
      %mul3A_3066 = arith.mulf %get3A_3053, %get3A_3059 : vector<16xf32>
      %add3A_3067 = arith.addf %add3A_3045, %mul3A_3066 : vector<16xf32>
      %mul3A_3068 = arith.mulf %get3A_3053, %get3A_3065 : vector<16xf32>
      %add3A_3069 = arith.addf %add3A_3047, %mul3A_3068 : vector<16xf32>
      %get3A_3070 = arith.constant 9 : i32
      %get3A_3071 = arith.index_cast %get3A_3070 : i32 to index
      %get3A_3072 = arith.index_cast %squeeze3A_2995 : i32 to index
      %get3A_3073 = arith.constant 48 : index
      %get3A_3074 = tpu.vector_load %arg12[%get3A_3071, %get3A_3072, %get3A_3073] {strides = array<i32>} : memref<16x8x64xf32, #tpu.memory_space<vmem>>, vector<1x1x16xf32>,
      %get3A_3075 = vector.shape_cast %get3A_3074 : vector<1x1x16xf32> to vector<16xf32>
      %get3A_3076 = arith.constant 9 : i32
      %get3A_3077 = arith.index_cast %get3A_3076 : i32 to index
      %get3A_3078 = arith.index_cast %squeeze3A_2997 : i32 to index
      %get3A_3079 = arith.constant 48 : index
      %get3A_3080 = tpu.vector_load %arg13[%get3A_3077, %get3A_3078, %get3A_3079] {strides = array<i32>} : memref<16x8x64xf32, #tpu.memory_space<vmem>>, vector<1x1x16xf32>,
      %get3A_3081 = vector.shape_cast %get3A_3080 : vector<1x1x16xf32> to vector<16xf32>
      %get3A_3082 = arith.constant 9 : i32
      %get3A_3083 = arith.index_cast %get3A_3082 : i32 to index
      %get3A_3084 = arith.index_cast %squeeze3A_2999 : i32 to index
      %get3A_3085 = arith.constant 48 : index
      %get3A_3086 = tpu.vector_load %arg14[%get3A_3083, %get3A_3084, %get3A_3085] {strides = array<i32>} : memref<16x8x64xf32, #tpu.memory_space<vmem>>, vector<1x1x16xf32>,
      %get3A_3087 = vector.shape_cast %get3A_3086 : vector<1x1x16xf32> to vector<16xf32>
      %mul3A_3088 = arith.mulf %get3A_3075, %get3A_3081 : vector<16xf32>
      %add3A_3089 = arith.addf %add3A_3067, %mul3A_3088 : vector<16xf32>
      %mul3A_3090 = arith.mulf %get3A_3075, %get3A_3087 : vector<16xf32>
      %add3A_3091 = arith.addf %add3A_3069, %mul3A_3090 : vector<16xf32>
      %eq3A_3092 = arith.constant 9 : i32
      %eq3A_3093 = vector.broadcast %eq3A_3092 : i32 to vector<16xi32>
      %eq3A_3094 = arith.cmpi eq, %iota3A, %eq3A_3093 : vector<16xi32>
      %broadcast_in_dim3A_3095 = vector.shape_cast %xor3A_4 : vector<16xi32> to vector<16x1xi32>
      %gather3A_3096 = vector.shape_cast %broadcast_in_dim3A_3095 : vector<16x1xi32> to vector<16xi32>
      %gather3A_3097 = tpu.dynamic_gather %add3A_3089[%gather3A_3096] in [0] : vector<16xf32>, vector<16xi32> -> vector<16xf32>
      %add3A_3098 = arith.addf %add3A_3089, %gather3A_3097 : vector<16xf32>
      %broadcast_in_dim3A_3099 = vector.shape_cast %xor3A_7 : vector<16xi32> to vector<16x1xi32>
      %gather3A_3100 = vector.shape_cast %broadcast_in_dim3A_3099 : vector<16x1xi32> to vector<16xi32>
      %gather3A_3101 = tpu.dynamic_gather %add3A_3098[%gather3A_3100] in [0] : vector<16xf32>, vector<16xi32> -> vector<16xf32>
      %add3A_3102 = arith.addf %add3A_3098, %gather3A_3101 : vector<16xf32>
      %broadcast_in_dim3A_3103 = vector.shape_cast %xor3A_10 : vector<16xi32> to vector<16x1xi32>
      %gather3A_3104 = vector.shape_cast %broadcast_in_dim3A_3103 : vector<16x1xi32> to vector<16xi32>
      %gather3A_3105 = tpu.dynamic_gather %add3A_3102[%gather3A_3104] in [0] : vector<16xf32>, vector<16xi32> -> vector<16xf32>
      %add3A_3106 = arith.addf %add3A_3102, %gather3A_3105 : vector<16xf32>
      %broadcast_in_dim3A_3107 = vector.shape_cast %xor3A_13 : vector<16xi32> to vector<16x1xi32>
      %gather3A_3108 = vector.shape_cast %broadcast_in_dim3A_3107 : vector<16x1xi32> to vector<16xi32>
      %gather3A_3109 = tpu.dynamic_gather %add3A_3106[%gather3A_3108] in [0] : vector<16xf32>, vector<16xi32> -> vector<16xf32>
      %add3A_3110 = arith.addf %add3A_3106, %gather3A_3109 : vector<16xf32>
      %select_n3A_3111 = arith.select %eq3A_3094, %add3A_3110, %select_n3A_2976 : vector<16xi1>, vector<16xf32>
      %broadcast_in_dim3A_3112 = vector.shape_cast %xor3A_4 : vector<16xi32> to vector<16x1xi32>
      %gather3A_3113 = vector.shape_cast %broadcast_in_dim3A_3112 : vector<16x1xi32> to vector<16xi32>
      %gather3A_3114 = tpu.dynamic_gather %add3A_3091[%gather3A_3113] in [0] : vector<16xf32>, vector<16xi32> -> vector<16xf32>
      %add3A_3115 = arith.addf %add3A_3091, %gather3A_3114 : vector<16xf32>
      %broadcast_in_dim3A_3116 = vector.shape_cast %xor3A_7 : vector<16xi32> to vector<16x1xi32>
      %gather3A_3117 = vector.shape_cast %broadcast_in_dim3A_3116 : vector<16x1xi32> to vector<16xi32>
      %gather3A_3118 = tpu.dynamic_gather %add3A_3115[%gather3A_3117] in [0] : vector<16xf32>, vector<16xi32> -> vector<16xf32>
      %add3A_3119 = arith.addf %add3A_3115, %gather3A_3118 : vector<16xf32>
      %broadcast_in_dim3A_3120 = vector.shape_cast %xor3A_10 : vector<16xi32> to vector<16x1xi32>
      %gather3A_3121 = vector.shape_cast %broadcast_in_dim3A_3120 : vector<16x1xi32> to vector<16xi32>
      %gather3A_3122 = tpu.dynamic_gather %add3A_3119[%gather3A_3121] in [0] : vector<16xf32>, vector<16xi32> -> vector<16xf32>
      %add3A_3123 = arith.addf %add3A_3119, %gather3A_3122 : vector<16xf32>
      %broadcast_in_dim3A_3124 = vector.shape_cast %xor3A_13 : vector<16xi32> to vector<16x1xi32>
      %gather3A_3125 = vector.shape_cast %broadcast_in_dim3A_3124 : vector<16x1xi32> to vector<16xi32>
      %gather3A_3126 = tpu.dynamic_gather %add3A_3123[%gather3A_3125] in [0] : vector<16xf32>, vector<16xi32> -> vector<16xf32>
      %add3A_3127 = arith.addf %add3A_3123, %gather3A_3126 : vector<16xf32>
      %select_n3A_3128 = arith.select %eq3A_3094, %add3A_3127, %select_n3A_2993 : vector<16xi1>, vector<16xf32>
      %slice3A_3129 = vector.extract_strided_slice %and3A_1766 {offsets = [10], sizes = [1], strides = [1]} : vector<16xi32> to vector<1xi32>
      %squeeze3A_3130 = vector.extract %slice3A_3129[0] : i32 from vector<1xi32>
      %slice3A_3131 = vector.extract_strided_slice %and3A_1772 {offsets = [10], sizes = [1], strides = [1]} : vector<16xi32> to vector<1xi32>
      %squeeze3A_3132 = vector.extract %slice3A_3131[0] : i32 from vector<1xi32>
      %slice3A_3133 = vector.extract_strided_slice %and3A_1778 {offsets = [10], sizes = [1], strides = [1]} : vector<16xi32> to vector<1xi32>
      %squeeze3A_3134 = vector.extract %slice3A_3133[0] : i32 from vector<1xi32>
      %broadcast_in_dim3A_3135 = arith.constant 0.000000e+00 : f32
      %broadcast_in_dim3A_3136 = vector.broadcast %broadcast_in_dim3A_3135 : f32 to vector<16xf32>
      %broadcast_in_dim3A_3137 = arith.constant 0.000000e+00 : f32
      %broadcast_in_dim3A_3138 = vector.broadcast %broadcast_in_dim3A_3137 : f32 to vector<16xf32>
      %get3A_3139 = arith.constant 10 : i32
      %get3A_3140 = arith.index_cast %get3A_3139 : i32 to index
      %get3A_3141 = arith.index_cast %squeeze3A_3130 : i32 to index
      %get3A_3142 = arith.constant 0 : index
      %get3A_3143 = tpu.vector_load %arg12[%get3A_3140, %get3A_3141, %get3A_3142] {strides = array<i32>} : memref<16x8x64xf32, #tpu.memory_space<vmem>>, vector<1x1x16xf32>,
      %get3A_3144 = vector.shape_cast %get3A_3143 : vector<1x1x16xf32> to vector<16xf32>
      %get3A_3145 = arith.constant 10 : i32
      %get3A_3146 = arith.index_cast %get3A_3145 : i32 to index
      %get3A_3147 = arith.index_cast %squeeze3A_3132 : i32 to index
      %get3A_3148 = arith.constant 0 : index
      %get3A_3149 = tpu.vector_load %arg13[%get3A_3146, %get3A_3147, %get3A_3148] {strides = array<i32>} : memref<16x8x64xf32, #tpu.memory_space<vmem>>, vector<1x1x16xf32>,
      %get3A_3150 = vector.shape_cast %get3A_3149 : vector<1x1x16xf32> to vector<16xf32>
      %get3A_3151 = arith.constant 10 : i32
      %get3A_3152 = arith.index_cast %get3A_3151 : i32 to index
      %get3A_3153 = arith.index_cast %squeeze3A_3134 : i32 to index
      %get3A_3154 = arith.constant 0 : index
      %get3A_3155 = tpu.vector_load %arg14[%get3A_3152, %get3A_3153, %get3A_3154] {strides = array<i32>} : memref<16x8x64xf32, #tpu.memory_space<vmem>>, vector<1x1x16xf32>,
      %get3A_3156 = vector.shape_cast %get3A_3155 : vector<1x1x16xf32> to vector<16xf32>
      %mul3A_3157 = arith.mulf %get3A_3144, %get3A_3150 : vector<16xf32>
      %add3A_3158 = arith.addf %broadcast_in_dim3A_3136, %mul3A_3157 : vector<16xf32>
      %mul3A_3159 = arith.mulf %get3A_3144, %get3A_3156 : vector<16xf32>
      %add3A_3160 = arith.addf %broadcast_in_dim3A_3138, %mul3A_3159 : vector<16xf32>
      %get3A_3161 = arith.constant 10 : i32
      %get3A_3162 = arith.index_cast %get3A_3161 : i32 to index
      %get3A_3163 = arith.index_cast %squeeze3A_3130 : i32 to index
      %get3A_3164 = arith.constant 16 : index
      %get3A_3165 = tpu.vector_load %arg12[%get3A_3162, %get3A_3163, %get3A_3164] {strides = array<i32>} : memref<16x8x64xf32, #tpu.memory_space<vmem>>, vector<1x1x16xf32>,
      %get3A_3166 = vector.shape_cast %get3A_3165 : vector<1x1x16xf32> to vector<16xf32>
      %get3A_3167 = arith.constant 10 : i32
      %get3A_3168 = arith.index_cast %get3A_3167 : i32 to index
      %get3A_3169 = arith.index_cast %squeeze3A_3132 : i32 to index
      %get3A_3170 = arith.constant 16 : index
      %get3A_3171 = tpu.vector_load %arg13[%get3A_3168, %get3A_3169, %get3A_3170] {strides = array<i32>} : memref<16x8x64xf32, #tpu.memory_space<vmem>>, vector<1x1x16xf32>,
      %get3A_3172 = vector.shape_cast %get3A_3171 : vector<1x1x16xf32> to vector<16xf32>
      %get3A_3173 = arith.constant 10 : i32
      %get3A_3174 = arith.index_cast %get3A_3173 : i32 to index
      %get3A_3175 = arith.index_cast %squeeze3A_3134 : i32 to index
      %get3A_3176 = arith.constant 16 : index
      %get3A_3177 = tpu.vector_load %arg14[%get3A_3174, %get3A_3175, %get3A_3176] {strides = array<i32>} : memref<16x8x64xf32, #tpu.memory_space<vmem>>, vector<1x1x16xf32>,
      %get3A_3178 = vector.shape_cast %get3A_3177 : vector<1x1x16xf32> to vector<16xf32>
      %mul3A_3179 = arith.mulf %get3A_3166, %get3A_3172 : vector<16xf32>
      %add3A_3180 = arith.addf %add3A_3158, %mul3A_3179 : vector<16xf32>
      %mul3A_3181 = arith.mulf %get3A_3166, %get3A_3178 : vector<16xf32>
      %add3A_3182 = arith.addf %add3A_3160, %mul3A_3181 : vector<16xf32>
      %get3A_3183 = arith.constant 10 : i32
      %get3A_3184 = arith.index_cast %get3A_3183 : i32 to index
      %get3A_3185 = arith.index_cast %squeeze3A_3130 : i32 to index
      %get3A_3186 = arith.constant 32 : index
      %get3A_3187 = tpu.vector_load %arg12[%get3A_3184, %get3A_3185, %get3A_3186] {strides = array<i32>} : memref<16x8x64xf32, #tpu.memory_space<vmem>>, vector<1x1x16xf32>,
      %get3A_3188 = vector.shape_cast %get3A_3187 : vector<1x1x16xf32> to vector<16xf32>
      %get3A_3189 = arith.constant 10 : i32
      %get3A_3190 = arith.index_cast %get3A_3189 : i32 to index
      %get3A_3191 = arith.index_cast %squeeze3A_3132 : i32 to index
      %get3A_3192 = arith.constant 32 : index
      %get3A_3193 = tpu.vector_load %arg13[%get3A_3190, %get3A_3191, %get3A_3192] {strides = array<i32>} : memref<16x8x64xf32, #tpu.memory_space<vmem>>, vector<1x1x16xf32>,
      %get3A_3194 = vector.shape_cast %get3A_3193 : vector<1x1x16xf32> to vector<16xf32>
      %get3A_3195 = arith.constant 10 : i32
      %get3A_3196 = arith.index_cast %get3A_3195 : i32 to index
      %get3A_3197 = arith.index_cast %squeeze3A_3134 : i32 to index
      %get3A_3198 = arith.constant 32 : index
      %get3A_3199 = tpu.vector_load %arg14[%get3A_3196, %get3A_3197, %get3A_3198] {strides = array<i32>} : memref<16x8x64xf32, #tpu.memory_space<vmem>>, vector<1x1x16xf32>,
      %get3A_3200 = vector.shape_cast %get3A_3199 : vector<1x1x16xf32> to vector<16xf32>
      %mul3A_3201 = arith.mulf %get3A_3188, %get3A_3194 : vector<16xf32>
      %add3A_3202 = arith.addf %add3A_3180, %mul3A_3201 : vector<16xf32>
      %mul3A_3203 = arith.mulf %get3A_3188, %get3A_3200 : vector<16xf32>
      %add3A_3204 = arith.addf %add3A_3182, %mul3A_3203 : vector<16xf32>
      %get3A_3205 = arith.constant 10 : i32
      %get3A_3206 = arith.index_cast %get3A_3205 : i32 to index
      %get3A_3207 = arith.index_cast %squeeze3A_3130 : i32 to index
      %get3A_3208 = arith.constant 48 : index
      %get3A_3209 = tpu.vector_load %arg12[%get3A_3206, %get3A_3207, %get3A_3208] {strides = array<i32>} : memref<16x8x64xf32, #tpu.memory_space<vmem>>, vector<1x1x16xf32>,
      %get3A_3210 = vector.shape_cast %get3A_3209 : vector<1x1x16xf32> to vector<16xf32>
      %get3A_3211 = arith.constant 10 : i32
      %get3A_3212 = arith.index_cast %get3A_3211 : i32 to index
      %get3A_3213 = arith.index_cast %squeeze3A_3132 : i32 to index
      %get3A_3214 = arith.constant 48 : index
      %get3A_3215 = tpu.vector_load %arg13[%get3A_3212, %get3A_3213, %get3A_3214] {strides = array<i32>} : memref<16x8x64xf32, #tpu.memory_space<vmem>>, vector<1x1x16xf32>,
      %get3A_3216 = vector.shape_cast %get3A_3215 : vector<1x1x16xf32> to vector<16xf32>
      %get3A_3217 = arith.constant 10 : i32
      %get3A_3218 = arith.index_cast %get3A_3217 : i32 to index
      %get3A_3219 = arith.index_cast %squeeze3A_3134 : i32 to index
      %get3A_3220 = arith.constant 48 : index
      %get3A_3221 = tpu.vector_load %arg14[%get3A_3218, %get3A_3219, %get3A_3220] {strides = array<i32>} : memref<16x8x64xf32, #tpu.memory_space<vmem>>, vector<1x1x16xf32>,
      %get3A_3222 = vector.shape_cast %get3A_3221 : vector<1x1x16xf32> to vector<16xf32>
      %mul3A_3223 = arith.mulf %get3A_3210, %get3A_3216 : vector<16xf32>
      %add3A_3224 = arith.addf %add3A_3202, %mul3A_3223 : vector<16xf32>
      %mul3A_3225 = arith.mulf %get3A_3210, %get3A_3222 : vector<16xf32>
      %add3A_3226 = arith.addf %add3A_3204, %mul3A_3225 : vector<16xf32>
      %eq3A_3227 = arith.constant 10 : i32
      %eq3A_3228 = vector.broadcast %eq3A_3227 : i32 to vector<16xi32>
      %eq3A_3229 = arith.cmpi eq, %iota3A, %eq3A_3228 : vector<16xi32>
      %broadcast_in_dim3A_3230 = vector.shape_cast %xor3A_4 : vector<16xi32> to vector<16x1xi32>
      %gather3A_3231 = vector.shape_cast %broadcast_in_dim3A_3230 : vector<16x1xi32> to vector<16xi32>
      %gather3A_3232 = tpu.dynamic_gather %add3A_3224[%gather3A_3231] in [0] : vector<16xf32>, vector<16xi32> -> vector<16xf32>
      %add3A_3233 = arith.addf %add3A_3224, %gather3A_3232 : vector<16xf32>
      %broadcast_in_dim3A_3234 = vector.shape_cast %xor3A_7 : vector<16xi32> to vector<16x1xi32>
      %gather3A_3235 = vector.shape_cast %broadcast_in_dim3A_3234 : vector<16x1xi32> to vector<16xi32>
      %gather3A_3236 = tpu.dynamic_gather %add3A_3233[%gather3A_3235] in [0] : vector<16xf32>, vector<16xi32> -> vector<16xf32>
      %add3A_3237 = arith.addf %add3A_3233, %gather3A_3236 : vector<16xf32>
      %broadcast_in_dim3A_3238 = vector.shape_cast %xor3A_10 : vector<16xi32> to vector<16x1xi32>
      %gather3A_3239 = vector.shape_cast %broadcast_in_dim3A_3238 : vector<16x1xi32> to vector<16xi32>
      %gather3A_3240 = tpu.dynamic_gather %add3A_3237[%gather3A_3239] in [0] : vector<16xf32>, vector<16xi32> -> vector<16xf32>
      %add3A_3241 = arith.addf %add3A_3237, %gather3A_3240 : vector<16xf32>
      %broadcast_in_dim3A_3242 = vector.shape_cast %xor3A_13 : vector<16xi32> to vector<16x1xi32>
      %gather3A_3243 = vector.shape_cast %broadcast_in_dim3A_3242 : vector<16x1xi32> to vector<16xi32>
      %gather3A_3244 = tpu.dynamic_gather %add3A_3241[%gather3A_3243] in [0] : vector<16xf32>, vector<16xi32> -> vector<16xf32>
      %add3A_3245 = arith.addf %add3A_3241, %gather3A_3244 : vector<16xf32>
      %select_n3A_3246 = arith.select %eq3A_3229, %add3A_3245, %select_n3A_3111 : vector<16xi1>, vector<16xf32>
      %broadcast_in_dim3A_3247 = vector.shape_cast %xor3A_4 : vector<16xi32> to vector<16x1xi32>
      %gather3A_3248 = vector.shape_cast %broadcast_in_dim3A_3247 : vector<16x1xi32> to vector<16xi32>
      %gather3A_3249 = tpu.dynamic_gather %add3A_3226[%gather3A_3248] in [0] : vector<16xf32>, vector<16xi32> -> vector<16xf32>
      %add3A_3250 = arith.addf %add3A_3226, %gather3A_3249 : vector<16xf32>
      %broadcast_in_dim3A_3251 = vector.shape_cast %xor3A_7 : vector<16xi32> to vector<16x1xi32>
      %gather3A_3252 = vector.shape_cast %broadcast_in_dim3A_3251 : vector<16x1xi32> to vector<16xi32>
      %gather3A_3253 = tpu.dynamic_gather %add3A_3250[%gather3A_3252] in [0] : vector<16xf32>, vector<16xi32> -> vector<16xf32>
      %add3A_3254 = arith.addf %add3A_3250, %gather3A_3253 : vector<16xf32>
      %broadcast_in_dim3A_3255 = vector.shape_cast %xor3A_10 : vector<16xi32> to vector<16x1xi32>
      %gather3A_3256 = vector.shape_cast %broadcast_in_dim3A_3255 : vector<16x1xi32> to vector<16xi32>
      %gather3A_3257 = tpu.dynamic_gather %add3A_3254[%gather3A_3256] in [0] : vector<16xf32>, vector<16xi32> -> vector<16xf32>
      %add3A_3258 = arith.addf %add3A_3254, %gather3A_3257 : vector<16xf32>
      %broadcast_in_dim3A_3259 = vector.shape_cast %xor3A_13 : vector<16xi32> to vector<16x1xi32>
      %gather3A_3260 = vector.shape_cast %broadcast_in_dim3A_3259 : vector<16x1xi32> to vector<16xi32>
      %gather3A_3261 = tpu.dynamic_gather %add3A_3258[%gather3A_3260] in [0] : vector<16xf32>, vector<16xi32> -> vector<16xf32>
      %add3A_3262 = arith.addf %add3A_3258, %gather3A_3261 : vector<16xf32>
      %select_n3A_3263 = arith.select %eq3A_3229, %add3A_3262, %select_n3A_3128 : vector<16xi1>, vector<16xf32>
      %slice3A_3264 = vector.extract_strided_slice %and3A_1766 {offsets = [11], sizes = [1], strides = [1]} : vector<16xi32> to vector<1xi32>
      %squeeze3A_3265 = vector.extract %slice3A_3264[0] : i32 from vector<1xi32>
      %slice3A_3266 = vector.extract_strided_slice %and3A_1772 {offsets = [11], sizes = [1], strides = [1]} : vector<16xi32> to vector<1xi32>
      %squeeze3A_3267 = vector.extract %slice3A_3266[0] : i32 from vector<1xi32>
      %slice3A_3268 = vector.extract_strided_slice %and3A_1778 {offsets = [11], sizes = [1], strides = [1]} : vector<16xi32> to vector<1xi32>
      %squeeze3A_3269 = vector.extract %slice3A_3268[0] : i32 from vector<1xi32>
      %broadcast_in_dim3A_3270 = arith.constant 0.000000e+00 : f32
      %broadcast_in_dim3A_3271 = vector.broadcast %broadcast_in_dim3A_3270 : f32 to vector<16xf32>
      %broadcast_in_dim3A_3272 = arith.constant 0.000000e+00 : f32
      %broadcast_in_dim3A_3273 = vector.broadcast %broadcast_in_dim3A_3272 : f32 to vector<16xf32>
      %get3A_3274 = arith.constant 11 : i32
      %get3A_3275 = arith.index_cast %get3A_3274 : i32 to index
      %get3A_3276 = arith.index_cast %squeeze3A_3265 : i32 to index
      %get3A_3277 = arith.constant 0 : index
      %get3A_3278 = tpu.vector_load %arg12[%get3A_3275, %get3A_3276, %get3A_3277] {strides = array<i32>} : memref<16x8x64xf32, #tpu.memory_space<vmem>>, vector<1x1x16xf32>,
      %get3A_3279 = vector.shape_cast %get3A_3278 : vector<1x1x16xf32> to vector<16xf32>
      %get3A_3280 = arith.constant 11 : i32
      %get3A_3281 = arith.index_cast %get3A_3280 : i32 to index
      %get3A_3282 = arith.index_cast %squeeze3A_3267 : i32 to index
      %get3A_3283 = arith.constant 0 : index
      %get3A_3284 = tpu.vector_load %arg13[%get3A_3281, %get3A_3282, %get3A_3283] {strides = array<i32>} : memref<16x8x64xf32, #tpu.memory_space<vmem>>, vector<1x1x16xf32>,
      %get3A_3285 = vector.shape_cast %get3A_3284 : vector<1x1x16xf32> to vector<16xf32>
      %get3A_3286 = arith.constant 11 : i32
      %get3A_3287 = arith.index_cast %get3A_3286 : i32 to index
      %get3A_3288 = arith.index_cast %squeeze3A_3269 : i32 to index
      %get3A_3289 = arith.constant 0 : index
      %get3A_3290 = tpu.vector_load %arg14[%get3A_3287, %get3A_3288, %get3A_3289] {strides = array<i32>} : memref<16x8x64xf32, #tpu.memory_space<vmem>>, vector<1x1x16xf32>,
      %get3A_3291 = vector.shape_cast %get3A_3290 : vector<1x1x16xf32> to vector<16xf32>
      %mul3A_3292 = arith.mulf %get3A_3279, %get3A_3285 : vector<16xf32>
      %add3A_3293 = arith.addf %broadcast_in_dim3A_3271, %mul3A_3292 : vector<16xf32>
      %mul3A_3294 = arith.mulf %get3A_3279, %get3A_3291 : vector<16xf32>
      %add3A_3295 = arith.addf %broadcast_in_dim3A_3273, %mul3A_3294 : vector<16xf32>
      %get3A_3296 = arith.constant 11 : i32
      %get3A_3297 = arith.index_cast %get3A_3296 : i32 to index
      %get3A_3298 = arith.index_cast %squeeze3A_3265 : i32 to index
      %get3A_3299 = arith.constant 16 : index
      %get3A_3300 = tpu.vector_load %arg12[%get3A_3297, %get3A_3298, %get3A_3299] {strides = array<i32>} : memref<16x8x64xf32, #tpu.memory_space<vmem>>, vector<1x1x16xf32>,
      %get3A_3301 = vector.shape_cast %get3A_3300 : vector<1x1x16xf32> to vector<16xf32>
      %get3A_3302 = arith.constant 11 : i32
      %get3A_3303 = arith.index_cast %get3A_3302 : i32 to index
      %get3A_3304 = arith.index_cast %squeeze3A_3267 : i32 to index
      %get3A_3305 = arith.constant 16 : index
      %get3A_3306 = tpu.vector_load %arg13[%get3A_3303, %get3A_3304, %get3A_3305] {strides = array<i32>} : memref<16x8x64xf32, #tpu.memory_space<vmem>>, vector<1x1x16xf32>,
      %get3A_3307 = vector.shape_cast %get3A_3306 : vector<1x1x16xf32> to vector<16xf32>
      %get3A_3308 = arith.constant 11 : i32
      %get3A_3309 = arith.index_cast %get3A_3308 : i32 to index
      %get3A_3310 = arith.index_cast %squeeze3A_3269 : i32 to index
      %get3A_3311 = arith.constant 16 : index
      %get3A_3312 = tpu.vector_load %arg14[%get3A_3309, %get3A_3310, %get3A_3311] {strides = array<i32>} : memref<16x8x64xf32, #tpu.memory_space<vmem>>, vector<1x1x16xf32>,
      %get3A_3313 = vector.shape_cast %get3A_3312 : vector<1x1x16xf32> to vector<16xf32>
      %mul3A_3314 = arith.mulf %get3A_3301, %get3A_3307 : vector<16xf32>
      %add3A_3315 = arith.addf %add3A_3293, %mul3A_3314 : vector<16xf32>
      %mul3A_3316 = arith.mulf %get3A_3301, %get3A_3313 : vector<16xf32>
      %add3A_3317 = arith.addf %add3A_3295, %mul3A_3316 : vector<16xf32>
      %get3A_3318 = arith.constant 11 : i32
      %get3A_3319 = arith.index_cast %get3A_3318 : i32 to index
      %get3A_3320 = arith.index_cast %squeeze3A_3265 : i32 to index
      %get3A_3321 = arith.constant 32 : index
      %get3A_3322 = tpu.vector_load %arg12[%get3A_3319, %get3A_3320, %get3A_3321] {strides = array<i32>} : memref<16x8x64xf32, #tpu.memory_space<vmem>>, vector<1x1x16xf32>,
      %get3A_3323 = vector.shape_cast %get3A_3322 : vector<1x1x16xf32> to vector<16xf32>
      %get3A_3324 = arith.constant 11 : i32
      %get3A_3325 = arith.index_cast %get3A_3324 : i32 to index
      %get3A_3326 = arith.index_cast %squeeze3A_3267 : i32 to index
      %get3A_3327 = arith.constant 32 : index
      %get3A_3328 = tpu.vector_load %arg13[%get3A_3325, %get3A_3326, %get3A_3327] {strides = array<i32>} : memref<16x8x64xf32, #tpu.memory_space<vmem>>, vector<1x1x16xf32>,
      %get3A_3329 = vector.shape_cast %get3A_3328 : vector<1x1x16xf32> to vector<16xf32>
      %get3A_3330 = arith.constant 11 : i32
      %get3A_3331 = arith.index_cast %get3A_3330 : i32 to index
      %get3A_3332 = arith.index_cast %squeeze3A_3269 : i32 to index
      %get3A_3333 = arith.constant 32 : index
      %get3A_3334 = tpu.vector_load %arg14[%get3A_3331, %get3A_3332, %get3A_3333] {strides = array<i32>} : memref<16x8x64xf32, #tpu.memory_space<vmem>>, vector<1x1x16xf32>,
      %get3A_3335 = vector.shape_cast %get3A_3334 : vector<1x1x16xf32> to vector<16xf32>
      %mul3A_3336 = arith.mulf %get3A_3323, %get3A_3329 : vector<16xf32>
      %add3A_3337 = arith.addf %add3A_3315, %mul3A_3336 : vector<16xf32>
      %mul3A_3338 = arith.mulf %get3A_3323, %get3A_3335 : vector<16xf32>
      %add3A_3339 = arith.addf %add3A_3317, %mul3A_3338 : vector<16xf32>
      %get3A_3340 = arith.constant 11 : i32
      %get3A_3341 = arith.index_cast %get3A_3340 : i32 to index
      %get3A_3342 = arith.index_cast %squeeze3A_3265 : i32 to index
      %get3A_3343 = arith.constant 48 : index
      %get3A_3344 = tpu.vector_load %arg12[%get3A_3341, %get3A_3342, %get3A_3343] {strides = array<i32>} : memref<16x8x64xf32, #tpu.memory_space<vmem>>, vector<1x1x16xf32>,
      %get3A_3345 = vector.shape_cast %get3A_3344 : vector<1x1x16xf32> to vector<16xf32>
      %get3A_3346 = arith.constant 11 : i32
      %get3A_3347 = arith.index_cast %get3A_3346 : i32 to index
      %get3A_3348 = arith.index_cast %squeeze3A_3267 : i32 to index
      %get3A_3349 = arith.constant 48 : index
      %get3A_3350 = tpu.vector_load %arg13[%get3A_3347, %get3A_3348, %get3A_3349] {strides = array<i32>} : memref<16x8x64xf32, #tpu.memory_space<vmem>>, vector<1x1x16xf32>,
      %get3A_3351 = vector.shape_cast %get3A_3350 : vector<1x1x16xf32> to vector<16xf32>
      %get3A_3352 = arith.constant 11 : i32
      %get3A_3353 = arith.index_cast %get3A_3352 : i32 to index
      %get3A_3354 = arith.index_cast %squeeze3A_3269 : i32 to index
      %get3A_3355 = arith.constant 48 : index
      %get3A_3356 = tpu.vector_load %arg14[%get3A_3353, %get3A_3354, %get3A_3355] {strides = array<i32>} : memref<16x8x64xf32, #tpu.memory_space<vmem>>, vector<1x1x16xf32>,
      %get3A_3357 = vector.shape_cast %get3A_3356 : vector<1x1x16xf32> to vector<16xf32>
      %mul3A_3358 = arith.mulf %get3A_3345, %get3A_3351 : vector<16xf32>
      %add3A_3359 = arith.addf %add3A_3337, %mul3A_3358 : vector<16xf32>
      %mul3A_3360 = arith.mulf %get3A_3345, %get3A_3357 : vector<16xf32>
      %add3A_3361 = arith.addf %add3A_3339, %mul3A_3360 : vector<16xf32>
      %eq3A_3362 = arith.constant 11 : i32
      %eq3A_3363 = vector.broadcast %eq3A_3362 : i32 to vector<16xi32>
      %eq3A_3364 = arith.cmpi eq, %iota3A, %eq3A_3363 : vector<16xi32>
      %broadcast_in_dim3A_3365 = vector.shape_cast %xor3A_4 : vector<16xi32> to vector<16x1xi32>
      %gather3A_3366 = vector.shape_cast %broadcast_in_dim3A_3365 : vector<16x1xi32> to vector<16xi32>
      %gather3A_3367 = tpu.dynamic_gather %add3A_3359[%gather3A_3366] in [0] : vector<16xf32>, vector<16xi32> -> vector<16xf32>
      %add3A_3368 = arith.addf %add3A_3359, %gather3A_3367 : vector<16xf32>
      %broadcast_in_dim3A_3369 = vector.shape_cast %xor3A_7 : vector<16xi32> to vector<16x1xi32>
      %gather3A_3370 = vector.shape_cast %broadcast_in_dim3A_3369 : vector<16x1xi32> to vector<16xi32>
      %gather3A_3371 = tpu.dynamic_gather %add3A_3368[%gather3A_3370] in [0] : vector<16xf32>, vector<16xi32> -> vector<16xf32>
      %add3A_3372 = arith.addf %add3A_3368, %gather3A_3371 : vector<16xf32>
      %broadcast_in_dim3A_3373 = vector.shape_cast %xor3A_10 : vector<16xi32> to vector<16x1xi32>
      %gather3A_3374 = vector.shape_cast %broadcast_in_dim3A_3373 : vector<16x1xi32> to vector<16xi32>
      %gather3A_3375 = tpu.dynamic_gather %add3A_3372[%gather3A_3374] in [0] : vector<16xf32>, vector<16xi32> -> vector<16xf32>
      %add3A_3376 = arith.addf %add3A_3372, %gather3A_3375 : vector<16xf32>
      %broadcast_in_dim3A_3377 = vector.shape_cast %xor3A_13 : vector<16xi32> to vector<16x1xi32>
      %gather3A_3378 = vector.shape_cast %broadcast_in_dim3A_3377 : vector<16x1xi32> to vector<16xi32>
      %gather3A_3379 = tpu.dynamic_gather %add3A_3376[%gather3A_3378] in [0] : vector<16xf32>, vector<16xi32> -> vector<16xf32>
      %add3A_3380 = arith.addf %add3A_3376, %gather3A_3379 : vector<16xf32>
      %select_n3A_3381 = arith.select %eq3A_3364, %add3A_3380, %select_n3A_3246 : vector<16xi1>, vector<16xf32>
      %broadcast_in_dim3A_3382 = vector.shape_cast %xor3A_4 : vector<16xi32> to vector<16x1xi32>
      %gather3A_3383 = vector.shape_cast %broadcast_in_dim3A_3382 : vector<16x1xi32> to vector<16xi32>
      %gather3A_3384 = tpu.dynamic_gather %add3A_3361[%gather3A_3383] in [0] : vector<16xf32>, vector<16xi32> -> vector<16xf32>
      %add3A_3385 = arith.addf %add3A_3361, %gather3A_3384 : vector<16xf32>
      %broadcast_in_dim3A_3386 = vector.shape_cast %xor3A_7 : vector<16xi32> to vector<16x1xi32>
      %gather3A_3387 = vector.shape_cast %broadcast_in_dim3A_3386 : vector<16x1xi32> to vector<16xi32>
      %gather3A_3388 = tpu.dynamic_gather %add3A_3385[%gather3A_3387] in [0] : vector<16xf32>, vector<16xi32> -> vector<16xf32>
      %add3A_3389 = arith.addf %add3A_3385, %gather3A_3388 : vector<16xf32>
      %broadcast_in_dim3A_3390 = vector.shape_cast %xor3A_10 : vector<16xi32> to vector<16x1xi32>
      %gather3A_3391 = vector.shape_cast %broadcast_in_dim3A_3390 : vector<16x1xi32> to vector<16xi32>
      %gather3A_3392 = tpu.dynamic_gather %add3A_3389[%gather3A_3391] in [0] : vector<16xf32>, vector<16xi32> -> vector<16xf32>
      %add3A_3393 = arith.addf %add3A_3389, %gather3A_3392 : vector<16xf32>
      %broadcast_in_dim3A_3394 = vector.shape_cast %xor3A_13 : vector<16xi32> to vector<16x1xi32>
      %gather3A_3395 = vector.shape_cast %broadcast_in_dim3A_3394 : vector<16x1xi32> to vector<16xi32>
      %gather3A_3396 = tpu.dynamic_gather %add3A_3393[%gather3A_3395] in [0] : vector<16xf32>, vector<16xi32> -> vector<16xf32>
      %add3A_3397 = arith.addf %add3A_3393, %gather3A_3396 : vector<16xf32>
      %select_n3A_3398 = arith.select %eq3A_3364, %add3A_3397, %select_n3A_3263 : vector<16xi1>, vector<16xf32>
      %slice3A_3399 = vector.extract_strided_slice %and3A_1766 {offsets = [12], sizes = [1], strides = [1]} : vector<16xi32> to vector<1xi32>
      %squeeze3A_3400 = vector.extract %slice3A_3399[0] : i32 from vector<1xi32>
      %slice3A_3401 = vector.extract_strided_slice %and3A_1772 {offsets = [12], sizes = [1], strides = [1]} : vector<16xi32> to vector<1xi32>
      %squeeze3A_3402 = vector.extract %slice3A_3401[0] : i32 from vector<1xi32>
      %slice3A_3403 = vector.extract_strided_slice %and3A_1778 {offsets = [12], sizes = [1], strides = [1]} : vector<16xi32> to vector<1xi32>
      %squeeze3A_3404 = vector.extract %slice3A_3403[0] : i32 from vector<1xi32>
      %broadcast_in_dim3A_3405 = arith.constant 0.000000e+00 : f32
      %broadcast_in_dim3A_3406 = vector.broadcast %broadcast_in_dim3A_3405 : f32 to vector<16xf32>
      %broadcast_in_dim3A_3407 = arith.constant 0.000000e+00 : f32
      %broadcast_in_dim3A_3408 = vector.broadcast %broadcast_in_dim3A_3407 : f32 to vector<16xf32>
      %get3A_3409 = arith.constant 12 : i32
      %get3A_3410 = arith.index_cast %get3A_3409 : i32 to index
      %get3A_3411 = arith.index_cast %squeeze3A_3400 : i32 to index
      %get3A_3412 = arith.constant 0 : index
      %get3A_3413 = tpu.vector_load %arg12[%get3A_3410, %get3A_3411, %get3A_3412] {strides = array<i32>} : memref<16x8x64xf32, #tpu.memory_space<vmem>>, vector<1x1x16xf32>,
      %get3A_3414 = vector.shape_cast %get3A_3413 : vector<1x1x16xf32> to vector<16xf32>
      %get3A_3415 = arith.constant 12 : i32
      %get3A_3416 = arith.index_cast %get3A_3415 : i32 to index
      %get3A_3417 = arith.index_cast %squeeze3A_3402 : i32 to index
      %get3A_3418 = arith.constant 0 : index
      %get3A_3419 = tpu.vector_load %arg13[%get3A_3416, %get3A_3417, %get3A_3418] {strides = array<i32>} : memref<16x8x64xf32, #tpu.memory_space<vmem>>, vector<1x1x16xf32>,
      %get3A_3420 = vector.shape_cast %get3A_3419 : vector<1x1x16xf32> to vector<16xf32>
      %get3A_3421 = arith.constant 12 : i32
      %get3A_3422 = arith.index_cast %get3A_3421 : i32 to index
      %get3A_3423 = arith.index_cast %squeeze3A_3404 : i32 to index
      %get3A_3424 = arith.constant 0 : index
      %get3A_3425 = tpu.vector_load %arg14[%get3A_3422, %get3A_3423, %get3A_3424] {strides = array<i32>} : memref<16x8x64xf32, #tpu.memory_space<vmem>>, vector<1x1x16xf32>,
      %get3A_3426 = vector.shape_cast %get3A_3425 : vector<1x1x16xf32> to vector<16xf32>
      %mul3A_3427 = arith.mulf %get3A_3414, %get3A_3420 : vector<16xf32>
      %add3A_3428 = arith.addf %broadcast_in_dim3A_3406, %mul3A_3427 : vector<16xf32>
      %mul3A_3429 = arith.mulf %get3A_3414, %get3A_3426 : vector<16xf32>
      %add3A_3430 = arith.addf %broadcast_in_dim3A_3408, %mul3A_3429 : vector<16xf32>
      %get3A_3431 = arith.constant 12 : i32
      %get3A_3432 = arith.index_cast %get3A_3431 : i32 to index
      %get3A_3433 = arith.index_cast %squeeze3A_3400 : i32 to index
      %get3A_3434 = arith.constant 16 : index
      %get3A_3435 = tpu.vector_load %arg12[%get3A_3432, %get3A_3433, %get3A_3434] {strides = array<i32>} : memref<16x8x64xf32, #tpu.memory_space<vmem>>, vector<1x1x16xf32>,
      %get3A_3436 = vector.shape_cast %get3A_3435 : vector<1x1x16xf32> to vector<16xf32>
      %get3A_3437 = arith.constant 12 : i32
      %get3A_3438 = arith.index_cast %get3A_3437 : i32 to index
      %get3A_3439 = arith.index_cast %squeeze3A_3402 : i32 to index
      %get3A_3440 = arith.constant 16 : index
      %get3A_3441 = tpu.vector_load %arg13[%get3A_3438, %get3A_3439, %get3A_3440] {strides = array<i32>} : memref<16x8x64xf32, #tpu.memory_space<vmem>>, vector<1x1x16xf32>,
      %get3A_3442 = vector.shape_cast %get3A_3441 : vector<1x1x16xf32> to vector<16xf32>
      %get3A_3443 = arith.constant 12 : i32
      %get3A_3444 = arith.index_cast %get3A_3443 : i32 to index
      %get3A_3445 = arith.index_cast %squeeze3A_3404 : i32 to index
      %get3A_3446 = arith.constant 16 : index
      %get3A_3447 = tpu.vector_load %arg14[%get3A_3444, %get3A_3445, %get3A_3446] {strides = array<i32>} : memref<16x8x64xf32, #tpu.memory_space<vmem>>, vector<1x1x16xf32>,
      %get3A_3448 = vector.shape_cast %get3A_3447 : vector<1x1x16xf32> to vector<16xf32>
      %mul3A_3449 = arith.mulf %get3A_3436, %get3A_3442 : vector<16xf32>
      %add3A_3450 = arith.addf %add3A_3428, %mul3A_3449 : vector<16xf32>
      %mul3A_3451 = arith.mulf %get3A_3436, %get3A_3448 : vector<16xf32>
      %add3A_3452 = arith.addf %add3A_3430, %mul3A_3451 : vector<16xf32>
      %get3A_3453 = arith.constant 12 : i32
      %get3A_3454 = arith.index_cast %get3A_3453 : i32 to index
      %get3A_3455 = arith.index_cast %squeeze3A_3400 : i32 to index
      %get3A_3456 = arith.constant 32 : index
      %get3A_3457 = tpu.vector_load %arg12[%get3A_3454, %get3A_3455, %get3A_3456] {strides = array<i32>} : memref<16x8x64xf32, #tpu.memory_space<vmem>>, vector<1x1x16xf32>,
      %get3A_3458 = vector.shape_cast %get3A_3457 : vector<1x1x16xf32> to vector<16xf32>
      %get3A_3459 = arith.constant 12 : i32
      %get3A_3460 = arith.index_cast %get3A_3459 : i32 to index
      %get3A_3461 = arith.index_cast %squeeze3A_3402 : i32 to index
      %get3A_3462 = arith.constant 32 : index
      %get3A_3463 = tpu.vector_load %arg13[%get3A_3460, %get3A_3461, %get3A_3462] {strides = array<i32>} : memref<16x8x64xf32, #tpu.memory_space<vmem>>, vector<1x1x16xf32>,
      %get3A_3464 = vector.shape_cast %get3A_3463 : vector<1x1x16xf32> to vector<16xf32>
      %get3A_3465 = arith.constant 12 : i32
      %get3A_3466 = arith.index_cast %get3A_3465 : i32 to index
      %get3A_3467 = arith.index_cast %squeeze3A_3404 : i32 to index
      %get3A_3468 = arith.constant 32 : index
      %get3A_3469 = tpu.vector_load %arg14[%get3A_3466, %get3A_3467, %get3A_3468] {strides = array<i32>} : memref<16x8x64xf32, #tpu.memory_space<vmem>>, vector<1x1x16xf32>,
      %get3A_3470 = vector.shape_cast %get3A_3469 : vector<1x1x16xf32> to vector<16xf32>
      %mul3A_3471 = arith.mulf %get3A_3458, %get3A_3464 : vector<16xf32>
      %add3A_3472 = arith.addf %add3A_3450, %mul3A_3471 : vector<16xf32>
      %mul3A_3473 = arith.mulf %get3A_3458, %get3A_3470 : vector<16xf32>
      %add3A_3474 = arith.addf %add3A_3452, %mul3A_3473 : vector<16xf32>
      %get3A_3475 = arith.constant 12 : i32
      %get3A_3476 = arith.index_cast %get3A_3475 : i32 to index
      %get3A_3477 = arith.index_cast %squeeze3A_3400 : i32 to index
      %get3A_3478 = arith.constant 48 : index
      %get3A_3479 = tpu.vector_load %arg12[%get3A_3476, %get3A_3477, %get3A_3478] {strides = array<i32>} : memref<16x8x64xf32, #tpu.memory_space<vmem>>, vector<1x1x16xf32>,
      %get3A_3480 = vector.shape_cast %get3A_3479 : vector<1x1x16xf32> to vector<16xf32>
      %get3A_3481 = arith.constant 12 : i32
      %get3A_3482 = arith.index_cast %get3A_3481 : i32 to index
      %get3A_3483 = arith.index_cast %squeeze3A_3402 : i32 to index
      %get3A_3484 = arith.constant 48 : index
      %get3A_3485 = tpu.vector_load %arg13[%get3A_3482, %get3A_3483, %get3A_3484] {strides = array<i32>} : memref<16x8x64xf32, #tpu.memory_space<vmem>>, vector<1x1x16xf32>,
      %get3A_3486 = vector.shape_cast %get3A_3485 : vector<1x1x16xf32> to vector<16xf32>
      %get3A_3487 = arith.constant 12 : i32
      %get3A_3488 = arith.index_cast %get3A_3487 : i32 to index
      %get3A_3489 = arith.index_cast %squeeze3A_3404 : i32 to index
      %get3A_3490 = arith.constant 48 : index
      %get3A_3491 = tpu.vector_load %arg14[%get3A_3488, %get3A_3489, %get3A_3490] {strides = array<i32>} : memref<16x8x64xf32, #tpu.memory_space<vmem>>, vector<1x1x16xf32>,
      %get3A_3492 = vector.shape_cast %get3A_3491 : vector<1x1x16xf32> to vector<16xf32>
      %mul3A_3493 = arith.mulf %get3A_3480, %get3A_3486 : vector<16xf32>
      %add3A_3494 = arith.addf %add3A_3472, %mul3A_3493 : vector<16xf32>
      %mul3A_3495 = arith.mulf %get3A_3480, %get3A_3492 : vector<16xf32>
      %add3A_3496 = arith.addf %add3A_3474, %mul3A_3495 : vector<16xf32>
      %eq3A_3497 = arith.constant 12 : i32
      %eq3A_3498 = vector.broadcast %eq3A_3497 : i32 to vector<16xi32>
      %eq3A_3499 = arith.cmpi eq, %iota3A, %eq3A_3498 : vector<16xi32>
      %broadcast_in_dim3A_3500 = vector.shape_cast %xor3A_4 : vector<16xi32> to vector<16x1xi32>
      %gather3A_3501 = vector.shape_cast %broadcast_in_dim3A_3500 : vector<16x1xi32> to vector<16xi32>
      %gather3A_3502 = tpu.dynamic_gather %add3A_3494[%gather3A_3501] in [0] : vector<16xf32>, vector<16xi32> -> vector<16xf32>
      %add3A_3503 = arith.addf %add3A_3494, %gather3A_3502 : vector<16xf32>
      %broadcast_in_dim3A_3504 = vector.shape_cast %xor3A_7 : vector<16xi32> to vector<16x1xi32>
      %gather3A_3505 = vector.shape_cast %broadcast_in_dim3A_3504 : vector<16x1xi32> to vector<16xi32>
      %gather3A_3506 = tpu.dynamic_gather %add3A_3503[%gather3A_3505] in [0] : vector<16xf32>, vector<16xi32> -> vector<16xf32>
      %add3A_3507 = arith.addf %add3A_3503, %gather3A_3506 : vector<16xf32>
      %broadcast_in_dim3A_3508 = vector.shape_cast %xor3A_10 : vector<16xi32> to vector<16x1xi32>
      %gather3A_3509 = vector.shape_cast %broadcast_in_dim3A_3508 : vector<16x1xi32> to vector<16xi32>
      %gather3A_3510 = tpu.dynamic_gather %add3A_3507[%gather3A_3509] in [0] : vector<16xf32>, vector<16xi32> -> vector<16xf32>
      %add3A_3511 = arith.addf %add3A_3507, %gather3A_3510 : vector<16xf32>
      %broadcast_in_dim3A_3512 = vector.shape_cast %xor3A_13 : vector<16xi32> to vector<16x1xi32>
      %gather3A_3513 = vector.shape_cast %broadcast_in_dim3A_3512 : vector<16x1xi32> to vector<16xi32>
      %gather3A_3514 = tpu.dynamic_gather %add3A_3511[%gather3A_3513] in [0] : vector<16xf32>, vector<16xi32> -> vector<16xf32>
      %add3A_3515 = arith.addf %add3A_3511, %gather3A_3514 : vector<16xf32>
      %select_n3A_3516 = arith.select %eq3A_3499, %add3A_3515, %select_n3A_3381 : vector<16xi1>, vector<16xf32>
      %broadcast_in_dim3A_3517 = vector.shape_cast %xor3A_4 : vector<16xi32> to vector<16x1xi32>
      %gather3A_3518 = vector.shape_cast %broadcast_in_dim3A_3517 : vector<16x1xi32> to vector<16xi32>
      %gather3A_3519 = tpu.dynamic_gather %add3A_3496[%gather3A_3518] in [0] : vector<16xf32>, vector<16xi32> -> vector<16xf32>
      %add3A_3520 = arith.addf %add3A_3496, %gather3A_3519 : vector<16xf32>
      %broadcast_in_dim3A_3521 = vector.shape_cast %xor3A_7 : vector<16xi32> to vector<16x1xi32>
      %gather3A_3522 = vector.shape_cast %broadcast_in_dim3A_3521 : vector<16x1xi32> to vector<16xi32>
      %gather3A_3523 = tpu.dynamic_gather %add3A_3520[%gather3A_3522] in [0] : vector<16xf32>, vector<16xi32> -> vector<16xf32>
      %add3A_3524 = arith.addf %add3A_3520, %gather3A_3523 : vector<16xf32>
      %broadcast_in_dim3A_3525 = vector.shape_cast %xor3A_10 : vector<16xi32> to vector<16x1xi32>
      %gather3A_3526 = vector.shape_cast %broadcast_in_dim3A_3525 : vector<16x1xi32> to vector<16xi32>
      %gather3A_3527 = tpu.dynamic_gather %add3A_3524[%gather3A_3526] in [0] : vector<16xf32>, vector<16xi32> -> vector<16xf32>
      %add3A_3528 = arith.addf %add3A_3524, %gather3A_3527 : vector<16xf32>
      %broadcast_in_dim3A_3529 = vector.shape_cast %xor3A_13 : vector<16xi32> to vector<16x1xi32>
      %gather3A_3530 = vector.shape_cast %broadcast_in_dim3A_3529 : vector<16x1xi32> to vector<16xi32>
      %gather3A_3531 = tpu.dynamic_gather %add3A_3528[%gather3A_3530] in [0] : vector<16xf32>, vector<16xi32> -> vector<16xf32>
      %add3A_3532 = arith.addf %add3A_3528, %gather3A_3531 : vector<16xf32>
      %select_n3A_3533 = arith.select %eq3A_3499, %add3A_3532, %select_n3A_3398 : vector<16xi1>, vector<16xf32>
      %slice3A_3534 = vector.extract_strided_slice %and3A_1766 {offsets = [13], sizes = [1], strides = [1]} : vector<16xi32> to vector<1xi32>
      %squeeze3A_3535 = vector.extract %slice3A_3534[0] : i32 from vector<1xi32>
      %slice3A_3536 = vector.extract_strided_slice %and3A_1772 {offsets = [13], sizes = [1], strides = [1]} : vector<16xi32> to vector<1xi32>
      %squeeze3A_3537 = vector.extract %slice3A_3536[0] : i32 from vector<1xi32>
      %slice3A_3538 = vector.extract_strided_slice %and3A_1778 {offsets = [13], sizes = [1], strides = [1]} : vector<16xi32> to vector<1xi32>
      %squeeze3A_3539 = vector.extract %slice3A_3538[0] : i32 from vector<1xi32>
      %broadcast_in_dim3A_3540 = arith.constant 0.000000e+00 : f32
      %broadcast_in_dim3A_3541 = vector.broadcast %broadcast_in_dim3A_3540 : f32 to vector<16xf32>
      %broadcast_in_dim3A_3542 = arith.constant 0.000000e+00 : f32
      %broadcast_in_dim3A_3543 = vector.broadcast %broadcast_in_dim3A_3542 : f32 to vector<16xf32>
      %get3A_3544 = arith.constant 13 : i32
      %get3A_3545 = arith.index_cast %get3A_3544 : i32 to index
      %get3A_3546 = arith.index_cast %squeeze3A_3535 : i32 to index
      %get3A_3547 = arith.constant 0 : index
      %get3A_3548 = tpu.vector_load %arg12[%get3A_3545, %get3A_3546, %get3A_3547] {strides = array<i32>} : memref<16x8x64xf32, #tpu.memory_space<vmem>>, vector<1x1x16xf32>,
      %get3A_3549 = vector.shape_cast %get3A_3548 : vector<1x1x16xf32> to vector<16xf32>
      %get3A_3550 = arith.constant 13 : i32
      %get3A_3551 = arith.index_cast %get3A_3550 : i32 to index
      %get3A_3552 = arith.index_cast %squeeze3A_3537 : i32 to index
      %get3A_3553 = arith.constant 0 : index
      %get3A_3554 = tpu.vector_load %arg13[%get3A_3551, %get3A_3552, %get3A_3553] {strides = array<i32>} : memref<16x8x64xf32, #tpu.memory_space<vmem>>, vector<1x1x16xf32>,
      %get3A_3555 = vector.shape_cast %get3A_3554 : vector<1x1x16xf32> to vector<16xf32>
      %get3A_3556 = arith.constant 13 : i32
      %get3A_3557 = arith.index_cast %get3A_3556 : i32 to index
      %get3A_3558 = arith.index_cast %squeeze3A_3539 : i32 to index
      %get3A_3559 = arith.constant 0 : index
      %get3A_3560 = tpu.vector_load %arg14[%get3A_3557, %get3A_3558, %get3A_3559] {strides = array<i32>} : memref<16x8x64xf32, #tpu.memory_space<vmem>>, vector<1x1x16xf32>,
      %get3A_3561 = vector.shape_cast %get3A_3560 : vector<1x1x16xf32> to vector<16xf32>
      %mul3A_3562 = arith.mulf %get3A_3549, %get3A_3555 : vector<16xf32>
      %add3A_3563 = arith.addf %broadcast_in_dim3A_3541, %mul3A_3562 : vector<16xf32>
      %mul3A_3564 = arith.mulf %get3A_3549, %get3A_3561 : vector<16xf32>
      %add3A_3565 = arith.addf %broadcast_in_dim3A_3543, %mul3A_3564 : vector<16xf32>
      %get3A_3566 = arith.constant 13 : i32
      %get3A_3567 = arith.index_cast %get3A_3566 : i32 to index
      %get3A_3568 = arith.index_cast %squeeze3A_3535 : i32 to index
      %get3A_3569 = arith.constant 16 : index
      %get3A_3570 = tpu.vector_load %arg12[%get3A_3567, %get3A_3568, %get3A_3569] {strides = array<i32>} : memref<16x8x64xf32, #tpu.memory_space<vmem>>, vector<1x1x16xf32>,
      %get3A_3571 = vector.shape_cast %get3A_3570 : vector<1x1x16xf32> to vector<16xf32>
      %get3A_3572 = arith.constant 13 : i32
      %get3A_3573 = arith.index_cast %get3A_3572 : i32 to index
      %get3A_3574 = arith.index_cast %squeeze3A_3537 : i32 to index
      %get3A_3575 = arith.constant 16 : index
      %get3A_3576 = tpu.vector_load %arg13[%get3A_3573, %get3A_3574, %get3A_3575] {strides = array<i32>} : memref<16x8x64xf32, #tpu.memory_space<vmem>>, vector<1x1x16xf32>,
      %get3A_3577 = vector.shape_cast %get3A_3576 : vector<1x1x16xf32> to vector<16xf32>
      %get3A_3578 = arith.constant 13 : i32
      %get3A_3579 = arith.index_cast %get3A_3578 : i32 to index
      %get3A_3580 = arith.index_cast %squeeze3A_3539 : i32 to index
      %get3A_3581 = arith.constant 16 : index
      %get3A_3582 = tpu.vector_load %arg14[%get3A_3579, %get3A_3580, %get3A_3581] {strides = array<i32>} : memref<16x8x64xf32, #tpu.memory_space<vmem>>, vector<1x1x16xf32>,
      %get3A_3583 = vector.shape_cast %get3A_3582 : vector<1x1x16xf32> to vector<16xf32>
      %mul3A_3584 = arith.mulf %get3A_3571, %get3A_3577 : vector<16xf32>
      %add3A_3585 = arith.addf %add3A_3563, %mul3A_3584 : vector<16xf32>
      %mul3A_3586 = arith.mulf %get3A_3571, %get3A_3583 : vector<16xf32>
      %add3A_3587 = arith.addf %add3A_3565, %mul3A_3586 : vector<16xf32>
      %get3A_3588 = arith.constant 13 : i32
      %get3A_3589 = arith.index_cast %get3A_3588 : i32 to index
      %get3A_3590 = arith.index_cast %squeeze3A_3535 : i32 to index
      %get3A_3591 = arith.constant 32 : index
      %get3A_3592 = tpu.vector_load %arg12[%get3A_3589, %get3A_3590, %get3A_3591] {strides = array<i32>} : memref<16x8x64xf32, #tpu.memory_space<vmem>>, vector<1x1x16xf32>,
      %get3A_3593 = vector.shape_cast %get3A_3592 : vector<1x1x16xf32> to vector<16xf32>
      %get3A_3594 = arith.constant 13 : i32
      %get3A_3595 = arith.index_cast %get3A_3594 : i32 to index
      %get3A_3596 = arith.index_cast %squeeze3A_3537 : i32 to index
      %get3A_3597 = arith.constant 32 : index
      %get3A_3598 = tpu.vector_load %arg13[%get3A_3595, %get3A_3596, %get3A_3597] {strides = array<i32>} : memref<16x8x64xf32, #tpu.memory_space<vmem>>, vector<1x1x16xf32>,
      %get3A_3599 = vector.shape_cast %get3A_3598 : vector<1x1x16xf32> to vector<16xf32>
      %get3A_3600 = arith.constant 13 : i32
      %get3A_3601 = arith.index_cast %get3A_3600 : i32 to index
      %get3A_3602 = arith.index_cast %squeeze3A_3539 : i32 to index
      %get3A_3603 = arith.constant 32 : index
      %get3A_3604 = tpu.vector_load %arg14[%get3A_3601, %get3A_3602, %get3A_3603] {strides = array<i32>} : memref<16x8x64xf32, #tpu.memory_space<vmem>>, vector<1x1x16xf32>,
      %get3A_3605 = vector.shape_cast %get3A_3604 : vector<1x1x16xf32> to vector<16xf32>
      %mul3A_3606 = arith.mulf %get3A_3593, %get3A_3599 : vector<16xf32>
      %add3A_3607 = arith.addf %add3A_3585, %mul3A_3606 : vector<16xf32>
      %mul3A_3608 = arith.mulf %get3A_3593, %get3A_3605 : vector<16xf32>
      %add3A_3609 = arith.addf %add3A_3587, %mul3A_3608 : vector<16xf32>
      %get3A_3610 = arith.constant 13 : i32
      %get3A_3611 = arith.index_cast %get3A_3610 : i32 to index
      %get3A_3612 = arith.index_cast %squeeze3A_3535 : i32 to index
      %get3A_3613 = arith.constant 48 : index
      %get3A_3614 = tpu.vector_load %arg12[%get3A_3611, %get3A_3612, %get3A_3613] {strides = array<i32>} : memref<16x8x64xf32, #tpu.memory_space<vmem>>, vector<1x1x16xf32>,
      %get3A_3615 = vector.shape_cast %get3A_3614 : vector<1x1x16xf32> to vector<16xf32>
      %get3A_3616 = arith.constant 13 : i32
      %get3A_3617 = arith.index_cast %get3A_3616 : i32 to index
      %get3A_3618 = arith.index_cast %squeeze3A_3537 : i32 to index
      %get3A_3619 = arith.constant 48 : index
      %get3A_3620 = tpu.vector_load %arg13[%get3A_3617, %get3A_3618, %get3A_3619] {strides = array<i32>} : memref<16x8x64xf32, #tpu.memory_space<vmem>>, vector<1x1x16xf32>,
      %get3A_3621 = vector.shape_cast %get3A_3620 : vector<1x1x16xf32> to vector<16xf32>
      %get3A_3622 = arith.constant 13 : i32
      %get3A_3623 = arith.index_cast %get3A_3622 : i32 to index
      %get3A_3624 = arith.index_cast %squeeze3A_3539 : i32 to index
      %get3A_3625 = arith.constant 48 : index
      %get3A_3626 = tpu.vector_load %arg14[%get3A_3623, %get3A_3624, %get3A_3625] {strides = array<i32>} : memref<16x8x64xf32, #tpu.memory_space<vmem>>, vector<1x1x16xf32>,
      %get3A_3627 = vector.shape_cast %get3A_3626 : vector<1x1x16xf32> to vector<16xf32>
      %mul3A_3628 = arith.mulf %get3A_3615, %get3A_3621 : vector<16xf32>
      %add3A_3629 = arith.addf %add3A_3607, %mul3A_3628 : vector<16xf32>
      %mul3A_3630 = arith.mulf %get3A_3615, %get3A_3627 : vector<16xf32>
      %add3A_3631 = arith.addf %add3A_3609, %mul3A_3630 : vector<16xf32>
      %eq3A_3632 = arith.constant 13 : i32
      %eq3A_3633 = vector.broadcast %eq3A_3632 : i32 to vector<16xi32>
      %eq3A_3634 = arith.cmpi eq, %iota3A, %eq3A_3633 : vector<16xi32>
      %broadcast_in_dim3A_3635 = vector.shape_cast %xor3A_4 : vector<16xi32> to vector<16x1xi32>
      %gather3A_3636 = vector.shape_cast %broadcast_in_dim3A_3635 : vector<16x1xi32> to vector<16xi32>
      %gather3A_3637 = tpu.dynamic_gather %add3A_3629[%gather3A_3636] in [0] : vector<16xf32>, vector<16xi32> -> vector<16xf32>
      %add3A_3638 = arith.addf %add3A_3629, %gather3A_3637 : vector<16xf32>
      %broadcast_in_dim3A_3639 = vector.shape_cast %xor3A_7 : vector<16xi32> to vector<16x1xi32>
      %gather3A_3640 = vector.shape_cast %broadcast_in_dim3A_3639 : vector<16x1xi32> to vector<16xi32>
      %gather3A_3641 = tpu.dynamic_gather %add3A_3638[%gather3A_3640] in [0] : vector<16xf32>, vector<16xi32> -> vector<16xf32>
      %add3A_3642 = arith.addf %add3A_3638, %gather3A_3641 : vector<16xf32>
      %broadcast_in_dim3A_3643 = vector.shape_cast %xor3A_10 : vector<16xi32> to vector<16x1xi32>
      %gather3A_3644 = vector.shape_cast %broadcast_in_dim3A_3643 : vector<16x1xi32> to vector<16xi32>
      %gather3A_3645 = tpu.dynamic_gather %add3A_3642[%gather3A_3644] in [0] : vector<16xf32>, vector<16xi32> -> vector<16xf32>
      %add3A_3646 = arith.addf %add3A_3642, %gather3A_3645 : vector<16xf32>
      %broadcast_in_dim3A_3647 = vector.shape_cast %xor3A_13 : vector<16xi32> to vector<16x1xi32>
      %gather3A_3648 = vector.shape_cast %broadcast_in_dim3A_3647 : vector<16x1xi32> to vector<16xi32>
      %gather3A_3649 = tpu.dynamic_gather %add3A_3646[%gather3A_3648] in [0] : vector<16xf32>, vector<16xi32> -> vector<16xf32>
      %add3A_3650 = arith.addf %add3A_3646, %gather3A_3649 : vector<16xf32>
      %select_n3A_3651 = arith.select %eq3A_3634, %add3A_3650, %select_n3A_3516 : vector<16xi1>, vector<16xf32>
      %broadcast_in_dim3A_3652 = vector.shape_cast %xor3A_4 : vector<16xi32> to vector<16x1xi32>
      %gather3A_3653 = vector.shape_cast %broadcast_in_dim3A_3652 : vector<16x1xi32> to vector<16xi32>
      %gather3A_3654 = tpu.dynamic_gather %add3A_3631[%gather3A_3653] in [0] : vector<16xf32>, vector<16xi32> -> vector<16xf32>
      %add3A_3655 = arith.addf %add3A_3631, %gather3A_3654 : vector<16xf32>
      %broadcast_in_dim3A_3656 = vector.shape_cast %xor3A_7 : vector<16xi32> to vector<16x1xi32>
      %gather3A_3657 = vector.shape_cast %broadcast_in_dim3A_3656 : vector<16x1xi32> to vector<16xi32>
      %gather3A_3658 = tpu.dynamic_gather %add3A_3655[%gather3A_3657] in [0] : vector<16xf32>, vector<16xi32> -> vector<16xf32>
      %add3A_3659 = arith.addf %add3A_3655, %gather3A_3658 : vector<16xf32>
      %broadcast_in_dim3A_3660 = vector.shape_cast %xor3A_10 : vector<16xi32> to vector<16x1xi32>
      %gather3A_3661 = vector.shape_cast %broadcast_in_dim3A_3660 : vector<16x1xi32> to vector<16xi32>
      %gather3A_3662 = tpu.dynamic_gather %add3A_3659[%gather3A_3661] in [0] : vector<16xf32>, vector<16xi32> -> vector<16xf32>
      %add3A_3663 = arith.addf %add3A_3659, %gather3A_3662 : vector<16xf32>
      %broadcast_in_dim3A_3664 = vector.shape_cast %xor3A_13 : vector<16xi32> to vector<16x1xi32>
      %gather3A_3665 = vector.shape_cast %broadcast_in_dim3A_3664 : vector<16x1xi32> to vector<16xi32>
      %gather3A_3666 = tpu.dynamic_gather %add3A_3663[%gather3A_3665] in [0] : vector<16xf32>, vector<16xi32> -> vector<16xf32>
      %add3A_3667 = arith.addf %add3A_3663, %gather3A_3666 : vector<16xf32>
      %select_n3A_3668 = arith.select %eq3A_3634, %add3A_3667, %select_n3A_3533 : vector<16xi1>, vector<16xf32>
      %slice3A_3669 = vector.extract_strided_slice %and3A_1766 {offsets = [14], sizes = [1], strides = [1]} : vector<16xi32> to vector<1xi32>
      %squeeze3A_3670 = vector.extract %slice3A_3669[0] : i32 from vector<1xi32>
      %slice3A_3671 = vector.extract_strided_slice %and3A_1772 {offsets = [14], sizes = [1], strides = [1]} : vector<16xi32> to vector<1xi32>
      %squeeze3A_3672 = vector.extract %slice3A_3671[0] : i32 from vector<1xi32>
      %slice3A_3673 = vector.extract_strided_slice %and3A_1778 {offsets = [14], sizes = [1], strides = [1]} : vector<16xi32> to vector<1xi32>
      %squeeze3A_3674 = vector.extract %slice3A_3673[0] : i32 from vector<1xi32>
      %broadcast_in_dim3A_3675 = arith.constant 0.000000e+00 : f32
      %broadcast_in_dim3A_3676 = vector.broadcast %broadcast_in_dim3A_3675 : f32 to vector<16xf32>
      %broadcast_in_dim3A_3677 = arith.constant 0.000000e+00 : f32
      %broadcast_in_dim3A_3678 = vector.broadcast %broadcast_in_dim3A_3677 : f32 to vector<16xf32>
      %get3A_3679 = arith.constant 14 : i32
      %get3A_3680 = arith.index_cast %get3A_3679 : i32 to index
      %get3A_3681 = arith.index_cast %squeeze3A_3670 : i32 to index
      %get3A_3682 = arith.constant 0 : index
      %get3A_3683 = tpu.vector_load %arg12[%get3A_3680, %get3A_3681, %get3A_3682] {strides = array<i32>} : memref<16x8x64xf32, #tpu.memory_space<vmem>>, vector<1x1x16xf32>,
      %get3A_3684 = vector.shape_cast %get3A_3683 : vector<1x1x16xf32> to vector<16xf32>
      %get3A_3685 = arith.constant 14 : i32
      %get3A_3686 = arith.index_cast %get3A_3685 : i32 to index
      %get3A_3687 = arith.index_cast %squeeze3A_3672 : i32 to index
      %get3A_3688 = arith.constant 0 : index
      %get3A_3689 = tpu.vector_load %arg13[%get3A_3686, %get3A_3687, %get3A_3688] {strides = array<i32>} : memref<16x8x64xf32, #tpu.memory_space<vmem>>, vector<1x1x16xf32>,
      %get3A_3690 = vector.shape_cast %get3A_3689 : vector<1x1x16xf32> to vector<16xf32>
      %get3A_3691 = arith.constant 14 : i32
      %get3A_3692 = arith.index_cast %get3A_3691 : i32 to index
      %get3A_3693 = arith.index_cast %squeeze3A_3674 : i32 to index
      %get3A_3694 = arith.constant 0 : index
      %get3A_3695 = tpu.vector_load %arg14[%get3A_3692, %get3A_3693, %get3A_3694] {strides = array<i32>} : memref<16x8x64xf32, #tpu.memory_space<vmem>>, vector<1x1x16xf32>,
      %get3A_3696 = vector.shape_cast %get3A_3695 : vector<1x1x16xf32> to vector<16xf32>
      %mul3A_3697 = arith.mulf %get3A_3684, %get3A_3690 : vector<16xf32>
      %add3A_3698 = arith.addf %broadcast_in_dim3A_3676, %mul3A_3697 : vector<16xf32>
      %mul3A_3699 = arith.mulf %get3A_3684, %get3A_3696 : vector<16xf32>
      %add3A_3700 = arith.addf %broadcast_in_dim3A_3678, %mul3A_3699 : vector<16xf32>
      %get3A_3701 = arith.constant 14 : i32
      %get3A_3702 = arith.index_cast %get3A_3701 : i32 to index
      %get3A_3703 = arith.index_cast %squeeze3A_3670 : i32 to index
      %get3A_3704 = arith.constant 16 : index
      %get3A_3705 = tpu.vector_load %arg12[%get3A_3702, %get3A_3703, %get3A_3704] {strides = array<i32>} : memref<16x8x64xf32, #tpu.memory_space<vmem>>, vector<1x1x16xf32>,
      %get3A_3706 = vector.shape_cast %get3A_3705 : vector<1x1x16xf32> to vector<16xf32>
      %get3A_3707 = arith.constant 14 : i32
      %get3A_3708 = arith.index_cast %get3A_3707 : i32 to index
      %get3A_3709 = arith.index_cast %squeeze3A_3672 : i32 to index
      %get3A_3710 = arith.constant 16 : index
      %get3A_3711 = tpu.vector_load %arg13[%get3A_3708, %get3A_3709, %get3A_3710] {strides = array<i32>} : memref<16x8x64xf32, #tpu.memory_space<vmem>>, vector<1x1x16xf32>,
      %get3A_3712 = vector.shape_cast %get3A_3711 : vector<1x1x16xf32> to vector<16xf32>
      %get3A_3713 = arith.constant 14 : i32
      %get3A_3714 = arith.index_cast %get3A_3713 : i32 to index
      %get3A_3715 = arith.index_cast %squeeze3A_3674 : i32 to index
      %get3A_3716 = arith.constant 16 : index
      %get3A_3717 = tpu.vector_load %arg14[%get3A_3714, %get3A_3715, %get3A_3716] {strides = array<i32>} : memref<16x8x64xf32, #tpu.memory_space<vmem>>, vector<1x1x16xf32>,
      %get3A_3718 = vector.shape_cast %get3A_3717 : vector<1x1x16xf32> to vector<16xf32>
      %mul3A_3719 = arith.mulf %get3A_3706, %get3A_3712 : vector<16xf32>
      %add3A_3720 = arith.addf %add3A_3698, %mul3A_3719 : vector<16xf32>
      %mul3A_3721 = arith.mulf %get3A_3706, %get3A_3718 : vector<16xf32>
      %add3A_3722 = arith.addf %add3A_3700, %mul3A_3721 : vector<16xf32>
      %get3A_3723 = arith.constant 14 : i32
      %get3A_3724 = arith.index_cast %get3A_3723 : i32 to index
      %get3A_3725 = arith.index_cast %squeeze3A_3670 : i32 to index
      %get3A_3726 = arith.constant 32 : index
      %get3A_3727 = tpu.vector_load %arg12[%get3A_3724, %get3A_3725, %get3A_3726] {strides = array<i32>} : memref<16x8x64xf32, #tpu.memory_space<vmem>>, vector<1x1x16xf32>,
      %get3A_3728 = vector.shape_cast %get3A_3727 : vector<1x1x16xf32> to vector<16xf32>
      %get3A_3729 = arith.constant 14 : i32
      %get3A_3730 = arith.index_cast %get3A_3729 : i32 to index
      %get3A_3731 = arith.index_cast %squeeze3A_3672 : i32 to index
      %get3A_3732 = arith.constant 32 : index
      %get3A_3733 = tpu.vector_load %arg13[%get3A_3730, %get3A_3731, %get3A_3732] {strides = array<i32>} : memref<16x8x64xf32, #tpu.memory_space<vmem>>, vector<1x1x16xf32>,
      %get3A_3734 = vector.shape_cast %get3A_3733 : vector<1x1x16xf32> to vector<16xf32>
      %get3A_3735 = arith.constant 14 : i32
      %get3A_3736 = arith.index_cast %get3A_3735 : i32 to index
      %get3A_3737 = arith.index_cast %squeeze3A_3674 : i32 to index
      %get3A_3738 = arith.constant 32 : index
      %get3A_3739 = tpu.vector_load %arg14[%get3A_3736, %get3A_3737, %get3A_3738] {strides = array<i32>} : memref<16x8x64xf32, #tpu.memory_space<vmem>>, vector<1x1x16xf32>,
      %get3A_3740 = vector.shape_cast %get3A_3739 : vector<1x1x16xf32> to vector<16xf32>
      %mul3A_3741 = arith.mulf %get3A_3728, %get3A_3734 : vector<16xf32>
      %add3A_3742 = arith.addf %add3A_3720, %mul3A_3741 : vector<16xf32>
      %mul3A_3743 = arith.mulf %get3A_3728, %get3A_3740 : vector<16xf32>
      %add3A_3744 = arith.addf %add3A_3722, %mul3A_3743 : vector<16xf32>
      %get3A_3745 = arith.constant 14 : i32
      %get3A_3746 = arith.index_cast %get3A_3745 : i32 to index
      %get3A_3747 = arith.index_cast %squeeze3A_3670 : i32 to index
      %get3A_3748 = arith.constant 48 : index
      %get3A_3749 = tpu.vector_load %arg12[%get3A_3746, %get3A_3747, %get3A_3748] {strides = array<i32>} : memref<16x8x64xf32, #tpu.memory_space<vmem>>, vector<1x1x16xf32>,
      %get3A_3750 = vector.shape_cast %get3A_3749 : vector<1x1x16xf32> to vector<16xf32>
      %get3A_3751 = arith.constant 14 : i32
      %get3A_3752 = arith.index_cast %get3A_3751 : i32 to index
      %get3A_3753 = arith.index_cast %squeeze3A_3672 : i32 to index
      %get3A_3754 = arith.constant 48 : index
      %get3A_3755 = tpu.vector_load %arg13[%get3A_3752, %get3A_3753, %get3A_3754] {strides = array<i32>} : memref<16x8x64xf32, #tpu.memory_space<vmem>>, vector<1x1x16xf32>,
      %get3A_3756 = vector.shape_cast %get3A_3755 : vector<1x1x16xf32> to vector<16xf32>
      %get3A_3757 = arith.constant 14 : i32
      %get3A_3758 = arith.index_cast %get3A_3757 : i32 to index
      %get3A_3759 = arith.index_cast %squeeze3A_3674 : i32 to index
      %get3A_3760 = arith.constant 48 : index
      %get3A_3761 = tpu.vector_load %arg14[%get3A_3758, %get3A_3759, %get3A_3760] {strides = array<i32>} : memref<16x8x64xf32, #tpu.memory_space<vmem>>, vector<1x1x16xf32>,
      %get3A_3762 = vector.shape_cast %get3A_3761 : vector<1x1x16xf32> to vector<16xf32>
      %mul3A_3763 = arith.mulf %get3A_3750, %get3A_3756 : vector<16xf32>
      %add3A_3764 = arith.addf %add3A_3742, %mul3A_3763 : vector<16xf32>
      %mul3A_3765 = arith.mulf %get3A_3750, %get3A_3762 : vector<16xf32>
      %add3A_3766 = arith.addf %add3A_3744, %mul3A_3765 : vector<16xf32>
      %eq3A_3767 = arith.constant 14 : i32
      %eq3A_3768 = vector.broadcast %eq3A_3767 : i32 to vector<16xi32>
      %eq3A_3769 = arith.cmpi eq, %iota3A, %eq3A_3768 : vector<16xi32>
      %broadcast_in_dim3A_3770 = vector.shape_cast %xor3A_4 : vector<16xi32> to vector<16x1xi32>
      %gather3A_3771 = vector.shape_cast %broadcast_in_dim3A_3770 : vector<16x1xi32> to vector<16xi32>
      %gather3A_3772 = tpu.dynamic_gather %add3A_3764[%gather3A_3771] in [0] : vector<16xf32>, vector<16xi32> -> vector<16xf32>
      %add3A_3773 = arith.addf %add3A_3764, %gather3A_3772 : vector<16xf32>
      %broadcast_in_dim3A_3774 = vector.shape_cast %xor3A_7 : vector<16xi32> to vector<16x1xi32>
      %gather3A_3775 = vector.shape_cast %broadcast_in_dim3A_3774 : vector<16x1xi32> to vector<16xi32>
      %gather3A_3776 = tpu.dynamic_gather %add3A_3773[%gather3A_3775] in [0] : vector<16xf32>, vector<16xi32> -> vector<16xf32>
      %add3A_3777 = arith.addf %add3A_3773, %gather3A_3776 : vector<16xf32>
      %broadcast_in_dim3A_3778 = vector.shape_cast %xor3A_10 : vector<16xi32> to vector<16x1xi32>
      %gather3A_3779 = vector.shape_cast %broadcast_in_dim3A_3778 : vector<16x1xi32> to vector<16xi32>
      %gather3A_3780 = tpu.dynamic_gather %add3A_3777[%gather3A_3779] in [0] : vector<16xf32>, vector<16xi32> -> vector<16xf32>
      %add3A_3781 = arith.addf %add3A_3777, %gather3A_3780 : vector<16xf32>
      %broadcast_in_dim3A_3782 = vector.shape_cast %xor3A_13 : vector<16xi32> to vector<16x1xi32>
      %gather3A_3783 = vector.shape_cast %broadcast_in_dim3A_3782 : vector<16x1xi32> to vector<16xi32>
      %gather3A_3784 = tpu.dynamic_gather %add3A_3781[%gather3A_3783] in [0] : vector<16xf32>, vector<16xi32> -> vector<16xf32>
      %add3A_3785 = arith.addf %add3A_3781, %gather3A_3784 : vector<16xf32>
      %select_n3A_3786 = arith.select %eq3A_3769, %add3A_3785, %select_n3A_3651 : vector<16xi1>, vector<16xf32>
      %broadcast_in_dim3A_3787 = vector.shape_cast %xor3A_4 : vector<16xi32> to vector<16x1xi32>
      %gather3A_3788 = vector.shape_cast %broadcast_in_dim3A_3787 : vector<16x1xi32> to vector<16xi32>
      %gather3A_3789 = tpu.dynamic_gather %add3A_3766[%gather3A_3788] in [0] : vector<16xf32>, vector<16xi32> -> vector<16xf32>
      %add3A_3790 = arith.addf %add3A_3766, %gather3A_3789 : vector<16xf32>
      %broadcast_in_dim3A_3791 = vector.shape_cast %xor3A_7 : vector<16xi32> to vector<16x1xi32>
      %gather3A_3792 = vector.shape_cast %broadcast_in_dim3A_3791 : vector<16x1xi32> to vector<16xi32>
      %gather3A_3793 = tpu.dynamic_gather %add3A_3790[%gather3A_3792] in [0] : vector<16xf32>, vector<16xi32> -> vector<16xf32>
      %add3A_3794 = arith.addf %add3A_3790, %gather3A_3793 : vector<16xf32>
      %broadcast_in_dim3A_3795 = vector.shape_cast %xor3A_10 : vector<16xi32> to vector<16x1xi32>
      %gather3A_3796 = vector.shape_cast %broadcast_in_dim3A_3795 : vector<16x1xi32> to vector<16xi32>
      %gather3A_3797 = tpu.dynamic_gather %add3A_3794[%gather3A_3796] in [0] : vector<16xf32>, vector<16xi32> -> vector<16xf32>
      %add3A_3798 = arith.addf %add3A_3794, %gather3A_3797 : vector<16xf32>
      %broadcast_in_dim3A_3799 = vector.shape_cast %xor3A_13 : vector<16xi32> to vector<16x1xi32>
      %gather3A_3800 = vector.shape_cast %broadcast_in_dim3A_3799 : vector<16x1xi32> to vector<16xi32>
      %gather3A_3801 = tpu.dynamic_gather %add3A_3798[%gather3A_3800] in [0] : vector<16xf32>, vector<16xi32> -> vector<16xf32>
      %add3A_3802 = arith.addf %add3A_3798, %gather3A_3801 : vector<16xf32>
      %select_n3A_3803 = arith.select %eq3A_3769, %add3A_3802, %select_n3A_3668 : vector<16xi1>, vector<16xf32>
      %slice3A_3804 = vector.extract_strided_slice %and3A_1766 {offsets = [15], sizes = [1], strides = [1]} : vector<16xi32> to vector<1xi32>
      %squeeze3A_3805 = vector.extract %slice3A_3804[0] : i32 from vector<1xi32>
      %slice3A_3806 = vector.extract_strided_slice %and3A_1772 {offsets = [15], sizes = [1], strides = [1]} : vector<16xi32> to vector<1xi32>
      %squeeze3A_3807 = vector.extract %slice3A_3806[0] : i32 from vector<1xi32>
      %slice3A_3808 = vector.extract_strided_slice %and3A_1778 {offsets = [15], sizes = [1], strides = [1]} : vector<16xi32> to vector<1xi32>
      %squeeze3A_3809 = vector.extract %slice3A_3808[0] : i32 from vector<1xi32>
      %broadcast_in_dim3A_3810 = arith.constant 0.000000e+00 : f32
      %broadcast_in_dim3A_3811 = vector.broadcast %broadcast_in_dim3A_3810 : f32 to vector<16xf32>
      %broadcast_in_dim3A_3812 = arith.constant 0.000000e+00 : f32
      %broadcast_in_dim3A_3813 = vector.broadcast %broadcast_in_dim3A_3812 : f32 to vector<16xf32>
      %get3A_3814 = arith.constant 15 : i32
      %get3A_3815 = arith.index_cast %get3A_3814 : i32 to index
      %get3A_3816 = arith.index_cast %squeeze3A_3805 : i32 to index
      %get3A_3817 = arith.constant 0 : index
      %get3A_3818 = tpu.vector_load %arg12[%get3A_3815, %get3A_3816, %get3A_3817] {strides = array<i32>} : memref<16x8x64xf32, #tpu.memory_space<vmem>>, vector<1x1x16xf32>,
      %get3A_3819 = vector.shape_cast %get3A_3818 : vector<1x1x16xf32> to vector<16xf32>
      %get3A_3820 = arith.constant 15 : i32
      %get3A_3821 = arith.index_cast %get3A_3820 : i32 to index
      %get3A_3822 = arith.index_cast %squeeze3A_3807 : i32 to index
      %get3A_3823 = arith.constant 0 : index
      %get3A_3824 = tpu.vector_load %arg13[%get3A_3821, %get3A_3822, %get3A_3823] {strides = array<i32>} : memref<16x8x64xf32, #tpu.memory_space<vmem>>, vector<1x1x16xf32>,
      %get3A_3825 = vector.shape_cast %get3A_3824 : vector<1x1x16xf32> to vector<16xf32>
      %get3A_3826 = arith.constant 15 : i32
      %get3A_3827 = arith.index_cast %get3A_3826 : i32 to index
      %get3A_3828 = arith.index_cast %squeeze3A_3809 : i32 to index
      %get3A_3829 = arith.constant 0 : index
      %get3A_3830 = tpu.vector_load %arg14[%get3A_3827, %get3A_3828, %get3A_3829] {strides = array<i32>} : memref<16x8x64xf32, #tpu.memory_space<vmem>>, vector<1x1x16xf32>,
      %get3A_3831 = vector.shape_cast %get3A_3830 : vector<1x1x16xf32> to vector<16xf32>
      %mul3A_3832 = arith.mulf %get3A_3819, %get3A_3825 : vector<16xf32>
      %add3A_3833 = arith.addf %broadcast_in_dim3A_3811, %mul3A_3832 : vector<16xf32>
      %mul3A_3834 = arith.mulf %get3A_3819, %get3A_3831 : vector<16xf32>
      %add3A_3835 = arith.addf %broadcast_in_dim3A_3813, %mul3A_3834 : vector<16xf32>
      %get3A_3836 = arith.constant 15 : i32
      %get3A_3837 = arith.index_cast %get3A_3836 : i32 to index
      %get3A_3838 = arith.index_cast %squeeze3A_3805 : i32 to index
      %get3A_3839 = arith.constant 16 : index
      %get3A_3840 = tpu.vector_load %arg12[%get3A_3837, %get3A_3838, %get3A_3839] {strides = array<i32>} : memref<16x8x64xf32, #tpu.memory_space<vmem>>, vector<1x1x16xf32>,
      %get3A_3841 = vector.shape_cast %get3A_3840 : vector<1x1x16xf32> to vector<16xf32>
      %get3A_3842 = arith.constant 15 : i32
      %get3A_3843 = arith.index_cast %get3A_3842 : i32 to index
      %get3A_3844 = arith.index_cast %squeeze3A_3807 : i32 to index
      %get3A_3845 = arith.constant 16 : index
      %get3A_3846 = tpu.vector_load %arg13[%get3A_3843, %get3A_3844, %get3A_3845] {strides = array<i32>} : memref<16x8x64xf32, #tpu.memory_space<vmem>>, vector<1x1x16xf32>,
      %get3A_3847 = vector.shape_cast %get3A_3846 : vector<1x1x16xf32> to vector<16xf32>
      %get3A_3848 = arith.constant 15 : i32
      %get3A_3849 = arith.index_cast %get3A_3848 : i32 to index
      %get3A_3850 = arith.index_cast %squeeze3A_3809 : i32 to index
      %get3A_3851 = arith.constant 16 : index
      %get3A_3852 = tpu.vector_load %arg14[%get3A_3849, %get3A_3850, %get3A_3851] {strides = array<i32>} : memref<16x8x64xf32, #tpu.memory_space<vmem>>, vector<1x1x16xf32>,
      %get3A_3853 = vector.shape_cast %get3A_3852 : vector<1x1x16xf32> to vector<16xf32>
      %mul3A_3854 = arith.mulf %get3A_3841, %get3A_3847 : vector<16xf32>
      %add3A_3855 = arith.addf %add3A_3833, %mul3A_3854 : vector<16xf32>
      %mul3A_3856 = arith.mulf %get3A_3841, %get3A_3853 : vector<16xf32>
      %add3A_3857 = arith.addf %add3A_3835, %mul3A_3856 : vector<16xf32>
      %get3A_3858 = arith.constant 15 : i32
      %get3A_3859 = arith.index_cast %get3A_3858 : i32 to index
      %get3A_3860 = arith.index_cast %squeeze3A_3805 : i32 to index
      %get3A_3861 = arith.constant 32 : index
      %get3A_3862 = tpu.vector_load %arg12[%get3A_3859, %get3A_3860, %get3A_3861] {strides = array<i32>} : memref<16x8x64xf32, #tpu.memory_space<vmem>>, vector<1x1x16xf32>,
      %get3A_3863 = vector.shape_cast %get3A_3862 : vector<1x1x16xf32> to vector<16xf32>
      %get3A_3864 = arith.constant 15 : i32
      %get3A_3865 = arith.index_cast %get3A_3864 : i32 to index
      %get3A_3866 = arith.index_cast %squeeze3A_3807 : i32 to index
      %get3A_3867 = arith.constant 32 : index
      %get3A_3868 = tpu.vector_load %arg13[%get3A_3865, %get3A_3866, %get3A_3867] {strides = array<i32>} : memref<16x8x64xf32, #tpu.memory_space<vmem>>, vector<1x1x16xf32>,
      %get3A_3869 = vector.shape_cast %get3A_3868 : vector<1x1x16xf32> to vector<16xf32>
      %get3A_3870 = arith.constant 15 : i32
      %get3A_3871 = arith.index_cast %get3A_3870 : i32 to index
      %get3A_3872 = arith.index_cast %squeeze3A_3809 : i32 to index
      %get3A_3873 = arith.constant 32 : index
      %get3A_3874 = tpu.vector_load %arg14[%get3A_3871, %get3A_3872, %get3A_3873] {strides = array<i32>} : memref<16x8x64xf32, #tpu.memory_space<vmem>>, vector<1x1x16xf32>,
      %get3A_3875 = vector.shape_cast %get3A_3874 : vector<1x1x16xf32> to vector<16xf32>
      %mul3A_3876 = arith.mulf %get3A_3863, %get3A_3869 : vector<16xf32>
      %add3A_3877 = arith.addf %add3A_3855, %mul3A_3876 : vector<16xf32>
      %mul3A_3878 = arith.mulf %get3A_3863, %get3A_3875 : vector<16xf32>
      %add3A_3879 = arith.addf %add3A_3857, %mul3A_3878 : vector<16xf32>
      %get3A_3880 = arith.constant 15 : i32
      %get3A_3881 = arith.index_cast %get3A_3880 : i32 to index
      %get3A_3882 = arith.index_cast %squeeze3A_3805 : i32 to index
      %get3A_3883 = arith.constant 48 : index
      %get3A_3884 = tpu.vector_load %arg12[%get3A_3881, %get3A_3882, %get3A_3883] {strides = array<i32>} : memref<16x8x64xf32, #tpu.memory_space<vmem>>, vector<1x1x16xf32>,
      %get3A_3885 = vector.shape_cast %get3A_3884 : vector<1x1x16xf32> to vector<16xf32>
      %get3A_3886 = arith.constant 15 : i32
      %get3A_3887 = arith.index_cast %get3A_3886 : i32 to index
      %get3A_3888 = arith.index_cast %squeeze3A_3807 : i32 to index
      %get3A_3889 = arith.constant 48 : index
      %get3A_3890 = tpu.vector_load %arg13[%get3A_3887, %get3A_3888, %get3A_3889] {strides = array<i32>} : memref<16x8x64xf32, #tpu.memory_space<vmem>>, vector<1x1x16xf32>,
      %get3A_3891 = vector.shape_cast %get3A_3890 : vector<1x1x16xf32> to vector<16xf32>
      %get3A_3892 = arith.constant 15 : i32
      %get3A_3893 = arith.index_cast %get3A_3892 : i32 to index
      %get3A_3894 = arith.index_cast %squeeze3A_3809 : i32 to index
      %get3A_3895 = arith.constant 48 : index
      %get3A_3896 = tpu.vector_load %arg14[%get3A_3893, %get3A_3894, %get3A_3895] {strides = array<i32>} : memref<16x8x64xf32, #tpu.memory_space<vmem>>, vector<1x1x16xf32>,
      %get3A_3897 = vector.shape_cast %get3A_3896 : vector<1x1x16xf32> to vector<16xf32>
      %mul3A_3898 = arith.mulf %get3A_3885, %get3A_3891 : vector<16xf32>
      %add3A_3899 = arith.addf %add3A_3877, %mul3A_3898 : vector<16xf32>
      %mul3A_3900 = arith.mulf %get3A_3885, %get3A_3897 : vector<16xf32>
      %add3A_3901 = arith.addf %add3A_3879, %mul3A_3900 : vector<16xf32>
      %eq3A_3902 = arith.constant 15 : i32
      %eq3A_3903 = vector.broadcast %eq3A_3902 : i32 to vector<16xi32>
      %eq3A_3904 = arith.cmpi eq, %iota3A, %eq3A_3903 : vector<16xi32>
      %broadcast_in_dim3A_3905 = vector.shape_cast %xor3A_4 : vector<16xi32> to vector<16x1xi32>
      %gather3A_3906 = vector.shape_cast %broadcast_in_dim3A_3905 : vector<16x1xi32> to vector<16xi32>
      %gather3A_3907 = tpu.dynamic_gather %add3A_3899[%gather3A_3906] in [0] : vector<16xf32>, vector<16xi32> -> vector<16xf32>
      %add3A_3908 = arith.addf %add3A_3899, %gather3A_3907 : vector<16xf32>
      %broadcast_in_dim3A_3909 = vector.shape_cast %xor3A_7 : vector<16xi32> to vector<16x1xi32>
      %gather3A_3910 = vector.shape_cast %broadcast_in_dim3A_3909 : vector<16x1xi32> to vector<16xi32>
      %gather3A_3911 = tpu.dynamic_gather %add3A_3908[%gather3A_3910] in [0] : vector<16xf32>, vector<16xi32> -> vector<16xf32>
      %add3A_3912 = arith.addf %add3A_3908, %gather3A_3911 : vector<16xf32>
      %broadcast_in_dim3A_3913 = vector.shape_cast %xor3A_10 : vector<16xi32> to vector<16x1xi32>
      %gather3A_3914 = vector.shape_cast %broadcast_in_dim3A_3913 : vector<16x1xi32> to vector<16xi32>
      %gather3A_3915 = tpu.dynamic_gather %add3A_3912[%gather3A_3914] in [0] : vector<16xf32>, vector<16xi32> -> vector<16xf32>
      %add3A_3916 = arith.addf %add3A_3912, %gather3A_3915 : vector<16xf32>
      %broadcast_in_dim3A_3917 = vector.shape_cast %xor3A_13 : vector<16xi32> to vector<16x1xi32>
      %gather3A_3918 = vector.shape_cast %broadcast_in_dim3A_3917 : vector<16x1xi32> to vector<16xi32>
      %gather3A_3919 = tpu.dynamic_gather %add3A_3916[%gather3A_3918] in [0] : vector<16xf32>, vector<16xi32> -> vector<16xf32>
      %add3A_3920 = arith.addf %add3A_3916, %gather3A_3919 : vector<16xf32>
      %select_n3A_3921 = arith.select %eq3A_3904, %add3A_3920, %select_n3A_3786 : vector<16xi1>, vector<16xf32>
      %broadcast_in_dim3A_3922 = vector.shape_cast %xor3A_4 : vector<16xi32> to vector<16x1xi32>
      %gather3A_3923 = vector.shape_cast %broadcast_in_dim3A_3922 : vector<16x1xi32> to vector<16xi32>
      %gather3A_3924 = tpu.dynamic_gather %add3A_3901[%gather3A_3923] in [0] : vector<16xf32>, vector<16xi32> -> vector<16xf32>
      %add3A_3925 = arith.addf %add3A_3901, %gather3A_3924 : vector<16xf32>
      %broadcast_in_dim3A_3926 = vector.shape_cast %xor3A_7 : vector<16xi32> to vector<16x1xi32>
      %gather3A_3927 = vector.shape_cast %broadcast_in_dim3A_3926 : vector<16x1xi32> to vector<16xi32>
      %gather3A_3928 = tpu.dynamic_gather %add3A_3925[%gather3A_3927] in [0] : vector<16xf32>, vector<16xi32> -> vector<16xf32>
      %add3A_3929 = arith.addf %add3A_3925, %gather3A_3928 : vector<16xf32>
      %broadcast_in_dim3A_3930 = vector.shape_cast %xor3A_10 : vector<16xi32> to vector<16x1xi32>
      %gather3A_3931 = vector.shape_cast %broadcast_in_dim3A_3930 : vector<16x1xi32> to vector<16xi32>
      %gather3A_3932 = tpu.dynamic_gather %add3A_3929[%gather3A_3931] in [0] : vector<16xf32>, vector<16xi32> -> vector<16xf32>
      %add3A_3933 = arith.addf %add3A_3929, %gather3A_3932 : vector<16xf32>
      %broadcast_in_dim3A_3934 = vector.shape_cast %xor3A_13 : vector<16xi32> to vector<16x1xi32>
      %gather3A_3935 = vector.shape_cast %broadcast_in_dim3A_3934 : vector<16x1xi32> to vector<16xi32>
      %gather3A_3936 = tpu.dynamic_gather %add3A_3933[%gather3A_3935] in [0] : vector<16xf32>, vector<16xi32> -> vector<16xf32>
      %add3A_3937 = arith.addf %add3A_3933, %gather3A_3936 : vector<16xf32>
      %select_n3A_3938 = arith.select %eq3A_3904, %add3A_3937, %select_n3A_3803 : vector<16xi1>, vector<16xf32>
      %swap3A = arith.index_cast %mul3A_21 : i32 to index
      %swap3A_3939 = tpu.vector_load %arg15[%swap3A] {strides = array<i32>} : memref<512xf32, #tpu.memory_space<vmem>>, vector<16xf32>,
      %swap3A_3940 = vector.shape_cast %swap3A_3939 : vector<16xf32> to vector<16xf32>
      %swap3A_3941 = vector.shape_cast %select_n3A_3921 : vector<16xf32> to vector<16xf32>
      tpu.vector_store %arg15[%swap3A], %swap3A_3941 {strides = array<i32>} : memref<512xf32, #tpu.memory_space<vmem>>, vector<16xf32>,
      %swap3A_3942 = arith.index_cast %mul3A_21 : i32 to index
      %swap3A_3943 = tpu.vector_load %arg16[%swap3A_3942] {strides = array<i32>} : memref<512xf32, #tpu.memory_space<vmem>>, vector<16xf32>,
      %swap3A_3944 = vector.shape_cast %swap3A_3943 : vector<16xf32> to vector<16xf32>
      %swap3A_3945 = vector.shape_cast %select_n3A_3938 : vector<16xf32> to vector<16xf32>
      tpu.vector_store %arg16[%swap3A_3942], %swap3A_3945 {strides = array<i32>} : memref<512xf32, #tpu.memory_space<vmem>>, vector<16xf32>,
    }
    %scan3A_18 = arith.constant 32 : i32
    "tpu.region"() ({
      %run_scoped3A = tpu.sem_alloc : memref<!tpu.dma_semaphore, #tpu.memory_space<semaphore_mem>>
      %dma_start3A = tpu.memref_slice %arg7[%mul3A_2] : memref<16384xf32, #tpu.memory_space<hbm>> -> memref<512xf32, #tpu.memory_space<hbm>>
      %dma_start3A_19 = tpu.memref_slice %arg7[%mul3A_2] : memref<16384xf32, #tpu.memory_space<hbm>> -> memref<512xf32, #tpu.memory_space<hbm>>
      tpu.enqueue_dma source(%arg15 : memref<512xf32, #tpu.memory_space<vmem>>) target(%dma_start3A_19 : memref<512xf32, #tpu.memory_space<hbm>>) target_semaphore(%run_scoped3A : memref<!tpu.dma_semaphore, #tpu.memory_space<semaphore_mem>>)
      %dma_wait3A = tpu.memref_slice %arg7[%mul3A_2] : memref<16384xf32, #tpu.memory_space<hbm>> -> memref<512xf32, #tpu.memory_space<hbm>>
      %dma_wait3A_20 = tpu.memref_slice %arg7[%mul3A_2] : memref<16384xf32, #tpu.memory_space<hbm>> -> memref<512xf32, #tpu.memory_space<hbm>>
      tpu.wait_dma2 semaphore(%run_scoped3A : memref<!tpu.dma_semaphore, #tpu.memory_space<semaphore_mem>>) src(%arg15 : memref<512xf32, #tpu.memory_space<vmem>>) dst(%dma_wait3A_20 : memref<512xf32, #tpu.memory_space<hbm>>)
      tpu.yield
    }) : () -> ()
    "tpu.region"() ({
      %run_scoped3A = tpu.sem_alloc : memref<!tpu.dma_semaphore, #tpu.memory_space<semaphore_mem>>
      %dma_start3A = tpu.memref_slice %arg8[%mul3A_2] : memref<16384xf32, #tpu.memory_space<hbm>> -> memref<512xf32, #tpu.memory_space<hbm>>
      %dma_start3A_19 = tpu.memref_slice %arg8[%mul3A_2] : memref<16384xf32, #tpu.memory_space<hbm>> -> memref<512xf32, #tpu.memory_space<hbm>>
      tpu.enqueue_dma source(%arg16 : memref<512xf32, #tpu.memory_space<vmem>>) target(%dma_start3A_19 : memref<512xf32, #tpu.memory_space<hbm>>) target_semaphore(%run_scoped3A : memref<!tpu.dma_semaphore, #tpu.memory_space<semaphore_mem>>)
      %dma_wait3A = tpu.memref_slice %arg8[%mul3A_2] : memref<16384xf32, #tpu.memory_space<hbm>> -> memref<512xf32, #tpu.memory_space<hbm>>
      %dma_wait3A_20 = tpu.memref_slice %arg8[%mul3A_2] : memref<16384xf32, #tpu.memory_space<hbm>> -> memref<512xf32, #tpu.memory_space<hbm>>
      tpu.wait_dma2 semaphore(%run_scoped3A : memref<!tpu.dma_semaphore, #tpu.memory_space<semaphore_mem>>) src(%arg16 : memref<512xf32, #tpu.memory_space<vmem>>) dst(%dma_wait3A_20 : memref<512xf32, #tpu.memory_space<hbm>>)
      tpu.yield
    }) : () -> ()
    return
  }
}

</mosaic_0001>

<sc_bundles>
// kernel: kernel.3.cloned.1.call-start
scs
__scs_entry_jumppad:
0x0: {  	(pc) =	sbr.rel $0x88, $3  }
0x1: {  	(tag) =	ssettag $0x0;
	lr =	simm.s32 $0x1  }
0x2: {  	[smem:$0x3F9C] =	sst lr;
	_ =	strace $0xD0000000  }
0x3: {  	_ = 	snop  }
0x4: {  	_ = 	snop  }
0x5: {  	_ = 	snop  }
0x6: {  	_ = 	snop  }
0x7: {  	_ = 	snop  }
__scs_overlays_trampoline_lowered:
0x8: {  	[smem:$0x3FAB] =	sst s0  }
0x9: {  	[smem:$0x3FAC] =	sst s1  }
0xa: {  	[smem:$0x3FAD] =	sst s2  }
0xb: {  	[smem:$0x3FAE] =	sst s3  }
0xc: {  	[smem:$0x3FAF] =	sst s4  }
0xd: {  	[smem:$0x3FB0] =	sst s5  }
0xe: {  	[smem:$0x3FB1] =	sst s6  }
0xf: {  	[smem:$0x3FB2] =	sst s7  }
0x10: {  	[smem:$0x3FB3] =	sst s8  }
0x11: {  	[smem:$0x3FB4] =	sst s9;
	s0 =	simm.s32 @!p0 $0x0  }
0x12: {  	s1 =	sld [smem:$0x3F9A];
	s0 =	simm.s32 @p0 $0x1  }
0x13: {  	[smem:$0x3FB5] =	sst s0;
	s0 =	simm.s32 @!p1 $0x0  }
0x14: {  	s2 =	sld [smem:$0x3F99];
	s0 =	simm.s32 @p1 $0x1  }
0x15: {  	[smem:$0x3FB6] =	sst s0;
	s0 =	simm.s32 @!p2 $0x0  }
0x16: {  	s3 =	sld [smem:$0x3FDB];
	s0 =	simm.s32 @p2 $0x1  }
0x17: {  	s4 =	simm.s32 $0x1BF5;
	[smem:$0x3FB8] =	sst s0  }
0x18: {  	s0 =	sld [smem:$0x3F9B];
	_ =	swait.ge [sflag:s4], $0x0  }
0x19: {  	s7 =	sld [smem:$0x3F9C]  }
0x1a: {  	s8 =	sadd.s32 $0xFFFFE003, lr  }
0x1b: {  	s9 =	sadd.s32 $0xFFFFFEF7, lr;
	s5 =	simm.s32 $0xFFFFFFFF;
	p2 =	slt.u32 s8, $0xFFFFF086  }
0x1c: {  	p1 =	slt.u32 s9, $0xF7A;
	s5 =	simm.s32 @!p2 $0x0  }
0x1d: {  	s5 =	simm.s32 @p1 $0x1;
	p0 =	seq.s32 s7, s2  }
0x1e: {  	s7 =	smul.u32 @!p0 $0xF7A, s2;
	p2 =	seq.s32 @!p0 s5, $0x0  }
0x1f: {  	s9 =	smul.u32 $0xF7A, s1;
	s8 =	simm.s32 @!p0 $0x1BF5;
	p2 =	por !p2, p0  }
0x20: {  	[sflag:s8] =	ssyncset.s32 @!p0 $0xFFFFF086;
	s6 =	sadd.s32 @!p0 s3, s7;
	s7 =	simm.s32 @!p0 $0x108  }
0x21: {  	s3 =	sadd.s32 s3, s9;
	s6 =	sadd.s32 @!p0 $0x88, s6;
	s7 =	simm.s32 @p2 $0x1082  }
0x22: {  	[simem:s7], [sflag:s8] =	dma.local @!p0 [hbm:s6], $0xF7A  }
0x23: {  	s9 =	sor.u32 $0xD0000000, s2;
	s6 =	simm.s32 $0x108;
	_ =	swait.ge @!p0 [sflag:s8], $0x0  }
0x24: {  	s3 =	sadd.s32 $0x88, s3;
	s6 =	simm.s32 @!p1 $0x1082;
	[sflag:s4] =	ssyncset.s32 $0xFFFFF086  }
0x25: {  	[simem:s6], [sflag:s4] =	dma.local [hbm:s3], $0xF7A  }
0x26: {  	[smem:$0x3F9C] =	sst s1;
	(tag) =	ssettag s2;
	_ =	strace s9  }
0x27: {  	s1 =	sld [smem:$0x3FAC]  }
0x28: {  	s2 =	sld [smem:$0x3FAD]  }
0x29: {  	s4 =	sld [smem:$0x3FAF]  }
0x2a: {  	p0 =	seq.s32 s5, $0x0;
	s5 =	sld [smem:$0x3FB0]  }
0x2b: {  	s6 =	sld [smem:$0x3FB1]  }
0x2c: {  	s7 =	sld [smem:$0x3FB2]  }
0x2d: {  	s3 =	simm.s32 $0x108;
	s8 =	sld [smem:$0x3FB3]  }
0x2e: {  	s3 =	simm.s32 @!p0 $0x1082;
	s9 =	sld [smem:$0x3FB4]  }
0x2f: {  	lr =	sadd.s32 s0, s3;
	s0 =	sld [smem:$0x3FAB]  }
0x30: {  	s3 =	sld [smem:$0x3FAE]  }
0x31: {  	[smem:$0x3FB7] =	sst s10  }
0x32: {  	s10 =	sld [smem:$0x3FB5];
	_ =	sdelay $0x3  }
0x33: {  	p0 =	seq.s32 s10, $0x1;
	s10 =	sld [smem:$0x3FB7];
	_ =	sdelay $0x3  }
0x34: {  	[smem:$0x3FB7] =	sst s10  }
0x35: {  	s10 =	sld [smem:$0x3FB6];
	_ =	sdelay $0x3  }
0x36: {  	p1 =	seq.s32 s10, $0x1;
	s10 =	sld [smem:$0x3FB7];
	_ =	sdelay $0x3  }
0x37: {  	[smem:$0x3FB7] =	sst s10  }
0x38: {  	s10 =	sld [smem:$0x3FB8]  }
0x39: {  	_ = 	snop;
	(pc) =	sbr.ind lr, $3  }
0x3a: {  	_ = 	snop  }
0x3b: {  	_ = 	snop  }
0x3c: {  	p2 =	seq.s32 s10, $0x1;
	s10 =	sld [smem:$0x3FB7]  }
0x3d: {  	_ =	shalt  }
0x3e: {  	_ =	shalt  }
0x3f: {  	_ =	shalt  }
0x40: {  	_ =	shalt  }
0x41: {  	_ =	shalt  }
0x42: {  	_ =	shalt  }
0x43: {  	_ =	shalt  }
0x44: {  	_ =	shalt  }
0x45: {  	_ =	shalt  }
0x46: {  	_ =	shalt  }
0x47: {  	_ =	shalt  }
0x48: {  	_ =	shalt  }
0x49: {  	_ =	shalt  }
0x4a: {  	_ =	shalt  }
0x4b: {  	_ =	shalt  }
0x4c: {  	_ =	shalt  }
0x4d: {  	_ =	shalt  }
0x4e: {  	_ =	shalt  }
0x4f: {  	_ =	shalt  }
0x50: {  	_ =	shalt  }
0x51: {  	_ =	shalt  }
0x52: {  	_ =	shalt  }
0x53: {  	_ =	shalt  }
0x54: {  	_ =	shalt  }
0x55: {  	_ =	shalt  }
0x56: {  	_ =	shalt  }
0x57: {  	_ =	shalt  }
0x58: {  	_ =	shalt  }
0x59: {  	_ =	shalt  }
0x5a: {  	_ =	shalt  }
0x5b: {  	_ =	shalt  }
0x5c: {  	_ =	shalt  }
0x5d: {  	_ =	shalt  }
0x5e: {  	_ =	shalt  }
0x5f: {  	_ =	shalt  }
0x60: {  	_ =	shalt  }
0x61: {  	_ =	shalt  }
0x62: {  	_ =	shalt  }
0x63: {  	_ =	shalt  }
0x64: {  	_ =	shalt  }
0x65: {  	_ =	shalt  }
0x66: {  	_ =	shalt  }
0x67: {  	_ =	shalt  }
0x68: {  	_ =	shalt  }
0x69: {  	_ =	shalt  }
0x6a: {  	_ =	shalt  }
0x6b: {  	_ =	shalt  }
0x6c: {  	_ =	shalt  }
0x6d: {  	_ =	shalt  }
0x6e: {  	_ =	shalt  }
0x6f: {  	_ =	shalt  }
0x70: {  	_ =	shalt  }
0x71: {  	_ =	shalt  }
0x72: {  	_ =	shalt  }
0x73: {  	_ =	shalt  }
0x74: {  	_ =	shalt  }
0x75: {  	_ =	shalt  }
0x76: {  	_ =	shalt  }
0x77: {  	_ =	shalt  }
0x78: {  	_ =	shalt  }
0x79: {  	_ =	shalt  }
0x7a: {  	_ =	shalt  }
0x7b: {  	_ =	shalt  }
0x7c: {  	_ =	shalt  }
0x7d: {  	_ =	shalt  }
0x7e: {  	_ =	shalt  }
0x7f: {  	_ =	shalt  }
0x80: {  	_ =	shalt  }
0x81: {  	_ =	shalt  }
0x82: {  	_ =	shalt  }
0x83: {  	_ =	shalt  }
0x84: {  	_ =	shalt  }
0x85: {  	_ =	shalt  }
0x86: {  	_ =	shalt  }
0x87: {  	_ =	shalt  }
.Lfunc_end0:
.L_simem_size_0:
called_computation_lowered:
.L_overlay_start_0:
0x88: {  	s2 =	sld [smem:$0x3FD9]  }
0x89: {  	s3 =	sld [smem:$0x3FFE];
	_ =	sdelay $0x1  }
0x8a: {  	s1 =	srdreg.scid  }
0x8b: {  	s0 =	sand.u32 $0x1, s1  }
0x8c: {  	s14 =	sshll.u32 s0, $0xA;
	s2 =	sadd.s32 s3, s2  }
0x8d: {  	s2 =	sadd.s32 s2, s14  }
0x8e: {  	[smem:$0x3FC3] =	sst s2  }
0x8f: {  	_ = 	snop  }
0x90: {  	s2 =	sld [smem:$0x3FD0]  }
0x91: {  	s15 =	sld [smem:$0x3FC9]  }
0x92: {  	s4 =	sld [smem:$0x3FC8]  }
0x93: {  	s6 =	simm.s32 $0xA;
	s7 =	simm.s32 $0x10;
	s5 =	sld [smem:$0x3FC7]  }
0x94: {  	[smem:s7], [sflag:s6] =	dma.local [hbm:s2], $0x1  }
0x95: {  	_ =	swait.eq [sflag:s6], $0x1  }
0x96: {  	[sflag:s6] =	ssyncset.done $0x0  }
0x97: {  	s16 =	sld [smem:$0x10];
	[sflag:s6] =	ssyncadd.s32 $0xFFFFFFFF  }
0x98: {  	s17 =	sld [smem:$0x11];
	(tm) =	ssettm $0x1  }
0x99: {  	s18 =	sld [smem:$0x3FFB];
	_ =	sdelay $0x3  }
0x9a: {  	_ =	strace s18  }
0x9b: {  	s7 =	sld [smem:$0x3FFC];
	_ =	sdelay $0x3  }
0x9c: {  	_ =	strace s7  }
0x9d: {  	s7 =	sld [smem:$0x3FFD];
	_ =	sdelay $0x3  }
0x9e: {  	_ =	strace s7  }
0x9f: {  	_ =	strace $0x8FFFFFFF  }
0xa0: {  	s19 =	sld [smem:$0x3FDB];
	_ =	sdelay $0x1  }
0xa1: {  	s8 =	simm.s32 $_scs_section_size  }
0xa2: {  	s9 =	simm.s32 $_size__tile_overlayer_lowered;
	s10 =	simm.s32 $_tile_overlayer_lowered  }
0xa3: {  	s22 =	simm.s32 $0x1BFF;
	s21 =	sshll.u32 s10, $0x1;
	s7 =	sadd.s32 s8, s19  }
0xa4: {  	s11 =	simm.s32 $0x0;
	s20 =	sshll.u32 s9, $0x1;
	s9 =	sadd.s32 s21, s7  }
0xa5: {  	[timem:s11], [sflag:s22] =	dma.local [hbm:s9], s20  }
0xa6: {  	_ =	swait.ge [sflag:s22], s20  }
0xa7: {  	s8 =	ssub.s32 $0x0, s20;
	[sflag:s22] =	ssyncset.done $0x0  }
0xa8: {  	[sflag:s22] =	ssyncadd.s32 s8;
	_ =	sdelay $0x1  }
0xa9: {  	s23 =	simm.s32 $0x1B8B  }
0xaa: {  	_ =	swait.ge [sflag:s23], $0x1  }
0xab: {  	[sflag:s23] =	ssyncset.done $0x0  }
0xac: {  	s25 =	simm.s32 $0x1B8E;
	s24 =	sld [smem:$0x3FFE];
	[sflag:s23] =	ssyncadd.s32 $0xFFFFFFFF  }
0xad: {  	s26 =	simm.s32 $execute0_lowered;
	[smem:$0x3FD2] =	sst s25  }
0xae: {  	s9 =	sshll.u32 s26, $0x1;
	_ =	strace $0x80000046;
	[dreg:$0x1] =	wrdreg $0xFFFFFFFF  }
0xaf: {  	s28 =	simm.s32 $_size_execute0_lowered;
	s7 =	sadd.s32 s7, s9;
	[dreg:$0x0] =	wrdreg $0x0  }
0xb0: {  	s9 =	sshll.u32 s28, $0x1;
	[dreg:$0x2] =	wrdreg s7  }
0xb1: {  	[dreg:$0x3] =	wrdreg s9  }
0xb2: {  	[dreg:$0x4] =	wrdreg $0xC0  }
0xb3: {  	_ =	task [dreg:s11], $0x5FFFF  }
0xb4: {  	[dreg:$0x1] =	wrdreg $0xFFFFFFFF  }
0xb5: {  	[dreg:$0x0] =	wrdreg $0x60  }
0xb6: {  	[dreg:$0x2] =	wrdreg s15  }
0xb7: {  	[dreg:$0x3] =	wrdreg s4  }
0xb8: {  	[dreg:$0x4] =	wrdreg s5  }
0xb9: {  	[dreg:$0x5] =	wrdreg s24  }
0xba: {  	[dreg:$0x6] =	wrdreg s16  }
0xbb: {  	[dreg:$0x7] =	wrdreg s17  }
0xbc: {  	[dreg:$0x8] =	wrdreg $0x9  }
0xbd: {  	_ =	task.clear_ibuf [dreg:s11], $0x9FFFF;
	_ =	strace $0x90000046  }
0xbe: {  	s29 =	simm.s32 $0x9;
	_ =	strace $0x80000048  }
0xbf: {  	_ =	swait.ge [sflag:s29], $0x1  }
0xc0: {  	[sflag:s29] =	ssyncadd.s32 $0xFFFFFFFF  }
0xc1: {  	_ =	strace $0x90000048  }
0xc2: {  	_ =	sfence  }
0xc3: {  	s30 =	sld [smem:$0x0];
	_ =	sdelay $0x2  }
0xc4: {  	s31 =	sshll.u32 s1, $0xD;
	s1 =	sshrl.u32 s1, $0x2  }
0xc5: {  	s3 =	sand.u32 $0x4000, s31;
	s1 =	sadd.s32 s1, s30  }
0xc6: {  	s0 =	sor.u32 s3, s0;
	s1 =	sshll.u32 s1, $0x11  }
0xc7: {  	s0 =	sor.u32 s1, s0  }
0xc8: {  	s0 =	sadd.s32 $0x8F2B, s0  }
0xc9: {  	[sflag:s0] =	ssyncadd.remote.s32 $0x1  }
0xca: {  	_ =	sfence.sel $0xFFFF  }
0xcb: {  	[dreg:$0x0] =	wrdreg $0xFFFFFFFF;
	(pc) =	sbr.abs _section_cstart, $3  }
0xcc: {  	[dreg:$0x1] =	wrdreg $0xFFFFFFFF  }
0xcd: {  	_ =	task.clear_ibuf [dreg:s11], $0x2FFFF;
	_ =	strace $0x9FFFFFFF  }
0xce: {  	(tm) =	ssettm $0x7FFFFFFF  }
0xcf: {  	_ =	shalt  }
tec
execute0_lowered:
.L_overlay_start_1:
0x0: {  	(tag) =	ssettag $0x1  }
0x1: {  	s5 =	rddreg [dreg:$0x0]  }
0x2: {  	s6 =	rddreg [dreg:$0x1]  }
0x3: {  	s7 =	rddreg [dreg:$0x2]  }
0x4: {  	s3 =	rddreg [dreg:$0x3]  }
0x5: {  	s8 =	rddreg [dreg:$0x4]  }
0x6: {  	s9 =	rddreg [dreg:$0x5]  }
0x7: {  	s0 =	rddreg [dreg:$0x6];
	s1 =	simm.s32 $0x0  }
0x8: {  	s2 =	simm.s32 $0x600;
	[smem:$0x7FF] =	sst s1  }
0x9: {  	s31 =	simm.s32 $0x4600;
	_ =	strace $0x80000047;
	[dreg:$0x7] =	wrdreg s2  }
0xa: {  	s4 =	simm.s32 $0x8600;
	[dreg:$0x8] =	wrdreg s31  }
0xb: {  	s10 =	simm.s32 $0xA00;
	[dreg:$0x9] =	wrdreg s4  }
0xc: {  	s11 =	simm.s32 $0x4A00;
	[dreg:$0xa] =	wrdreg s10  }
0xd: {  	s12 =	simm.s32 $0x8A00;
	[dreg:$0xb] =	wrdreg s11  }
0xe: {  	s13 =	simm.s32 $0xE00;
	[dreg:$0xc] =	wrdreg s12  }
0xf: {  	s14 =	simm.s32 $0x4E00;
	[dreg:$0xd] =	wrdreg s13  }
0x10: {  	s15 =	simm.s32 $0x8E00;
	[dreg:$0xe] =	wrdreg s14  }
0x11: {  	s16 =	simm.s32 $0x1200;
	[dreg:$0xf] =	wrdreg s15  }
0x12: {  	s17 =	simm.s32 $0x5200;
	[dreg:$0x10] =	wrdreg s16  }
0x13: {  	s18 =	simm.s32 $0x9200;
	[dreg:$0x11] =	wrdreg s17  }
0x14: {  	s19 =	simm.s32 $0x1600;
	[dreg:$0x12] =	wrdreg s18  }
0x15: {  	s20 =	simm.s32 $0x5600;
	[dreg:$0x13] =	wrdreg s19  }
0x16: {  	s21 =	simm.s32 $0x9600;
	[dreg:$0x14] =	wrdreg s20  }
0x17: {  	s22 =	simm.s32 $0x1A00;
	[dreg:$0x15] =	wrdreg s21  }
0x18: {  	s23 =	simm.s32 $0x5A00;
	[dreg:$0x16] =	wrdreg s22  }
0x19: {  	s24 =	simm.s32 $0x9A00;
	[dreg:$0x17] =	wrdreg s23  }
0x1a: {  	s25 =	simm.s32 $0x1E00;
	[dreg:$0x18] =	wrdreg s24  }
0x1b: {  	s26 =	simm.s32 $0x5E00;
	[dreg:$0x19] =	wrdreg s25  }
0x1c: {  	s28 =	simm.s32 $0x9E00;
	[dreg:$0x1a] =	wrdreg s26  }
0x1d: {  	s29 =	simm.s32 $0x2200;
	[dreg:$0x1b] =	wrdreg s28  }
0x1e: {  	s30 =	simm.s32 $0x6200;
	[dreg:$0x1c] =	wrdreg s29  }
0x1f: {  	[dreg:$0x1d] =	wrdreg s30;
	s31 =	simm.s32 $0xA200  }
0x20: {  	s4 =	simm.s32 $0x2600;
	[dreg:$0x1e] =	wrdreg s31  }
0x21: {  	s10 =	simm.s32 $0x6600;
	[dreg:$0x1f] =	wrdreg s4  }
0x22: {  	s11 =	simm.s32 $0xA600;
	[smem:$0x7E7] =	sst s10  }
0x23: {  	s12 =	simm.s32 $0x2A00;
	[smem:$0x7E8] =	sst s11  }
0x24: {  	s13 =	simm.s32 $0xAA00;
	[smem:$0x7E9] =	sst s12  }
0x25: {  	s14 =	simm.s32 $0x2E00;
	[smem:$0x7EB] =	sst s13  }
0x26: {  	s15 =	simm.s32 $0x6E00;
	[smem:$0x7EC] =	sst s14  }
0x27: {  	s16 =	simm.s32 $0xAE00;
	[smem:$0x7ED] =	sst s15  }
0x28: {  	s17 =	simm.s32 $0x3200;
	[smem:$0x7EE] =	sst s16  }
0x29: {  	s18 =	simm.s32 $0x3600;
	[smem:$0x7EF] =	sst s17  }
0x2a: {  	s19 =	simm.s32 $0x7600;
	[smem:$0x7F2] =	sst s18  }
0x2b: {  	v0 =	vimm.s32 $0xFEDCBA98;
	v1 =	vimm.s32 $0x76543210;
	s21 =	simm.s32 $0xB600;
	[smem:$0x7F3] =	sst s19  }
0x2c: {  	v2 =	vimm.s32 $0xBA98FEDC;
	v3 =	vimm.s32 $0x32107654;
	s22 =	simm.s32 $0x3A00;
	[smem:$0x7F4] =	sst s21  }
0x2d: {  	v4 =	vimm.s32 $0xDCFE98BA;
	v5 =	vimm.s32 $0x54761032;
	s23 =	simm.s32 $0x7A00;
	[smem:$0x7F5] =	sst s22  }
0x2e: {  	v6 =	vimm.s32 $0xEFCDAB89;
	s2 =	sadd.s32 $0x600, s3;
	s24 =	simm.s32 $0xBA00;
	[smem:$0x7F6] =	sst s23  }
0x2f: {  	v7 =	vimm.s32 $0x67452301;
	s3 =	sadd.s32 $0xF42A00, s3;
	s25 =	simm.s32 $0x3E00;
	[smem:$0x7F7] =	sst s24  }
0x30: {  	vm0 =	vmmov $0x1;
	vm1 =	vmmov $0x3;
	vm2 =	vmmov $0x7;
	s26 =	simm.s32 $0x7E00;
	s28 =	simm.s32 $0xBE00;
	[smem:$0x7F8] =	sst s25  }
0x31: {  	vm3 =	vmmov $0xf;
	vm4 =	vmmov $0x1f;
	vm5 =	vmmov $0x3f;
	s29 =	simm.s32 $0x4200;
	s30 =	simm.s32 $0x8200;
	[smem:$0x7F9] =	sst s26  }
0x32: {  	vm6 =	vmmov $0x7f;
	vm7 =	vmmov $0xff;
	vm8 =	vmmov $0x1ff;
	s4 =	simm.s32 $0x6A00;
	s10 =	srdreg.scid;
	[smem:$0x7FA] =	sst s28  }
0x33: {  	vm9 =	vmmov $0x3ff;
	vm10 =	vmmov $0x7ff;
	vm11 =	vmmov $0xfff;
	s12 =	simm.s32 $0x7200;
	s13 =	simm.s32 $0xB200;
	[smem:$0x7FB] =	sst s29  }
0x34: {  	v0 =	vunpack.c.l.s4.s8 v0;
	v1 =	vunpack.c.l.s4.s8 v1;
	v2 =	vunpack.c.l.s4.s8 v2;
	[smem:$0x7FC] =	sst s30;
	s31 =	simm.s32 $0xC200;
	s15 =	simm.s32 $0xC600  }
0x35: {  	v3 =	vunpack.c.l.s4.s8 v3;
	v4 =	vunpack.c.l.s4.s8 v4;
	v5 =	vunpack.c.l.s4.s8 v5;
	s16 =	simm.s32 $0xC800;
	s17 =	simm.s32 $0x0;
	[smem:$0x7EA] =	sst s4  }
0x36: {  	v6 =	vunpack.c.l.s4.s8 v6;
	v7 =	vunpack.c.l.s4.s8 v7;
	v0 =	vunpack.c.0.s8.s32 v0;
	s10 =	sand.u32 $0x1, s10;
	s4 =	stileid.u32;
	[smem:$0x7F0] =	sst s12  }
0x37: {  	v2 =	vunpack.c.0.s8.s32 v2;
	v3 =	vunpack.c.0.s8.s32 v3;
	v4 =	vunpack.c.0.s8.s32 v4;
	[smem:$0x7F1] =	sst s13;
	s12 =	simm.s32 $0x200;
	s13 =	simm.s32 $0x400  }
0x38: {  	v5 =	vunpack.c.0.s8.s32 v5;
	v6 =	vunpack.c.0.s8.s32 v6;
	v7 =	vunpack.c.0.s8.s32 v7;
	s11 =	ssub.s32 $0x2, s10;
	s20 =	sshll.u32 s4, $0x7;
	s10 =	sshll.u32 s10, $0x6  }
0x39: {  	vm12 =	vmmov $0x1fff;
	v1 =	vunpack.c.0.s8.s32 v1;
	[smem:$0x7FD] =	sst s31;
	v2 =	vcombine.low v3, v2;
	s14 =	sshrl.u32 s11, $0x1;
	s10 =	sor.u32 s10, s20  }
0x3a: {  	v3 =	vcombine.low v5, v4;
	v4 =	vcombine.low v7, v6;
	v0 =	vand.u32 $0xF, v0;
	s11 =	ssub.s32 s11, s14;
	s5 =	sadd.s32 s5, s10;
	s6 =	sadd.s32 s6, s10  }
0x3b: {  	vm13 =	vmmov $0x3fff;
	vm14 =	vmmov $0x7fff;
	v0 =	vcombine.low v0, v1;
	s7 =	sadd.s32 s7, s10;
	s8 =	sadd.s32 s8, s10;
	s9 =	sadd.s32 s9, s10  }
0x3c: {  	v1 =	vand.u32 $0xF, v2;
	v2 =	vand.u32 $0xF, v3;
	v3 =	vand.u32 $0xF, v4;
	s14 =	simm.s32 $0x1;
	s10 =	smax.u32 s11, $0x1;
	s11 =	simm.s32 $0x2  }
.LBB2_1:
0x3d: {  	[tilespmem:s1], [sflag:$0x2] =	stream.linear.gather [hbm4b:s5+s1], $0x200, $0x38;
	[tilespmem:$0xCA00] =	vst v63  }
0x3e: {  	_ =	swait.ge [sflag:s11], $0x200  }
0x3f: {  	[sflag:s11] =	ssyncset.done $0x0  }
0x40: {  	[sflag:s11] =	ssyncadd.s32 $0xFFFFFE00  }
0x41: {  	[tilespmem:s12], [sflag:$0x2] =	stream.linear.gather [hbm4b:s6+s1], $0x200, $0x38;
	[tilespmem:$0xCA00] =	vst v63  }
0x42: {  	_ =	swait.ge [sflag:s11], $0x200  }
0x43: {  	[sflag:s11] =	ssyncset.done $0x0  }
0x44: {  	[sflag:s11] =	ssyncadd.s32 $0xFFFFFE00  }
0x45: {  	[tilespmem:s13], [sflag:$0x2] =	stream.linear.gather [hbm4b:s7+s1], $0x200, $0x38;
	[tilespmem:$0xCA00] =	vst v63  }
0x46: {  	_ =	swait.ge [sflag:s11], $0x200  }
0x47: {  	[sflag:s11] =	ssyncset.done $0x0  }
0x48: {  	s18 =	simm.s32 $0x0;
	[sflag:s11] =	ssyncadd.s32 $0xFFFFFE00  }
.LBB2_2:
0x49: {  	s19 =	sshra.s32 s18, $0x2  }
0x4a: {  	v4 =	vld [tilespmem:s19+$0x0];
	_ =	sdelay $0x1  }
0x4b: {  	v5 =	vld [tilespmem:s19+$0x200];
	_ =	sdelay $0x2  }
0x4c: {  	v4 =	vshrl.u32 v4, $0x3  }
0x4d: {  	v6 =	vshll.u32 v4, $0x7;
	v4 =	vld [tilespmem:s19+$0x400]  }
0x4e: {  	v5 =	vshrl.u32 v5, $0x3  }
0x4f: {  	v5 =	vshll.u32 v5, $0x7;
	(v2sf) =	vpush v6, $0x0  }
0x50: {  	(v2sf) =	vpush v5, $0x0;
	_ =	sdelay $0x1  }
0x51: {  	v4 =	vshrl.u32 v4, $0x3  }
0x52: {  	v4 =	vshll.u32 v4, $0x7  }
0x53: {  	(v2sf) =	vpush v4, $0x0;
	_ =	sdelay $0x4  }
0x54: {  	(v2sf) =	vpush v6, $0x1  }
0x55: {  	(v2sf) =	vpush v5, $0x1;
	_ =	sdelay $0x3  }
0x56: {  	s20 =	spop (v2sf)  }
0x57: {  	s25 =	spop (v2sf);
	(v2sf) =	vpush v4, $0x1;
	_ =	sdelay $0x3  }
0x58: {  	s28 =	spop (v2sf);
	(v2sf) =	vpush v6, $0x2;
	_ =	sdelay $0x1  }
0x59: {  	s20 =	sand.u32 $0x1FFFFF80, s20;
	(v2sf) =	vpush v5, $0x2  }
0x5a: {  	s21 =	rddreg [dreg:$0x7];
	s20 =	sadd.s32 s2, s20  }
0x5b: {  	[tilespmem:s21], [sflag:$0x1] =	stream.linear.gather [hbm4b:s20+s1], $0x400, $0x38;
	[tilespmem:$0xCA00] =	vst v63  }
0x5c: {  	s30 =	spop (v2sf)  }
0x5d: {  	s21 =	spop (v2sf);
	(v2sf) =	vpush v4, $0x2;
	_ =	sdelay $0x1  }
0x5e: {  	s20 =	sand.u32 $0x1FFFFF80, s25  }
0x5f: {  	s26 =	rddreg [dreg:$0x8];
	s20 =	sadd.s32 s3, s20  }
0x60: {  	[tilespmem:s26], [sflag:$0x1] =	stream.linear.gather [hbm4b:s20+s1], $0x400, $0x38;
	[tilespmem:$0xCA00] =	vst v63  }
0x61: {  	s20 =	sand.u32 $0x1FFFFF80, s28;
	s23 =	spop (v2sf);
	(v2sf) =	vpush v6, $0x3  }
0x62: {  	s29 =	rddreg [dreg:$0x9];
	s20 =	sadd.s32 s3, s20  }
0x63: {  	[tilespmem:s29], [sflag:$0x1] =	stream.linear.gather [hbm4b:s20+s1], $0x400, $0x38;
	[tilespmem:$0xCA00] =	vst v63  }
0x64: {  	s20 =	sand.u32 $0x1FFFFF80, s30  }
0x65: {  	s31 =	rddreg [dreg:$0xa];
	s20 =	sadd.s32 s2, s20;
	s25 =	spop (v2sf);
	(v2sf) =	vpush v5, $0x3  }
0x66: {  	[tilespmem:s31], [sflag:$0x1] =	stream.linear.gather [hbm4b:s20+s1], $0x400, $0x38;
	[tilespmem:$0xCA00] =	vst v63  }
0x67: {  	s20 =	sand.u32 $0x1FFFFF80, s21;
	s28 =	spop (v2sf);
	(v2sf) =	vpush v4, $0x3  }
0x68: {  	s22 =	rddreg [dreg:$0xb];
	s20 =	sadd.s32 s3, s20  }
0x69: {  	[tilespmem:s22], [sflag:$0x1] =	stream.linear.gather [hbm4b:s20+s1], $0x400, $0x38;
	[tilespmem:$0xCA00] =	vst v63  }
0x6a: {  	s20 =	sand.u32 $0x1FFFFF80, s23  }
0x6b: {  	s24 =	rddreg [dreg:$0xc];
	s20 =	sadd.s32 s3, s20;
	s30 =	spop (v2sf);
	(v2sf) =	vpush v6, $0x4  }
0x6c: {  	[tilespmem:s24], [sflag:$0x1] =	stream.linear.gather [hbm4b:s20+s1], $0x400, $0x38;
	[tilespmem:$0xCA00] =	vst v63  }
0x6d: {  	s20 =	sand.u32 $0x1FFFFF80, s25  }
0x6e: {  	s26 =	rddreg [dreg:$0xd];
	s20 =	sadd.s32 s2, s20  }
0x6f: {  	[tilespmem:s26], [sflag:$0x1] =	stream.linear.gather [hbm4b:s20+s1], $0x400, $0x38;
	[tilespmem:$0xCA00] =	vst v63  }
0x70: {  	s20 =	sand.u32 $0x1FFFFF80, s28;
	s21 =	spop (v2sf);
	(v2sf) =	vpush v5, $0x4  }
0x71: {  	s29 =	rddreg [dreg:$0xe];
	s20 =	sadd.s32 s3, s20  }
0x72: {  	[tilespmem:s29], [sflag:$0x1] =	stream.linear.gather [hbm4b:s20+s1], $0x400, $0x38;
	[tilespmem:$0xCA00] =	vst v63  }
0x73: {  	s20 =	sand.u32 $0x1FFFFF80, s30  }
0x74: {  	s31 =	rddreg [dreg:$0xf];
	s20 =	sadd.s32 s3, s20;
	s23 =	spop (v2sf);
	(v2sf) =	vpush v4, $0x4  }
0x75: {  	[tilespmem:s31], [sflag:$0x1] =	stream.linear.gather [hbm4b:s20+s1], $0x400, $0x38;
	[tilespmem:$0xCA00] =	vst v63  }
0x76: {  	s20 =	sand.u32 $0x1FFFFF80, s21;
	s25 =	spop (v2sf);
	(v2sf) =	vpush v6, $0x5  }
0x77: {  	s22 =	rddreg [dreg:$0x10];
	s20 =	sadd.s32 s2, s20  }
0x78: {  	[tilespmem:s22], [sflag:$0x1] =	stream.linear.gather [hbm4b:s20+s1], $0x400, $0x38;
	[tilespmem:$0xCA00] =	vst v63  }
0x79: {  	s20 =	sand.u32 $0x1FFFFF80, s23  }
0x7a: {  	s24 =	rddreg [dreg:$0x11];
	s20 =	sadd.s32 s3, s20;
	s28 =	spop (v2sf);
	(v2sf) =	vpush v5, $0x5  }
0x7b: {  	[tilespmem:s24], [sflag:$0x1] =	stream.linear.gather [hbm4b:s20+s1], $0x400, $0x38;
	[tilespmem:$0xCA00] =	vst v63  }
0x7c: {  	s20 =	sand.u32 $0x1FFFFF80, s25  }
0x7d: {  	s26 =	rddreg [dreg:$0x12];
	s20 =	sadd.s32 s3, s20  }
0x7e: {  	[tilespmem:s26], [sflag:$0x1] =	stream.linear.gather [hbm4b:s20+s1], $0x400, $0x38;
	[tilespmem:$0xCA00] =	vst v63  }
0x7f: {  	s20 =	sand.u32 $0x1FFFFF80, s28;
	s30 =	spop (v2sf);
	(v2sf) =	vpush v4, $0x5  }
0x80: {  	s29 =	rddreg [dreg:$0x13];
	s20 =	sadd.s32 s2, s20  }
0x81: {  	[tilespmem:s29], [sflag:$0x1] =	stream.linear.gather [hbm4b:s20+s1], $0x400, $0x38;
	[tilespmem:$0xCA00] =	vst v63  }
0x82: {  	s20 =	sand.u32 $0x1FFFFF80, s30  }
0x83: {  	s31 =	rddreg [dreg:$0x14];
	s20 =	sadd.s32 s3, s20;
	s21 =	spop (v2sf);
	(v2sf) =	vpush v6, $0x6  }
0x84: {  	[tilespmem:s31], [sflag:$0x1] =	stream.linear.gather [hbm4b:s20+s1], $0x400, $0x38;
	[tilespmem:$0xCA00] =	vst v63  }
0x85: {  	s20 =	sand.u32 $0x1FFFFF80, s21;
	s23 =	spop (v2sf);
	(v2sf) =	vpush v5, $0x6  }
0x86: {  	s22 =	rddreg [dreg:$0x15];
	s20 =	sadd.s32 s3, s20  }
0x87: {  	[tilespmem:s22], [sflag:$0x1] =	stream.linear.gather [hbm4b:s20+s1], $0x400, $0x38;
	[tilespmem:$0xCA00] =	vst v63  }
0x88: {  	s20 =	sand.u32 $0x1FFFFF80, s23  }
0x89: {  	s24 =	rddreg [dreg:$0x16];
	s25 =	spop (v2sf);
	s20 =	sadd.s32 s2, s20  }
0x8a: {  	(v2sf) =	vpush v4, $0x6;
	[tilespmem:s24], [sflag:$0x1] =	stream.linear.gather [hbm4b:s20+s1], $0x400, $0x38;
	[tilespmem:$0xCA00] =	vst v63  }
0x8b: {  	s20 =	sand.u32 $0x1FFFFF80, s25  }
0x8c: {  	s26 =	rddreg [dreg:$0x17];
	s20 =	sadd.s32 s3, s20  }
0x8d: {  	[tilespmem:s26], [sflag:$0x1] =	stream.linear.gather [hbm4b:s20+s1], $0x400, $0x38;
	[tilespmem:$0xCA00] =	vst v63  }
0x8e: {  	s28 =	spop (v2sf)  }
0x8f: {  	s20 =	sand.u32 $0x1FFFFF80, s28  }
0x90: {  	s29 =	rddreg [dreg:$0x18];
	s20 =	sadd.s32 s3, s20  }
0x91: {  	[tilespmem:s29], [sflag:$0x1] =	stream.linear.gather [hbm4b:s20+s1], $0x400, $0x38;
	[tilespmem:$0xCA00] =	vst v63  }
0x92: {  	s30 =	spop (v2sf)  }
0x93: {  	s20 =	sand.u32 $0x1FFFFF80, s30  }
0x94: {  	s31 =	rddreg [dreg:$0x19];
	s22 =	spop (v2sf);
	s20 =	sadd.s32 s2, s20  }
0x95: {  	[tilespmem:s31], [sflag:$0x1] =	stream.linear.gather [hbm4b:s20+s1], $0x400, $0x38;
	[tilespmem:$0xCA00] =	vst v63  }
0x96: {  	s20 =	sand.u32 $0x1FFFFF80, s22  }
0x97: {  	s23 =	rddreg [dreg:$0x1a];
	s20 =	sadd.s32 s3, s20  }
0x98: {  	[tilespmem:s23], [sflag:$0x1] =	stream.linear.gather [hbm4b:s20+s1], $0x400, $0x38;
	[tilespmem:$0xCA00] =	vst v63  }
0x99: {  	s20 =	spop (v2sf)  }
0x9a: {  	(v2sf) =	vpush v6, $0x7;
	_ =	sdelay $0x1  }
0x9b: {  	(v2sf) =	vpush v5, $0x7;
	_ =	sdelay $0x1  }
0x9c: {  	(v2sf) =	vpush v4, $0x7;
	_ =	sdelay $0x4  }
0x9d: {  	(v2sf) =	vpush v6, $0x8;
	_ =	sdelay $0x5  }
0x9e: {  	s25 =	spop (v2sf);
	(v2sf) =	vpush v5, $0x8;
	_ =	sdelay $0x1  }
0x9f: {  	s28 =	spop (v2sf);
	(v2sf) =	vpush v4, $0x8;
	_ =	sdelay $0x1  }
0xa0: {  	s30 =	spop (v2sf);
	(v2sf) =	vpush v6, $0x9;
	_ =	sdelay $0x3  }
0xa1: {  	s20 =	sand.u32 $0x1FFFFF80, s20  }
0xa2: {  	s24 =	rddreg [dreg:$0x1b];
	s20 =	sadd.s32 s3, s20;
	s21 =	spop (v2sf);
	(v2sf) =	vpush v5, $0x9  }
0xa3: {  	[tilespmem:s24], [sflag:$0x1] =	stream.linear.gather [hbm4b:s20+s1], $0x400, $0x38;
	[tilespmem:$0xCA00] =	vst v63  }
0xa4: {  	s20 =	sand.u32 $0x1FFFFF80, s25  }
0xa5: {  	s26 =	rddreg [dreg:$0x1c];
	s20 =	sadd.s32 s2, s20  }
0xa6: {  	[tilespmem:s26], [sflag:$0x1] =	stream.linear.gather [hbm4b:s20+s1], $0x400, $0x38;
	[tilespmem:$0xCA00] =	vst v63  }
0xa7: {  	s20 =	sand.u32 $0x1FFFFF80, s28  }
0xa8: {  	s29 =	rddreg [dreg:$0x1d];
	s20 =	sadd.s32 s3, s20;
	s23 =	spop (v2sf);
	(v2sf) =	vpush v4, $0x9  }
0xa9: {  	[tilespmem:s29], [sflag:$0x1] =	stream.linear.gather [hbm4b:s20+s1], $0x400, $0x38;
	[tilespmem:$0xCA00] =	vst v63  }
0xaa: {  	s25 =	spop (v2sf);
	(v2sf) =	vpush v6, $0xA  }
0xab: {  	s20 =	sand.u32 $0x1FFFFF80, s30  }
0xac: {  	s31 =	rddreg [dreg:$0x1e];
	s20 =	sadd.s32 s3, s20;
	s28 =	spop (v2sf);
	(v2sf) =	vpush v5, $0xA  }
0xad: {  	[tilespmem:s31], [sflag:$0x1] =	stream.linear.gather [hbm4b:s20+s1], $0x400, $0x38;
	[tilespmem:$0xCA00] =	vst v63  }
0xae: {  	s22 =	rddreg [dreg:$0x1f];
	s20 =	sand.u32 $0x1FFFFF80, s21  }
0xaf: {  	s24 =	sld [smem:$0x7E7];
	s20 =	sadd.s32 s2, s20  }
0xb0: {  	[tilespmem:s22], [sflag:$0x1] =	stream.linear.gather [hbm4b:s20+s1], $0x400, $0x38;
	[tilespmem:$0xCA00] =	vst v63  }
0xb1: {  	s20 =	sand.u32 $0x1FFFFF80, s23;
	s30 =	spop (v2sf);
	(v2sf) =	vpush v4, $0xA  }
0xb2: {  	s26 =	sld [smem:$0x7E8];
	s20 =	sadd.s32 s3, s20  }
0xb3: {  	[tilespmem:s24], [sflag:$0x1] =	stream.linear.gather [hbm4b:s20+s1], $0x400, $0x38;
	[tilespmem:$0xCA00] =	vst v63  }
0xb4: {  	s20 =	sand.u32 $0x1FFFFF80, s25  }
0xb5: {  	s20 =	sadd.s32 s3, s20  }
0xb6: {  	[tilespmem:s26], [sflag:$0x1] =	stream.linear.gather [hbm4b:s20+s1], $0x400, $0x38;
	[tilespmem:$0xCA00] =	vst v63  }
0xb7: {  	s29 =	sld [smem:$0x7E9];
	s21 =	spop (v2sf);
	(v2sf) =	vpush v6, $0xB  }
0xb8: {  	s20 =	sand.u32 $0x1FFFFF80, s28  }
0xb9: {  	s20 =	sadd.s32 s2, s20;
	s23 =	spop (v2sf);
	(v2sf) =	vpush v5, $0xB  }
0xba: {  	[tilespmem:s29], [sflag:$0x1] =	stream.linear.gather [hbm4b:s20+s1], $0x400, $0x38;
	[tilespmem:$0xCA00] =	vst v63  }
0xbb: {  	s31 =	sld [smem:$0x7EA];
	s25 =	spop (v2sf);
	(v2sf) =	vpush v4, $0xB  }
0xbc: {  	s20 =	sand.u32 $0x1FFFFF80, s30  }
0xbd: {  	s22 =	sld [smem:$0x7EB];
	s20 =	sadd.s32 s3, s20  }
0xbe: {  	[tilespmem:s31], [sflag:$0x1] =	stream.linear.gather [hbm4b:s20+s1], $0x400, $0x38;
	[tilespmem:$0xCA00] =	vst v63  }
0xbf: {  	s20 =	sand.u32 $0x1FFFFF80, s21  }
0xc0: {  	s24 =	sld [smem:$0x7EC];
	s20 =	sadd.s32 s3, s20;
	s28 =	spop (v2sf);
	(v2sf) =	vpush v6, $0xC  }
0xc1: {  	[tilespmem:s22], [sflag:$0x1] =	stream.linear.gather [hbm4b:s20+s1], $0x400, $0x38;
	[tilespmem:$0xCA00] =	vst v63  }
0xc2: {  	s20 =	sand.u32 $0x1FFFFF80, s23  }
0xc3: {  	s26 =	sld [smem:$0x7ED];
	s20 =	sadd.s32 s2, s20  }
0xc4: {  	[tilespmem:s24], [sflag:$0x1] =	stream.linear.gather [hbm4b:s20+s1], $0x400, $0x38;
	[tilespmem:$0xCA00] =	vst v63  }
0xc5: {  	s20 =	sand.u32 $0x1FFFFF80, s25  }
0xc6: {  	s20 =	sadd.s32 s3, s20;
	s30 =	spop (v2sf);
	(v2sf) =	vpush v5, $0xC  }
0xc7: {  	[tilespmem:s26], [sflag:$0x1] =	stream.linear.gather [hbm4b:s20+s1], $0x400, $0x38;
	[tilespmem:$0xCA00] =	vst v63  }
0xc8: {  	s29 =	sld [smem:$0x7EE];
	s21 =	spop (v2sf);
	(v2sf) =	vpush v4, $0xC  }
0xc9: {  	s20 =	sand.u32 $0x1FFFFF80, s28  }
0xca: {  	s31 =	sld [smem:$0x7EF];
	s20 =	sadd.s32 s3, s20;
	s23 =	spop (v2sf);
	(v2sf) =	vpush v6, $0xD  }
0xcb: {  	[tilespmem:s29], [sflag:$0x1] =	stream.linear.gather [hbm4b:s20+s1], $0x400, $0x38;
	[tilespmem:$0xCA00] =	vst v63  }
0xcc: {  	s20 =	sand.u32 $0x1FFFFF80, s30  }
0xcd: {  	s22 =	sld [smem:$0x7F0];
	s20 =	sadd.s32 s2, s20  }
0xce: {  	[tilespmem:s31], [sflag:$0x1] =	stream.linear.gather [hbm4b:s20+s1], $0x400, $0x38;
	[tilespmem:$0xCA00] =	vst v63  }
0xcf: {  	s20 =	sand.u32 $0x1FFFFF80, s21;
	s25 =	spop (v2sf);
	(v2sf) =	vpush v5, $0xD  }
0xd0: {  	s24 =	sld [smem:$0x7F1];
	s20 =	sadd.s32 s3, s20  }
0xd1: {  	[tilespmem:s22], [sflag:$0x1] =	stream.linear.gather [hbm4b:s20+s1], $0x400, $0x38;
	[tilespmem:$0xCA00] =	vst v63  }
0xd2: {  	s20 =	sand.u32 $0x1FFFFF80, s23  }
0xd3: {  	s20 =	sadd.s32 s3, s20  }
0xd4: {  	[tilespmem:s24], [sflag:$0x1] =	stream.linear.gather [hbm4b:s20+s1], $0x400, $0x38;
	[tilespmem:$0xCA00] =	vst v63  }
0xd5: {  	s26 =	sld [smem:$0x7F2];
	s28 =	spop (v2sf);
	(v2sf) =	vpush v4, $0xD  }
0xd6: {  	s20 =	sand.u32 $0x1FFFFF80, s25  }
0xd7: {  	s20 =	sadd.s32 s2, s20;
	s30 =	spop (v2sf);
	(v2sf) =	vpush v6, $0xE  }
0xd8: {  	[tilespmem:s26], [sflag:$0x1] =	stream.linear.gather [hbm4b:s20+s1], $0x400, $0x38;
	[tilespmem:$0xCA00] =	vst v63  }
0xd9: {  	s29 =	sld [smem:$0x7F3];
	s21 =	spop (v2sf);
	(v2sf) =	vpush v5, $0xE  }
0xda: {  	s20 =	sand.u32 $0x1FFFFF80, s28  }
0xdb: {  	s31 =	sld [smem:$0x7F4];
	s20 =	sadd.s32 s3, s20  }
0xdc: {  	[tilespmem:s29], [sflag:$0x1] =	stream.linear.gather [hbm4b:s20+s1], $0x400, $0x38;
	[tilespmem:$0xCA00] =	vst v63  }
0xdd: {  	s20 =	sand.u32 $0x1FFFFF80, s30  }
0xde: {  	s22 =	sld [smem:$0x7F5];
	s23 =	spop (v2sf);
	s20 =	sadd.s32 s3, s20  }
0xdf: {  	(v2sf) =	vpush v4, $0xE;
	[tilespmem:s31], [sflag:$0x1] =	stream.linear.gather [hbm4b:s20+s1], $0x400, $0x38;
	[tilespmem:$0xCA00] =	vst v63  }
0xe0: {  	s20 =	sand.u32 $0x1FFFFF80, s21  }
0xe1: {  	s24 =	sld [smem:$0x7F6];
	s20 =	sadd.s32 s2, s20  }
0xe2: {  	[tilespmem:s22], [sflag:$0x1] =	stream.linear.gather [hbm4b:s20+s1], $0x400, $0x38;
	[tilespmem:$0xCA00] =	vst v63  }
0xe3: {  	s20 =	sand.u32 $0x1FFFFF80, s23  }
0xe4: {  	s20 =	sadd.s32 s3, s20;
	s25 =	spop (v2sf);
	(v2sf) =	vpush v6, $0xF  }
0xe5: {  	[tilespmem:s24], [sflag:$0x1] =	stream.linear.gather [hbm4b:s20+s1], $0x400, $0x38;
	[tilespmem:$0xCA00] =	vst v63  }
0xe6: {  	s26 =	sld [smem:$0x7F7];
	s28 =	spop (v2sf);
	(v2sf) =	vpush v5, $0xF  }
0xe7: {  	s20 =	sand.u32 $0x1FFFFF80, s25  }
0xe8: {  	s29 =	sld [smem:$0x7F8];
	s20 =	sadd.s32 s3, s20;
	s30 =	spop (v2sf)  }
0xe9: {  	(v2sf) =	vpush v4, $0xF;
	[tilespmem:s26], [sflag:$0x1] =	stream.linear.gather [hbm4b:s20+s1], $0x400, $0x38;
	[tilespmem:$0xCA00] =	vst v63  }
0xea: {  	s20 =	sand.u32 $0x1FFFFF80, s28  }
0xeb: {  	s31 =	sld [smem:$0x7F9];
	s20 =	sadd.s32 s2, s20  }
0xec: {  	[tilespmem:s29], [sflag:$0x1] =	stream.linear.gather [hbm4b:s20+s1], $0x400, $0x38;
	[tilespmem:$0xCA00] =	vst v63  }
0xed: {  	s20 =	sand.u32 $0x1FFFFF80, s30  }
0xee: {  	s22 =	sld [smem:$0x7FA];
	s21 =	spop (v2sf);
	s20 =	sadd.s32 s3, s20  }
0xef: {  	[tilespmem:s31], [sflag:$0x1] =	stream.linear.gather [hbm4b:s20+s1], $0x400, $0x38;
	[tilespmem:$0xCA00] =	vst v63  }
0xf0: {  	s20 =	sand.u32 $0x1FFFFF80, s21  }
0xf1: {  	s20 =	sadd.s32 s3, s20  }
0xf2: {  	[tilespmem:s22], [sflag:$0x1] =	stream.linear.gather [hbm4b:s20+s1], $0x400, $0x38;
	[tilespmem:$0xCA00] =	vst v63  }
0xf3: {  	s24 =	sld [smem:$0x7FB];
	s23 =	spop (v2sf)  }
0xf4: {  	s20 =	sand.u32 $0x1FFFFF80, s23  }
0xf5: {  	s26 =	sld [smem:$0x7FC];
	s25 =	spop (v2sf);
	s20 =	sadd.s32 s2, s20  }
0xf6: {  	[tilespmem:s24], [sflag:$0x1] =	stream.linear.gather [hbm4b:s20+s1], $0x400, $0x38;
	[tilespmem:$0xCA00] =	vst v63  }
0xf7: {  	s20 =	sand.u32 $0x1FFFFF80, s25  }
0xf8: {  	s29 =	sld [smem:$0x7FD];
	s28 =	spop (v2sf);
	s20 =	sadd.s32 s3, s20  }
0xf9: {  	[tilespmem:s26], [sflag:$0x1] =	stream.linear.gather [hbm4b:s20+s1], $0x400, $0x38;
	[tilespmem:$0xCA00] =	vst v63  }
0xfa: {  	s20 =	sand.u32 $0x1FFFFF80, s28  }
0xfb: {  	s20 =	sadd.s32 s3, s20  }
0xfc: {  	[tilespmem:s29], [sflag:$0x1] =	stream.linear.gather [hbm4b:s20+s1], $0x400, $0x38;
	[tilespmem:$0xCA00] =	vst v63  }
0xfd: {  	_ =	swait.ge [sflag:s14], $0x400  }
0xfe: {  	[sflag:s14] =	ssyncset.done $0x0  }
0xff: {  	[sflag:s14] =	ssyncadd.s32 $0xFFFFFC00  }
0x100: {  	_ =	swait.ge [sflag:s14], $0x400  }
0x101: {  	[sflag:s14] =	ssyncset.done $0x0  }
0x102: {  	[sflag:s14] =	ssyncadd.s32 $0xFFFFFC00  }
0x103: {  	_ =	swait.ge [sflag:s14], $0x400  }
0x104: {  	[sflag:s14] =	ssyncset.done $0x0  }
0x105: {  	[sflag:s14] =	ssyncadd.s32 $0xFFFFFC00  }
0x106: {  	_ =	swait.ge [sflag:s14], $0x400  }
0x107: {  	[sflag:s14] =	ssyncset.done $0x0  }
0x108: {  	[sflag:s14] =	ssyncadd.s32 $0xFFFFFC00  }
0x109: {  	_ =	swait.ge [sflag:s14], $0x400  }
0x10a: {  	[sflag:s14] =	ssyncset.done $0x0  }
0x10b: {  	[sflag:s14] =	ssyncadd.s32 $0xFFFFFC00  }
0x10c: {  	_ =	swait.ge [sflag:s14], $0x400  }
0x10d: {  	[sflag:s14] =	ssyncset.done $0x0  }
0x10e: {  	[sflag:s14] =	ssyncadd.s32 $0xFFFFFC00  }
0x10f: {  	_ =	swait.ge [sflag:s14], $0x400  }
0x110: {  	[sflag:s14] =	ssyncset.done $0x0  }
0x111: {  	[sflag:s14] =	ssyncadd.s32 $0xFFFFFC00  }
0x112: {  	_ =	swait.ge [sflag:s14], $0x400  }
0x113: {  	[sflag:s14] =	ssyncset.done $0x0  }
0x114: {  	[sflag:s14] =	ssyncadd.s32 $0xFFFFFC00  }
0x115: {  	_ =	swait.ge [sflag:s14], $0x400  }
0x116: {  	[sflag:s14] =	ssyncset.done $0x0  }
0x117: {  	[sflag:s14] =	ssyncadd.s32 $0xFFFFFC00  }
0x118: {  	_ =	swait.ge [sflag:s14], $0x400  }
0x119: {  	[sflag:s14] =	ssyncset.done $0x0  }
0x11a: {  	[sflag:s14] =	ssyncadd.s32 $0xFFFFFC00  }
0x11b: {  	_ =	swait.ge [sflag:s14], $0x400  }
0x11c: {  	[sflag:s14] =	ssyncset.done $0x0  }
0x11d: {  	[sflag:s14] =	ssyncadd.s32 $0xFFFFFC00  }
0x11e: {  	_ =	swait.ge [sflag:s14], $0x400  }
0x11f: {  	[sflag:s14] =	ssyncset.done $0x0  }
0x120: {  	[sflag:s14] =	ssyncadd.s32 $0xFFFFFC00  }
0x121: {  	_ =	swait.ge [sflag:s14], $0x400  }
0x122: {  	[sflag:s14] =	ssyncset.done $0x0  }
0x123: {  	[sflag:s14] =	ssyncadd.s32 $0xFFFFFC00  }
0x124: {  	_ =	swait.ge [sflag:s14], $0x400  }
0x125: {  	[sflag:s14] =	ssyncset.done $0x0  }
0x126: {  	[sflag:s14] =	ssyncadd.s32 $0xFFFFFC00  }
0x127: {  	_ =	swait.ge [sflag:s14], $0x400  }
0x128: {  	[sflag:s14] =	ssyncset.done $0x0  }
0x129: {  	[sflag:s14] =	ssyncadd.s32 $0xFFFFFC00  }
0x12a: {  	_ =	swait.ge [sflag:s14], $0x400  }
0x12b: {  	[sflag:s14] =	ssyncset.done $0x0  }
0x12c: {  	[sflag:s14] =	ssyncadd.s32 $0xFFFFFC00  }
0x12d: {  	_ =	swait.ge [sflag:s14], $0x400  }
0x12e: {  	[sflag:s14] =	ssyncset.done $0x0  }
0x12f: {  	[sflag:s14] =	ssyncadd.s32 $0xFFFFFC00  }
0x130: {  	_ =	swait.ge [sflag:s14], $0x400  }
0x131: {  	[sflag:s14] =	ssyncset.done $0x0  }
0x132: {  	[sflag:s14] =	ssyncadd.s32 $0xFFFFFC00  }
0x133: {  	_ =	swait.ge [sflag:s14], $0x400  }
0x134: {  	[sflag:s14] =	ssyncset.done $0x0  }
0x135: {  	[sflag:s14] =	ssyncadd.s32 $0xFFFFFC00  }
0x136: {  	_ =	swait.ge [sflag:s14], $0x400  }
0x137: {  	[sflag:s14] =	ssyncset.done $0x0  }
0x138: {  	[sflag:s14] =	ssyncadd.s32 $0xFFFFFC00  }
0x139: {  	_ =	swait.ge [sflag:s14], $0x400  }
0x13a: {  	[sflag:s14] =	ssyncset.done $0x0  }
0x13b: {  	[sflag:s14] =	ssyncadd.s32 $0xFFFFFC00  }
0x13c: {  	_ =	swait.ge [sflag:s14], $0x400  }
0x13d: {  	[sflag:s14] =	ssyncset.done $0x0  }
0x13e: {  	[sflag:s14] =	ssyncadd.s32 $0xFFFFFC00  }
0x13f: {  	_ =	swait.ge [sflag:s14], $0x400  }
0x140: {  	[sflag:s14] =	ssyncset.done $0x0  }
0x141: {  	[sflag:s14] =	ssyncadd.s32 $0xFFFFFC00  }
0x142: {  	_ =	swait.ge [sflag:s14], $0x400  }
0x143: {  	[sflag:s14] =	ssyncset.done $0x0  }
0x144: {  	[sflag:s14] =	ssyncadd.s32 $0xFFFFFC00  }
0x145: {  	_ =	swait.ge [sflag:s14], $0x400  }
0x146: {  	[sflag:s14] =	ssyncset.done $0x0  }
0x147: {  	[sflag:s14] =	ssyncadd.s32 $0xFFFFFC00  }
0x148: {  	_ =	swait.ge [sflag:s14], $0x400  }
0x149: {  	[sflag:s14] =	ssyncset.done $0x0  }
0x14a: {  	[sflag:s14] =	ssyncadd.s32 $0xFFFFFC00  }
0x14b: {  	_ =	swait.ge [sflag:s14], $0x400  }
0x14c: {  	[sflag:s14] =	ssyncset.done $0x0  }
0x14d: {  	[sflag:s14] =	ssyncadd.s32 $0xFFFFFC00  }
0x14e: {  	_ =	swait.ge [sflag:s14], $0x400  }
0x14f: {  	[sflag:s14] =	ssyncset.done $0x0  }
0x150: {  	[sflag:s14] =	ssyncadd.s32 $0xFFFFFC00  }
0x151: {  	_ =	swait.ge [sflag:s14], $0x400  }
0x152: {  	[sflag:s14] =	ssyncset.done $0x0  }
0x153: {  	[sflag:s14] =	ssyncadd.s32 $0xFFFFFC00  }
0x154: {  	_ =	swait.ge [sflag:s14], $0x400  }
0x155: {  	[sflag:s14] =	ssyncset.done $0x0  }
0x156: {  	[sflag:s14] =	ssyncadd.s32 $0xFFFFFC00  }
0x157: {  	_ =	swait.ge [sflag:s14], $0x400  }
0x158: {  	[sflag:s14] =	ssyncset.done $0x0  }
0x159: {  	[sflag:s14] =	ssyncadd.s32 $0xFFFFFC00  }
0x15a: {  	_ =	swait.ge [sflag:s14], $0x400  }
0x15b: {  	[sflag:s14] =	ssyncset.done $0x0  }
0x15c: {  	[sflag:s14] =	ssyncadd.s32 $0xFFFFFC00  }
0x15d: {  	_ =	swait.ge [sflag:s14], $0x400  }
0x15e: {  	[sflag:s14] =	ssyncset.done $0x0  }
0x15f: {  	[sflag:s14] =	ssyncadd.s32 $0xFFFFFC00  }
0x160: {  	_ =	swait.ge [sflag:s14], $0x400  }
0x161: {  	[sflag:s14] =	ssyncset.done $0x0  }
0x162: {  	[sflag:s14] =	ssyncadd.s32 $0xFFFFFC00  }
0x163: {  	_ =	swait.ge [sflag:s14], $0x400  }
0x164: {  	[sflag:s14] =	ssyncset.done $0x0  }
0x165: {  	[sflag:s14] =	ssyncadd.s32 $0xFFFFFC00  }
0x166: {  	_ =	swait.ge [sflag:s14], $0x400  }
0x167: {  	[sflag:s14] =	ssyncset.done $0x0  }
0x168: {  	[sflag:s14] =	ssyncadd.s32 $0xFFFFFC00  }
0x169: {  	_ =	swait.ge [sflag:s14], $0x400  }
0x16a: {  	[sflag:s14] =	ssyncset.done $0x0  }
0x16b: {  	[sflag:s14] =	ssyncadd.s32 $0xFFFFFC00  }
0x16c: {  	_ =	swait.ge [sflag:s14], $0x400  }
0x16d: {  	[sflag:s14] =	ssyncset.done $0x0  }
0x16e: {  	[sflag:s14] =	ssyncadd.s32 $0xFFFFFC00  }
0x16f: {  	_ =	swait.ge [sflag:s14], $0x400  }
0x170: {  	[sflag:s14] =	ssyncset.done $0x0  }
0x171: {  	[sflag:s14] =	ssyncadd.s32 $0xFFFFFC00  }
0x172: {  	_ =	swait.ge [sflag:s14], $0x400  }
0x173: {  	[sflag:s14] =	ssyncset.done $0x0  }
0x174: {  	[sflag:s14] =	ssyncadd.s32 $0xFFFFFC00  }
0x175: {  	_ =	swait.ge [sflag:s14], $0x400  }
0x176: {  	[sflag:s14] =	ssyncset.done $0x0  }
0x177: {  	[sflag:s14] =	ssyncadd.s32 $0xFFFFFC00  }
0x178: {  	_ =	swait.ge [sflag:s14], $0x400  }
0x179: {  	[sflag:s14] =	ssyncset.done $0x0  }
0x17a: {  	[sflag:s14] =	ssyncadd.s32 $0xFFFFFC00  }
0x17b: {  	_ =	swait.ge [sflag:s14], $0x400  }
0x17c: {  	[sflag:s14] =	ssyncset.done $0x0  }
0x17d: {  	[sflag:s14] =	ssyncadd.s32 $0xFFFFFC00  }
0x17e: {  	_ =	swait.ge [sflag:s14], $0x400  }
0x17f: {  	[sflag:s14] =	ssyncset.done $0x0  }
0x180: {  	[sflag:s14] =	ssyncadd.s32 $0xFFFFFC00  }
0x181: {  	_ =	swait.ge [sflag:s14], $0x400  }
0x182: {  	[sflag:s14] =	ssyncset.done $0x0  }
0x183: {  	[sflag:s14] =	ssyncadd.s32 $0xFFFFFC00  }
0x184: {  	_ =	swait.ge [sflag:s14], $0x400  }
0x185: {  	[sflag:s14] =	ssyncset.done $0x0  }
0x186: {  	[sflag:s14] =	ssyncadd.s32 $0xFFFFFC00  }
0x187: {  	_ =	swait.ge [sflag:s14], $0x400  }
0x188: {  	[sflag:s14] =	ssyncset.done $0x0  }
0x189: {  	[sflag:s14] =	ssyncadd.s32 $0xFFFFFC00  }
0x18a: {  	_ =	swait.ge [sflag:s14], $0x400  }
0x18b: {  	[sflag:s14] =	ssyncset.done $0x0  }
0x18c: {  	[sflag:s14] =	ssyncadd.s32 $0xFFFFFC00  }
0x18d: {  	v4 =	vld [tilespmem:s19+$0x0];
	_ =	sdelay $0x4  }
0x18e: {  	v4 =	vand.u32 $0x7, v4  }
0x18f: {  	v6 =	vshll.u32 v4, $0x7  }
0x190: {  	(v2sf) =	vpush v6, $0x1  }
0x191: {  	v5 =	vld [tilespmem:s19+$0x200];
	_ =	sdelay $0x2  }
0x192: {  	(v2sf) =	vpush v6, $0x0;
	_ =	sdelay $0x1  }
0x193: {  	v4 =	vand.u32 $0x7, v5  }
0x194: {  	v5 =	vshll.u32 v4, $0x7  }
0x195: {  	(v2sf) =	vpush v5, $0x1  }
0x196: {  	v7 =	vld [tilespmem:s19+$0x400];
	_ =	sdelay $0x2  }
0x197: {  	(v2sf) =	vpush v5, $0x0;
	_ =	sdelay $0x1  }
0x198: {  	v4 =	vand.u32 $0x7, v7  }
0x199: {  	v4 =	vshll.u32 v4, $0x7;
	s30 =	spop (v2sf)  }
0x19a: {  	(v2sf) =	vpush v4, $0x1;
	v19 =	vld [tilespmem:s30+$0xA00]  }
0x19b: {  	v22 =	vld [tilespmem:s30+$0xA10]  }
0x19c: {  	v24 =	vld [tilespmem:s30+$0xA20]  }
0x19d: {  	(v2sf) =	vpush v4, $0x0;
	s31 =	spop (v2sf);
	v53 =	vld [tilespmem:s30+$0xA30]  }
0x19e: {  	v47 =	vld [tilespmem:s31+$0x600]  }
0x19f: {  	v10 =	vld [tilespmem:s31+$0x610]  }
0x1a0: {  	v13 =	vld [tilespmem:s31+$0x620]  }
0x1a1: {  	s22 =	spop (v2sf);
	v16 =	vld [tilespmem:s31+$0x630]  }
0x1a2: {  	(v2sf) =	vpush v6, $0x3;
	v20 =	vld [tilespmem:s22+$0x4A00]  }
0x1a3: {  	v23 =	vld [tilespmem:s22+$0x4A10]  }
0x1a4: {  	v51 =	vld [tilespmem:s22+$0x4A20]  }
0x1a5: {  	(v2sf) =	vpush v6, $0x2;
	s23 =	spop (v2sf);
	v54 =	vld [tilespmem:s22+$0x4A30]  }
0x1a6: {  	v8 =	vld [tilespmem:s23+$0x4600]  }
0x1a7: {  	v11 =	vld [tilespmem:s23+$0x4610]  }
0x1a8: {  	v14 =	vld [tilespmem:s23+$0x4620]  }
0x1a9: {  	(v2sf) =	vpush v5, $0x3;
	s24 =	spop (v2sf);
	v17 =	vld [tilespmem:s23+$0x4630]  }
0x1aa: {  	v21 =	vld [tilespmem:s24+$0x8A00]  }
0x1ab: {  	v49 =	vld [tilespmem:s24+$0x8A10]  }
0x1ac: {  	(v2sf) =	vpush v5, $0x2;
	s25 =	spop (v2sf);
	v52 =	vld [tilespmem:s24+$0x8A20]  }
0x1ad: {  	v9 =	vld [tilespmem:s25+$0x8600]  }
0x1ae: {  	v57 =	vld [tilespmem:s24+$0x8A30]  }
0x1af: {  	v12 =	vld [tilespmem:s25+$0x8610];
	v8 =	vmul.f32 v8, v47  }
0x1b0: {  	v15 =	vld [tilespmem:s25+$0x8620]  }
0x1b1: {  	(v2sf) =	vpush v4, $0x3;
	v18 =	vld [tilespmem:s25+$0x8630];
	v11 =	vmul.f32 v11, v10;
	v8 =	vadd.f32 $0.0e+00, v8;
	s23 =	spop (v2sf)  }
0x1b2: {  	v7 =	vmul.f32 v9, v47;
	v47 =	vld [tilespmem:s23+$0x1200]  }
0x1b3: {  	v60 =	vmul.f32 v20, v19;
	v8 =	vadd.f32 v11, v8;
	v11 =	vmul.f32 v51, v24;
	v51 =	vld [tilespmem:s23+$0x1210]  }
0x1b4: {  	(v2sf) =	vpush v4, $0x2;
	v10 =	vmul.f32 v12, v10;
	v12 =	vmul.f32 v54, v53;
	s28 =	spop (v2sf);
	v54 =	vld [tilespmem:s23+$0x1220]  }
0x1b5: {  	v23 =	vmul.f32 v23, v22;
	v48 =	vmul.f32 v14, v13;
	v25 =	vld [tilespmem:s28+$0xE00]  }
0x1b6: {  	v50 =	vmul.f32 v17, v16;
	v58 =	vmul.f32 v18, v16;
	v16 =	vadd.f32 $0.0e+00, v60;
	v63 =	vld [tilespmem:s28+$0xE10]  }
0x1b7: {  	v7 =	vadd.f32 $0.0e+00, v7;
	v37 =	vld [tilespmem:s28+$0xE20]  }
0x1b8: {  	v38 =	vmul.f32 v21, v19;
	v16 =	vadd.f32 v23, v16;
	v8 =	vadd.f32 v48, v8;
	s29 =	spop (v2sf);
	v41 =	vld [tilespmem:s28+$0xE30]  }
0x1b9: {  	v55 =	vmul.f32 v15, v13;
	v7 =	vadd.f32 v10, v7;
	(v2sf) =	vpush v6, $0x5;
	v48 =	vld [tilespmem:s29+$0x5200]  }
0x1ba: {  	v11 =	vadd.f32 v11, v16;
	v10 =	vadd.f32 $0.0e+00, v38;
	v30 =	vld [tilespmem:s29+$0x5210]  }
0x1bb: {  	v14 =	vmul.f32 v49, v22;
	(v2sf) =	vpush v6, $0x4;
	v7 =	vadd.f32 v55, v7;
	s30 =	spop (v2sf);
	v55 =	vld [tilespmem:s29+$0x5220]  }
0x1bc: {  	v8 =	vadd.f32 v50, v8;
	v11 =	vadd.f32 v12, v11;
	v59 =	vld [tilespmem:s30+$0x4E00]  }
0x1bd: {  	v44 =	vmul.f32 v52, v24;
	v10 =	vadd.f32 v14, v10;
	v26 =	vld [tilespmem:s30+$0x4E10]  }
0x1be: {  	(v2sf) =	vpush v5, $0x5;
	v56 =	vperm.xlane v8, v0;
	v39 =	vld [tilespmem:s30+$0x4E20];
	v46 =	vperm.xlane v11, v0  }
0x1bf: {  	v9 =	vmul.f32 v57, v53;
	v7 =	vadd.f32 v58, v7;
	v43 =	vld [tilespmem:s30+$0x4E30];
	v10 =	vadd.f32 v44, v10  }
0x1c0: {  	s31 =	spop (v2sf);
	v58 =	vld [tilespmem:s23+$0x1230];
	v8 =	vadd.f32 v56, v8;
	v11 =	vadd.f32 v46, v11  }
0x1c1: {  	v49 =	vld [tilespmem:s31+$0x9200];
	v36 =	vperm.xlane v7, v0;
	v9 =	vadd.f32 v9, v10  }
0x1c2: {  	(v2sf) =	vpush v5, $0x4;
	v53 =	vld [tilespmem:s31+$0x9210];
	v62 =	vperm.xlane v8, v1;
	v29 =	vperm.xlane v11, v1  }
0x1c3: {  	s26 =	spop (v2sf);
	v57 =	vld [tilespmem:s31+$0x9220];
	v7 =	vadd.f32 v36, v7;
	v52 =	vperm.xlane v9, v0;
	v14 =	vmul.f32 v48, v47  }
0x1c4: {  	(v2sf) =	vpush v4, $0x5;
	v61 =	vld [tilespmem:s26+$0x8E00];
	v38 =	vmul.f32 v30, v51;
	v13 =	vmul.f32 v59, v25  }
0x1c5: {  	(v2sf) =	vpush v4, $0x4;
	v27 =	vld [tilespmem:s26+$0x8E10];
	v26 =	vmul.f32 v26, v63;
	v28 =	vperm.xlane v7, v1  }
0x1c6: {  	v45 =	vld [tilespmem:s26+$0x8E30];
	v19 =	vmul.f32 v39, v37;
	v8 =	vadd.f32 v62, v8;
	v13 =	vadd.f32 $0.0e+00, v13  }
0x1c7: {  	v60 =	vld [tilespmem:s31+$0x9230];
	v12 =	vmul.f32 v43, v41;
	v11 =	vadd.f32 v29, v11;
	v7 =	vadd.f32 v28, v7  }
0x1c8: {  	v40 =	vld [tilespmem:s26+$0x8E20];
	v9 =	vadd.f32 v52, v9;
	v15 =	vmul.f32 v49, v47;
	v13 =	vadd.f32 v26, v13  }
0x1c9: {  	v59 =	vld [tilespmem:s29+$0x5230];
	v14 =	vadd.f32 $0.0e+00, v14;
	v10 =	vmul.f32 v53, v51;
	v28 =	vperm.xlane v7, v2;
	s21 =	spop (v2sf)  }
0x1ca: {  	v18 =	vmul.f32 v61, v25;
	v20 =	vmul.f32 v27, v63;
	v13 =	vadd.f32 v19, v13;
	v30 =	vld [tilespmem:s21+$0x1A10]  }
0x1cb: {  	v17 =	vmul.f32 v45, v41;
	v42 =	vperm.xlane v8, v2;
	v7 =	vadd.f32 v28, v7;
	s28 =	spop (v2sf);
	v28 =	vld [tilespmem:s21+$0x1A30]  }
0x1cc: {  	v56 =	vperm.xlane v11, v2;
	v15 =	vadd.f32 $0.0e+00, v15;
	v12 =	vadd.f32 v12, v13;
	v13 =	vld [tilespmem:s28+$0x1600]  }
0x1cd: {  	v32 =	vperm.xlane v9, v1;
	v14 =	vadd.f32 v38, v14;
	v18 =	vadd.f32 $0.0e+00, v18;
	v22 =	vld [tilespmem:s28+$0x1620]  }
0x1ce: {  	v41 =	vmul.f32 v55, v54;
	v8 =	vadd.f32 v42, v8;
	v11 =	vadd.f32 v56, v11;
	s29 =	spop (v2sf);
	v29 =	vld [tilespmem:s28+$0x1630]  }
0x1cf: {  	v16 =	vmul.f32 v40, v37;
	v9 =	vadd.f32 v32, v9;
	v18 =	vadd.f32 v20, v18;
	v51 =	vld [tilespmem:s29+$0x5A00]  }
0x1d0: {  	v26 =	vmul.f32 v57, v54;
	v10 =	vadd.f32 v10, v15;
	v14 =	vadd.f32 v41, v14;
	v57 =	vld [tilespmem:s29+$0x5A10]  }
0x1d1: {  	v48 =	vmul.f32 v60, v58;
	(v2sf) =	vpush v6, $0x7;
	v16 =	vadd.f32 v16, v18;
	s30 =	spop (v2sf);
	v34 =	vld [tilespmem:s29+$0x5A20]  }
0x1d2: {  	v19 =	vmul.f32 v59, v58;
	v50 =	vperm.xlane v8, v3;
	(v2sf) =	vpush v6, $0x6;
	v63 =	vld [tilespmem:s30+$0x5600]  }
0x1d3: {  	v61 =	vperm.xlane v11, v3;
	v10 =	vadd.f32 v26, v10;
	v16 =	vadd.f32 v17, v16;
	v17 =	vld [tilespmem:s28+$0x1610]  }
0x1d4: {  	v62 =	vperm.xlane v9, v2;
	(v2sf) =	vpush v5, $0x7;
	v14 =	vadd.f32 v19, v14;
	v39 =	vld [tilespmem:s30+$0x5610]  }
0x1d5: {  	v8 =	vadd.f32 v50, v8;
	v31 =	vperm.xlane v7, v3;
	v11 =	vadd.f32 v61, v11;
	v42 =	vld [tilespmem:s30+$0x5620]  }
0x1d6: {  	v9 =	vadd.f32 v62, v9;
	(v2sf) =	vpush v5, $0x6;
	s31 =	spop (v2sf);
	v36 =	vperm.xlane v12, v0;
	v47 =	vld [tilespmem:s30+$0x5630]  }
0x1d7: {  	v10 =	vadd.f32 v48, v10;
	(v2sf) =	vpush v4, $0x7;
	v50 =	vperm.xlane v14, v0;
	v27 =	vld [tilespmem:s31+$0x9A00]  }
0x1d8: {  	v7 =	vadd.f32 v31, v7;
	v43 =	vperm.xlane v9, v3;
	v19 =	vld [tilespmem:s31+$0x9A10];
	v12 =	vadd.f32 v36, v12  }
0x1d9: {  	s26 =	spop (v2sf);
	(v2sf) =	vpush v4, $0x6;
	v54 =	vperm.xlane v10, v0;
	v31 =	vld [tilespmem:s31+$0x9A20];
	v14 =	vadd.f32 v50, v14  }
0x1da: {  	v8 =	vsel vm0, v8, v11;
	v37 =	vld [tilespmem:s26+$0x9600];
	v46 =	vperm.xlane v16, v0;
	v45 =	vperm.xlane v12, v1  }
0x1db: {  	v40 =	vld [tilespmem:s26+$0x9610];
	v10 =	vadd.f32 v54, v10;
	v58 =	vperm.xlane v14, v1;
	v24 =	vmul.f32 v57, v30  }
0x1dc: {  	v44 =	vld [tilespmem:s26+$0x9620];
	v16 =	vadd.f32 v46, v16;
	v18 =	vmul.f32 v63, v13;
	v56 =	vmul.f32 v39, v17  }
0x1dd: {  	v32 =	vld [tilespmem:s31+$0x9A30];
	v9 =	vadd.f32 v43, v9;
	v15 =	vmul.f32 v42, v22;
	v60 =	vperm.xlane v10, v1  }
0x1de: {  	v20 =	vld [tilespmem:s26+$0x9630];
	v61 =	vmul.f32 v47, v29;
	v49 =	vadd.f32 v45, v12;
	v53 =	vperm.xlane v16, v1  }
0x1df: {  	v36 =	vld [tilespmem:s29+$0x5A30];
	v14 =	vadd.f32 v58, v14;
	v19 =	vmul.f32 v19, v30;
	v55 =	vadd.f32 $0.0e+00, v18  }
0x1e0: {  	v12 =	vld [tilespmem:s21+$0x1A00];
	v63 =	vmul.f32 v37, v13;
	v17 =	vmul.f32 v40, v17;
	v16 =	vadd.f32 v53, v16  }
0x1e1: {  	v18 =	vld [tilespmem:s21+$0x1A20];
	v10 =	vadd.f32 v60, v10;
	v42 =	vmul.f32 v44, v22;
	v52 =	vperm.xlane v49, v2;
	s20 =	spop (v2sf)  }
0x1e2: {  	v7 =	vsel vm0, v7, v9;
	v62 =	vperm.xlane v14, v2;
	v33 =	vperm.xlane v16, v2;
	v25 =	vld [tilespmem:s20+$0x2210]  }
0x1e3: {  	v11 =	vadd.f32 v56, v55;
	v38 =	vperm.xlane v10, v2;
	v9 =	vadd.f32 v52, v49;
	s28 =	spop (v2sf);
	v22 =	vld [tilespmem:s20+$0x2230]  }
0x1e4: {  	v20 =	vmul.f32 v20, v29;
	v14 =	vadd.f32 v62, v14;
	v16 =	vadd.f32 v33, v16;
	v33 =	vld [tilespmem:s28+$0x1E00]  }
0x1e5: {  	v11 =	vadd.f32 v15, v11;
	v10 =	vadd.f32 v38, v10;
	v44 =	vmul.f32 v51, v12;
	v45 =	vld [tilespmem:s28+$0x1E10]  }
0x1e6: {  	(v2sf) =	vpush v6, $0x9;
	v12 =	vmul.f32 v27, v12;
	v59 =	vperm.xlane v9, v3;
	s29 =	spop (v2sf);
	v50 =	vld [tilespmem:s28+$0x1E20]  }
0x1e7: {  	v40 =	vperm.xlane v14, v3;
	(v2sf) =	vpush v6, $0x8;
	v51 =	vmul.f32 v34, v18;
	v55 =	vld [tilespmem:s28+$0x1E30];
	s30 =	spop (v2sf)  }
0x1e8: {  	v18 =	vmul.f32 v31, v18;
	v11 =	vadd.f32 v61, v11;
	(v2sf) =	vpush v5, $0x9;
	v41 =	vld [tilespmem:s30+$0x5E00]  }
0x1e9: {  	v46 =	vperm.xlane v10, v3;
	v12 =	vadd.f32 $0.0e+00, v12;
	v9 =	vadd.f32 v59, v9;
	v48 =	vld [tilespmem:s30+$0x5E10]  }
0x1ea: {  	v37 =	vperm.xlane v16, v3;
	v14 =	vadd.f32 v40, v14;
	(v2sf) =	vpush v5, $0x8;
	v52 =	vld [tilespmem:s30+$0x5E20]  }
0x1eb: {  	v39 =	vperm.xlane v11, v0;
	s31 =	spop (v2sf);
	(v2sf) =	vpush v4, $0x9;
	v35 =	vld [tilespmem:s30+$0x5E30];
	v10 =	vadd.f32 v46, v10  }
0x1ec: {  	v12 =	vadd.f32 v19, v12;
	v19 =	vld [tilespmem:s29+$0x6210];
	v8 =	vsel vm1, v8, v9;
	v9 =	vadd.f32 $0.0e+00, v63  }
0x1ed: {  	v13 =	vmul.f32 v36, v28;
	v15 =	vadd.f32 v37, v16;
	s26 =	spop (v2sf);
	(v2sf) =	vpush v4, $0x8;
	v29 =	vld [tilespmem:s31+$0xA210]  }
0x1ee: {  	v11 =	vadd.f32 v39, v11;
	v43 =	vld [tilespmem:s26+$0x9E00];
	v8 =	vsel vm2, v8, v14;
	v12 =	vadd.f32 v18, v12  }
0x1ef: {  	v49 =	vld [tilespmem:s26+$0x9E10];
	v39 =	vmul.f32 v32, v28;
	v9 =	vadd.f32 v17, v9;
	v7 =	vsel vm1, v7, v15  }
0x1f0: {  	v54 =	vld [tilespmem:s26+$0x9E20];
	v15 =	vadd.f32 $0.0e+00, v44;
	v47 =	vperm.xlane v11, v1;
	v7 =	vsel vm2, v7, v10  }
0x1f1: {  	v57 =	vld [tilespmem:s26+$0x9E30];
	v12 =	vadd.f32 v39, v12;
	v9 =	vadd.f32 v42, v9;
	v60 =	vmul.f32 v41, v33  }
0x1f2: {  	v18 =	vld [tilespmem:s29+$0x6230];
	v15 =	vadd.f32 v24, v15;
	v36 =	vmul.f32 v48, v45;
	v38 =	vmul.f32 v52, v50  }
0x1f3: {  	v40 =	vmul.f32 v35, v55;
	v19 =	vmul.f32 v19, v25;
	v11 =	vadd.f32 v47, v11  }
0x1f4: {  	v31 =	vld [tilespmem:s31+$0xA230];
	v44 =	vperm.xlane v12, v0;
	v25 =	vmul.f32 v29, v25;
	v9 =	vadd.f32 v20, v9  }
0x1f5: {  	v61 =	vld [tilespmem:s29+$0x6200];
	v15 =	vadd.f32 v51, v15;
	v21 =	vmul.f32 v43, v33;
	v16 =	vmul.f32 v49, v45  }
0x1f6: {  	v27 =	vld [tilespmem:s29+$0x6220];
	v63 =	vadd.f32 $0.0e+00, v60;
	v17 =	vmul.f32 v54, v50;
	v14 =	vmul.f32 v57, v55  }
0x1f7: {  	v20 =	vld [tilespmem:s20+$0x2200];
	v18 =	vmul.f32 v18, v22;
	v53 =	vperm.xlane v11, v2;
	v41 =	vadd.f32 $0.0e+00, v21  }
0x1f8: {  	v30 =	vld [tilespmem:s31+$0xA200];
	v12 =	vadd.f32 v44, v12;
	v56 =	vperm.xlane v9, v0;
	v13 =	vadd.f32 v13, v15  }
0x1f9: {  	v28 =	vld [tilespmem:s20+$0x2220];
	v22 =	vmul.f32 v31, v22;
	v11 =	vadd.f32 v53, v11;
	s21 =	spop (v2sf);
	v16 =	vadd.f32 v16, v41  }
0x1fa: {  	v21 =	vld [tilespmem:s31+$0xA220];
	v32 =	vperm.xlane v12, v1;
	v9 =	vadd.f32 v56, v9;
	v59 =	vperm.xlane v13, v0;
	s28 =	spop (v2sf)  }
0x1fb: {  	(v2sf) =	vpush v6, $0xB;
	v58 =	vperm.xlane v11, v3;
	v16 =	vadd.f32 v17, v16;
	v17 =	vld [tilespmem:s28+$0x2600]  }
0x1fc: {  	v12 =	vadd.f32 v32, v12;
	(v2sf) =	vpush v6, $0xA;
	v61 =	vmul.f32 v61, v20;
	v15 =	vld [tilespmem:s28+$0x2610]  }
0x1fd: {  	v20 =	vmul.f32 v30, v20;
	v10 =	vadd.f32 v59, v13;
	v13 =	vadd.f32 v36, v63;
	s29 =	spop (v2sf);
	v56 =	vld [tilespmem:s28+$0x2620]  }
0x1fe: {  	v62 =	vperm.xlane v9, v1;
	(v2sf) =	vpush v5, $0xB;
	s30 =	spop (v2sf);
	v11 =	vadd.f32 v58, v11;
	v44 =	vld [tilespmem:s29+$0x6A00]  }
0x1ff: {  	v55 =	vperm.xlane v12, v2;
	(v2sf) =	vpush v5, $0xA;
	v20 =	vadd.f32 $0.0e+00, v20;
	v47 =	vld [tilespmem:s30+$0x6600]  }
0x200: {  	v21 =	vmul.f32 v21, v28;
	v9 =	vadd.f32 v62, v9;
	v13 =	vadd.f32 v38, v13;
	s31 =	spop (v2sf);
	v52 =	vld [tilespmem:s30+$0x6610]  }
0x201: {  	v37 =	vperm.xlane v10, v1;
	v14 =	vadd.f32 v14, v16;
	v58 =	vld [tilespmem:s30+$0x6620];
	(v2sf) =	vpush v4, $0xB;
	s26 =	spop (v2sf)  }
0x202: {  	v12 =	vadd.f32 v55, v12;
	(v2sf) =	vpush v4, $0xA;
	v42 =	vperm.xlane v9, v2;
	v49 =	vld [tilespmem:s26+$0xA600]  }
0x203: {  	v20 =	vadd.f32 v25, v20;
	v10 =	vadd.f32 v37, v10;
	v51 =	vperm.xlane v14, v0;
	v54 =	vld [tilespmem:s26+$0xA610]  }
0x204: {  	v62 =	vld [tilespmem:s28+$0x2630];
	v8 =	vsel vm3, v8, v11;
	v13 =	vadd.f32 v40, v13;
	v9 =	vadd.f32 v42, v9  }
0x205: {  	v60 =	vld [tilespmem:s26+$0xA620];
	v63 =	vperm.xlane v12, v3;
	v43 =	vperm.xlane v10, v2;
	v14 =	vadd.f32 v51, v14  }
0x206: {  	v55 =	vld [tilespmem:s29+$0x6A20];
	v20 =	vadd.f32 v21, v20;
	v45 =	vperm.xlane v13, v0;
	v46 =	vperm.xlane v9, v3  }
0x207: {  	v40 =	vld [tilespmem:s30+$0x6630];
	v10 =	vadd.f32 v43, v10;
	v59 =	vperm.xlane v14, v1;
	v43 =	vmul.f32 v27, v28  }
0x208: {  	v37 =	vld [tilespmem:s26+$0xA630];
	v13 =	vadd.f32 v45, v13;
	v16 =	vmul.f32 v49, v17;
	v11 =	vmul.f32 v54, v15  }
0x209: {  	v42 =	vld [tilespmem:s21+$0x2A00];
	v12 =	vadd.f32 v63, v12;
	v54 =	vmul.f32 v58, v56;
	v48 =	vperm.xlane v10, v3  }
0x20a: {  	v45 =	vld [tilespmem:s31+$0xAA00];
	v56 =	vmul.f32 v60, v56;
	v9 =	vadd.f32 v46, v9;
	v50 =	vperm.xlane v13, v1  }
0x20b: {  	v51 =	vld [tilespmem:s31+$0xAA10];
	v46 =	vmul.f32 v47, v17;
	v16 =	vadd.f32 $0.0e+00, v16;
	v10 =	vadd.f32 v48, v10  }
0x20c: {  	v58 =	vld [tilespmem:s21+$0x2A30];
	v7 =	vsel vm3, v7, v9;
	v53 =	vadd.f32 v50, v13;
	v13 =	vadd.f32 v59, v14  }
0x20d: {  	v60 =	vld [tilespmem:s29+$0x6A30];
	v49 =	vadd.f32 $0.0e+00, v46;
	v50 =	vmul.f32 v52, v15;
	v14 =	vmul.f32 v40, v62  }
0x20e: {  	v47 =	vld [tilespmem:s21+$0x2A10];
	v59 =	vmul.f32 v37, v62;
	v62 =	vadd.f32 v22, v20;
	v11 =	vadd.f32 v11, v16  }
0x20f: {  	v48 =	vld [tilespmem:s29+$0x6A10];
	s20 =	spop (v2sf);
	v7 =	vsel vm4, v7, v12;
	v39 =	vmul.f32 v45, v42;
	(v2sf) =	vpush v6, $0xD  }
0x210: {  	v52 =	vld [tilespmem:s21+$0x2A20];
	v8 =	vsel vm4, v8, v10;
	v57 =	vperm.xlane v53, v2;
	v10 =	vadd.f32 $0.0e+00, v61  }
0x211: {  	v63 =	vld [tilespmem:s31+$0xAA30];
	v41 =	vperm.xlane v13, v2;
	s28 =	spop (v2sf);
	(v2sf) =	vpush v6, $0xC;
	v11 =	vadd.f32 v56, v11  }
0x212: {  	v34 =	vperm.xlane v62, v0;
	s29 =	spop (v2sf);
	v16 =	vld [tilespmem:s28+$0x2E00];
	(v2sf) =	vpush v5, $0xD;
	v9 =	vadd.f32 v57, v53  }
0x213: {  	v24 =	vmul.f32 v51, v47;
	v25 =	vld [tilespmem:s28+$0x2E20];
	v10 =	vadd.f32 v19, v10;
	v13 =	vadd.f32 v41, v13  }
0x214: {  	v57 =	vld [tilespmem:s31+$0xAA20];
	s30 =	spop (v2sf);
	v41 =	vmul.f32 v60, v58;
	(v2sf) =	vpush v5, $0xC;
	v17 =	vmul.f32 v48, v47  }
0x215: {  	v20 =	vld [tilespmem:s29+$0x7200];
	v11 =	vadd.f32 v59, v11;
	v40 =	vmul.f32 v55, v52;
	v36 =	vperm.xlane v9, v3  }
0x216: {  	s31 =	spop (v2sf);
	v26 =	vld [tilespmem:s30+$0x6E00];
	(v2sf) =	vpush v4, $0xD;
	v10 =	vadd.f32 v43, v10;
	v35 =	vperm.xlane v13, v3  }
0x217: {  	v27 =	vld [tilespmem:s30+$0x6E10];
	s26 =	spop (v2sf);
	(v2sf) =	vpush v4, $0xC;
	v37 =	vperm.xlane v11, v0;
	v9 =	vadd.f32 v36, v9  }
0x218: {  	v23 =	vld [tilespmem:s30+$0x6E20];
	v43 =	vmul.f32 v63, v58;
	v10 =	vadd.f32 v18, v10;
	v18 =	vadd.f32 v50, v49  }
0x219: {  	v19 =	vld [tilespmem:s30+$0x6E30];
	v61 =	vadd.f32 v35, v13;
	v35 =	vmul.f32 v44, v42;
	v11 =	vadd.f32 v37, v11  }
0x21a: {  	v32 =	vld [tilespmem:s31+$0xB200];
	v15 =	vmul.f32 v57, v52;
	v53 =	vperm.xlane v10, v0;
	v18 =	vadd.f32 v54, v18  }
0x21b: {  	v31 =	vld [tilespmem:s31+$0xB210];
	v8 =	vsel vm5, v8, v9;
	v9 =	vadd.f32 v34, v62;
	v38 =	vadd.f32 $0.0e+00, v35  }
0x21c: {  	v22 =	vld [tilespmem:s31+$0xB220];
	v7 =	vsel vm5, v7, v61;
	v46 =	vperm.xlane v11, v1;
	v14 =	vadd.f32 v14, v18  }
0x21d: {  	v28 =	vld [tilespmem:s26+$0xAE00];
	v10 =	vadd.f32 v53, v10;
	v13 =	vadd.f32 v17, v38;
	v42 =	vperm.xlane v9, v1  }
0x21e: {  	v26 =	vmul.f32 v26, v16;
	v18 =	vld [tilespmem:s28+$0x2E10];
	v11 =	vadd.f32 v46, v11;
	v36 =	vperm.xlane v14, v0  }
0x21f: {  	v29 =	vld [tilespmem:s26+$0xAE10];
	v33 =	vperm.xlane v10, v1;
	v13 =	vadd.f32 v40, v13;
	v9 =	vadd.f32 v42, v9  }
0x220: {  	v21 =	vld [tilespmem:s26+$0xAE20];
	v52 =	vperm.xlane v11, v2;
	v12 =	vadd.f32 v36, v14;
	v14 =	vadd.f32 $0.0e+00, v39  }
0x221: {  	v30 =	vld [tilespmem:s26+$0xAE30];
	v13 =	vadd.f32 v41, v13;
	v10 =	vadd.f32 v33, v10;
	v48 =	vperm.xlane v9, v2  }
0x222: {  	v34 =	vld [tilespmem:s20+$0x3210];
	s21 =	spop (v2sf);
	v39 =	vmul.f32 v28, v16;
	v41 =	vadd.f32 $0.0e+00, v26;
	(v2sf) =	vpush v6, $0xF  }
0x223: {  	v17 =	vld [tilespmem:s28+$0x2E30];
	v11 =	vadd.f32 v52, v11;
	s28 =	spop (v2sf);
	v42 =	vmul.f32 v27, v18;
	(v2sf) =	vpush v6, $0xE  }
0x224: {  	v38 =	vld [tilespmem:s29+$0x7220];
	v14 =	vadd.f32 v24, v14;
	v44 =	vperm.xlane v12, v1;
	v9 =	vadd.f32 v48, v9  }
0x225: {  	v33 =	vld [tilespmem:s29+$0x7230];
	v45 =	vperm.xlane v13, v0;
	s22 =	spop (v2sf);
	(v2sf) =	vpush v5, $0xF;
	v46 =	vadd.f32 v42, v41  }
0x226: {  	v47 =	vperm.xlane v10, v2;
	v24 =	vld [tilespmem:s29+$0x7210];
	s29 =	spop (v2sf);
	(v2sf) =	vpush v5, $0xE;
	v14 =	vadd.f32 v15, v14  }
0x227: {  	v35 =	vld [tilespmem:s31+$0xB230];
	v58 =	vperm.xlane v11, v3;
	v12 =	vadd.f32 v44, v12;
	v13 =	vadd.f32 v45, v13  }
0x228: {  	v18 =	vmul.f32 v29, v18;
	v26 =	vld [tilespmem:s21+$0x3A10];
	v10 =	vadd.f32 v47, v10;
	s30 =	spop (v2sf);
	(v2sf) =	vpush v4, $0xF  }
0x229: {  	v48 =	vld [tilespmem:s28+$0x3610];
	v54 =	vperm.xlane v9, v3;
	v61 =	vadd.f32 v58, v11;
	v11 =	vadd.f32 $0.0e+00, v39  }
0x22a: {  	v28 =	vld [tilespmem:s22+$0x7A10];
	s31 =	spop (v2sf);
	(v2sf) =	vpush v4, $0xE;
	v14 =	vadd.f32 v43, v14;
	v50 =	vperm.xlane v12, v2  }
0x22b: {  	v15 =	vld [tilespmem:s20+$0x3200];
	v51 =	vperm.xlane v13, v1;
	v53 =	vperm.xlane v10, v3;
	v9 =	vadd.f32 v54, v9  }
0x22c: {  	v47 =	vmul.f32 v23, v25;
	v16 =	vld [tilespmem:s30+$0xBA10];
	v11 =	vadd.f32 v18, v11;
	v12 =	vadd.f32 v50, v12  }
0x22d: {  	v52 =	vld [tilespmem:s31+$0xB610];
	v49 =	vperm.xlane v14, v0;
	v13 =	vadd.f32 v51, v13;
	v10 =	vadd.f32 v53, v10  }
0x22e: {  	v58 =	vld [tilespmem:s31+$0xB620];
	v7 =	vsel vm6, v7, v9;
	v51 =	vmul.f32 v19, v17;
	v17 =	vmul.f32 v30, v17  }
0x22f: {  	v50 =	vld [tilespmem:s29+$0x7610];
	v28 =	vmul.f32 v28, v26;
	v14 =	vadd.f32 v49, v14;
	v56 =	vperm.xlane v12, v3  }
0x230: {  	v53 =	vld [tilespmem:s28+$0x3620];
	v7 =	vsel vm7, v7, v61;
	v57 =	vperm.xlane v13, v2;
	v49 =	vmul.f32 v21, v25  }
0x231: {  	v36 =	vld [tilespmem:s20+$0x3220];
	v8 =	vsel vm6, v8, v10;
	v16 =	vmul.f32 v16, v26;
	v55 =	vperm.xlane v14, v1  }
0x232: {  	v40 =	vld [tilespmem:s28+$0x3600];
	v39 =	vmul.f32 v52, v48;
	v60 =	vadd.f32 v57, v13;
	v11 =	vadd.f32 v49, v11  }
0x233: {  	v43 =	vld [tilespmem:s29+$0x7600];
	v57 =	vmul.f32 v20, v15;
	v15 =	vmul.f32 v32, v15;
	v14 =	vadd.f32 v55, v14  }
0x234: {  	v45 =	vld [tilespmem:s31+$0xB600];
	v59 =	vadd.f32 v56, v12;
	v21 =	vmul.f32 v50, v48;
	v63 =	vperm.xlane v60, v3  }
0x235: {  	v61 =	vld [tilespmem:s29+$0x7630];
	v12 =	vmul.f32 v58, v53;
	v56 =	vadd.f32 v17, v11;
	v62 =	vperm.xlane v14, v2  }
0x236: {  	v25 =	vld [tilespmem:s21+$0x3A00];
	v8 =	vsel vm7, v8, v59;
	v11 =	vadd.f32 $0.0e+00, v57;
	v10 =	vadd.f32 v63, v60  }
0x237: {  	v59 =	vld [tilespmem:s28+$0x3630];
	v60 =	vmul.f32 v24, v34;
	v30 =	vperm.xlane v56, v0;
	v37 =	vadd.f32 v62, v14  }
0x238: {  	v13 =	vld [tilespmem:s20+$0x3230];
	v8 =	vsel vm8, v8, v10;
	v10 =	vadd.f32 v47, v46;
	v62 =	vmul.f32 v31, v34  }
0x239: {  	v63 =	vld [tilespmem:s31+$0xB630];
	v11 =	vadd.f32 v60, v11;
	v31 =	vmul.f32 v38, v36;
	v34 =	vmul.f32 v22, v36  }
0x23a: {  	v22 =	vld [tilespmem:s22+$0x7A00];
	v36 =	vmul.f32 v43, v40;
	v14 =	vmul.f32 v45, v40;
	v54 =	vadd.f32 v51, v10  }
0x23b: {  	v19 =	vld [tilespmem:s21+$0x3A20];
	v44 =	vperm.xlane v37, v3;
	v10 =	vadd.f32 v30, v56;
	v11 =	vadd.f32 v31, v11  }
0x23c: {  	v55 =	vld [tilespmem:s29+$0x7620];
	s20 =	spop (v2sf);
	v43 =	vmul.f32 v61, v59;
	v20 =	vadd.f32 $0.0e+00, v36;
	v38 =	vadd.f32 $0.0e+00, v14  }
0x23d: {  	v24 =	vld [tilespmem:s30+$0xBA00];
	s26 =	spop (v2sf);
	v9 =	vadd.f32 v44, v37;
	v5 =	vperm.xlane v54, v0;
	v37 =	vmul.f32 v33, v13  }
0x23e: {  	s28 =	spop (v2sf);
	v23 =	vld [tilespmem:s26+$0x3E00];
	v13 =	vmul.f32 v35, v13;
	v40 =	vadd.f32 v21, v20;
	v44 =	vmul.f32 v63, v59  }
0x23f: {  	v18 =	vld [tilespmem:s26+$0x3E10];
	s29 =	spop (v2sf);
	v45 =	vperm.xlane v10, v1;
	v36 =	vmul.f32 v22, v25;
	v4 =	vadd.f32 v5, v54  }
0x240: {  	v50 =	vld [tilespmem:s29+$0x7E00];
	v6 =	vsel vm8, v7, v9;
	v5 =	vadd.f32 $0.0e+00, v15;
	v7 =	vadd.f32 v37, v11  }
0x241: {  	v14 =	vld [tilespmem:s22+$0x7A20];
	v9 =	vmul.f32 v55, v53;
	v11 =	vadd.f32 v39, v38;
	v10 =	vadd.f32 v45, v10  }
0x242: {  	v55 =	vld [tilespmem:s29+$0x7E10];
	v39 =	vmul.f32 v24, v25;
	v5 =	vadd.f32 v62, v5;
	v41 =	vperm.xlane v7, v0  }
0x243: {  	v32 =	vperm.xlane v4, v1;
	v9 =	vadd.f32 v9, v40;
	v11 =	vadd.f32 v12, v11  }
0x244: {  	v21 =	vld [tilespmem:s30+$0xBA20];
	v51 =	vperm.xlane v10, v2;
	v5 =	vadd.f32 v34, v5;
	v7 =	vadd.f32 v41, v7  }
0x245: {  	v50 =	vmul.f32 v50, v23;
	v12 =	vld [tilespmem:s30+$0xBA30];
	s30 =	spop (v2sf);
	v9 =	vadd.f32 v43, v9;
	v4 =	vadd.f32 v32, v4  }
0x246: {  	v15 =	vld [tilespmem:s21+$0x3A30];
	v14 =	vmul.f32 v14, v19;
	s31 =	spop (v2sf);
	v11 =	vadd.f32 v44, v11;
	v10 =	vadd.f32 v51, v10  }
0x247: {  	v33 =	vld [tilespmem:s31+$0xBE10];
	v43 =	vadd.f32 $0.0e+00, v39;
	v55 =	vmul.f32 v55, v18;
	v46 =	vperm.xlane v7, v1  }
0x248: {  	v45 =	vld [tilespmem:s20+$0x4210];
	v5 =	vadd.f32 v13, v5;
	v48 =	vperm.xlane v9, v0;
	v27 =	vperm.xlane v4, v2  }
0x249: {  	v35 =	vld [tilespmem:s31+$0xBE20];
	v49 =	vperm.xlane v11, v0;
	v58 =	vperm.xlane v10, v3;
	v7 =	vadd.f32 v46, v7  }
0x24a: {  	v13 =	vld [tilespmem:s22+$0x7A30];
	v42 =	vperm.xlane v5, v0;
	v9 =	vadd.f32 v48, v9;
	v4 =	vadd.f32 v27, v4  }
0x24b: {  	v12 =	vmul.f32 v12, v15;
	v11 =	vadd.f32 v49, v11;
	v27 =	vld [tilespmem:s26+$0x3E20];
	v10 =	vadd.f32 v58, v10  }
0x24c: {  	v48 =	vld [tilespmem:s28+$0x8210];
	v58 =	vmul.f32 v33, v18;
	v5 =	vadd.f32 v42, v5;
	v52 =	vperm.xlane v7, v2  }
0x24d: {  	v54 =	vperm.xlane v9, v1;
	v56 =	vperm.xlane v4, v3  }
0x24e: {  	v30 =	vld [tilespmem:s26+$0x3E30];
	v46 =	vadd.f32 v16, v43;
	v57 =	vperm.xlane v11, v1;
	v47 =	vperm.xlane v5, v1  }
0x24f: {  	v20 =	vld [tilespmem:s29+$0x7E20];
	v6 =	vsel vm9, v6, v10;
	v7 =	vadd.f32 v52, v7;
	v9 =	vadd.f32 v54, v9  }
0x250: {  	v10 =	vld [tilespmem:s29+$0x7E30];
	v4 =	vadd.f32 v56, v4;
	v52 =	vmul.f32 v13, v15;
	v5 =	vadd.f32 v47, v5  }
0x251: {  	v40 =	vld [tilespmem:s20+$0x4200];
	v11 =	vadd.f32 v57, v11;
	v26 =	vmul.f32 v35, v27;
	v16 =	vmul.f32 v48, v45  }
0x252: {  	v51 =	vld [tilespmem:s30+$0xC210];
	v59 =	vperm.xlane v7, v3;
	v53 =	vperm.xlane v5, v2  }
0x253: {  	v17 =	vld [tilespmem:s31+$0xBE00];
	v61 =	vperm.xlane v9, v2;
	v4 =	vsel vm9, v8, v4;
	v62 =	vperm.xlane v11, v2  }
0x254: {  	v37 =	vld [tilespmem:s31+$0xBE30];
	v8 =	vadd.f32 $0.0e+00, v36;
	v47 =	vmul.f32 v21, v19;
	v5 =	vadd.f32 v53, v5  }
0x255: {  	v44 =	vld [tilespmem:s30+$0xC200];
	v10 =	vmul.f32 v10, v30;
	v7 =	vadd.f32 v59, v7;
	v9 =	vadd.f32 v61, v9  }
0x256: {  	v42 =	vld [tilespmem:s28+$0x8200];
	v63 =	vadd.f32 v62, v11;
	v8 =	vadd.f32 v28, v8;
	v60 =	vperm.xlane v5, v3  }
0x257: {  	v54 =	vld [tilespmem:s20+$0x4220];
	v62 =	vmul.f32 v20, v27;
	v28 =	vmul.f32 v51, v45;
	v4 =	vsel vm10, v4, v7  }
0x258: {  	v56 =	vld [tilespmem:s28+$0x8220];
	v38 =	vperm.xlane v9, v3;
	v41 =	vperm.xlane v63, v3;
	v5 =	vadd.f32 v60, v5  }
0x259: {  	v59 =	vld [tilespmem:s30+$0xC220];
	v49 =	vadd.f32 v14, v8;
	v53 =	vmul.f32 v17, v23;
	v8 =	vadd.f32 $0.0e+00, v50  }
0x25a: {  	v61 =	vld [tilespmem:s20+$0x4230];
	v7 =	vadd.f32 v41, v63;
	v5 =	vsel vm10, v6, v5;
	v6 =	vadd.f32 v38, v9  }
0x25b: {  	v27 =	vld [tilespmem:s30+$0xC230];
	v57 =	vadd.f32 $0.0e+00, v53;
	v8 =	vadd.f32 v55, v8;
	v63 =	vmul.f32 v44, v40  }
0x25c: {  	v60 =	vmul.f32 v42, v40;
	v4 =	vsel vm11, v4, v6;
	v6 =	vadd.f32 v47, v46  }
0x25d: {  	v24 =	vld [tilespmem:s28+$0x8230];
	v11 =	vmul.f32 v37, v30;
	v29 =	vadd.f32 $0.0e+00, v63;
	v9 =	vadd.f32 v58, v57  }
0x25e: {  	v31 =	vmul.f32 v56, v54;
	v6 =	vadd.f32 v12, v6;
	v12 =	vadd.f32 $0.0e+00, v60  }
0x25f: {  	v32 =	vmul.f32 v59, v54;
	v8 =	vadd.f32 v62, v8;
	v13 =	vadd.f32 v28, v29  }
0x260: {  	v35 =	vmul.f32 v27, v61;
	v9 =	vadd.f32 v26, v9;
	v12 =	vadd.f32 v16, v12  }
0x261: {  	v5 =	vsel vm11, v5, v7;
	v7 =	vadd.f32 v52, v49;
	v34 =	vadd.f32 v32, v13  }
0x262: {  	v33 =	vmul.f32 v24, v61;
	v9 =	vadd.f32 v11, v9;
	v12 =	vadd.f32 v31, v12  }
0x263: {  	v8 =	vadd.f32 v10, v8;
	v10 =	vadd.f32 v35, v34;
	v38 =	vperm.xlane v6, v0  }
0x264: {  	v36 =	vperm.xlane v7, v0;
	v40 =	vperm.xlane v9, v0;
	v37 =	vadd.f32 v33, v12  }
0x265: {  	v39 =	vperm.xlane v8, v0;
	v42 =	vperm.xlane v10, v0;
	v6 =	vadd.f32 v38, v6  }
0x266: {  	v7 =	vadd.f32 v36, v7;
	v9 =	vadd.f32 v40, v9;
	v41 =	vperm.xlane v37, v0  }
0x267: {  	v8 =	vadd.f32 v39, v8;
	v10 =	vadd.f32 v42, v10;
	v44 =	vperm.xlane v6, v1  }
0x268: {  	v43 =	vperm.xlane v7, v1;
	v46 =	vperm.xlane v9, v1;
	v11 =	vadd.f32 v41, v37  }
0x269: {  	v45 =	vperm.xlane v8, v1;
	v48 =	vperm.xlane v10, v1;
	v6 =	vadd.f32 v44, v6  }
0x26a: {  	v7 =	vadd.f32 v43, v7;
	v9 =	vadd.f32 v46, v9;
	v47 =	vperm.xlane v11, v1  }
0x26b: {  	v8 =	vadd.f32 v45, v8;
	v10 =	vadd.f32 v48, v10;
	v50 =	vperm.xlane v6, v2  }
0x26c: {  	v49 =	vperm.xlane v7, v2;
	v52 =	vperm.xlane v9, v2;
	v11 =	vadd.f32 v47, v11  }
0x26d: {  	v51 =	vperm.xlane v8, v2;
	v54 =	vperm.xlane v10, v2;
	v6 =	vadd.f32 v50, v6  }
0x26e: {  	v7 =	vadd.f32 v49, v7;
	v9 =	vadd.f32 v52, v9;
	v53 =	vperm.xlane v11, v2  }
0x26f: {  	v8 =	vadd.f32 v51, v8;
	v10 =	vadd.f32 v54, v10;
	v56 =	vperm.xlane v6, v3  }
0x270: {  	v55 =	vperm.xlane v7, v3;
	v58 =	vperm.xlane v9, v3;
	v11 =	vadd.f32 v53, v11  }
0x271: {  	v57 =	vperm.xlane v8, v3;
	v60 =	vperm.xlane v10, v3;
	v6 =	vadd.f32 v56, v6  }
0x272: {  	p0 =	sne.s32 s18, $0x7C0;
	v7 =	vadd.f32 v55, v7;
	v61 =	vadd.f32 v58, v9;
	v59 =	vperm.xlane v11, v3  }
.Ltmp0:
0x273: {  	v8 =	vadd.f32 v57, v8;
	v63 =	vadd.f32 v60, v10;
	v5 =	vsel vm12, v5, v6;
	(pc) =	sbr.rel @p0 .LBB2_2-.Ltmp0, $4  }
0x274: {  	v4 =	vsel vm12, v4, v7;
	v5 =	vsel vm13, v5, v61;
	v62 =	vadd.f32 v59, v11  }
0x275: {  	v4 =	vsel vm13, v4, v8;
	v5 =	vsel vm14, v5, v63  }
0x276: {  	[tilespmem:s19+$0xC800] =	vst v5;
	v4 =	vsel vm14, v4, v62  }
0x277: {  	s18 =	sadd.s32 $0x40, s18;
	[tilespmem:s19+$0xC600] =	vst v4  }
0x278: {  	[hbm4b:s8+s1] =	stream.linear.scatter [tilespmem:s15], [sflag:$0x2], $0x200, $0x38;
	[tilespmem:$0xCA00] =	vst v63  }
0x279: {  	s17 =	sadd.s32 $0x1, s17;
	_ =	swait.ge [sflag:s11], $0x200  }
0x27a: {  	p0 =	sne.s32 s17, s10;
	[sflag:s11] =	ssyncset.done $0x0  }
.Ltmp1:
0x27b: {  	[sflag:s11] =	ssyncadd.s32 $0xFFFFFE00;
	(pc) =	sbr.rel @p0 .LBB2_1-.Ltmp1, $4  }
0x27c: {  	[hbm4b:s9+s1] =	stream.linear.scatter [tilespmem:s16], [sflag:$0x2], $0x200, $0x38;
	[tilespmem:$0xCA00] =	vst v63  }
0x27d: {  	_ =	swait.ge [sflag:s11], $0x200  }
0x27e: {  	[sflag:s11] =	ssyncset.done $0x0  }
0x27f: {  	[sflag:s11] =	ssyncadd.s32 $0xFFFFFE00  }
0x280: {  	_ =	sfence.sel $0x180000  }
0x281: {  	[bflag:$0x0] =	sbarrier.arrive $0xFFFF  }
0x282: {  	p0 =	sne.s32 s4, $0x0;
	_ =	strace $0x90000047  }
0x283: {  	s0 =	sadd.s32 @!p0 $0x100000, s0;
	[bflag:$0x2] =	sbarrier.arrive $0xFFFF  }
0x284: {  	[sflag:s0] =	ssyncadd.tile.s32 @!p0 $0x1;
	_ =	shalt  }
.Lfunc_end2:
_tile_overlayer_lowered:
.L_overlay_start_2:
0x285: {  	(tag) =	ssettag $0x2  }
0x286: {  	s0 =	rddreg [dreg:$0x0];
	s2 =	stileid.u32  }
0x287: {  	s1 =	rddreg [dreg:$0x1];
	p0 =	sne.s32 s2, $0x0  }
0x288: {  	s3 =	rddreg [dreg:$0x2];
	[bflag:$0x3] =	sbarrier.arrive $0xFFFF;
	s2 =	simm.s32 @!p0 $0x1C02  }
0x289: {  	[timem:s3], [sflag:s2] =	dma.local @!p0 [hbm:s0], s1  }
0x28a: {  	s0 =	simm.s32 @!p0 $0x2  }
0x28b: {  	_ =	swait.ge @!p0 [sflag:s0], s1  }
0x28c: {  	s1 =	ssub.s32 @!p0 $0x0, s1;
	[sflag:s0] =	ssyncset.done @!p0 $0x0  }
0x28d: {  	[sflag:s0] =	ssyncadd.s32 @!p0 s1  }
0x28e: {  	[bflag:$0x3] =	sbarrier.arrive $0xFFFF  }
0x28f: {  	_ =	shalt  }

</sc_bundles>
